<compile_context>
chip_gen: v7x
topology: tpu7x:2x2x1
jax: 0.10.2.dev20260603
libtpu: 0.0.44.dev20260713+nightly
codegen_flags: <defaults>
</compile_context>

<pallas_src>
import functools

import jax
import jax.numpy as jnp
from jax import lax
from jax.experimental import pallas as pl
from jax.experimental.pallas import tpu as pltpu
from jax.experimental.pallas import tpu_sc as plsc

_NC, _NS, _L = 2, 16, 16
_NW = _NC * _NS


def _seg_sum_kernel(n, d, e, with_gather, dtype=jnp.float32, ch=80):
    per_w = e // _NW
    n_ch = per_w // ch
    NB = 2
    n_grp = n_ch // NB
    n_tail = n_ch - n_grp * NB
    rpt = (n // _NS) // 8 * 8
    last_extra = n - _NS * rpt
    nz = rpt // ch
    zrem = rpt - nz * ch
    mesh = plsc.VectorSubcoreMesh(core_axis_name="c", subcore_axis_name="s")

    scratch = [
        pltpu.VMEM((NB, ch), jnp.int32),
        pltpu.VMEM((n_ch, ch), jnp.int32),
        pltpu.VMEM((NB, ch, d), dtype),
        pltpu.VMEM_SHARED((n, d), dtype),
    ] + [pltpu.SemaphoreType.DMA] * 8

    @functools.partial(
        pl.kernel,
        out_type=jax.ShapeDtypeStruct((_NC * n, d), dtype),
        mesh=mesh,
        scratch_types=scratch,
        compiler_params=pltpu.CompilerParams(use_tc_tiling_on_sc=False),
    )
    def seg(x_hbm, src_hbm, dst_hbm, out_hbm, sidx, didx, rows, acc,
            *sems):
        gsem, isem, ssem = sems[:NB], sems[NB:2 * NB], sems[2 * NB:3 * NB]
        cid = lax.axis_index("c")
        sid = lax.axis_index("s")
        wid = cid * _NS + sid
        base = wid * per_w

        def _wait_idx(sem):
            pltpu.make_async_copy(dst_hbm.at[pl.ds(0, ch)], sidx.at[0],
                                  sem).wait()

        def _wait_gather(b):
            pltpu.make_async_copy(x_hbm.at[sidx.at[b]], rows.at[b],
                                  gsem[b]).wait()

        ni = min(len(sems), n_ch)
        ip_tail = n_ch % ni

        def _idx(t, _):
            for b in range(ni):
                k = t * ni + b

                @pl.when(t > 0)
                def _():
                    _wait_idx(sems[b])
                pltpu.async_copy(dst_hbm.at[pl.ds(base + k * ch, ch)],
                                 didx.at[k], sems[b])
            return 0
        lax.fori_loop(0, n_ch // ni, _idx, 0)
        for r in range(ip_tail):
            k = (n_ch // ni) * ni + r
            _wait_idx(sems[r])
            pltpu.async_copy(dst_hbm.at[pl.ds(base + k * ch, ch)],
                             didx.at[k], sems[r])

        lanes = _L * 4 // jnp.dtype(dtype).itemsize

        def _zr(r, _):
            def _zc(c, _):
                rows[0, r, pl.ds(c * lanes, lanes)] = jnp.zeros((lanes,),
                                                                dtype)
                return 0
            return lax.fori_loop(0, d // lanes, _zc, 0)
        lax.fori_loop(0, ch, _zr, 0)

        for b in range(min(ni, n_ch)):
            _wait_idx(sems[b])

        row0 = pl.multiple_of(sid * rpt, 8)
        for j in range(nz):
            pltpu.sync_copy(rows.at[0], acc.at[pl.ds(row0 + j * ch, ch)])
        pltpu.sync_copy(rows.at[0, pl.ds(0, zrem)],
                        acc.at[pl.ds(row0 + nz * ch, zrem)])

        @pl.when(sid == _NS - 1)
        def _():
            pltpu.sync_copy(rows.at[0, pl.ds(0, last_extra)],
                            acc.at[pl.ds(_NS * rpt, last_extra)])

        if with_gather:
            for b in range(NB):
                pltpu.async_copy(src_hbm.at[pl.ds(base + b * ch, ch)],
                                 sidx.at[b], isem[b])
            _wait_idx(isem[0])
            pltpu.async_copy(x_hbm.at[sidx.at[0]], rows.at[0], gsem[0])
        else:
            def _or(r, _):
                def _oc(c, _):
                    rows[0, r, pl.ds(c * lanes, lanes)] = jnp.full(
                        (lanes,), 1.0, dtype)
                    return 0
                return lax.fori_loop(0, d // lanes, _oc, 0)
            lax.fori_loop(0, ch, _or, 0)
        plsc.subcore_barrier()

        if with_gather:
            def _wait_scat(b):
                pltpu.make_async_copy(rows.at[b], acc.at[didx.at[0]],
                                      ssem[b]).wait()

            def _step(c, b, first):
                nb = 1 - b

                @pl.when(c + 1 < n_ch)
                def _():
                    _wait_idx(isem[nb])
                    if not first:
                        _wait_scat(nb)
                    pltpu.async_copy(x_hbm.at[sidx.at[nb]], rows.at[nb],
                                     gsem[nb])
                _wait_gather(b)
                pltpu.async_copy(rows.at[b], acc.at[didx.at[c]], ssem[b],
                                 add=True)

                @pl.when(c + 2 < n_ch)
                def _():
                    pltpu.async_copy(
                        src_hbm.at[pl.ds(base + (c + 2) * ch, ch)],
                        sidx.at[b], isem[b])

            _step(0, 0, True)

            def _grp(t, _):
                for b in range(NB):
                    _step(1 + t * NB + b, 1 - b if NB == 2 else b, False)
                return 0
            lax.fori_loop(0, (n_ch - 1) // NB, _grp, 0)
            _wait_scat((n_ch - 2) % NB)
            _wait_scat((n_ch - 1) % NB)
        else:
            dsems = list(sems)[:min(len(sems), n_ch)]
            nd = len(dsems)
            for b in range(nd):
                pltpu.async_copy(rows.at[0], acc.at[didx.at[b]], dsems[b],
                                 add=True)

            def _grp(t, _):
                for b in range(nd):
                    c = (t + 1) * nd + b
                    pltpu.make_async_copy(rows.at[0], acc.at[didx.at[0]],
                                          dsems[b]).wait()

                    @pl.when(c < n_ch)
                    def _():
                        pltpu.async_copy(rows.at[0], acc.at[didx.at[c]],
                                         dsems[b], add=True)
                return 0
            lax.fori_loop(0, (n_ch + nd - 1) // nd - 1, _grp, 0)
            rem = n_ch - ((n_ch + nd - 1) // nd - 1) * nd
            for b in range(rem):
                pltpu.make_async_copy(rows.at[0], acc.at[didx.at[0]],
                                      dsems[b]).wait()
        plsc.subcore_barrier()

        out0 = pl.multiple_of(cid * n + row0, 8)
        pltpu.sync_copy(acc.at[pl.ds(row0, rpt)], out_hbm.at[pl.ds(out0, rpt)])

        @pl.when(sid == _NS - 1)
        def _():
            pltpu.sync_copy(acc.at[pl.ds(_NS * rpt, last_extra)],
                            out_hbm.at[pl.ds(cid * n + _NS * rpt, last_extra)])

    return seg


def _cast_kernel(n, d, br):
    def body(x_ref, o_ref):
        o_ref[...] = x_ref[...].astype(jnp.bfloat16)

    return pl.pallas_call(
        body,
        grid=(n // br,),
        in_specs=[pl.BlockSpec((br, d), lambda i: (i, 0))],
        out_specs=pl.BlockSpec((br, d), lambda i: (i, 0)),
        out_shape=jax.ShapeDtypeStruct((n, d), jnp.bfloat16),
    )


def _dense_layer(n, d, h, br):
    grid = (n // br,)

    def body(x_ref, p_ref, dg_ref, ws_ref, wn_ref, b_ref, o_ref, ob_ref):
        p = p_ref[0].astype(jnp.float32) + p_ref[1].astype(jnp.float32)
        deg = (dg_ref[0, :, :1].astype(jnp.float32)
               + dg_ref[1, :, :1].astype(jnp.float32))
        hn = p / jnp.maximum(deg, 1.0)
        y = (jnp.dot(x_ref[...], ws_ref[...], preferred_element_type=jnp.float32)
             + jnp.dot(hn, wn_ref[...], preferred_element_type=jnp.float32)
             + b_ref[...])
        y = jnp.maximum(y, 0.0)
        o_ref[...] = y
        ob_ref[...] = y.astype(jnp.bfloat16)

    return pl.pallas_call(
        body,
        grid=grid,
        in_specs=[
            pl.BlockSpec((br, d), lambda i: (i, 0)),
            pl.BlockSpec((_NC, br, d), lambda i: (0, i, 0)),
            pl.BlockSpec((_NC, br, 32), lambda i: (0, i, 0)),
            pl.BlockSpec((d, h), lambda i: (0, 0)),
            pl.BlockSpec((d, h), lambda i: (0, 0)),
            pl.BlockSpec((1, h), lambda i: (0, 0)),
        ],
        out_specs=[pl.BlockSpec((br, h), lambda i: (i, 0)),
                   pl.BlockSpec((br, h), lambda i: (i, 0))],
        out_shape=[jax.ShapeDtypeStruct((n, h), jnp.float32),
                   jax.ShapeDtypeStruct((n, h), jnp.bfloat16)],
    )


def _final_layer(n, d, h, fc2, c, br):
    nb = n // br

    def body(x_ref, p_ref, dg_ref, ws_ref, wn_ref, b_ref,
             wf1_ref, bf1_ref, wf2_ref, bf2_ref, o_ref, acc_ref):
        i = pl.program_id(0)

        @pl.when(i == 0)
        def _():
            acc_ref[...] = jnp.zeros_like(acc_ref)

        p = p_ref[0].astype(jnp.float32) + p_ref[1].astype(jnp.float32)
        deg = (dg_ref[0, :, :1].astype(jnp.float32)
               + dg_ref[1, :, :1].astype(jnp.float32))
        hn = p / jnp.maximum(deg, 1.0)
        y = (jnp.dot(x_ref[...], ws_ref[...], preferred_element_type=jnp.float32)
             + jnp.dot(hn, wn_ref[...], preferred_element_type=jnp.float32)
             + b_ref[...])
        y = jnp.maximum(y, 0.0)
        acc_ref[...] += jnp.sum(y, axis=0, keepdims=True)

        @pl.when(i == nb - 1)
        def _():
            hg = acc_ref[...] / float(n)
            t1 = jnp.dot(hg, wf1_ref[...], preferred_element_type=jnp.float32)
            t1 = jnp.maximum(t1 + bf1_ref[...], 0.0)
            t2 = jnp.dot(t1, wf2_ref[...], preferred_element_type=jnp.float32)
            t2 = t2 + bf2_ref[...]
            m = jnp.max(t2)
            lse = m + jnp.log(jnp.sum(jnp.exp(t2 - m)))
            o_ref[...] = t2 - lse

    return pl.pallas_call(
        body,
        grid=(nb,),
        in_specs=[
            pl.BlockSpec((br, d), lambda i: (i, 0)),
            pl.BlockSpec((_NC, br, d), lambda i: (0, i, 0)),
            pl.BlockSpec((_NC, br, 32), lambda i: (0, i, 0)),
            pl.BlockSpec((d, h), lambda i: (0, 0)),
            pl.BlockSpec((d, h), lambda i: (0, 0)),
            pl.BlockSpec((1, h), lambda i: (0, 0)),
            pl.BlockSpec((h, fc2), lambda i: (0, 0)),
            pl.BlockSpec((1, fc2), lambda i: (0, 0)),
            pl.BlockSpec((fc2, c), lambda i: (0, 0)),
            pl.BlockSpec((1, c), lambda i: (0, 0)),
        ],
        out_specs=pl.BlockSpec((1, c), lambda i: (0, 0)),
        out_shape=jax.ShapeDtypeStruct((1, c), jnp.float32),
        scratch_shapes=[pltpu.VMEM((1, h), jnp.float32)],
    )


def kernel(x, edge_index, W1_self, W1_neigh, b1, W2_self, W2_neigh, b2,
           W3_self, W3_neigh, b3, Wfc1, bfc1, Wfc2, bfc2):
    n, d = x.shape
    e = edge_index.shape[1]
    h1 = W1_self.shape[1]
    h2 = W2_self.shape[1]
    fc1 = W3_self.shape[1]
    fc2 = Wfc1.shape[1]
    c = Wfc2.shape[1]
    br = 2000

    src1 = edge_index[0]
    dst1 = edge_index[1]

    seg = _seg_sum_kernel(n, d, e, with_gather=True, dtype=jnp.bfloat16,
                          ch=400)
    degk = _seg_sum_kernel(n, 32, e, with_gather=False, dtype=jnp.bfloat16,
                           ch=2000)
    cast = _cast_kernel(n, d, br)
    dense1 = _dense_layer(n, d, h1, br)
    dense2 = _dense_layer(n, h1, h2, br)
    dense3 = _final_layer(n, h2, fc1, fc2, c, br)

    degw = degk(x, src1, dst1).reshape(_NC, n, 32)

    xb = cast(x)
    p1 = seg(xb, src1, dst1).reshape(_NC, n, d)
    hh1, hb1 = dense1(x, p1, degw, W1_self, W1_neigh, b1.reshape(1, h1))
    p2 = seg(hb1, src1, dst1).reshape(_NC, n, d)
    hh2, hb2 = dense2(hh1, p2, degw, W2_self, W2_neigh, b2.reshape(1, h2))
    p3 = seg(hb2, src1, dst1).reshape(_NC, n, d)
    out = dense3(hh2, p3, degw, W3_self, W3_neigh, b3.reshape(1, fc1),
                 Wfc1, bfc1.reshape(1, fc2), Wfc2, bfc2.reshape(1, c))
    return out

# --- scband reference (transcript-rebuilt; emitter-appended) ---
"""Pipeline reference for scband-graph-sage-binary-classifier-74947179315800 (READ-ONLY COPY).

The authoritative reference and input builder live on the scoring server;
editing this copy changes nothing except your own understanding.
"""

import jax, jax.numpy as jnp
import numpy as np

N = 10000
E = 320000
D, H1, H2, FC1, FC2, C = 128, 128, 128, 128, 64, 2


def _lin(k, fi, fo):
    return jax.random.normal(k, (fi, fo), dtype=jnp.float32) / np.sqrt(fi)


def setup_inputs(seed: int = 0):
    key = jax.random.key(seed)
    ks = jax.random.split(key, 12)
    return {
        "x": jax.random.normal(ks[0], (N, D), dtype=jnp.float32),
        "edge_index": jax.random.randint(ks[1], (2, E), 0, N),
        "W1_self": _lin(ks[2], D, H1), "W1_neigh": _lin(ks[3], D, H1), "b1": jnp.zeros((H1,), jnp.float32),
        "W2_self": _lin(ks[4], H1, H2), "W2_neigh": _lin(ks[5], H1, H2), "b2": jnp.zeros((H2,), jnp.float32),
        "W3_self": _lin(ks[6], H2, FC1), "W3_neigh": _lin(ks[7], H2, FC1), "b3": jnp.zeros((FC1,), jnp.float32),
        "Wfc1": _lin(ks[8], FC1, FC2), "bfc1": jnp.zeros((FC2,), jnp.float32),
        "Wfc2": _lin(ks[9], FC2, C), "bfc2": jnp.zeros((C,), jnp.float32),
    }


def _sage(x, src, dst, Ws, Wn, b):
    n = x.shape[0]
    agg = jax.ops.segment_sum(x[src], dst, num_segments=n)
    deg = jax.ops.segment_sum(jnp.ones((src.shape[0],), x.dtype), dst, num_segments=n)
    h_neigh = agg / jnp.maximum(deg, 1.0)[:, None]
    return x @ Ws + h_neigh @ Wn + b


def reference(x, edge_index, W1_self, W1_neigh, b1, W2_self, W2_neigh, b2, W3_self, W3_neigh, b3, Wfc1, bfc1, Wfc2, bfc2):
    src, dst = edge_index[0], edge_index[1]
    h = jax.nn.relu(_sage(x, src, dst, W1_self, W1_neigh, b1))
    h = jax.nn.relu(_sage(h, src, dst, W2_self, W2_neigh, b2))
    h = jax.nn.relu(_sage(h, src, dst, W3_self, W3_neigh, b3))
    hg = jnp.mean(h, axis=0, keepdims=True)  # dgl.mean_nodes over a single graph -> [1, FC1]
    h = jax.nn.relu(hg @ Wfc1 + bfc1)
    h = h @ Wfc2 + bfc2
    out = jax.nn.log_softmax(h, axis=1)
    # torch.squeeze(out, 1) is a no-op since out.shape[1] == num_classes == 2
    return out

if __name__ == "__main__":
    import jax
    _d = setup_inputs()
    print(jax.jit(kernel)(*tuple(_d.values())))

</pallas_src>

<mosaic_0001>
#map = affine_map<(d0, d1) -> (0, 0)>
#map1 = affine_map<(d0, d1) -> (0)>
module attributes {stable_mosaic.version = 14 : i64} {
  func.func @seg(%arg0: i32, %arg1: i32, %arg2: memref<10000x128xbf16, #tpu.memory_space<hbm>>, %arg3: memref<320000xi32, #tpu.memory_space<hbm>>, %arg4: memref<320000xi32, #tpu.memory_space<hbm>>, %arg5: memref<20000x128xbf16, #tpu.memory_space<hbm>>, %arg6: memref<2x400xi32, #tpu.memory_space<vmem>>, %arg7: memref<25x400xi32, #tpu.memory_space<vmem>>, %arg8: memref<2x400x128xbf16, #tpu.memory_space<vmem>>, %arg9: memref<10000x128xbf16, #tpu.memory_space<vmem_shared>>, %arg10: memref<!tpu.dma_semaphore, #tpu.memory_space<semaphore_mem>>, %arg11: memref<!tpu.dma_semaphore, #tpu.memory_space<semaphore_mem>>, %arg12: memref<!tpu.dma_semaphore, #tpu.memory_space<semaphore_mem>>, %arg13: memref<!tpu.dma_semaphore, #tpu.memory_space<semaphore_mem>>, %arg14: memref<!tpu.dma_semaphore, #tpu.memory_space<semaphore_mem>>, %arg15: memref<!tpu.dma_semaphore, #tpu.memory_space<semaphore_mem>>, %arg16: memref<!tpu.dma_semaphore, #tpu.memory_space<semaphore_mem>>, %arg17: memref<!tpu.dma_semaphore, #tpu.memory_space<semaphore_mem>>) attributes {dimension_semantics = [#tpu.dimension_semantics<core_parallel>, #tpu.dimension_semantics<subcore_parallel>], iteration_bounds = array<i64: 2, 16>, scalar_prefetch = 0 : i64, scratch_operands = 12 : i64, tpu.core_type = #tpu.core_type<sc_vector_subcore>, window_params = [{transform_indices = #map}, {transform_indices = #map1}, {transform_indices = #map1}, {transform_indices = #map}]} {
    %mul3A = arith.constant 16 : i32
    %mul3A_0 = arith.muli %arg0, %mul3A : i32
    %add3A = arith.addi %mul3A_0, %arg1 : i32
    %mul3A_1 = arith.constant 10000 : i32
    %mul3A_2 = arith.muli %add3A, %mul3A_1 : i32
    %scan3A = arith.constant 0 : i32
    %scan3A_3 = arith.constant 0 : i32
    %scan3A_4 = arith.constant 3 : i32
    %scan3A_5 = arith.addi %scan3A_3, %scan3A_4 : i32
    %scan3A_6 = arith.constant 1 : i32
    %scan3A_7 = scf.for %scan3A_277 = %scan3A_3 to %scan3A_5 step %scan3A_6 iter_args(%scan3A_278 = %scan3A) -> (i32)  : i32 {
      %mul3A_279 = arith.constant 8 : i32
      %mul3A_280 = arith.muli %scan3A_277, %mul3A_279 : i32
      %add3A_281 = arith.constant 0 : i32
      %add3A_282 = arith.addi %mul3A_280, %add3A_281 : i32
      %gt3A = arith.constant 0 : i32
      %gt3A_283 = arith.cmpi sgt, %scan3A_277, %gt3A : i32
      %convert_element_type3A_284 = arith.extui %gt3A_283 : i1 to i32
      %cond3A_285 = arith.constant 0 : i32
      %cond3A_286 = arith.cmpi ne, %convert_element_type3A_284, %cond3A_285 : i32
      scf.if %cond3A_286 {
        %dma_wait3A_439 = arith.constant 0 : i32
        %dma_wait3A_440 = arith.constant 0 : i32
        %dma_wait3A_441 = tpu.memref_slice %arg6[%dma_wait3A_439, %dma_wait3A_440] : memref<2x400xi32, #tpu.memory_space<vmem>> -> memref<1x400xi32, #tpu.memory_space<vmem>>
        %dma_wait3A_442 = tpu.memref_squeeze %dma_wait3A_441 : memref<1x400xi32, #tpu.memory_space<vmem>> -> memref<400xi32, #tpu.memory_space<vmem>>
        %dma_wait3A_443 = arith.constant 0 : i32
        %dma_wait3A_444 = tpu.memref_slice %arg4[%dma_wait3A_443] : memref<320000xi32, #tpu.memory_space<hbm>> -> memref<400xi32, #tpu.memory_space<hbm>>
        %dma_wait3A_445 = arith.constant 0 : i32
        %dma_wait3A_446 = tpu.memref_slice %arg6[%dma_wait3A_439, %dma_wait3A_445] : memref<2x400xi32, #tpu.memory_space<vmem>> -> memref<1x400xi32, #tpu.memory_space<vmem>>
        %dma_wait3A_447 = tpu.memref_squeeze %dma_wait3A_446 : memref<1x400xi32, #tpu.memory_space<vmem>> -> memref<400xi32, #tpu.memory_space<vmem>>
        %dma_wait3A_448 = arith.constant 0 : i32
        %dma_wait3A_449 = tpu.memref_slice %arg4[%dma_wait3A_448] : memref<320000xi32, #tpu.memory_space<hbm>> -> memref<400xi32, #tpu.memory_space<hbm>>
        tpu.wait_dma2 semaphore(%arg10 : memref<!tpu.dma_semaphore, #tpu.memory_space<semaphore_mem>>) src(%dma_wait3A_449 : memref<400xi32, #tpu.memory_space<hbm>>) dst(%dma_wait3A_447 : memref<400xi32, #tpu.memory_space<vmem>>)
      } else {
      }
      %mul3A_287 = arith.constant 400 : i32
      %mul3A_288 = arith.muli %add3A_282, %mul3A_287 : i32
      %add3A_289 = arith.addi %mul3A_2, %mul3A_288 : i32
      %dma_start3A_290 = arith.constant 0 : i32
      %dma_start3A_291 = tpu.memref_slice %arg7[%add3A_282, %dma_start3A_290] : memref<25x400xi32, #tpu.memory_space<vmem>> -> memref<1x400xi32, #tpu.memory_space<vmem>>
      %dma_start3A_292 = tpu.memref_squeeze %dma_start3A_291 : memref<1x400xi32, #tpu.memory_space<vmem>> -> memref<400xi32, #tpu.memory_space<vmem>>
      %dma_start3A_293 = tpu.memref_slice %arg4[%add3A_289] : memref<320000xi32, #tpu.memory_space<hbm>> -> memref<400xi32, #tpu.memory_space<hbm>>
      %dma_start3A_294 = arith.constant 0 : i32
      %dma_start3A_295 = tpu.memref_slice %arg7[%add3A_282, %dma_start3A_294] : memref<25x400xi32, #tpu.memory_space<vmem>> -> memref<1x400xi32, #tpu.memory_space<vmem>>
      %dma_start3A_296 = tpu.memref_squeeze %dma_start3A_295 : memref<1x400xi32, #tpu.memory_space<vmem>> -> memref<400xi32, #tpu.memory_space<vmem>>
      %dma_start3A_297 = tpu.memref_slice %arg4[%add3A_289] : memref<320000xi32, #tpu.memory_space<hbm>> -> memref<400xi32, #tpu.memory_space<hbm>>
      tpu.enqueue_dma source(%dma_start3A_297 : memref<400xi32, #tpu.memory_space<hbm>>) target(%dma_start3A_296 : memref<400xi32, #tpu.memory_space<vmem>>) target_semaphore(%arg10 : memref<!tpu.dma_semaphore, #tpu.memory_space<semaphore_mem>>)
      %mul3A_298 = arith.constant 8 : i32
      %mul3A_299 = arith.muli %scan3A_277, %mul3A_298 : i32
      %add3A_300 = arith.constant 1 : i32
      %add3A_301 = arith.addi %mul3A_299, %add3A_300 : i32
      %gt3A_302 = arith.constant 0 : i32
      %gt3A_303 = arith.cmpi sgt, %scan3A_277, %gt3A_302 : i32
      %convert_element_type3A_304 = arith.extui %gt3A_303 : i1 to i32
      %cond3A_305 = arith.constant 0 : i32
      %cond3A_306 = arith.cmpi ne, %convert_element_type3A_304, %cond3A_305 : i32
      scf.if %cond3A_306 {
        %dma_wait3A_439 = arith.constant 0 : i32
        %dma_wait3A_440 = arith.constant 0 : i32
        %dma_wait3A_441 = tpu.memref_slice %arg6[%dma_wait3A_439, %dma_wait3A_440] : memref<2x400xi32, #tpu.memory_space<vmem>> -> memref<1x400xi32, #tpu.memory_space<vmem>>
        %dma_wait3A_442 = tpu.memref_squeeze %dma_wait3A_441 : memref<1x400xi32, #tpu.memory_space<vmem>> -> memref<400xi32, #tpu.memory_space<vmem>>
        %dma_wait3A_443 = arith.constant 0 : i32
        %dma_wait3A_444 = tpu.memref_slice %arg4[%dma_wait3A_443] : memref<320000xi32, #tpu.memory_space<hbm>> -> memref<400xi32, #tpu.memory_space<hbm>>
        %dma_wait3A_445 = arith.constant 0 : i32
        %dma_wait3A_446 = tpu.memref_slice %arg6[%dma_wait3A_439, %dma_wait3A_445] : memref<2x400xi32, #tpu.memory_space<vmem>> -> memref<1x400xi32, #tpu.memory_space<vmem>>
        %dma_wait3A_447 = tpu.memref_squeeze %dma_wait3A_446 : memref<1x400xi32, #tpu.memory_space<vmem>> -> memref<400xi32, #tpu.memory_space<vmem>>
        %dma_wait3A_448 = arith.constant 0 : i32
        %dma_wait3A_449 = tpu.memref_slice %arg4[%dma_wait3A_448] : memref<320000xi32, #tpu.memory_space<hbm>> -> memref<400xi32, #tpu.memory_space<hbm>>
        tpu.wait_dma2 semaphore(%arg11 : memref<!tpu.dma_semaphore, #tpu.memory_space<semaphore_mem>>) src(%dma_wait3A_449 : memref<400xi32, #tpu.memory_space<hbm>>) dst(%dma_wait3A_447 : memref<400xi32, #tpu.memory_space<vmem>>)
      } else {
      }
      %mul3A_307 = arith.constant 400 : i32
      %mul3A_308 = arith.muli %add3A_301, %mul3A_307 : i32
      %add3A_309 = arith.addi %mul3A_2, %mul3A_308 : i32
      %dma_start3A_310 = arith.constant 0 : i32
      %dma_start3A_311 = tpu.memref_slice %arg7[%add3A_301, %dma_start3A_310] : memref<25x400xi32, #tpu.memory_space<vmem>> -> memref<1x400xi32, #tpu.memory_space<vmem>>
      %dma_start3A_312 = tpu.memref_squeeze %dma_start3A_311 : memref<1x400xi32, #tpu.memory_space<vmem>> -> memref<400xi32, #tpu.memory_space<vmem>>
      %dma_start3A_313 = tpu.memref_slice %arg4[%add3A_309] : memref<320000xi32, #tpu.memory_space<hbm>> -> memref<400xi32, #tpu.memory_space<hbm>>
      %dma_start3A_314 = arith.constant 0 : i32
      %dma_start3A_315 = tpu.memref_slice %arg7[%add3A_301, %dma_start3A_314] : memref<25x400xi32, #tpu.memory_space<vmem>> -> memref<1x400xi32, #tpu.memory_space<vmem>>
      %dma_start3A_316 = tpu.memref_squeeze %dma_start3A_315 : memref<1x400xi32, #tpu.memory_space<vmem>> -> memref<400xi32, #tpu.memory_space<vmem>>
      %dma_start3A_317 = tpu.memref_slice %arg4[%add3A_309] : memref<320000xi32, #tpu.memory_space<hbm>> -> memref<400xi32, #tpu.memory_space<hbm>>
      tpu.enqueue_dma source(%dma_start3A_317 : memref<400xi32, #tpu.memory_space<hbm>>) target(%dma_start3A_316 : memref<400xi32, #tpu.memory_space<vmem>>) target_semaphore(%arg11 : memref<!tpu.dma_semaphore, #tpu.memory_space<semaphore_mem>>)
      %mul3A_318 = arith.constant 8 : i32
      %mul3A_319 = arith.muli %scan3A_277, %mul3A_318 : i32
      %add3A_320 = arith.constant 2 : i32
      %add3A_321 = arith.addi %mul3A_319, %add3A_320 : i32
      %gt3A_322 = arith.constant 0 : i32
      %gt3A_323 = arith.cmpi sgt, %scan3A_277, %gt3A_322 : i32
      %convert_element_type3A_324 = arith.extui %gt3A_323 : i1 to i32
      %cond3A_325 = arith.constant 0 : i32
      %cond3A_326 = arith.cmpi ne, %convert_element_type3A_324, %cond3A_325 : i32
      scf.if %cond3A_326 {
        %dma_wait3A_439 = arith.constant 0 : i32
        %dma_wait3A_440 = arith.constant 0 : i32
        %dma_wait3A_441 = tpu.memref_slice %arg6[%dma_wait3A_439, %dma_wait3A_440] : memref<2x400xi32, #tpu.memory_space<vmem>> -> memref<1x400xi32, #tpu.memory_space<vmem>>
        %dma_wait3A_442 = tpu.memref_squeeze %dma_wait3A_441 : memref<1x400xi32, #tpu.memory_space<vmem>> -> memref<400xi32, #tpu.memory_space<vmem>>
        %dma_wait3A_443 = arith.constant 0 : i32
        %dma_wait3A_444 = tpu.memref_slice %arg4[%dma_wait3A_443] : memref<320000xi32, #tpu.memory_space<hbm>> -> memref<400xi32, #tpu.memory_space<hbm>>
        %dma_wait3A_445 = arith.constant 0 : i32
        %dma_wait3A_446 = tpu.memref_slice %arg6[%dma_wait3A_439, %dma_wait3A_445] : memref<2x400xi32, #tpu.memory_space<vmem>> -> memref<1x400xi32, #tpu.memory_space<vmem>>
        %dma_wait3A_447 = tpu.memref_squeeze %dma_wait3A_446 : memref<1x400xi32, #tpu.memory_space<vmem>> -> memref<400xi32, #tpu.memory_space<vmem>>
        %dma_wait3A_448 = arith.constant 0 : i32
        %dma_wait3A_449 = tpu.memref_slice %arg4[%dma_wait3A_448] : memref<320000xi32, #tpu.memory_space<hbm>> -> memref<400xi32, #tpu.memory_space<hbm>>
        tpu.wait_dma2 semaphore(%arg12 : memref<!tpu.dma_semaphore, #tpu.memory_space<semaphore_mem>>) src(%dma_wait3A_449 : memref<400xi32, #tpu.memory_space<hbm>>) dst(%dma_wait3A_447 : memref<400xi32, #tpu.memory_space<vmem>>)
      } else {
      }
      %mul3A_327 = arith.constant 400 : i32
      %mul3A_328 = arith.muli %add3A_321, %mul3A_327 : i32
      %add3A_329 = arith.addi %mul3A_2, %mul3A_328 : i32
      %dma_start3A_330 = arith.constant 0 : i32
      %dma_start3A_331 = tpu.memref_slice %arg7[%add3A_321, %dma_start3A_330] : memref<25x400xi32, #tpu.memory_space<vmem>> -> memref<1x400xi32, #tpu.memory_space<vmem>>
      %dma_start3A_332 = tpu.memref_squeeze %dma_start3A_331 : memref<1x400xi32, #tpu.memory_space<vmem>> -> memref<400xi32, #tpu.memory_space<vmem>>
      %dma_start3A_333 = tpu.memref_slice %arg4[%add3A_329] : memref<320000xi32, #tpu.memory_space<hbm>> -> memref<400xi32, #tpu.memory_space<hbm>>
      %dma_start3A_334 = arith.constant 0 : i32
      %dma_start3A_335 = tpu.memref_slice %arg7[%add3A_321, %dma_start3A_334] : memref<25x400xi32, #tpu.memory_space<vmem>> -> memref<1x400xi32, #tpu.memory_space<vmem>>
      %dma_start3A_336 = tpu.memref_squeeze %dma_start3A_335 : memref<1x400xi32, #tpu.memory_space<vmem>> -> memref<400xi32, #tpu.memory_space<vmem>>
      %dma_start3A_337 = tpu.memref_slice %arg4[%add3A_329] : memref<320000xi32, #tpu.memory_space<hbm>> -> memref<400xi32, #tpu.memory_space<hbm>>
      tpu.enqueue_dma source(%dma_start3A_337 : memref<400xi32, #tpu.memory_space<hbm>>) target(%dma_start3A_336 : memref<400xi32, #tpu.memory_space<vmem>>) target_semaphore(%arg12 : memref<!tpu.dma_semaphore, #tpu.memory_space<semaphore_mem>>)
      %mul3A_338 = arith.constant 8 : i32
      %mul3A_339 = arith.muli %scan3A_277, %mul3A_338 : i32
      %add3A_340 = arith.constant 3 : i32
      %add3A_341 = arith.addi %mul3A_339, %add3A_340 : i32
      %gt3A_342 = arith.constant 0 : i32
      %gt3A_343 = arith.cmpi sgt, %scan3A_277, %gt3A_342 : i32
      %convert_element_type3A_344 = arith.extui %gt3A_343 : i1 to i32
      %cond3A_345 = arith.constant 0 : i32
      %cond3A_346 = arith.cmpi ne, %convert_element_type3A_344, %cond3A_345 : i32
      scf.if %cond3A_346 {
        %dma_wait3A_439 = arith.constant 0 : i32
        %dma_wait3A_440 = arith.constant 0 : i32
        %dma_wait3A_441 = tpu.memref_slice %arg6[%dma_wait3A_439, %dma_wait3A_440] : memref<2x400xi32, #tpu.memory_space<vmem>> -> memref<1x400xi32, #tpu.memory_space<vmem>>
        %dma_wait3A_442 = tpu.memref_squeeze %dma_wait3A_441 : memref<1x400xi32, #tpu.memory_space<vmem>> -> memref<400xi32, #tpu.memory_space<vmem>>
        %dma_wait3A_443 = arith.constant 0 : i32
        %dma_wait3A_444 = tpu.memref_slice %arg4[%dma_wait3A_443] : memref<320000xi32, #tpu.memory_space<hbm>> -> memref<400xi32, #tpu.memory_space<hbm>>
        %dma_wait3A_445 = arith.constant 0 : i32
        %dma_wait3A_446 = tpu.memref_slice %arg6[%dma_wait3A_439, %dma_wait3A_445] : memref<2x400xi32, #tpu.memory_space<vmem>> -> memref<1x400xi32, #tpu.memory_space<vmem>>
        %dma_wait3A_447 = tpu.memref_squeeze %dma_wait3A_446 : memref<1x400xi32, #tpu.memory_space<vmem>> -> memref<400xi32, #tpu.memory_space<vmem>>
        %dma_wait3A_448 = arith.constant 0 : i32
        %dma_wait3A_449 = tpu.memref_slice %arg4[%dma_wait3A_448] : memref<320000xi32, #tpu.memory_space<hbm>> -> memref<400xi32, #tpu.memory_space<hbm>>
        tpu.wait_dma2 semaphore(%arg13 : memref<!tpu.dma_semaphore, #tpu.memory_space<semaphore_mem>>) src(%dma_wait3A_449 : memref<400xi32, #tpu.memory_space<hbm>>) dst(%dma_wait3A_447 : memref<400xi32, #tpu.memory_space<vmem>>)
      } else {
      }
      %mul3A_347 = arith.constant 400 : i32
      %mul3A_348 = arith.muli %add3A_341, %mul3A_347 : i32
      %add3A_349 = arith.addi %mul3A_2, %mul3A_348 : i32
      %dma_start3A_350 = arith.constant 0 : i32
      %dma_start3A_351 = tpu.memref_slice %arg7[%add3A_341, %dma_start3A_350] : memref<25x400xi32, #tpu.memory_space<vmem>> -> memref<1x400xi32, #tpu.memory_space<vmem>>
      %dma_start3A_352 = tpu.memref_squeeze %dma_start3A_351 : memref<1x400xi32, #tpu.memory_space<vmem>> -> memref<400xi32, #tpu.memory_space<vmem>>
      %dma_start3A_353 = tpu.memref_slice %arg4[%add3A_349] : memref<320000xi32, #tpu.memory_space<hbm>> -> memref<400xi32, #tpu.memory_space<hbm>>
      %dma_start3A_354 = arith.constant 0 : i32
      %dma_start3A_355 = tpu.memref_slice %arg7[%add3A_341, %dma_start3A_354] : memref<25x400xi32, #tpu.memory_space<vmem>> -> memref<1x400xi32, #tpu.memory_space<vmem>>
      %dma_start3A_356 = tpu.memref_squeeze %dma_start3A_355 : memref<1x400xi32, #tpu.memory_space<vmem>> -> memref<400xi32, #tpu.memory_space<vmem>>
      %dma_start3A_357 = tpu.memref_slice %arg4[%add3A_349] : memref<320000xi32, #tpu.memory_space<hbm>> -> memref<400xi32, #tpu.memory_space<hbm>>
      tpu.enqueue_dma source(%dma_start3A_357 : memref<400xi32, #tpu.memory_space<hbm>>) target(%dma_start3A_356 : memref<400xi32, #tpu.memory_space<vmem>>) target_semaphore(%arg13 : memref<!tpu.dma_semaphore, #tpu.memory_space<semaphore_mem>>)
      %mul3A_358 = arith.constant 8 : i32
      %mul3A_359 = arith.muli %scan3A_277, %mul3A_358 : i32
      %add3A_360 = arith.constant 4 : i32
      %add3A_361 = arith.addi %mul3A_359, %add3A_360 : i32
      %gt3A_362 = arith.constant 0 : i32
      %gt3A_363 = arith.cmpi sgt, %scan3A_277, %gt3A_362 : i32
      %convert_element_type3A_364 = arith.extui %gt3A_363 : i1 to i32
      %cond3A_365 = arith.constant 0 : i32
      %cond3A_366 = arith.cmpi ne, %convert_element_type3A_364, %cond3A_365 : i32
      scf.if %cond3A_366 {
        %dma_wait3A_439 = arith.constant 0 : i32
        %dma_wait3A_440 = arith.constant 0 : i32
        %dma_wait3A_441 = tpu.memref_slice %arg6[%dma_wait3A_439, %dma_wait3A_440] : memref<2x400xi32, #tpu.memory_space<vmem>> -> memref<1x400xi32, #tpu.memory_space<vmem>>
        %dma_wait3A_442 = tpu.memref_squeeze %dma_wait3A_441 : memref<1x400xi32, #tpu.memory_space<vmem>> -> memref<400xi32, #tpu.memory_space<vmem>>
        %dma_wait3A_443 = arith.constant 0 : i32
        %dma_wait3A_444 = tpu.memref_slice %arg4[%dma_wait3A_443] : memref<320000xi32, #tpu.memory_space<hbm>> -> memref<400xi32, #tpu.memory_space<hbm>>
        %dma_wait3A_445 = arith.constant 0 : i32
        %dma_wait3A_446 = tpu.memref_slice %arg6[%dma_wait3A_439, %dma_wait3A_445] : memref<2x400xi32, #tpu.memory_space<vmem>> -> memref<1x400xi32, #tpu.memory_space<vmem>>
        %dma_wait3A_447 = tpu.memref_squeeze %dma_wait3A_446 : memref<1x400xi32, #tpu.memory_space<vmem>> -> memref<400xi32, #tpu.memory_space<vmem>>
        %dma_wait3A_448 = arith.constant 0 : i32
        %dma_wait3A_449 = tpu.memref_slice %arg4[%dma_wait3A_448] : memref<320000xi32, #tpu.memory_space<hbm>> -> memref<400xi32, #tpu.memory_space<hbm>>
        tpu.wait_dma2 semaphore(%arg14 : memref<!tpu.dma_semaphore, #tpu.memory_space<semaphore_mem>>) src(%dma_wait3A_449 : memref<400xi32, #tpu.memory_space<hbm>>) dst(%dma_wait3A_447 : memref<400xi32, #tpu.memory_space<vmem>>)
      } else {
      }
      %mul3A_367 = arith.constant 400 : i32
      %mul3A_368 = arith.muli %add3A_361, %mul3A_367 : i32
      %add3A_369 = arith.addi %mul3A_2, %mul3A_368 : i32
      %dma_start3A_370 = arith.constant 0 : i32
      %dma_start3A_371 = tpu.memref_slice %arg7[%add3A_361, %dma_start3A_370] : memref<25x400xi32, #tpu.memory_space<vmem>> -> memref<1x400xi32, #tpu.memory_space<vmem>>
      %dma_start3A_372 = tpu.memref_squeeze %dma_start3A_371 : memref<1x400xi32, #tpu.memory_space<vmem>> -> memref<400xi32, #tpu.memory_space<vmem>>
      %dma_start3A_373 = tpu.memref_slice %arg4[%add3A_369] : memref<320000xi32, #tpu.memory_space<hbm>> -> memref<400xi32, #tpu.memory_space<hbm>>
      %dma_start3A_374 = arith.constant 0 : i32
      %dma_start3A_375 = tpu.memref_slice %arg7[%add3A_361, %dma_start3A_374] : memref<25x400xi32, #tpu.memory_space<vmem>> -> memref<1x400xi32, #tpu.memory_space<vmem>>
      %dma_start3A_376 = tpu.memref_squeeze %dma_start3A_375 : memref<1x400xi32, #tpu.memory_space<vmem>> -> memref<400xi32, #tpu.memory_space<vmem>>
      %dma_start3A_377 = tpu.memref_slice %arg4[%add3A_369] : memref<320000xi32, #tpu.memory_space<hbm>> -> memref<400xi32, #tpu.memory_space<hbm>>
      tpu.enqueue_dma source(%dma_start3A_377 : memref<400xi32, #tpu.memory_space<hbm>>) target(%dma_start3A_376 : memref<400xi32, #tpu.memory_space<vmem>>) target_semaphore(%arg14 : memref<!tpu.dma_semaphore, #tpu.memory_space<semaphore_mem>>)
      %mul3A_378 = arith.constant 8 : i32
      %mul3A_379 = arith.muli %scan3A_277, %mul3A_378 : i32
      %add3A_380 = arith.constant 5 : i32
      %add3A_381 = arith.addi %mul3A_379, %add3A_380 : i32
      %gt3A_382 = arith.constant 0 : i32
      %gt3A_383 = arith.cmpi sgt, %scan3A_277, %gt3A_382 : i32
      %convert_element_type3A_384 = arith.extui %gt3A_383 : i1 to i32
      %cond3A_385 = arith.constant 0 : i32
      %cond3A_386 = arith.cmpi ne, %convert_element_type3A_384, %cond3A_385 : i32
      scf.if %cond3A_386 {
        %dma_wait3A_439 = arith.constant 0 : i32
        %dma_wait3A_440 = arith.constant 0 : i32
        %dma_wait3A_441 = tpu.memref_slice %arg6[%dma_wait3A_439, %dma_wait3A_440] : memref<2x400xi32, #tpu.memory_space<vmem>> -> memref<1x400xi32, #tpu.memory_space<vmem>>
        %dma_wait3A_442 = tpu.memref_squeeze %dma_wait3A_441 : memref<1x400xi32, #tpu.memory_space<vmem>> -> memref<400xi32, #tpu.memory_space<vmem>>
        %dma_wait3A_443 = arith.constant 0 : i32
        %dma_wait3A_444 = tpu.memref_slice %arg4[%dma_wait3A_443] : memref<320000xi32, #tpu.memory_space<hbm>> -> memref<400xi32, #tpu.memory_space<hbm>>
        %dma_wait3A_445 = arith.constant 0 : i32
        %dma_wait3A_446 = tpu.memref_slice %arg6[%dma_wait3A_439, %dma_wait3A_445] : memref<2x400xi32, #tpu.memory_space<vmem>> -> memref<1x400xi32, #tpu.memory_space<vmem>>
        %dma_wait3A_447 = tpu.memref_squeeze %dma_wait3A_446 : memref<1x400xi32, #tpu.memory_space<vmem>> -> memref<400xi32, #tpu.memory_space<vmem>>
        %dma_wait3A_448 = arith.constant 0 : i32
        %dma_wait3A_449 = tpu.memref_slice %arg4[%dma_wait3A_448] : memref<320000xi32, #tpu.memory_space<hbm>> -> memref<400xi32, #tpu.memory_space<hbm>>
        tpu.wait_dma2 semaphore(%arg15 : memref<!tpu.dma_semaphore, #tpu.memory_space<semaphore_mem>>) src(%dma_wait3A_449 : memref<400xi32, #tpu.memory_space<hbm>>) dst(%dma_wait3A_447 : memref<400xi32, #tpu.memory_space<vmem>>)
      } else {
      }
      %mul3A_387 = arith.constant 400 : i32
      %mul3A_388 = arith.muli %add3A_381, %mul3A_387 : i32
      %add3A_389 = arith.addi %mul3A_2, %mul3A_388 : i32
      %dma_start3A_390 = arith.constant 0 : i32
      %dma_start3A_391 = tpu.memref_slice %arg7[%add3A_381, %dma_start3A_390] : memref<25x400xi32, #tpu.memory_space<vmem>> -> memref<1x400xi32, #tpu.memory_space<vmem>>
      %dma_start3A_392 = tpu.memref_squeeze %dma_start3A_391 : memref<1x400xi32, #tpu.memory_space<vmem>> -> memref<400xi32, #tpu.memory_space<vmem>>
      %dma_start3A_393 = tpu.memref_slice %arg4[%add3A_389] : memref<320000xi32, #tpu.memory_space<hbm>> -> memref<400xi32, #tpu.memory_space<hbm>>
      %dma_start3A_394 = arith.constant 0 : i32
      %dma_start3A_395 = tpu.memref_slice %arg7[%add3A_381, %dma_start3A_394] : memref<25x400xi32, #tpu.memory_space<vmem>> -> memref<1x400xi32, #tpu.memory_space<vmem>>
      %dma_start3A_396 = tpu.memref_squeeze %dma_start3A_395 : memref<1x400xi32, #tpu.memory_space<vmem>> -> memref<400xi32, #tpu.memory_space<vmem>>
      %dma_start3A_397 = tpu.memref_slice %arg4[%add3A_389] : memref<320000xi32, #tpu.memory_space<hbm>> -> memref<400xi32, #tpu.memory_space<hbm>>
      tpu.enqueue_dma source(%dma_start3A_397 : memref<400xi32, #tpu.memory_space<hbm>>) target(%dma_start3A_396 : memref<400xi32, #tpu.memory_space<vmem>>) target_semaphore(%arg15 : memref<!tpu.dma_semaphore, #tpu.memory_space<semaphore_mem>>)
      %mul3A_398 = arith.constant 8 : i32
      %mul3A_399 = arith.muli %scan3A_277, %mul3A_398 : i32
      %add3A_400 = arith.constant 6 : i32
      %add3A_401 = arith.addi %mul3A_399, %add3A_400 : i32
      %gt3A_402 = arith.constant 0 : i32
      %gt3A_403 = arith.cmpi sgt, %scan3A_277, %gt3A_402 : i32
      %convert_element_type3A_404 = arith.extui %gt3A_403 : i1 to i32
      %cond3A_405 = arith.constant 0 : i32
      %cond3A_406 = arith.cmpi ne, %convert_element_type3A_404, %cond3A_405 : i32
      scf.if %cond3A_406 {
        %dma_wait3A_439 = arith.constant 0 : i32
        %dma_wait3A_440 = arith.constant 0 : i32
        %dma_wait3A_441 = tpu.memref_slice %arg6[%dma_wait3A_439, %dma_wait3A_440] : memref<2x400xi32, #tpu.memory_space<vmem>> -> memref<1x400xi32, #tpu.memory_space<vmem>>
        %dma_wait3A_442 = tpu.memref_squeeze %dma_wait3A_441 : memref<1x400xi32, #tpu.memory_space<vmem>> -> memref<400xi32, #tpu.memory_space<vmem>>
        %dma_wait3A_443 = arith.constant 0 : i32
        %dma_wait3A_444 = tpu.memref_slice %arg4[%dma_wait3A_443] : memref<320000xi32, #tpu.memory_space<hbm>> -> memref<400xi32, #tpu.memory_space<hbm>>
        %dma_wait3A_445 = arith.constant 0 : i32
        %dma_wait3A_446 = tpu.memref_slice %arg6[%dma_wait3A_439, %dma_wait3A_445] : memref<2x400xi32, #tpu.memory_space<vmem>> -> memref<1x400xi32, #tpu.memory_space<vmem>>
        %dma_wait3A_447 = tpu.memref_squeeze %dma_wait3A_446 : memref<1x400xi32, #tpu.memory_space<vmem>> -> memref<400xi32, #tpu.memory_space<vmem>>
        %dma_wait3A_448 = arith.constant 0 : i32
        %dma_wait3A_449 = tpu.memref_slice %arg4[%dma_wait3A_448] : memref<320000xi32, #tpu.memory_space<hbm>> -> memref<400xi32, #tpu.memory_space<hbm>>
        tpu.wait_dma2 semaphore(%arg16 : memref<!tpu.dma_semaphore, #tpu.memory_space<semaphore_mem>>) src(%dma_wait3A_449 : memref<400xi32, #tpu.memory_space<hbm>>) dst(%dma_wait3A_447 : memref<400xi32, #tpu.memory_space<vmem>>)
      } else {
      }
      %mul3A_407 = arith.constant 400 : i32
      %mul3A_408 = arith.muli %add3A_401, %mul3A_407 : i32
      %add3A_409 = arith.addi %mul3A_2, %mul3A_408 : i32
      %dma_start3A_410 = arith.constant 0 : i32
      %dma_start3A_411 = tpu.memref_slice %arg7[%add3A_401, %dma_start3A_410] : memref<25x400xi32, #tpu.memory_space<vmem>> -> memref<1x400xi32, #tpu.memory_space<vmem>>
      %dma_start3A_412 = tpu.memref_squeeze %dma_start3A_411 : memref<1x400xi32, #tpu.memory_space<vmem>> -> memref<400xi32, #tpu.memory_space<vmem>>
      %dma_start3A_413 = tpu.memref_slice %arg4[%add3A_409] : memref<320000xi32, #tpu.memory_space<hbm>> -> memref<400xi32, #tpu.memory_space<hbm>>
      %dma_start3A_414 = arith.constant 0 : i32
      %dma_start3A_415 = tpu.memref_slice %arg7[%add3A_401, %dma_start3A_414] : memref<25x400xi32, #tpu.memory_space<vmem>> -> memref<1x400xi32, #tpu.memory_space<vmem>>
      %dma_start3A_416 = tpu.memref_squeeze %dma_start3A_415 : memref<1x400xi32, #tpu.memory_space<vmem>> -> memref<400xi32, #tpu.memory_space<vmem>>
      %dma_start3A_417 = tpu.memref_slice %arg4[%add3A_409] : memref<320000xi32, #tpu.memory_space<hbm>> -> memref<400xi32, #tpu.memory_space<hbm>>
      tpu.enqueue_dma source(%dma_start3A_417 : memref<400xi32, #tpu.memory_space<hbm>>) target(%dma_start3A_416 : memref<400xi32, #tpu.memory_space<vmem>>) target_semaphore(%arg16 : memref<!tpu.dma_semaphore, #tpu.memory_space<semaphore_mem>>)
      %mul3A_418 = arith.constant 8 : i32
      %mul3A_419 = arith.muli %scan3A_277, %mul3A_418 : i32
      %add3A_420 = arith.constant 7 : i32
      %add3A_421 = arith.addi %mul3A_419, %add3A_420 : i32
      %gt3A_422 = arith.constant 0 : i32
      %gt3A_423 = arith.cmpi sgt, %scan3A_277, %gt3A_422 : i32
      %convert_element_type3A_424 = arith.extui %gt3A_423 : i1 to i32
      %cond3A_425 = arith.constant 0 : i32
      %cond3A_426 = arith.cmpi ne, %convert_element_type3A_424, %cond3A_425 : i32
      scf.if %cond3A_426 {
        %dma_wait3A_439 = arith.constant 0 : i32
        %dma_wait3A_440 = arith.constant 0 : i32
        %dma_wait3A_441 = tpu.memref_slice %arg6[%dma_wait3A_439, %dma_wait3A_440] : memref<2x400xi32, #tpu.memory_space<vmem>> -> memref<1x400xi32, #tpu.memory_space<vmem>>
        %dma_wait3A_442 = tpu.memref_squeeze %dma_wait3A_441 : memref<1x400xi32, #tpu.memory_space<vmem>> -> memref<400xi32, #tpu.memory_space<vmem>>
        %dma_wait3A_443 = arith.constant 0 : i32
        %dma_wait3A_444 = tpu.memref_slice %arg4[%dma_wait3A_443] : memref<320000xi32, #tpu.memory_space<hbm>> -> memref<400xi32, #tpu.memory_space<hbm>>
        %dma_wait3A_445 = arith.constant 0 : i32
        %dma_wait3A_446 = tpu.memref_slice %arg6[%dma_wait3A_439, %dma_wait3A_445] : memref<2x400xi32, #tpu.memory_space<vmem>> -> memref<1x400xi32, #tpu.memory_space<vmem>>
        %dma_wait3A_447 = tpu.memref_squeeze %dma_wait3A_446 : memref<1x400xi32, #tpu.memory_space<vmem>> -> memref<400xi32, #tpu.memory_space<vmem>>
        %dma_wait3A_448 = arith.constant 0 : i32
        %dma_wait3A_449 = tpu.memref_slice %arg4[%dma_wait3A_448] : memref<320000xi32, #tpu.memory_space<hbm>> -> memref<400xi32, #tpu.memory_space<hbm>>
        tpu.wait_dma2 semaphore(%arg17 : memref<!tpu.dma_semaphore, #tpu.memory_space<semaphore_mem>>) src(%dma_wait3A_449 : memref<400xi32, #tpu.memory_space<hbm>>) dst(%dma_wait3A_447 : memref<400xi32, #tpu.memory_space<vmem>>)
      } else {
      }
      %mul3A_427 = arith.constant 400 : i32
      %mul3A_428 = arith.muli %add3A_421, %mul3A_427 : i32
      %add3A_429 = arith.addi %mul3A_2, %mul3A_428 : i32
      %dma_start3A_430 = arith.constant 0 : i32
      %dma_start3A_431 = tpu.memref_slice %arg7[%add3A_421, %dma_start3A_430] : memref<25x400xi32, #tpu.memory_space<vmem>> -> memref<1x400xi32, #tpu.memory_space<vmem>>
      %dma_start3A_432 = tpu.memref_squeeze %dma_start3A_431 : memref<1x400xi32, #tpu.memory_space<vmem>> -> memref<400xi32, #tpu.memory_space<vmem>>
      %dma_start3A_433 = tpu.memref_slice %arg4[%add3A_429] : memref<320000xi32, #tpu.memory_space<hbm>> -> memref<400xi32, #tpu.memory_space<hbm>>
      %dma_start3A_434 = arith.constant 0 : i32
      %dma_start3A_435 = tpu.memref_slice %arg7[%add3A_421, %dma_start3A_434] : memref<25x400xi32, #tpu.memory_space<vmem>> -> memref<1x400xi32, #tpu.memory_space<vmem>>
      %dma_start3A_436 = tpu.memref_squeeze %dma_start3A_435 : memref<1x400xi32, #tpu.memory_space<vmem>> -> memref<400xi32, #tpu.memory_space<vmem>>
      %dma_start3A_437 = tpu.memref_slice %arg4[%add3A_429] : memref<320000xi32, #tpu.memory_space<hbm>> -> memref<400xi32, #tpu.memory_space<hbm>>
      tpu.enqueue_dma source(%dma_start3A_437 : memref<400xi32, #tpu.memory_space<hbm>>) target(%dma_start3A_436 : memref<400xi32, #tpu.memory_space<vmem>>) target_semaphore(%arg17 : memref<!tpu.dma_semaphore, #tpu.memory_space<semaphore_mem>>)
      %scan3A_438 = arith.constant 0 : i32
      scf.yield %scan3A_438 : i32
    }
    %scan3A_8 = arith.constant 3 : i32
    %dma_wait3A = arith.constant 0 : i32
    %dma_wait3A_9 = arith.constant 0 : i32
    %dma_wait3A_10 = tpu.memref_slice %arg6[%dma_wait3A, %dma_wait3A_9] : memref<2x400xi32, #tpu.memory_space<vmem>> -> memref<1x400xi32, #tpu.memory_space<vmem>>
    %dma_wait3A_11 = tpu.memref_squeeze %dma_wait3A_10 : memref<1x400xi32, #tpu.memory_space<vmem>> -> memref<400xi32, #tpu.memory_space<vmem>>
    %dma_wait3A_12 = arith.constant 0 : i32
    %dma_wait3A_13 = tpu.memref_slice %arg4[%dma_wait3A_12] : memref<320000xi32, #tpu.memory_space<hbm>> -> memref<400xi32, #tpu.memory_space<hbm>>
    %dma_wait3A_14 = arith.constant 0 : i32
    %dma_wait3A_15 = tpu.memref_slice %arg6[%dma_wait3A, %dma_wait3A_14] : memref<2x400xi32, #tpu.memory_space<vmem>> -> memref<1x400xi32, #tpu.memory_space<vmem>>
    %dma_wait3A_16 = tpu.memref_squeeze %dma_wait3A_15 : memref<1x400xi32, #tpu.memory_space<vmem>> -> memref<400xi32, #tpu.memory_space<vmem>>
    %dma_wait3A_17 = arith.constant 0 : i32
    %dma_wait3A_18 = tpu.memref_slice %arg4[%dma_wait3A_17] : memref<320000xi32, #tpu.memory_space<hbm>> -> memref<400xi32, #tpu.memory_space<hbm>>
    tpu.wait_dma2 semaphore(%arg10 : memref<!tpu.dma_semaphore, #tpu.memory_space<semaphore_mem>>) src(%dma_wait3A_18 : memref<400xi32, #tpu.memory_space<hbm>>) dst(%dma_wait3A_16 : memref<400xi32, #tpu.memory_space<vmem>>)
    %add3A_19 = arith.constant 9600 : i32
    %add3A_20 = arith.addi %mul3A_2, %add3A_19 : i32
    %dma_start3A = arith.constant 24 : i32
    %dma_start3A_21 = arith.constant 0 : i32
    %dma_start3A_22 = tpu.memref_slice %arg7[%dma_start3A, %dma_start3A_21] : memref<25x400xi32, #tpu.memory_space<vmem>> -> memref<1x400xi32, #tpu.memory_space<vmem>>
    %dma_start3A_23 = tpu.memref_squeeze %dma_start3A_22 : memref<1x400xi32, #tpu.memory_space<vmem>> -> memref<400xi32, #tpu.memory_space<vmem>>
    %dma_start3A_24 = tpu.memref_slice %arg4[%add3A_20] : memref<320000xi32, #tpu.memory_space<hbm>> -> memref<400xi32, #tpu.memory_space<hbm>>
    %dma_start3A_25 = arith.constant 0 : i32
    %dma_start3A_26 = tpu.memref_slice %arg7[%dma_start3A, %dma_start3A_25] : memref<25x400xi32, #tpu.memory_space<vmem>> -> memref<1x400xi32, #tpu.memory_space<vmem>>
    %dma_start3A_27 = tpu.memref_squeeze %dma_start3A_26 : memref<1x400xi32, #tpu.memory_space<vmem>> -> memref<400xi32, #tpu.memory_space<vmem>>
    %dma_start3A_28 = tpu.memref_slice %arg4[%add3A_20] : memref<320000xi32, #tpu.memory_space<hbm>> -> memref<400xi32, #tpu.memory_space<hbm>>
    tpu.enqueue_dma source(%dma_start3A_28 : memref<400xi32, #tpu.memory_space<hbm>>) target(%dma_start3A_27 : memref<400xi32, #tpu.memory_space<vmem>>) target_semaphore(%arg10 : memref<!tpu.dma_semaphore, #tpu.memory_space<semaphore_mem>>)
    %scan3A_29 = arith.constant 0 : i32
    %scan3A_30 = arith.constant 0 : i32
    %scan3A_31 = arith.constant 400 : i32
    %scan3A_32 = arith.addi %scan3A_30, %scan3A_31 : i32
    %scan3A_33 = arith.constant 1 : i32
    %scan3A_34 = scf.for %scan3A_277 = %scan3A_30 to %scan3A_32 step %scan3A_33 iter_args(%scan3A_278 = %scan3A_29) -> (i32)  : i32 {
      %scan3A_279 = arith.constant 0 : i32
      %scan3A_280 = arith.constant 0 : i32
      %scan3A_281 = arith.constant 4 : i32
      %scan3A_282 = arith.addi %scan3A_280, %scan3A_281 : i32
      %scan3A_283 = arith.constant 1 : i32
      %scan3A_284 = scf.for %scan3A_286 = %scan3A_280 to %scan3A_282 step %scan3A_283 iter_args(%scan3A_287 = %scan3A_279) -> (i32)  : i32 {
        %broadcast_in_dim3A = arith.constant 0.000000e+00 : bf16
        %broadcast_in_dim3A_288 = vector.broadcast %broadcast_in_dim3A : bf16 to vector<32xbf16>
        %mul3A_289 = arith.constant 32 : i32
        %mul3A_290 = arith.muli %scan3A_286, %mul3A_289 : i32
        %swap3A = arith.constant 0 : i32
        %swap3A_291 = arith.index_cast %swap3A : i32 to index
        %swap3A_292 = arith.index_cast %scan3A_277 : i32 to index
        %swap3A_293 = arith.index_cast %mul3A_290 : i32 to index
        %swap3A_294 = tpu.vector_load %arg8[%swap3A_291, %swap3A_292, %swap3A_293] {strides = array<i32>} : memref<2x400x128xbf16, #tpu.memory_space<vmem>>, vector<1x1x32xbf16>,
        %swap3A_295 = vector.shape_cast %swap3A_294 : vector<1x1x32xbf16> to vector<32xbf16>
        %swap3A_296 = vector.shape_cast %broadcast_in_dim3A_288 : vector<32xbf16> to vector<1x1x32xbf16>
        tpu.vector_store %arg8[%swap3A_291, %swap3A_292, %swap3A_293], %swap3A_296 {strides = array<i32>} : memref<2x400x128xbf16, #tpu.memory_space<vmem>>, vector<1x1x32xbf16>,
        %scan3A_297 = arith.constant 0 : i32
        scf.yield %scan3A_297 : i32
      }
      %scan3A_285 = arith.constant 4 : i32
      scf.yield %scan3A_284 : i32
    }
    %scan3A_35 = arith.constant 400 : i32
    %dma_wait3A_36 = arith.constant 0 : i32
    %dma_wait3A_37 = arith.constant 0 : i32
    %dma_wait3A_38 = tpu.memref_slice %arg6[%dma_wait3A_36, %dma_wait3A_37] : memref<2x400xi32, #tpu.memory_space<vmem>> -> memref<1x400xi32, #tpu.memory_space<vmem>>
    %dma_wait3A_39 = tpu.memref_squeeze %dma_wait3A_38 : memref<1x400xi32, #tpu.memory_space<vmem>> -> memref<400xi32, #tpu.memory_space<vmem>>
    %dma_wait3A_40 = arith.constant 0 : i32
    %dma_wait3A_41 = tpu.memref_slice %arg4[%dma_wait3A_40] : memref<320000xi32, #tpu.memory_space<hbm>> -> memref<400xi32, #tpu.memory_space<hbm>>
    %dma_wait3A_42 = arith.constant 0 : i32
    %dma_wait3A_43 = tpu.memref_slice %arg6[%dma_wait3A_36, %dma_wait3A_42] : memref<2x400xi32, #tpu.memory_space<vmem>> -> memref<1x400xi32, #tpu.memory_space<vmem>>
    %dma_wait3A_44 = tpu.memref_squeeze %dma_wait3A_43 : memref<1x400xi32, #tpu.memory_space<vmem>> -> memref<400xi32, #tpu.memory_space<vmem>>
    %dma_wait3A_45 = arith.constant 0 : i32
    %dma_wait3A_46 = tpu.memref_slice %arg4[%dma_wait3A_45] : memref<320000xi32, #tpu.memory_space<hbm>> -> memref<400xi32, #tpu.memory_space<hbm>>
    tpu.wait_dma2 semaphore(%arg10 : memref<!tpu.dma_semaphore, #tpu.memory_space<semaphore_mem>>) src(%dma_wait3A_46 : memref<400xi32, #tpu.memory_space<hbm>>) dst(%dma_wait3A_44 : memref<400xi32, #tpu.memory_space<vmem>>)
    %dma_wait3A_47 = arith.constant 0 : i32
    %dma_wait3A_48 = arith.constant 0 : i32
    %dma_wait3A_49 = tpu.memref_slice %arg6[%dma_wait3A_47, %dma_wait3A_48] : memref<2x400xi32, #tpu.memory_space<vmem>> -> memref<1x400xi32, #tpu.memory_space<vmem>>
    %dma_wait3A_50 = tpu.memref_squeeze %dma_wait3A_49 : memref<1x400xi32, #tpu.memory_space<vmem>> -> memref<400xi32, #tpu.memory_space<vmem>>
    %dma_wait3A_51 = arith.constant 0 : i32
    %dma_wait3A_52 = tpu.memref_slice %arg4[%dma_wait3A_51] : memref<320000xi32, #tpu.memory_space<hbm>> -> memref<400xi32, #tpu.memory_space<hbm>>
    %dma_wait3A_53 = arith.constant 0 : i32
    %dma_wait3A_54 = tpu.memref_slice %arg6[%dma_wait3A_47, %dma_wait3A_53] : memref<2x400xi32, #tpu.memory_space<vmem>> -> memref<1x400xi32, #tpu.memory_space<vmem>>
    %dma_wait3A_55 = tpu.memref_squeeze %dma_wait3A_54 : memref<1x400xi32, #tpu.memory_space<vmem>> -> memref<400xi32, #tpu.memory_space<vmem>>
    %dma_wait3A_56 = arith.constant 0 : i32
    %dma_wait3A_57 = tpu.memref_slice %arg4[%dma_wait3A_56] : memref<320000xi32, #tpu.memory_space<hbm>> -> memref<400xi32, #tpu.memory_space<hbm>>
    tpu.wait_dma2 semaphore(%arg11 : memref<!tpu.dma_semaphore, #tpu.memory_space<semaphore_mem>>) src(%dma_wait3A_57 : memref<400xi32, #tpu.memory_space<hbm>>) dst(%dma_wait3A_55 : memref<400xi32, #tpu.memory_space<vmem>>)
    %dma_wait3A_58 = arith.constant 0 : i32
    %dma_wait3A_59 = arith.constant 0 : i32
    %dma_wait3A_60 = tpu.memref_slice %arg6[%dma_wait3A_58, %dma_wait3A_59] : memref<2x400xi32, #tpu.memory_space<vmem>> -> memref<1x400xi32, #tpu.memory_space<vmem>>
    %dma_wait3A_61 = tpu.memref_squeeze %dma_wait3A_60 : memref<1x400xi32, #tpu.memory_space<vmem>> -> memref<400xi32, #tpu.memory_space<vmem>>
    %dma_wait3A_62 = arith.constant 0 : i32
    %dma_wait3A_63 = tpu.memref_slice %arg4[%dma_wait3A_62] : memref<320000xi32, #tpu.memory_space<hbm>> -> memref<400xi32, #tpu.memory_space<hbm>>
    %dma_wait3A_64 = arith.constant 0 : i32
    %dma_wait3A_65 = tpu.memref_slice %arg6[%dma_wait3A_58, %dma_wait3A_64] : memref<2x400xi32, #tpu.memory_space<vmem>> -> memref<1x400xi32, #tpu.memory_space<vmem>>
    %dma_wait3A_66 = tpu.memref_squeeze %dma_wait3A_65 : memref<1x400xi32, #tpu.memory_space<vmem>> -> memref<400xi32, #tpu.memory_space<vmem>>
    %dma_wait3A_67 = arith.constant 0 : i32
    %dma_wait3A_68 = tpu.memref_slice %arg4[%dma_wait3A_67] : memref<320000xi32, #tpu.memory_space<hbm>> -> memref<400xi32, #tpu.memory_space<hbm>>
    tpu.wait_dma2 semaphore(%arg12 : memref<!tpu.dma_semaphore, #tpu.memory_space<semaphore_mem>>) src(%dma_wait3A_68 : memref<400xi32, #tpu.memory_space<hbm>>) dst(%dma_wait3A_66 : memref<400xi32, #tpu.memory_space<vmem>>)
    %dma_wait3A_69 = arith.constant 0 : i32
    %dma_wait3A_70 = arith.constant 0 : i32
    %dma_wait3A_71 = tpu.memref_slice %arg6[%dma_wait3A_69, %dma_wait3A_70] : memref<2x400xi32, #tpu.memory_space<vmem>> -> memref<1x400xi32, #tpu.memory_space<vmem>>
    %dma_wait3A_72 = tpu.memref_squeeze %dma_wait3A_71 : memref<1x400xi32, #tpu.memory_space<vmem>> -> memref<400xi32, #tpu.memory_space<vmem>>
    %dma_wait3A_73 = arith.constant 0 : i32
    %dma_wait3A_74 = tpu.memref_slice %arg4[%dma_wait3A_73] : memref<320000xi32, #tpu.memory_space<hbm>> -> memref<400xi32, #tpu.memory_space<hbm>>
    %dma_wait3A_75 = arith.constant 0 : i32
    %dma_wait3A_76 = tpu.memref_slice %arg6[%dma_wait3A_69, %dma_wait3A_75] : memref<2x400xi32, #tpu.memory_space<vmem>> -> memref<1x400xi32, #tpu.memory_space<vmem>>
    %dma_wait3A_77 = tpu.memref_squeeze %dma_wait3A_76 : memref<1x400xi32, #tpu.memory_space<vmem>> -> memref<400xi32, #tpu.memory_space<vmem>>
    %dma_wait3A_78 = arith.constant 0 : i32
    %dma_wait3A_79 = tpu.memref_slice %arg4[%dma_wait3A_78] : memref<320000xi32, #tpu.memory_space<hbm>> -> memref<400xi32, #tpu.memory_space<hbm>>
    tpu.wait_dma2 semaphore(%arg13 : memref<!tpu.dma_semaphore, #tpu.memory_space<semaphore_mem>>) src(%dma_wait3A_79 : memref<400xi32, #tpu.memory_space<hbm>>) dst(%dma_wait3A_77 : memref<400xi32, #tpu.memory_space<vmem>>)
    %dma_wait3A_80 = arith.constant 0 : i32
    %dma_wait3A_81 = arith.constant 0 : i32
    %dma_wait3A_82 = tpu.memref_slice %arg6[%dma_wait3A_80, %dma_wait3A_81] : memref<2x400xi32, #tpu.memory_space<vmem>> -> memref<1x400xi32, #tpu.memory_space<vmem>>
    %dma_wait3A_83 = tpu.memref_squeeze %dma_wait3A_82 : memref<1x400xi32, #tpu.memory_space<vmem>> -> memref<400xi32, #tpu.memory_space<vmem>>
    %dma_wait3A_84 = arith.constant 0 : i32
    %dma_wait3A_85 = tpu.memref_slice %arg4[%dma_wait3A_84] : memref<320000xi32, #tpu.memory_space<hbm>> -> memref<400xi32, #tpu.memory_space<hbm>>
    %dma_wait3A_86 = arith.constant 0 : i32
    %dma_wait3A_87 = tpu.memref_slice %arg6[%dma_wait3A_80, %dma_wait3A_86] : memref<2x400xi32, #tpu.memory_space<vmem>> -> memref<1x400xi32, #tpu.memory_space<vmem>>
    %dma_wait3A_88 = tpu.memref_squeeze %dma_wait3A_87 : memref<1x400xi32, #tpu.memory_space<vmem>> -> memref<400xi32, #tpu.memory_space<vmem>>
    %dma_wait3A_89 = arith.constant 0 : i32
    %dma_wait3A_90 = tpu.memref_slice %arg4[%dma_wait3A_89] : memref<320000xi32, #tpu.memory_space<hbm>> -> memref<400xi32, #tpu.memory_space<hbm>>
    tpu.wait_dma2 semaphore(%arg14 : memref<!tpu.dma_semaphore, #tpu.memory_space<semaphore_mem>>) src(%dma_wait3A_90 : memref<400xi32, #tpu.memory_space<hbm>>) dst(%dma_wait3A_88 : memref<400xi32, #tpu.memory_space<vmem>>)
    %dma_wait3A_91 = arith.constant 0 : i32
    %dma_wait3A_92 = arith.constant 0 : i32
    %dma_wait3A_93 = tpu.memref_slice %arg6[%dma_wait3A_91, %dma_wait3A_92] : memref<2x400xi32, #tpu.memory_space<vmem>> -> memref<1x400xi32, #tpu.memory_space<vmem>>
    %dma_wait3A_94 = tpu.memref_squeeze %dma_wait3A_93 : memref<1x400xi32, #tpu.memory_space<vmem>> -> memref<400xi32, #tpu.memory_space<vmem>>
    %dma_wait3A_95 = arith.constant 0 : i32
    %dma_wait3A_96 = tpu.memref_slice %arg4[%dma_wait3A_95] : memref<320000xi32, #tpu.memory_space<hbm>> -> memref<400xi32, #tpu.memory_space<hbm>>
    %dma_wait3A_97 = arith.constant 0 : i32
    %dma_wait3A_98 = tpu.memref_slice %arg6[%dma_wait3A_91, %dma_wait3A_97] : memref<2x400xi32, #tpu.memory_space<vmem>> -> memref<1x400xi32, #tpu.memory_space<vmem>>
    %dma_wait3A_99 = tpu.memref_squeeze %dma_wait3A_98 : memref<1x400xi32, #tpu.memory_space<vmem>> -> memref<400xi32, #tpu.memory_space<vmem>>
    %dma_wait3A_100 = arith.constant 0 : i32
    %dma_wait3A_101 = tpu.memref_slice %arg4[%dma_wait3A_100] : memref<320000xi32, #tpu.memory_space<hbm>> -> memref<400xi32, #tpu.memory_space<hbm>>
    tpu.wait_dma2 semaphore(%arg15 : memref<!tpu.dma_semaphore, #tpu.memory_space<semaphore_mem>>) src(%dma_wait3A_101 : memref<400xi32, #tpu.memory_space<hbm>>) dst(%dma_wait3A_99 : memref<400xi32, #tpu.memory_space<vmem>>)
    %dma_wait3A_102 = arith.constant 0 : i32
    %dma_wait3A_103 = arith.constant 0 : i32
    %dma_wait3A_104 = tpu.memref_slice %arg6[%dma_wait3A_102, %dma_wait3A_103] : memref<2x400xi32, #tpu.memory_space<vmem>> -> memref<1x400xi32, #tpu.memory_space<vmem>>
    %dma_wait3A_105 = tpu.memref_squeeze %dma_wait3A_104 : memref<1x400xi32, #tpu.memory_space<vmem>> -> memref<400xi32, #tpu.memory_space<vmem>>
    %dma_wait3A_106 = arith.constant 0 : i32
    %dma_wait3A_107 = tpu.memref_slice %arg4[%dma_wait3A_106] : memref<320000xi32, #tpu.memory_space<hbm>> -> memref<400xi32, #tpu.memory_space<hbm>>
    %dma_wait3A_108 = arith.constant 0 : i32
    %dma_wait3A_109 = tpu.memref_slice %arg6[%dma_wait3A_102, %dma_wait3A_108] : memref<2x400xi32, #tpu.memory_space<vmem>> -> memref<1x400xi32, #tpu.memory_space<vmem>>
    %dma_wait3A_110 = tpu.memref_squeeze %dma_wait3A_109 : memref<1x400xi32, #tpu.memory_space<vmem>> -> memref<400xi32, #tpu.memory_space<vmem>>
    %dma_wait3A_111 = arith.constant 0 : i32
    %dma_wait3A_112 = tpu.memref_slice %arg4[%dma_wait3A_111] : memref<320000xi32, #tpu.memory_space<hbm>> -> memref<400xi32, #tpu.memory_space<hbm>>
    tpu.wait_dma2 semaphore(%arg16 : memref<!tpu.dma_semaphore, #tpu.memory_space<semaphore_mem>>) src(%dma_wait3A_112 : memref<400xi32, #tpu.memory_space<hbm>>) dst(%dma_wait3A_110 : memref<400xi32, #tpu.memory_space<vmem>>)
    %dma_wait3A_113 = arith.constant 0 : i32
    %dma_wait3A_114 = arith.constant 0 : i32
    %dma_wait3A_115 = tpu.memref_slice %arg6[%dma_wait3A_113, %dma_wait3A_114] : memref<2x400xi32, #tpu.memory_space<vmem>> -> memref<1x400xi32, #tpu.memory_space<vmem>>
    %dma_wait3A_116 = tpu.memref_squeeze %dma_wait3A_115 : memref<1x400xi32, #tpu.memory_space<vmem>> -> memref<400xi32, #tpu.memory_space<vmem>>
    %dma_wait3A_117 = arith.constant 0 : i32
    %dma_wait3A_118 = tpu.memref_slice %arg4[%dma_wait3A_117] : memref<320000xi32, #tpu.memory_space<hbm>> -> memref<400xi32, #tpu.memory_space<hbm>>
    %dma_wait3A_119 = arith.constant 0 : i32
    %dma_wait3A_120 = tpu.memref_slice %arg6[%dma_wait3A_113, %dma_wait3A_119] : memref<2x400xi32, #tpu.memory_space<vmem>> -> memref<1x400xi32, #tpu.memory_space<vmem>>
    %dma_wait3A_121 = tpu.memref_squeeze %dma_wait3A_120 : memref<1x400xi32, #tpu.memory_space<vmem>> -> memref<400xi32, #tpu.memory_space<vmem>>
    %dma_wait3A_122 = arith.constant 0 : i32
    %dma_wait3A_123 = tpu.memref_slice %arg4[%dma_wait3A_122] : memref<320000xi32, #tpu.memory_space<hbm>> -> memref<400xi32, #tpu.memory_space<hbm>>
    tpu.wait_dma2 semaphore(%arg17 : memref<!tpu.dma_semaphore, #tpu.memory_space<semaphore_mem>>) src(%dma_wait3A_123 : memref<400xi32, #tpu.memory_space<hbm>>) dst(%dma_wait3A_121 : memref<400xi32, #tpu.memory_space<vmem>>)
    %mul3A_124 = arith.constant 624 : i32
    %mul3A_125 = arith.muli %arg1, %mul3A_124 : i32
    %multiple_of3A = tpu.assume_multiple %mul3A_125, 8 : i32
    %add3A_126 = arith.constant 0 : i32
    %add3A_127 = arith.addi %multiple_of3A, %add3A_126 : i32
    %run_scoped3A = arith.constant 0 : i32
    "tpu.region"() ({
      %run_scoped3A_277 = tpu.sem_alloc : memref<!tpu.dma_semaphore, #tpu.memory_space<semaphore_mem>>
      %dma_start3A_278 = arith.constant 0 : i32
      %dma_start3A_279 = arith.constant 0 : i32
      %dma_start3A_280 = tpu.memref_slice %arg8[%run_scoped3A, %dma_start3A_278, %dma_start3A_279] : memref<2x400x128xbf16, #tpu.memory_space<vmem>> -> memref<1x400x128xbf16, #tpu.memory_space<vmem>>
      %dma_start3A_281 = tpu.memref_squeeze %dma_start3A_280 : memref<1x400x128xbf16, #tpu.memory_space<vmem>> -> memref<400x128xbf16, #tpu.memory_space<vmem>>
      %dma_start3A_282 = arith.constant 0 : i32
      %dma_start3A_283 = tpu.memref_slice %arg9[%add3A_127, %dma_start3A_282] : memref<10000x128xbf16, #tpu.memory_space<vmem_shared>> -> memref<400x128xbf16, #tpu.memory_space<vmem_shared>>
      %dma_start3A_284 = arith.constant 0 : i32
      %dma_start3A_285 = tpu.memref_slice %arg9[%add3A_127, %dma_start3A_284] : memref<10000x128xbf16, #tpu.memory_space<vmem_shared>> -> memref<400x128xbf16, #tpu.memory_space<vmem_shared>>
      %dma_start3A_286 = arith.constant 0 : i32
      %dma_start3A_287 = arith.constant 0 : i32
      %dma_start3A_288 = tpu.memref_slice %arg8[%run_scoped3A, %dma_start3A_286, %dma_start3A_287] : memref<2x400x128xbf16, #tpu.memory_space<vmem>> -> memref<1x400x128xbf16, #tpu.memory_space<vmem>>
      %dma_start3A_289 = tpu.memref_squeeze %dma_start3A_288 : memref<1x400x128xbf16, #tpu.memory_space<vmem>> -> memref<400x128xbf16, #tpu.memory_space<vmem>>
      tpu.enqueue_dma source(%dma_start3A_289 : memref<400x128xbf16, #tpu.memory_space<vmem>>) target(%dma_start3A_285 : memref<400x128xbf16, #tpu.memory_space<vmem_shared>>) target_semaphore(%run_scoped3A_277 : memref<!tpu.dma_semaphore, #tpu.memory_space<semaphore_mem>>)
      %dma_wait3A_290 = arith.constant 0 : i32
      %dma_wait3A_291 = arith.constant 0 : i32
      %dma_wait3A_292 = tpu.memref_slice %arg8[%run_scoped3A, %dma_wait3A_290, %dma_wait3A_291] : memref<2x400x128xbf16, #tpu.memory_space<vmem>> -> memref<1x400x128xbf16, #tpu.memory_space<vmem>>
      %dma_wait3A_293 = tpu.memref_squeeze %dma_wait3A_292 : memref<1x400x128xbf16, #tpu.memory_space<vmem>> -> memref<400x128xbf16, #tpu.memory_space<vmem>>
      %dma_wait3A_294 = arith.constant 0 : i32
      %dma_wait3A_295 = tpu.memref_slice %arg9[%add3A_127, %dma_wait3A_294] : memref<10000x128xbf16, #tpu.memory_space<vmem_shared>> -> memref<400x128xbf16, #tpu.memory_space<vmem_shared>>
      %dma_wait3A_296 = arith.constant 0 : i32
      %dma_wait3A_297 = tpu.memref_slice %arg9[%add3A_127, %dma_wait3A_296] : memref<10000x128xbf16, #tpu.memory_space<vmem_shared>> -> memref<400x128xbf16, #tpu.memory_space<vmem_shared>>
      %dma_wait3A_298 = arith.constant 0 : i32
      %dma_wait3A_299 = arith.constant 0 : i32
      %dma_wait3A_300 = tpu.memref_slice %arg8[%run_scoped3A, %dma_wait3A_298, %dma_wait3A_299] : memref<2x400x128xbf16, #tpu.memory_space<vmem>> -> memref<1x400x128xbf16, #tpu.memory_space<vmem>>
      %dma_wait3A_301 = tpu.memref_squeeze %dma_wait3A_300 : memref<1x400x128xbf16, #tpu.memory_space<vmem>> -> memref<400x128xbf16, #tpu.memory_space<vmem>>
      tpu.wait_dma2 semaphore(%run_scoped3A_277 : memref<!tpu.dma_semaphore, #tpu.memory_space<semaphore_mem>>) src(%dma_wait3A_301 : memref<400x128xbf16, #tpu.memory_space<vmem>>) dst(%dma_wait3A_297 : memref<400x128xbf16, #tpu.memory_space<vmem_shared>>)
      tpu.yield
    }) : () -> ()
    %add3A_128 = arith.constant 400 : i32
    %add3A_129 = arith.addi %multiple_of3A, %add3A_128 : i32
    %run_scoped3A_130 = arith.constant 0 : i32
    "tpu.region"() ({
      %run_scoped3A_277 = tpu.sem_alloc : memref<!tpu.dma_semaphore, #tpu.memory_space<semaphore_mem>>
      %dma_start3A_278 = arith.constant 0 : i32
      %dma_start3A_279 = arith.constant 0 : i32
      %dma_start3A_280 = tpu.memref_slice %arg8[%run_scoped3A_130, %dma_start3A_278, %dma_start3A_279] : memref<2x400x128xbf16, #tpu.memory_space<vmem>> -> memref<1x224x128xbf16, #tpu.memory_space<vmem>>
      %dma_start3A_281 = tpu.memref_squeeze %dma_start3A_280 : memref<1x224x128xbf16, #tpu.memory_space<vmem>> -> memref<224x128xbf16, #tpu.memory_space<vmem>>
      %dma_start3A_282 = arith.constant 0 : i32
      %dma_start3A_283 = tpu.memref_slice %arg9[%add3A_129, %dma_start3A_282] : memref<10000x128xbf16, #tpu.memory_space<vmem_shared>> -> memref<224x128xbf16, #tpu.memory_space<vmem_shared>>
      %dma_start3A_284 = arith.constant 0 : i32
      %dma_start3A_285 = tpu.memref_slice %arg9[%add3A_129, %dma_start3A_284] : memref<10000x128xbf16, #tpu.memory_space<vmem_shared>> -> memref<224x128xbf16, #tpu.memory_space<vmem_shared>>
      %dma_start3A_286 = arith.constant 0 : i32
      %dma_start3A_287 = arith.constant 0 : i32
      %dma_start3A_288 = tpu.memref_slice %arg8[%run_scoped3A_130, %dma_start3A_286, %dma_start3A_287] : memref<2x400x128xbf16, #tpu.memory_space<vmem>> -> memref<1x224x128xbf16, #tpu.memory_space<vmem>>
      %dma_start3A_289 = tpu.memref_squeeze %dma_start3A_288 : memref<1x224x128xbf16, #tpu.memory_space<vmem>> -> memref<224x128xbf16, #tpu.memory_space<vmem>>
      tpu.enqueue_dma source(%dma_start3A_289 : memref<224x128xbf16, #tpu.memory_space<vmem>>) target(%dma_start3A_285 : memref<224x128xbf16, #tpu.memory_space<vmem_shared>>) target_semaphore(%run_scoped3A_277 : memref<!tpu.dma_semaphore, #tpu.memory_space<semaphore_mem>>)
      %dma_wait3A_290 = arith.constant 0 : i32
      %dma_wait3A_291 = arith.constant 0 : i32
      %dma_wait3A_292 = tpu.memref_slice %arg8[%run_scoped3A_130, %dma_wait3A_290, %dma_wait3A_291] : memref<2x400x128xbf16, #tpu.memory_space<vmem>> -> memref<1x224x128xbf16, #tpu.memory_space<vmem>>
      %dma_wait3A_293 = tpu.memref_squeeze %dma_wait3A_292 : memref<1x224x128xbf16, #tpu.memory_space<vmem>> -> memref<224x128xbf16, #tpu.memory_space<vmem>>
      %dma_wait3A_294 = arith.constant 0 : i32
      %dma_wait3A_295 = tpu.memref_slice %arg9[%add3A_129, %dma_wait3A_294] : memref<10000x128xbf16, #tpu.memory_space<vmem_shared>> -> memref<224x128xbf16, #tpu.memory_space<vmem_shared>>
      %dma_wait3A_296 = arith.constant 0 : i32
      %dma_wait3A_297 = tpu.memref_slice %arg9[%add3A_129, %dma_wait3A_296] : memref<10000x128xbf16, #tpu.memory_space<vmem_shared>> -> memref<224x128xbf16, #tpu.memory_space<vmem_shared>>
      %dma_wait3A_298 = arith.constant 0 : i32
      %dma_wait3A_299 = arith.constant 0 : i32
      %dma_wait3A_300 = tpu.memref_slice %arg8[%run_scoped3A_130, %dma_wait3A_298, %dma_wait3A_299] : memref<2x400x128xbf16, #tpu.memory_space<vmem>> -> memref<1x224x128xbf16, #tpu.memory_space<vmem>>
      %dma_wait3A_301 = tpu.memref_squeeze %dma_wait3A_300 : memref<1x224x128xbf16, #tpu.memory_space<vmem>> -> memref<224x128xbf16, #tpu.memory_space<vmem>>
      tpu.wait_dma2 semaphore(%run_scoped3A_277 : memref<!tpu.dma_semaphore, #tpu.memory_space<semaphore_mem>>) src(%dma_wait3A_301 : memref<224x128xbf16, #tpu.memory_space<vmem>>) dst(%dma_wait3A_297 : memref<224x128xbf16, #tpu.memory_space<vmem_shared>>)
      tpu.yield
    }) : () -> ()
    %eq3A = arith.constant 15 : i32
    %eq3A_131 = arith.cmpi eq, %arg1, %eq3A : i32
    %convert_element_type3A = arith.extui %eq3A_131 : i1 to i32
    %cond3A = arith.constant 0 : i32
    %cond3A_132 = arith.cmpi ne, %convert_element_type3A, %cond3A : i32
    scf.if %cond3A_132 {
      %run_scoped3A_277 = arith.constant 0 : i32
      "tpu.region"() ({
        %run_scoped3A_278 = tpu.sem_alloc : memref<!tpu.dma_semaphore, #tpu.memory_space<semaphore_mem>>
        %dma_start3A_279 = arith.constant 0 : i32
        %dma_start3A_280 = arith.constant 0 : i32
        %dma_start3A_281 = tpu.memref_slice %arg8[%run_scoped3A_277, %dma_start3A_279, %dma_start3A_280] : memref<2x400x128xbf16, #tpu.memory_space<vmem>> -> memref<1x16x128xbf16, #tpu.memory_space<vmem>>
        %dma_start3A_282 = tpu.memref_squeeze %dma_start3A_281 : memref<1x16x128xbf16, #tpu.memory_space<vmem>> -> memref<16x128xbf16, #tpu.memory_space<vmem>>
        %dma_start3A_283 = arith.constant 9984 : i32
        %dma_start3A_284 = arith.constant 0 : i32
        %dma_start3A_285 = tpu.memref_slice %arg9[%dma_start3A_283, %dma_start3A_284] : memref<10000x128xbf16, #tpu.memory_space<vmem_shared>> -> memref<16x128xbf16, #tpu.memory_space<vmem_shared>>
        %dma_start3A_286 = arith.constant 9984 : i32
        %dma_start3A_287 = arith.constant 0 : i32
        %dma_start3A_288 = tpu.memref_slice %arg9[%dma_start3A_286, %dma_start3A_287] : memref<10000x128xbf16, #tpu.memory_space<vmem_shared>> -> memref<16x128xbf16, #tpu.memory_space<vmem_shared>>
        %dma_start3A_289 = arith.constant 0 : i32
        %dma_start3A_290 = arith.constant 0 : i32
        %dma_start3A_291 = tpu.memref_slice %arg8[%run_scoped3A_277, %dma_start3A_289, %dma_start3A_290] : memref<2x400x128xbf16, #tpu.memory_space<vmem>> -> memref<1x16x128xbf16, #tpu.memory_space<vmem>>
        %dma_start3A_292 = tpu.memref_squeeze %dma_start3A_291 : memref<1x16x128xbf16, #tpu.memory_space<vmem>> -> memref<16x128xbf16, #tpu.memory_space<vmem>>
        tpu.enqueue_dma source(%dma_start3A_292 : memref<16x128xbf16, #tpu.memory_space<vmem>>) target(%dma_start3A_288 : memref<16x128xbf16, #tpu.memory_space<vmem_shared>>) target_semaphore(%run_scoped3A_278 : memref<!tpu.dma_semaphore, #tpu.memory_space<semaphore_mem>>)
        %dma_wait3A_293 = arith.constant 0 : i32
        %dma_wait3A_294 = arith.constant 0 : i32
        %dma_wait3A_295 = tpu.memref_slice %arg8[%run_scoped3A_277, %dma_wait3A_293, %dma_wait3A_294] : memref<2x400x128xbf16, #tpu.memory_space<vmem>> -> memref<1x16x128xbf16, #tpu.memory_space<vmem>>
        %dma_wait3A_296 = tpu.memref_squeeze %dma_wait3A_295 : memref<1x16x128xbf16, #tpu.memory_space<vmem>> -> memref<16x128xbf16, #tpu.memory_space<vmem>>
        %dma_wait3A_297 = arith.constant 9984 : i32
        %dma_wait3A_298 = arith.constant 0 : i32
        %dma_wait3A_299 = tpu.memref_slice %arg9[%dma_wait3A_297, %dma_wait3A_298] : memref<10000x128xbf16, #tpu.memory_space<vmem_shared>> -> memref<16x128xbf16, #tpu.memory_space<vmem_shared>>
        %dma_wait3A_300 = arith.constant 9984 : i32
        %dma_wait3A_301 = arith.constant 0 : i32
        %dma_wait3A_302 = tpu.memref_slice %arg9[%dma_wait3A_300, %dma_wait3A_301] : memref<10000x128xbf16, #tpu.memory_space<vmem_shared>> -> memref<16x128xbf16, #tpu.memory_space<vmem_shared>>
        %dma_wait3A_303 = arith.constant 0 : i32
        %dma_wait3A_304 = arith.constant 0 : i32
        %dma_wait3A_305 = tpu.memref_slice %arg8[%run_scoped3A_277, %dma_wait3A_303, %dma_wait3A_304] : memref<2x400x128xbf16, #tpu.memory_space<vmem>> -> memref<1x16x128xbf16, #tpu.memory_space<vmem>>
        %dma_wait3A_306 = tpu.memref_squeeze %dma_wait3A_305 : memref<1x16x128xbf16, #tpu.memory_space<vmem>> -> memref<16x128xbf16, #tpu.memory_space<vmem>>
        tpu.wait_dma2 semaphore(%run_scoped3A_278 : memref<!tpu.dma_semaphore, #tpu.memory_space<semaphore_mem>>) src(%dma_wait3A_306 : memref<16x128xbf16, #tpu.memory_space<vmem>>) dst(%dma_wait3A_302 : memref<16x128xbf16, #tpu.memory_space<vmem_shared>>)
        tpu.yield
      }) : () -> ()
    } else {
    }
    %add3A_133 = arith.constant 0 : i32
    %add3A_134 = arith.addi %mul3A_2, %add3A_133 : i32
    %dma_start3A_135 = arith.constant 0 : i32
    %dma_start3A_136 = arith.constant 0 : i32
    %dma_start3A_137 = tpu.memref_slice %arg6[%dma_start3A_135, %dma_start3A_136] : memref<2x400xi32, #tpu.memory_space<vmem>> -> memref<1x400xi32, #tpu.memory_space<vmem>>
    %dma_start3A_138 = tpu.memref_squeeze %dma_start3A_137 : memref<1x400xi32, #tpu.memory_space<vmem>> -> memref<400xi32, #tpu.memory_space<vmem>>
    %dma_start3A_139 = tpu.memref_slice %arg3[%add3A_134] : memref<320000xi32, #tpu.memory_space<hbm>> -> memref<400xi32, #tpu.memory_space<hbm>>
    %dma_start3A_140 = arith.constant 0 : i32
    %dma_start3A_141 = tpu.memref_slice %arg6[%dma_start3A_135, %dma_start3A_140] : memref<2x400xi32, #tpu.memory_space<vmem>> -> memref<1x400xi32, #tpu.memory_space<vmem>>
    %dma_start3A_142 = tpu.memref_squeeze %dma_start3A_141 : memref<1x400xi32, #tpu.memory_space<vmem>> -> memref<400xi32, #tpu.memory_space<vmem>>
    %dma_start3A_143 = tpu.memref_slice %arg3[%add3A_134] : memref<320000xi32, #tpu.memory_space<hbm>> -> memref<400xi32, #tpu.memory_space<hbm>>
    tpu.enqueue_dma source(%dma_start3A_143 : memref<400xi32, #tpu.memory_space<hbm>>) target(%dma_start3A_142 : memref<400xi32, #tpu.memory_space<vmem>>) target_semaphore(%arg12 : memref<!tpu.dma_semaphore, #tpu.memory_space<semaphore_mem>>)
    %add3A_144 = arith.constant 400 : i32
    %add3A_145 = arith.addi %mul3A_2, %add3A_144 : i32
    %dma_start3A_146 = arith.constant 1 : i32
    %dma_start3A_147 = arith.constant 0 : i32
    %dma_start3A_148 = tpu.memref_slice %arg6[%dma_start3A_146, %dma_start3A_147] : memref<2x400xi32, #tpu.memory_space<vmem>> -> memref<1x400xi32, #tpu.memory_space<vmem>>
    %dma_start3A_149 = tpu.memref_squeeze %dma_start3A_148 : memref<1x400xi32, #tpu.memory_space<vmem>> -> memref<400xi32, #tpu.memory_space<vmem>>
    %dma_start3A_150 = tpu.memref_slice %arg3[%add3A_145] : memref<320000xi32, #tpu.memory_space<hbm>> -> memref<400xi32, #tpu.memory_space<hbm>>
    %dma_start3A_151 = arith.constant 0 : i32
    %dma_start3A_152 = tpu.memref_slice %arg6[%dma_start3A_146, %dma_start3A_151] : memref<2x400xi32, #tpu.memory_space<vmem>> -> memref<1x400xi32, #tpu.memory_space<vmem>>
    %dma_start3A_153 = tpu.memref_squeeze %dma_start3A_152 : memref<1x400xi32, #tpu.memory_space<vmem>> -> memref<400xi32, #tpu.memory_space<vmem>>
    %dma_start3A_154 = tpu.memref_slice %arg3[%add3A_145] : memref<320000xi32, #tpu.memory_space<hbm>> -> memref<400xi32, #tpu.memory_space<hbm>>
    tpu.enqueue_dma source(%dma_start3A_154 : memref<400xi32, #tpu.memory_space<hbm>>) target(%dma_start3A_153 : memref<400xi32, #tpu.memory_space<vmem>>) target_semaphore(%arg13 : memref<!tpu.dma_semaphore, #tpu.memory_space<semaphore_mem>>)
    %dma_wait3A_155 = arith.constant 0 : i32
    %dma_wait3A_156 = arith.constant 0 : i32
    %dma_wait3A_157 = tpu.memref_slice %arg6[%dma_wait3A_155, %dma_wait3A_156] : memref<2x400xi32, #tpu.memory_space<vmem>> -> memref<1x400xi32, #tpu.memory_space<vmem>>
    %dma_wait3A_158 = tpu.memref_squeeze %dma_wait3A_157 : memref<1x400xi32, #tpu.memory_space<vmem>> -> memref<400xi32, #tpu.memory_space<vmem>>
    %dma_wait3A_159 = arith.constant 0 : i32
    %dma_wait3A_160 = tpu.memref_slice %arg4[%dma_wait3A_159] : memref<320000xi32, #tpu.memory_space<hbm>> -> memref<400xi32, #tpu.memory_space<hbm>>
    %dma_wait3A_161 = arith.constant 0 : i32
    %dma_wait3A_162 = tpu.memref_slice %arg6[%dma_wait3A_155, %dma_wait3A_161] : memref<2x400xi32, #tpu.memory_space<vmem>> -> memref<1x400xi32, #tpu.memory_space<vmem>>
    %dma_wait3A_163 = tpu.memref_squeeze %dma_wait3A_162 : memref<1x400xi32, #tpu.memory_space<vmem>> -> memref<400xi32, #tpu.memory_space<vmem>>
    %dma_wait3A_164 = arith.constant 0 : i32
    %dma_wait3A_165 = tpu.memref_slice %arg4[%dma_wait3A_164] : memref<320000xi32, #tpu.memory_space<hbm>> -> memref<400xi32, #tpu.memory_space<hbm>>
    tpu.wait_dma2 semaphore(%arg12 : memref<!tpu.dma_semaphore, #tpu.memory_space<semaphore_mem>>) src(%dma_wait3A_165 : memref<400xi32, #tpu.memory_space<hbm>>) dst(%dma_wait3A_163 : memref<400xi32, #tpu.memory_space<vmem>>)
    %dma_start3A_166 = arith.constant 0 : i32
    %dma_start3A_167 = arith.constant 0 : i32
    %dma_start3A_168 = arith.constant 0 : i32
    %dma_start3A_169 = arith.constant 0 : i32
    %dma_start3A_170 = tpu.memref_slice %arg8[%dma_start3A_167, %dma_start3A_168, %dma_start3A_169] : memref<2x400x128xbf16, #tpu.memory_space<vmem>> -> memref<1x400x128xbf16, #tpu.memory_space<vmem>>
    %dma_start3A_171 = tpu.memref_squeeze %dma_start3A_170 : memref<1x400x128xbf16, #tpu.memory_space<vmem>> -> memref<400x128xbf16, #tpu.memory_space<vmem>>
    %dma_start3A_172 = arith.constant 0 : i32
    %dma_start3A_173 = tpu.memref_slice %arg6[%dma_start3A_166, %dma_start3A_172] : memref<2x400xi32, #tpu.memory_space<vmem>> -> memref<1x400xi32, #tpu.memory_space<vmem>>
    %dma_start3A_174 = tpu.memref_squeeze %dma_start3A_173 : memref<1x400xi32, #tpu.memory_space<vmem>> -> memref<400xi32, #tpu.memory_space<vmem>>
    %dma_start3A_175 = arith.constant 0 : i32
    %dma_start3A_176 = arith.constant 0 : i32
    %dma_start3A_177 = tpu.memref_slice %arg2[%dma_start3A_175, %dma_start3A_176] : memref<10000x128xbf16, #tpu.memory_space<hbm>> -> memref<10000x128xbf16, #tpu.memory_space<hbm>>
    tpu.enqueue_indirect_dma source(%dma_start3A_177 : memref<10000x128xbf16, #tpu.memory_space<hbm>>) target(%dma_start3A_171 : memref<400x128xbf16, #tpu.memory_space<vmem>>) offsets(%dma_start3A_174 : memref<400xi32, #tpu.memory_space<vmem>>) semaphore(%arg10 : memref<!tpu.dma_semaphore, #tpu.memory_space<semaphore_mem>>)
    %barrier3A = arith.constant 0 : index
    tpu.barrier barrier_id(%barrier3A)
    %dma_wait3A_178 = arith.constant 0 : i32
    %dma_wait3A_179 = arith.constant 0 : i32
    %dma_wait3A_180 = tpu.memref_slice %arg6[%dma_wait3A_178, %dma_wait3A_179] : memref<2x400xi32, #tpu.memory_space<vmem>> -> memref<1x400xi32, #tpu.memory_space<vmem>>
    %dma_wait3A_181 = tpu.memref_squeeze %dma_wait3A_180 : memref<1x400xi32, #tpu.memory_space<vmem>> -> memref<400xi32, #tpu.memory_space<vmem>>
    %dma_wait3A_182 = arith.constant 0 : i32
    %dma_wait3A_183 = tpu.memref_slice %arg4[%dma_wait3A_182] : memref<320000xi32, #tpu.memory_space<hbm>> -> memref<400xi32, #tpu.memory_space<hbm>>
    %dma_wait3A_184 = arith.constant 0 : i32
    %dma_wait3A_185 = tpu.memref_slice %arg6[%dma_wait3A_178, %dma_wait3A_184] : memref<2x400xi32, #tpu.memory_space<vmem>> -> memref<1x400xi32, #tpu.memory_space<vmem>>
    %dma_wait3A_186 = tpu.memref_squeeze %dma_wait3A_185 : memref<1x400xi32, #tpu.memory_space<vmem>> -> memref<400xi32, #tpu.memory_space<vmem>>
    %dma_wait3A_187 = arith.constant 0 : i32
    %dma_wait3A_188 = tpu.memref_slice %arg4[%dma_wait3A_187] : memref<320000xi32, #tpu.memory_space<hbm>> -> memref<400xi32, #tpu.memory_space<hbm>>
    tpu.wait_dma2 semaphore(%arg13 : memref<!tpu.dma_semaphore, #tpu.memory_space<semaphore_mem>>) src(%dma_wait3A_188 : memref<400xi32, #tpu.memory_space<hbm>>) dst(%dma_wait3A_186 : memref<400xi32, #tpu.memory_space<vmem>>)
    %dma_start3A_189 = arith.constant 1 : i32
    %dma_start3A_190 = arith.constant 1 : i32
    %dma_start3A_191 = arith.constant 0 : i32
    %dma_start3A_192 = arith.constant 0 : i32
    %dma_start3A_193 = tpu.memref_slice %arg8[%dma_start3A_190, %dma_start3A_191, %dma_start3A_192] : memref<2x400x128xbf16, #tpu.memory_space<vmem>> -> memref<1x400x128xbf16, #tpu.memory_space<vmem>>
    %dma_start3A_194 = tpu.memref_squeeze %dma_start3A_193 : memref<1x400x128xbf16, #tpu.memory_space<vmem>> -> memref<400x128xbf16, #tpu.memory_space<vmem>>
    %dma_start3A_195 = arith.constant 0 : i32
    %dma_start3A_196 = tpu.memref_slice %arg6[%dma_start3A_189, %dma_start3A_195] : memref<2x400xi32, #tpu.memory_space<vmem>> -> memref<1x400xi32, #tpu.memory_space<vmem>>
    %dma_start3A_197 = tpu.memref_squeeze %dma_start3A_196 : memref<1x400xi32, #tpu.memory_space<vmem>> -> memref<400xi32, #tpu.memory_space<vmem>>
    %dma_start3A_198 = arith.constant 0 : i32
    %dma_start3A_199 = arith.constant 0 : i32
    %dma_start3A_200 = tpu.memref_slice %arg2[%dma_start3A_198, %dma_start3A_199] : memref<10000x128xbf16, #tpu.memory_space<hbm>> -> memref<10000x128xbf16, #tpu.memory_space<hbm>>
    tpu.enqueue_indirect_dma source(%dma_start3A_200 : memref<10000x128xbf16, #tpu.memory_space<hbm>>) target(%dma_start3A_194 : memref<400x128xbf16, #tpu.memory_space<vmem>>) offsets(%dma_start3A_197 : memref<400xi32, #tpu.memory_space<vmem>>) semaphore(%arg11 : memref<!tpu.dma_semaphore, #tpu.memory_space<semaphore_mem>>)
    %dma_wait3A_201 = arith.constant 0 : i32
    %dma_wait3A_202 = arith.constant 0 : i32
    %dma_wait3A_203 = arith.constant 0 : i32
    %dma_wait3A_204 = arith.constant 0 : i32
    %dma_wait3A_205 = tpu.memref_slice %arg8[%dma_wait3A_202, %dma_wait3A_203, %dma_wait3A_204] : memref<2x400x128xbf16, #tpu.memory_space<vmem>> -> memref<1x400x128xbf16, #tpu.memory_space<vmem>>
    %dma_wait3A_206 = tpu.memref_squeeze %dma_wait3A_205 : memref<1x400x128xbf16, #tpu.memory_space<vmem>> -> memref<400x128xbf16, #tpu.memory_space<vmem>>
    %dma_wait3A_207 = arith.constant 0 : i32
    %dma_wait3A_208 = tpu.memref_slice %arg6[%dma_wait3A_201, %dma_wait3A_207] : memref<2x400xi32, #tpu.memory_space<vmem>> -> memref<1x400xi32, #tpu.memory_space<vmem>>
    %dma_wait3A_209 = tpu.memref_squeeze %dma_wait3A_208 : memref<1x400xi32, #tpu.memory_space<vmem>> -> memref<400xi32, #tpu.memory_space<vmem>>
    %dma_wait3A_210 = arith.constant 0 : i32
    %dma_wait3A_211 = arith.constant 0 : i32
    %dma_wait3A_212 = tpu.memref_slice %arg2[%dma_wait3A_210, %dma_wait3A_211] : memref<10000x128xbf16, #tpu.memory_space<hbm>> -> memref<10000x128xbf16, #tpu.memory_space<hbm>>
    tpu.wait_indirect_dma semaphore(%arg10 : memref<!tpu.dma_semaphore, #tpu.memory_space<semaphore_mem>>) src(%dma_wait3A_212 : memref<10000x128xbf16, #tpu.memory_space<hbm>>) dst(%dma_wait3A_206 : memref<400x128xbf16, #tpu.memory_space<vmem>>)
    %dma_start3A_213 = arith.constant 0 : i32
    %dma_start3A_214 = arith.constant 0 : i32
    %dma_start3A_215 = arith.constant 0 : i32
    %dma_start3A_216 = arith.constant 0 : i32
    %dma_start3A_217 = tpu.memref_slice %arg8[%dma_start3A_213, %dma_start3A_215, %dma_start3A_216] : memref<2x400x128xbf16, #tpu.memory_space<vmem>> -> memref<1x400x128xbf16, #tpu.memory_space<vmem>>
    %dma_start3A_218 = tpu.memref_squeeze %dma_start3A_217 : memref<1x400x128xbf16, #tpu.memory_space<vmem>> -> memref<400x128xbf16, #tpu.memory_space<vmem>>
    %dma_start3A_219 = arith.constant 0 : i32
    %dma_start3A_220 = tpu.memref_slice %arg7[%dma_start3A_214, %dma_start3A_219] : memref<25x400xi32, #tpu.memory_space<vmem>> -> memref<1x400xi32, #tpu.memory_space<vmem>>
    %dma_start3A_221 = tpu.memref_squeeze %dma_start3A_220 : memref<1x400xi32, #tpu.memory_space<vmem>> -> memref<400xi32, #tpu.memory_space<vmem>>
    %dma_start3A_222 = arith.constant 0 : i32
    %dma_start3A_223 = arith.constant 0 : i32
    %dma_start3A_224 = tpu.memref_slice %arg9[%dma_start3A_222, %dma_start3A_223] : memref<10000x128xbf16, #tpu.memory_space<vmem_shared>> -> memref<10000x128xbf16, #tpu.memory_space<vmem_shared>>
    tpu.enqueue_indirect_dma source(%dma_start3A_218 : memref<400x128xbf16, #tpu.memory_space<vmem>>) target(%dma_start3A_224 : memref<10000x128xbf16, #tpu.memory_space<vmem_shared>>) offsets(%dma_start3A_221 : memref<400xi32, #tpu.memory_space<vmem>>) semaphore(%arg14 : memref<!tpu.dma_semaphore, #tpu.memory_space<semaphore_mem>>) {add = true}
    %add3A_225 = arith.constant 800 : i32
    %add3A_226 = arith.addi %mul3A_2, %add3A_225 : i32
    %dma_start3A_227 = arith.constant 0 : i32
    %dma_start3A_228 = arith.constant 0 : i32
    %dma_start3A_229 = tpu.memref_slice %arg6[%dma_start3A_227, %dma_start3A_228] : memref<2x400xi32, #tpu.memory_space<vmem>> -> memref<1x400xi32, #tpu.memory_space<vmem>>
    %dma_start3A_230 = tpu.memref_squeeze %dma_start3A_229 : memref<1x400xi32, #tpu.memory_space<vmem>> -> memref<400xi32, #tpu.memory_space<vmem>>
    %dma_start3A_231 = tpu.memref_slice %arg3[%add3A_226] : memref<320000xi32, #tpu.memory_space<hbm>> -> memref<400xi32, #tpu.memory_space<hbm>>
    %dma_start3A_232 = arith.constant 0 : i32
    %dma_start3A_233 = tpu.memref_slice %arg6[%dma_start3A_227, %dma_start3A_232] : memref<2x400xi32, #tpu.memory_space<vmem>> -> memref<1x400xi32, #tpu.memory_space<vmem>>
    %dma_start3A_234 = tpu.memref_squeeze %dma_start3A_233 : memref<1x400xi32, #tpu.memory_space<vmem>> -> memref<400xi32, #tpu.memory_space<vmem>>
    %dma_start3A_235 = tpu.memref_slice %arg3[%add3A_226] : memref<320000xi32, #tpu.memory_space<hbm>> -> memref<400xi32, #tpu.memory_space<hbm>>
    tpu.enqueue_dma source(%dma_start3A_235 : memref<400xi32, #tpu.memory_space<hbm>>) target(%dma_start3A_234 : memref<400xi32, #tpu.memory_space<vmem>>) target_semaphore(%arg12 : memref<!tpu.dma_semaphore, #tpu.memory_space<semaphore_mem>>)
    %scan3A_236 = arith.constant 0 : i32
    %scan3A_237 = arith.constant 0 : i32
    %scan3A_238 = arith.constant 12 : i32
    %scan3A_239 = arith.addi %scan3A_237, %scan3A_238 : i32
    %scan3A_240 = arith.constant 1 : i32
    %scan3A_241 = scf.for %scan3A_277 = %scan3A_237 to %scan3A_239 step %scan3A_240 iter_args(%scan3A_278 = %scan3A_236) -> (i32)  : i32 {
      %mul3A_279 = arith.constant 2 : i32
      %mul3A_280 = arith.muli %scan3A_277, %mul3A_279 : i32
      %add3A_281 = arith.constant 1 : i32
      %add3A_282 = arith.addi %add3A_281, %mul3A_280 : i32
      %add3A_283 = arith.constant 0 : i32
      %add3A_284 = arith.addi %add3A_282, %add3A_283 : i32
      %add3A_285 = arith.constant 1 : i32
      %add3A_286 = arith.addi %add3A_284, %add3A_285 : i32
      %lt3A = arith.constant 25 : i32
      %lt3A_287 = arith.cmpi slt, %add3A_286, %lt3A : i32
      %convert_element_type3A_288 = arith.extui %lt3A_287 : i1 to i32
      %cond3A_289 = arith.constant 0 : i32
      %cond3A_290 = arith.cmpi ne, %convert_element_type3A_288, %cond3A_289 : i32
      scf.if %cond3A_290 {
        %dma_wait3A_365 = arith.constant 0 : i32
        %dma_wait3A_366 = arith.constant 0 : i32
        %dma_wait3A_367 = tpu.memref_slice %arg6[%dma_wait3A_365, %dma_wait3A_366] : memref<2x400xi32, #tpu.memory_space<vmem>> -> memref<1x400xi32, #tpu.memory_space<vmem>>
        %dma_wait3A_368 = tpu.memref_squeeze %dma_wait3A_367 : memref<1x400xi32, #tpu.memory_space<vmem>> -> memref<400xi32, #tpu.memory_space<vmem>>
        %dma_wait3A_369 = arith.constant 0 : i32
        %dma_wait3A_370 = tpu.memref_slice %arg4[%dma_wait3A_369] : memref<320000xi32, #tpu.memory_space<hbm>> -> memref<400xi32, #tpu.memory_space<hbm>>
        %dma_wait3A_371 = arith.constant 0 : i32
        %dma_wait3A_372 = tpu.memref_slice %arg6[%dma_wait3A_365, %dma_wait3A_371] : memref<2x400xi32, #tpu.memory_space<vmem>> -> memref<1x400xi32, #tpu.memory_space<vmem>>
        %dma_wait3A_373 = tpu.memref_squeeze %dma_wait3A_372 : memref<1x400xi32, #tpu.memory_space<vmem>> -> memref<400xi32, #tpu.memory_space<vmem>>
        %dma_wait3A_374 = arith.constant 0 : i32
        %dma_wait3A_375 = tpu.memref_slice %arg4[%dma_wait3A_374] : memref<320000xi32, #tpu.memory_space<hbm>> -> memref<400xi32, #tpu.memory_space<hbm>>
        tpu.wait_dma2 semaphore(%arg12 : memref<!tpu.dma_semaphore, #tpu.memory_space<semaphore_mem>>) src(%dma_wait3A_375 : memref<400xi32, #tpu.memory_space<hbm>>) dst(%dma_wait3A_373 : memref<400xi32, #tpu.memory_space<vmem>>)
        %dma_wait3A_376 = arith.constant 0 : i32
        %dma_wait3A_377 = arith.constant 0 : i32
        %dma_wait3A_378 = arith.constant 0 : i32
        %dma_wait3A_379 = arith.constant 0 : i32
        %dma_wait3A_380 = tpu.memref_slice %arg8[%dma_wait3A_376, %dma_wait3A_378, %dma_wait3A_379] : memref<2x400x128xbf16, #tpu.memory_space<vmem>> -> memref<1x400x128xbf16, #tpu.memory_space<vmem>>
        %dma_wait3A_381 = tpu.memref_squeeze %dma_wait3A_380 : memref<1x400x128xbf16, #tpu.memory_space<vmem>> -> memref<400x128xbf16, #tpu.memory_space<vmem>>
        %dma_wait3A_382 = arith.constant 0 : i32
        %dma_wait3A_383 = tpu.memref_slice %arg7[%dma_wait3A_377, %dma_wait3A_382] : memref<25x400xi32, #tpu.memory_space<vmem>> -> memref<1x400xi32, #tpu.memory_space<vmem>>
        %dma_wait3A_384 = tpu.memref_squeeze %dma_wait3A_383 : memref<1x400xi32, #tpu.memory_space<vmem>> -> memref<400xi32, #tpu.memory_space<vmem>>
        %dma_wait3A_385 = arith.constant 0 : i32
        %dma_wait3A_386 = arith.constant 0 : i32
        %dma_wait3A_387 = tpu.memref_slice %arg9[%dma_wait3A_385, %dma_wait3A_386] : memref<10000x128xbf16, #tpu.memory_space<vmem_shared>> -> memref<10000x128xbf16, #tpu.memory_space<vmem_shared>>
        tpu.wait_indirect_dma semaphore(%arg14 : memref<!tpu.dma_semaphore, #tpu.memory_space<semaphore_mem>>) src(%dma_wait3A_381 : memref<400x128xbf16, #tpu.memory_space<vmem>>) dst(%dma_wait3A_387 : memref<10000x128xbf16, #tpu.memory_space<vmem_shared>>)
        %dma_start3A_388 = arith.constant 0 : i32
        %dma_start3A_389 = arith.constant 0 : i32
        %dma_start3A_390 = arith.constant 0 : i32
        %dma_start3A_391 = arith.constant 0 : i32
        %dma_start3A_392 = tpu.memref_slice %arg8[%dma_start3A_389, %dma_start3A_390, %dma_start3A_391] : memref<2x400x128xbf16, #tpu.memory_space<vmem>> -> memref<1x400x128xbf16, #tpu.memory_space<vmem>>
        %dma_start3A_393 = tpu.memref_squeeze %dma_start3A_392 : memref<1x400x128xbf16, #tpu.memory_space<vmem>> -> memref<400x128xbf16, #tpu.memory_space<vmem>>
        %dma_start3A_394 = arith.constant 0 : i32
        %dma_start3A_395 = tpu.memref_slice %arg6[%dma_start3A_388, %dma_start3A_394] : memref<2x400xi32, #tpu.memory_space<vmem>> -> memref<1x400xi32, #tpu.memory_space<vmem>>
        %dma_start3A_396 = tpu.memref_squeeze %dma_start3A_395 : memref<1x400xi32, #tpu.memory_space<vmem>> -> memref<400xi32, #tpu.memory_space<vmem>>
        %dma_start3A_397 = arith.constant 0 : i32
        %dma_start3A_398 = arith.constant 0 : i32
        %dma_start3A_399 = tpu.memref_slice %arg2[%dma_start3A_397, %dma_start3A_398] : memref<10000x128xbf16, #tpu.memory_space<hbm>> -> memref<10000x128xbf16, #tpu.memory_space<hbm>>
        tpu.enqueue_indirect_dma source(%dma_start3A_399 : memref<10000x128xbf16, #tpu.memory_space<hbm>>) target(%dma_start3A_393 : memref<400x128xbf16, #tpu.memory_space<vmem>>) offsets(%dma_start3A_396 : memref<400xi32, #tpu.memory_space<vmem>>) semaphore(%arg10 : memref<!tpu.dma_semaphore, #tpu.memory_space<semaphore_mem>>)
      } else {
      }
      %dma_wait3A_291 = arith.constant 1 : i32
      %dma_wait3A_292 = arith.constant 1 : i32
      %dma_wait3A_293 = arith.constant 0 : i32
      %dma_wait3A_294 = arith.constant 0 : i32
      %dma_wait3A_295 = tpu.memref_slice %arg8[%dma_wait3A_292, %dma_wait3A_293, %dma_wait3A_294] : memref<2x400x128xbf16, #tpu.memory_space<vmem>> -> memref<1x400x128xbf16, #tpu.memory_space<vmem>>
      %dma_wait3A_296 = tpu.memref_squeeze %dma_wait3A_295 : memref<1x400x128xbf16, #tpu.memory_space<vmem>> -> memref<400x128xbf16, #tpu.memory_space<vmem>>
      %dma_wait3A_297 = arith.constant 0 : i32
      %dma_wait3A_298 = tpu.memref_slice %arg6[%dma_wait3A_291, %dma_wait3A_297] : memref<2x400xi32, #tpu.memory_space<vmem>> -> memref<1x400xi32, #tpu.memory_space<vmem>>
      %dma_wait3A_299 = tpu.memref_squeeze %dma_wait3A_298 : memref<1x400xi32, #tpu.memory_space<vmem>> -> memref<400xi32, #tpu.memory_space<vmem>>
      %dma_wait3A_300 = arith.constant 0 : i32
      %dma_wait3A_301 = arith.constant 0 : i32
      %dma_wait3A_302 = tpu.memref_slice %arg2[%dma_wait3A_300, %dma_wait3A_301] : memref<10000x128xbf16, #tpu.memory_space<hbm>> -> memref<10000x128xbf16, #tpu.memory_space<hbm>>
      tpu.wait_indirect_dma semaphore(%arg11 : memref<!tpu.dma_semaphore, #tpu.memory_space<semaphore_mem>>) src(%dma_wait3A_302 : memref<10000x128xbf16, #tpu.memory_space<hbm>>) dst(%dma_wait3A_296 : memref<400x128xbf16, #tpu.memory_space<vmem>>)
      %dma_start3A_303 = arith.constant 1 : i32
      %dma_start3A_304 = arith.constant 0 : i32
      %dma_start3A_305 = arith.constant 0 : i32
      %dma_start3A_306 = tpu.memref_slice %arg8[%dma_start3A_303, %dma_start3A_304, %dma_start3A_305] : memref<2x400x128xbf16, #tpu.memory_space<vmem>> -> memref<1x400x128xbf16, #tpu.memory_space<vmem>>
      %dma_start3A_307 = tpu.memref_squeeze %dma_start3A_306 : memref<1x400x128xbf16, #tpu.memory_space<vmem>> -> memref<400x128xbf16, #tpu.memory_space<vmem>>
      %dma_start3A_308 = arith.constant 0 : i32
      %dma_start3A_309 = tpu.memref_slice %arg7[%add3A_284, %dma_start3A_308] : memref<25x400xi32, #tpu.memory_space<vmem>> -> memref<1x400xi32, #tpu.memory_space<vmem>>
      %dma_start3A_310 = tpu.memref_squeeze %dma_start3A_309 : memref<1x400xi32, #tpu.memory_space<vmem>> -> memref<400xi32, #tpu.memory_space<vmem>>
      %dma_start3A_311 = arith.constant 0 : i32
      %dma_start3A_312 = arith.constant 0 : i32
      %dma_start3A_313 = tpu.memref_slice %arg9[%dma_start3A_311, %dma_start3A_312] : memref<10000x128xbf16, #tpu.memory_space<vmem_shared>> -> memref<10000x128xbf16, #tpu.memory_space<vmem_shared>>
      tpu.enqueue_indirect_dma source(%dma_start3A_307 : memref<400x128xbf16, #tpu.memory_space<vmem>>) target(%dma_start3A_313 : memref<10000x128xbf16, #tpu.memory_space<vmem_shared>>) offsets(%dma_start3A_310 : memref<400xi32, #tpu.memory_space<vmem>>) semaphore(%arg15 : memref<!tpu.dma_semaphore, #tpu.memory_space<semaphore_mem>>) {add = true}
      %add3A_314 = arith.constant 2 : i32
      %add3A_315 = arith.addi %add3A_284, %add3A_314 : i32
      %lt3A_316 = arith.constant 25 : i32
      %lt3A_317 = arith.cmpi slt, %add3A_315, %lt3A_316 : i32
      %convert_element_type3A_318 = arith.extui %lt3A_317 : i1 to i32
      %cond3A_319 = arith.constant 0 : i32
      %cond3A_320 = arith.cmpi ne, %convert_element_type3A_318, %cond3A_319 : i32
      scf.if %cond3A_320 {
        %add3A_365 = arith.constant 2 : i32
        %add3A_366 = arith.addi %add3A_284, %add3A_365 : i32
        %mul3A_367 = arith.constant 400 : i32
        %mul3A_368 = arith.muli %add3A_366, %mul3A_367 : i32
        %add3A_369 = arith.addi %mul3A_2, %mul3A_368 : i32
        %dma_start3A_370 = arith.constant 1 : i32
        %dma_start3A_371 = arith.constant 0 : i32
        %dma_start3A_372 = tpu.memref_slice %arg6[%dma_start3A_370, %dma_start3A_371] : memref<2x400xi32, #tpu.memory_space<vmem>> -> memref<1x400xi32, #tpu.memory_space<vmem>>
        %dma_start3A_373 = tpu.memref_squeeze %dma_start3A_372 : memref<1x400xi32, #tpu.memory_space<vmem>> -> memref<400xi32, #tpu.memory_space<vmem>>
        %dma_start3A_374 = tpu.memref_slice %arg3[%add3A_369] : memref<320000xi32, #tpu.memory_space<hbm>> -> memref<400xi32, #tpu.memory_space<hbm>>
        %dma_start3A_375 = arith.constant 0 : i32
        %dma_start3A_376 = tpu.memref_slice %arg6[%dma_start3A_370, %dma_start3A_375] : memref<2x400xi32, #tpu.memory_space<vmem>> -> memref<1x400xi32, #tpu.memory_space<vmem>>
        %dma_start3A_377 = tpu.memref_squeeze %dma_start3A_376 : memref<1x400xi32, #tpu.memory_space<vmem>> -> memref<400xi32, #tpu.memory_space<vmem>>
        %dma_start3A_378 = tpu.memref_slice %arg3[%add3A_369] : memref<320000xi32, #tpu.memory_space<hbm>> -> memref<400xi32, #tpu.memory_space<hbm>>
        tpu.enqueue_dma source(%dma_start3A_378 : memref<400xi32, #tpu.memory_space<hbm>>) target(%dma_start3A_377 : memref<400xi32, #tpu.memory_space<vmem>>) target_semaphore(%arg13 : memref<!tpu.dma_semaphore, #tpu.memory_space<semaphore_mem>>)
      } else {
      }
      %mul3A_321 = arith.constant 2 : i32
      %mul3A_322 = arith.muli %scan3A_277, %mul3A_321 : i32
      %add3A_323 = arith.constant 1 : i32
      %add3A_324 = arith.addi %add3A_323, %mul3A_322 : i32
      %add3A_325 = arith.constant 1 : i32
      %add3A_326 = arith.addi %add3A_324, %add3A_325 : i32
      %add3A_327 = arith.constant 1 : i32
      %add3A_328 = arith.addi %add3A_326, %add3A_327 : i32
      %lt3A_329 = arith.constant 25 : i32
      %lt3A_330 = arith.cmpi slt, %add3A_328, %lt3A_329 : i32
      %convert_element_type3A_331 = arith.extui %lt3A_330 : i1 to i32
      %cond3A_332 = arith.constant 0 : i32
      %cond3A_333 = arith.cmpi ne, %convert_element_type3A_331, %cond3A_332 : i32
      scf.if %cond3A_333 {
        %dma_wait3A_365 = arith.constant 0 : i32
        %dma_wait3A_366 = arith.constant 0 : i32
        %dma_wait3A_367 = tpu.memref_slice %arg6[%dma_wait3A_365, %dma_wait3A_366] : memref<2x400xi32, #tpu.memory_space<vmem>> -> memref<1x400xi32, #tpu.memory_space<vmem>>
        %dma_wait3A_368 = tpu.memref_squeeze %dma_wait3A_367 : memref<1x400xi32, #tpu.memory_space<vmem>> -> memref<400xi32, #tpu.memory_space<vmem>>
        %dma_wait3A_369 = arith.constant 0 : i32
        %dma_wait3A_370 = tpu.memref_slice %arg4[%dma_wait3A_369] : memref<320000xi32, #tpu.memory_space<hbm>> -> memref<400xi32, #tpu.memory_space<hbm>>
        %dma_wait3A_371 = arith.constant 0 : i32
        %dma_wait3A_372 = tpu.memref_slice %arg6[%dma_wait3A_365, %dma_wait3A_371] : memref<2x400xi32, #tpu.memory_space<vmem>> -> memref<1x400xi32, #tpu.memory_space<vmem>>
        %dma_wait3A_373 = tpu.memref_squeeze %dma_wait3A_372 : memref<1x400xi32, #tpu.memory_space<vmem>> -> memref<400xi32, #tpu.memory_space<vmem>>
        %dma_wait3A_374 = arith.constant 0 : i32
        %dma_wait3A_375 = tpu.memref_slice %arg4[%dma_wait3A_374] : memref<320000xi32, #tpu.memory_space<hbm>> -> memref<400xi32, #tpu.memory_space<hbm>>
        tpu.wait_dma2 semaphore(%arg13 : memref<!tpu.dma_semaphore, #tpu.memory_space<semaphore_mem>>) src(%dma_wait3A_375 : memref<400xi32, #tpu.memory_space<hbm>>) dst(%dma_wait3A_373 : memref<400xi32, #tpu.memory_space<vmem>>)
        %dma_wait3A_376 = arith.constant 1 : i32
        %dma_wait3A_377 = arith.constant 0 : i32
        %dma_wait3A_378 = arith.constant 0 : i32
        %dma_wait3A_379 = arith.constant 0 : i32
        %dma_wait3A_380 = tpu.memref_slice %arg8[%dma_wait3A_376, %dma_wait3A_378, %dma_wait3A_379] : memref<2x400x128xbf16, #tpu.memory_space<vmem>> -> memref<1x400x128xbf16, #tpu.memory_space<vmem>>
        %dma_wait3A_381 = tpu.memref_squeeze %dma_wait3A_380 : memref<1x400x128xbf16, #tpu.memory_space<vmem>> -> memref<400x128xbf16, #tpu.memory_space<vmem>>
        %dma_wait3A_382 = arith.constant 0 : i32
        %dma_wait3A_383 = tpu.memref_slice %arg7[%dma_wait3A_377, %dma_wait3A_382] : memref<25x400xi32, #tpu.memory_space<vmem>> -> memref<1x400xi32, #tpu.memory_space<vmem>>
        %dma_wait3A_384 = tpu.memref_squeeze %dma_wait3A_383 : memref<1x400xi32, #tpu.memory_space<vmem>> -> memref<400xi32, #tpu.memory_space<vmem>>
        %dma_wait3A_385 = arith.constant 0 : i32
        %dma_wait3A_386 = arith.constant 0 : i32
        %dma_wait3A_387 = tpu.memref_slice %arg9[%dma_wait3A_385, %dma_wait3A_386] : memref<10000x128xbf16, #tpu.memory_space<vmem_shared>> -> memref<10000x128xbf16, #tpu.memory_space<vmem_shared>>
        tpu.wait_indirect_dma semaphore(%arg15 : memref<!tpu.dma_semaphore, #tpu.memory_space<semaphore_mem>>) src(%dma_wait3A_381 : memref<400x128xbf16, #tpu.memory_space<vmem>>) dst(%dma_wait3A_387 : memref<10000x128xbf16, #tpu.memory_space<vmem_shared>>)
        %dma_start3A_388 = arith.constant 1 : i32
        %dma_start3A_389 = arith.constant 1 : i32
        %dma_start3A_390 = arith.constant 0 : i32
        %dma_start3A_391 = arith.constant 0 : i32
        %dma_start3A_392 = tpu.memref_slice %arg8[%dma_start3A_389, %dma_start3A_390, %dma_start3A_391] : memref<2x400x128xbf16, #tpu.memory_space<vmem>> -> memref<1x400x128xbf16, #tpu.memory_space<vmem>>
        %dma_start3A_393 = tpu.memref_squeeze %dma_start3A_392 : memref<1x400x128xbf16, #tpu.memory_space<vmem>> -> memref<400x128xbf16, #tpu.memory_space<vmem>>
        %dma_start3A_394 = arith.constant 0 : i32
        %dma_start3A_395 = tpu.memref_slice %arg6[%dma_start3A_388, %dma_start3A_394] : memref<2x400xi32, #tpu.memory_space<vmem>> -> memref<1x400xi32, #tpu.memory_space<vmem>>
        %dma_start3A_396 = tpu.memref_squeeze %dma_start3A_395 : memref<1x400xi32, #tpu.memory_space<vmem>> -> memref<400xi32, #tpu.memory_space<vmem>>
        %dma_start3A_397 = arith.constant 0 : i32
        %dma_start3A_398 = arith.constant 0 : i32
        %dma_start3A_399 = tpu.memref_slice %arg2[%dma_start3A_397, %dma_start3A_398] : memref<10000x128xbf16, #tpu.memory_space<hbm>> -> memref<10000x128xbf16, #tpu.memory_space<hbm>>
        tpu.enqueue_indirect_dma source(%dma_start3A_399 : memref<10000x128xbf16, #tpu.memory_space<hbm>>) target(%dma_start3A_393 : memref<400x128xbf16, #tpu.memory_space<vmem>>) offsets(%dma_start3A_396 : memref<400xi32, #tpu.memory_space<vmem>>) semaphore(%arg11 : memref<!tpu.dma_semaphore, #tpu.memory_space<semaphore_mem>>)
      } else {
      }
      %dma_wait3A_334 = arith.constant 0 : i32
      %dma_wait3A_335 = arith.constant 0 : i32
      %dma_wait3A_336 = arith.constant 0 : i32
      %dma_wait3A_337 = arith.constant 0 : i32
      %dma_wait3A_338 = tpu.memref_slice %arg8[%dma_wait3A_335, %dma_wait3A_336, %dma_wait3A_337] : memref<2x400x128xbf16, #tpu.memory_space<vmem>> -> memref<1x400x128xbf16, #tpu.memory_space<vmem>>
      %dma_wait3A_339 = tpu.memref_squeeze %dma_wait3A_338 : memref<1x400x128xbf16, #tpu.memory_space<vmem>> -> memref<400x128xbf16, #tpu.memory_space<vmem>>
      %dma_wait3A_340 = arith.constant 0 : i32
      %dma_wait3A_341 = tpu.memref_slice %arg6[%dma_wait3A_334, %dma_wait3A_340] : memref<2x400xi32, #tpu.memory_space<vmem>> -> memref<1x400xi32, #tpu.memory_space<vmem>>
      %dma_wait3A_342 = tpu.memref_squeeze %dma_wait3A_341 : memref<1x400xi32, #tpu.memory_space<vmem>> -> memref<400xi32, #tpu.memory_space<vmem>>
      %dma_wait3A_343 = arith.constant 0 : i32
      %dma_wait3A_344 = arith.constant 0 : i32
      %dma_wait3A_345 = tpu.memref_slice %arg2[%dma_wait3A_343, %dma_wait3A_344] : memref<10000x128xbf16, #tpu.memory_space<hbm>> -> memref<10000x128xbf16, #tpu.memory_space<hbm>>
      tpu.wait_indirect_dma semaphore(%arg10 : memref<!tpu.dma_semaphore, #tpu.memory_space<semaphore_mem>>) src(%dma_wait3A_345 : memref<10000x128xbf16, #tpu.memory_space<hbm>>) dst(%dma_wait3A_339 : memref<400x128xbf16, #tpu.memory_space<vmem>>)
      %dma_start3A_346 = arith.constant 0 : i32
      %dma_start3A_347 = arith.constant 0 : i32
      %dma_start3A_348 = arith.constant 0 : i32
      %dma_start3A_349 = tpu.memref_slice %arg8[%dma_start3A_346, %dma_start3A_347, %dma_start3A_348] : memref<2x400x128xbf16, #tpu.memory_space<vmem>> -> memref<1x400x128xbf16, #tpu.memory_space<vmem>>
      %dma_start3A_350 = tpu.memref_squeeze %dma_start3A_349 : memref<1x400x128xbf16, #tpu.memory_space<vmem>> -> memref<400x128xbf16, #tpu.memory_space<vmem>>
      %dma_start3A_351 = arith.constant 0 : i32
      %dma_start3A_352 = tpu.memref_slice %arg7[%add3A_326, %dma_start3A_351] : memref<25x400xi32, #tpu.memory_space<vmem>> -> memref<1x400xi32, #tpu.memory_space<vmem>>
      %dma_start3A_353 = tpu.memref_squeeze %dma_start3A_352 : memref<1x400xi32, #tpu.memory_space<vmem>> -> memref<400xi32, #tpu.memory_space<vmem>>
      %dma_start3A_354 = arith.constant 0 : i32
      %dma_start3A_355 = arith.constant 0 : i32
      %dma_start3A_356 = tpu.memref_slice %arg9[%dma_start3A_354, %dma_start3A_355] : memref<10000x128xbf16, #tpu.memory_space<vmem_shared>> -> memref<10000x128xbf16, #tpu.memory_space<vmem_shared>>
      tpu.enqueue_indirect_dma source(%dma_start3A_350 : memref<400x128xbf16, #tpu.memory_space<vmem>>) target(%dma_start3A_356 : memref<10000x128xbf16, #tpu.memory_space<vmem_shared>>) offsets(%dma_start3A_353 : memref<400xi32, #tpu.memory_space<vmem>>) semaphore(%arg14 : memref<!tpu.dma_semaphore, #tpu.memory_space<semaphore_mem>>) {add = true}
      %add3A_357 = arith.constant 2 : i32
      %add3A_358 = arith.addi %add3A_326, %add3A_357 : i32
      %lt3A_359 = arith.constant 25 : i32
      %lt3A_360 = arith.cmpi slt, %add3A_358, %lt3A_359 : i32
      %convert_element_type3A_361 = arith.extui %lt3A_360 : i1 to i32
      %cond3A_362 = arith.constant 0 : i32
      %cond3A_363 = arith.cmpi ne, %convert_element_type3A_361, %cond3A_362 : i32
      scf.if %cond3A_363 {
        %add3A_365 = arith.constant 2 : i32
        %add3A_366 = arith.addi %add3A_326, %add3A_365 : i32
        %mul3A_367 = arith.constant 400 : i32
        %mul3A_368 = arith.muli %add3A_366, %mul3A_367 : i32
        %add3A_369 = arith.addi %mul3A_2, %mul3A_368 : i32
        %dma_start3A_370 = arith.constant 0 : i32
        %dma_start3A_371 = arith.constant 0 : i32
        %dma_start3A_372 = tpu.memref_slice %arg6[%dma_start3A_370, %dma_start3A_371] : memref<2x400xi32, #tpu.memory_space<vmem>> -> memref<1x400xi32, #tpu.memory_space<vmem>>
        %dma_start3A_373 = tpu.memref_squeeze %dma_start3A_372 : memref<1x400xi32, #tpu.memory_space<vmem>> -> memref<400xi32, #tpu.memory_space<vmem>>
        %dma_start3A_374 = tpu.memref_slice %arg3[%add3A_369] : memref<320000xi32, #tpu.memory_space<hbm>> -> memref<400xi32, #tpu.memory_space<hbm>>
        %dma_start3A_375 = arith.constant 0 : i32
        %dma_start3A_376 = tpu.memref_slice %arg6[%dma_start3A_370, %dma_start3A_375] : memref<2x400xi32, #tpu.memory_space<vmem>> -> memref<1x400xi32, #tpu.memory_space<vmem>>
        %dma_start3A_377 = tpu.memref_squeeze %dma_start3A_376 : memref<1x400xi32, #tpu.memory_space<vmem>> -> memref<400xi32, #tpu.memory_space<vmem>>
        %dma_start3A_378 = tpu.memref_slice %arg3[%add3A_369] : memref<320000xi32, #tpu.memory_space<hbm>> -> memref<400xi32, #tpu.memory_space<hbm>>
        tpu.enqueue_dma source(%dma_start3A_378 : memref<400xi32, #tpu.memory_space<hbm>>) target(%dma_start3A_377 : memref<400xi32, #tpu.memory_space<vmem>>) target_semaphore(%arg12 : memref<!tpu.dma_semaphore, #tpu.memory_space<semaphore_mem>>)
      } else {
      }
      %scan3A_364 = arith.constant 0 : i32
      scf.yield %scan3A_364 : i32
    }
    %scan3A_242 = arith.constant 12 : i32
    %dma_wait3A_243 = arith.constant 1 : i32
    %dma_wait3A_244 = arith.constant 0 : i32
    %dma_wait3A_245 = arith.constant 0 : i32
    %dma_wait3A_246 = arith.constant 0 : i32
    %dma_wait3A_247 = tpu.memref_slice %arg8[%dma_wait3A_243, %dma_wait3A_245, %dma_wait3A_246] : memref<2x400x128xbf16, #tpu.memory_space<vmem>> -> memref<1x400x128xbf16, #tpu.memory_space<vmem>>
    %dma_wait3A_248 = tpu.memref_squeeze %dma_wait3A_247 : memref<1x400x128xbf16, #tpu.memory_space<vmem>> -> memref<400x128xbf16, #tpu.memory_space<vmem>>
    %dma_wait3A_249 = arith.constant 0 : i32
    %dma_wait3A_250 = tpu.memref_slice %arg7[%dma_wait3A_244, %dma_wait3A_249] : memref<25x400xi32, #tpu.memory_space<vmem>> -> memref<1x400xi32, #tpu.memory_space<vmem>>
    %dma_wait3A_251 = tpu.memref_squeeze %dma_wait3A_250 : memref<1x400xi32, #tpu.memory_space<vmem>> -> memref<400xi32, #tpu.memory_space<vmem>>
    %dma_wait3A_252 = arith.constant 0 : i32
    %dma_wait3A_253 = arith.constant 0 : i32
    %dma_wait3A_254 = tpu.memref_slice %arg9[%dma_wait3A_252, %dma_wait3A_253] : memref<10000x128xbf16, #tpu.memory_space<vmem_shared>> -> memref<10000x128xbf16, #tpu.memory_space<vmem_shared>>
    tpu.wait_indirect_dma semaphore(%arg15 : memref<!tpu.dma_semaphore, #tpu.memory_space<semaphore_mem>>) src(%dma_wait3A_248 : memref<400x128xbf16, #tpu.memory_space<vmem>>) dst(%dma_wait3A_254 : memref<10000x128xbf16, #tpu.memory_space<vmem_shared>>)
    %dma_wait3A_255 = arith.constant 0 : i32
    %dma_wait3A_256 = arith.constant 0 : i32
    %dma_wait3A_257 = arith.constant 0 : i32
    %dma_wait3A_258 = arith.constant 0 : i32
    %dma_wait3A_259 = tpu.memref_slice %arg8[%dma_wait3A_255, %dma_wait3A_257, %dma_wait3A_258] : memref<2x400x128xbf16, #tpu.memory_space<vmem>> -> memref<1x400x128xbf16, #tpu.memory_space<vmem>>
    %dma_wait3A_260 = tpu.memref_squeeze %dma_wait3A_259 : memref<1x400x128xbf16, #tpu.memory_space<vmem>> -> memref<400x128xbf16, #tpu.memory_space<vmem>>
    %dma_wait3A_261 = arith.constant 0 : i32
    %dma_wait3A_262 = tpu.memref_slice %arg7[%dma_wait3A_256, %dma_wait3A_261] : memref<25x400xi32, #tpu.memory_space<vmem>> -> memref<1x400xi32, #tpu.memory_space<vmem>>
    %dma_wait3A_263 = tpu.memref_squeeze %dma_wait3A_262 : memref<1x400xi32, #tpu.memory_space<vmem>> -> memref<400xi32, #tpu.memory_space<vmem>>
    %dma_wait3A_264 = arith.constant 0 : i32
    %dma_wait3A_265 = arith.constant 0 : i32
    %dma_wait3A_266 = tpu.memref_slice %arg9[%dma_wait3A_264, %dma_wait3A_265] : memref<10000x128xbf16, #tpu.memory_space<vmem_shared>> -> memref<10000x128xbf16, #tpu.memory_space<vmem_shared>>
    tpu.wait_indirect_dma semaphore(%arg14 : memref<!tpu.dma_semaphore, #tpu.memory_space<semaphore_mem>>) src(%dma_wait3A_260 : memref<400x128xbf16, #tpu.memory_space<vmem>>) dst(%dma_wait3A_266 : memref<10000x128xbf16, #tpu.memory_space<vmem_shared>>)
    %barrier3A_267 = arith.constant 0 : index
    tpu.barrier barrier_id(%barrier3A_267)
    %mul3A_268 = arith.constant 10000 : i32
    %mul3A_269 = arith.muli %arg0, %mul3A_268 : i32
    %add3A_270 = arith.addi %mul3A_269, %multiple_of3A : i32
    %multiple_of3A_271 = tpu.assume_multiple %add3A_270, 8 : i32
    "tpu.region"() ({
      %run_scoped3A_277 = tpu.sem_alloc : memref<!tpu.dma_semaphore, #tpu.memory_space<semaphore_mem>>
      %dma_start3A_278 = arith.constant 0 : i32
      %dma_start3A_279 = tpu.memref_slice %arg5[%multiple_of3A_271, %dma_start3A_278] : memref<20000x128xbf16, #tpu.memory_space<hbm>> -> memref<624x128xbf16, #tpu.memory_space<hbm>>
      %dma_start3A_280 = arith.constant 0 : i32
      %dma_start3A_281 = tpu.memref_slice %arg9[%multiple_of3A, %dma_start3A_280] : memref<10000x128xbf16, #tpu.memory_space<vmem_shared>> -> memref<624x128xbf16, #tpu.memory_space<vmem_shared>>
      tpu.enqueue_dma source(%dma_start3A_281 : memref<624x128xbf16, #tpu.memory_space<vmem_shared>>) target(%dma_start3A_279 : memref<624x128xbf16, #tpu.memory_space<hbm>>) target_semaphore(%run_scoped3A_277 : memref<!tpu.dma_semaphore, #tpu.memory_space<semaphore_mem>>)
      %dma_wait3A_282 = arith.constant 0 : i32
      %dma_wait3A_283 = tpu.memref_slice %arg5[%multiple_of3A_271, %dma_wait3A_282] : memref<20000x128xbf16, #tpu.memory_space<hbm>> -> memref<624x128xbf16, #tpu.memory_space<hbm>>
      %dma_wait3A_284 = arith.constant 0 : i32
      %dma_wait3A_285 = tpu.memref_slice %arg9[%multiple_of3A, %dma_wait3A_284] : memref<10000x128xbf16, #tpu.memory_space<vmem_shared>> -> memref<624x128xbf16, #tpu.memory_space<vmem_shared>>
      tpu.wait_dma2 semaphore(%run_scoped3A_277 : memref<!tpu.dma_semaphore, #tpu.memory_space<semaphore_mem>>) src(%dma_wait3A_285 : memref<624x128xbf16, #tpu.memory_space<vmem_shared>>) dst(%dma_wait3A_283 : memref<624x128xbf16, #tpu.memory_space<hbm>>)
      tpu.yield
    }) : () -> ()
    %eq3A_272 = arith.constant 15 : i32
    %eq3A_273 = arith.cmpi eq, %arg1, %eq3A_272 : i32
    %convert_element_type3A_274 = arith.extui %eq3A_273 : i1 to i32
    %cond3A_275 = arith.constant 0 : i32
    %cond3A_276 = arith.cmpi ne, %convert_element_type3A_274, %cond3A_275 : i32
    scf.if %cond3A_276 {
      %mul3A_277 = arith.constant 10000 : i32
      %mul3A_278 = arith.muli %arg0, %mul3A_277 : i32
      %add3A_279 = arith.constant 9984 : i32
      %add3A_280 = arith.addi %mul3A_278, %add3A_279 : i32
      "tpu.region"() ({
        %run_scoped3A_281 = tpu.sem_alloc : memref<!tpu.dma_semaphore, #tpu.memory_space<semaphore_mem>>
        %dma_start3A_282 = arith.constant 0 : i32
        %dma_start3A_283 = tpu.memref_slice %arg5[%add3A_280, %dma_start3A_282] : memref<20000x128xbf16, #tpu.memory_space<hbm>> -> memref<16x128xbf16, #tpu.memory_space<hbm>>
        %dma_start3A_284 = arith.constant 9984 : i32
        %dma_start3A_285 = arith.constant 0 : i32
        %dma_start3A_286 = tpu.memref_slice %arg9[%dma_start3A_284, %dma_start3A_285] : memref<10000x128xbf16, #tpu.memory_space<vmem_shared>> -> memref<16x128xbf16, #tpu.memory_space<vmem_shared>>
        tpu.enqueue_dma source(%dma_start3A_286 : memref<16x128xbf16, #tpu.memory_space<vmem_shared>>) target(%dma_start3A_283 : memref<16x128xbf16, #tpu.memory_space<hbm>>) target_semaphore(%run_scoped3A_281 : memref<!tpu.dma_semaphore, #tpu.memory_space<semaphore_mem>>)
        %dma_wait3A_287 = arith.constant 0 : i32
        %dma_wait3A_288 = tpu.memref_slice %arg5[%add3A_280, %dma_wait3A_287] : memref<20000x128xbf16, #tpu.memory_space<hbm>> -> memref<16x128xbf16, #tpu.memory_space<hbm>>
        %dma_wait3A_289 = arith.constant 9984 : i32
        %dma_wait3A_290 = arith.constant 0 : i32
        %dma_wait3A_291 = tpu.memref_slice %arg9[%dma_wait3A_289, %dma_wait3A_290] : memref<10000x128xbf16, #tpu.memory_space<vmem_shared>> -> memref<16x128xbf16, #tpu.memory_space<vmem_shared>>
        tpu.wait_dma2 semaphore(%run_scoped3A_281 : memref<!tpu.dma_semaphore, #tpu.memory_space<semaphore_mem>>) src(%dma_wait3A_291 : memref<16x128xbf16, #tpu.memory_space<vmem_shared>>) dst(%dma_wait3A_288 : memref<16x128xbf16, #tpu.memory_space<hbm>>)
        tpu.yield
      }) : () -> ()
    } else {
    }
    return
  }
}

#map = affine_map<(d0, d1) -> (0, 0)>
#map1 = affine_map<(d0, d1) -> (0)>
module attributes {stable_mosaic.version = 14 : i64} {
  func.func @seg(%arg0: i32, %arg1: i32, %arg2: memref<10000x128xbf16, #tpu.memory_space<hbm>>, %arg3: memref<320000xi32, #tpu.memory_space<hbm>>, %arg4: memref<320000xi32, #tpu.memory_space<hbm>>, %arg5: memref<20000x128xbf16, #tpu.memory_space<hbm>>, %arg6: memref<2x400xi32, #tpu.memory_space<vmem>>, %arg7: memref<25x400xi32, #tpu.memory_space<vmem>>, %arg8: memref<2x400x128xbf16, #tpu.memory_space<vmem>>, %arg9: memref<10000x128xbf16, #tpu.memory_space<vmem_shared>>, %arg10: memref<!tpu.dma_semaphore, #tpu.memory_space<semaphore_mem>>, %arg11: memref<!tpu.dma_semaphore, #tpu.memory_space<semaphore_mem>>, %arg12: memref<!tpu.dma_semaphore, #tpu.memory_space<semaphore_mem>>, %arg13: memref<!tpu.dma_semaphore, #tpu.memory_space<semaphore_mem>>, %arg14: memref<!tpu.dma_semaphore, #tpu.memory_space<semaphore_mem>>, %arg15: memref<!tpu.dma_semaphore, #tpu.memory_space<semaphore_mem>>, %arg16: memref<!tpu.dma_semaphore, #tpu.memory_space<semaphore_mem>>, %arg17: memref<!tpu.dma_semaphore, #tpu.memory_space<semaphore_mem>>) attributes {dimension_semantics = [#tpu.dimension_semantics<core_parallel>, #tpu.dimension_semantics<subcore_parallel>], iteration_bounds = array<i64: 2, 16>, scalar_prefetch = 0 : i64, scratch_operands = 12 : i64, tpu.core_type = #tpu.core_type<sc_vector_subcore>, window_params = [{transform_indices = #map}, {transform_indices = #map1}, {transform_indices = #map1}, {transform_indices = #map}]} {
    %mul3A = arith.constant 16 : i32
    %mul3A_0 = arith.muli %arg0, %mul3A : i32
    %add3A = arith.addi %mul3A_0, %arg1 : i32
    %mul3A_1 = arith.constant 10000 : i32
    %mul3A_2 = arith.muli %add3A, %mul3A_1 : i32
    %scan3A = arith.constant 0 : i32
    %scan3A_3 = arith.constant 0 : i32
    %scan3A_4 = arith.constant 3 : i32
    %scan3A_5 = arith.addi %scan3A_3, %scan3A_4 : i32
    %scan3A_6 = arith.constant 1 : i32
    %scan3A_7 = scf.for %scan3A_277 = %scan3A_3 to %scan3A_5 step %scan3A_6 iter_args(%scan3A_278 = %scan3A) -> (i32)  : i32 {
      %mul3A_279 = arith.constant 8 : i32
      %mul3A_280 = arith.muli %scan3A_277, %mul3A_279 : i32
      %add3A_281 = arith.constant 0 : i32
      %add3A_282 = arith.addi %mul3A_280, %add3A_281 : i32
      %gt3A = arith.constant 0 : i32
      %gt3A_283 = arith.cmpi sgt, %scan3A_277, %gt3A : i32
      %convert_element_type3A_284 = arith.extui %gt3A_283 : i1 to i32
      %cond3A_285 = arith.constant 0 : i32
      %cond3A_286 = arith.cmpi ne, %convert_element_type3A_284, %cond3A_285 : i32
      scf.if %cond3A_286 {
        %dma_wait3A_439 = arith.constant 0 : i32
        %dma_wait3A_440 = arith.constant 0 : i32
        %dma_wait3A_441 = tpu.memref_slice %arg6[%dma_wait3A_439, %dma_wait3A_440] : memref<2x400xi32, #tpu.memory_space<vmem>> -> memref<1x400xi32, #tpu.memory_space<vmem>>
        %dma_wait3A_442 = tpu.memref_squeeze %dma_wait3A_441 : memref<1x400xi32, #tpu.memory_space<vmem>> -> memref<400xi32, #tpu.memory_space<vmem>>
        %dma_wait3A_443 = arith.constant 0 : i32
        %dma_wait3A_444 = tpu.memref_slice %arg4[%dma_wait3A_443] : memref<320000xi32, #tpu.memory_space<hbm>> -> memref<400xi32, #tpu.memory_space<hbm>>
        %dma_wait3A_445 = arith.constant 0 : i32
        %dma_wait3A_446 = tpu.memref_slice %arg6[%dma_wait3A_439, %dma_wait3A_445] : memref<2x400xi32, #tpu.memory_space<vmem>> -> memref<1x400xi32, #tpu.memory_space<vmem>>
        %dma_wait3A_447 = tpu.memref_squeeze %dma_wait3A_446 : memref<1x400xi32, #tpu.memory_space<vmem>> -> memref<400xi32, #tpu.memory_space<vmem>>
        %dma_wait3A_448 = arith.constant 0 : i32
        %dma_wait3A_449 = tpu.memref_slice %arg4[%dma_wait3A_448] : memref<320000xi32, #tpu.memory_space<hbm>> -> memref<400xi32, #tpu.memory_space<hbm>>
        tpu.wait_dma2 semaphore(%arg10 : memref<!tpu.dma_semaphore, #tpu.memory_space<semaphore_mem>>) src(%dma_wait3A_449 : memref<400xi32, #tpu.memory_space<hbm>>) dst(%dma_wait3A_447 : memref<400xi32, #tpu.memory_space<vmem>>)
      } else {
      }
      %mul3A_287 = arith.constant 400 : i32
      %mul3A_288 = arith.muli %add3A_282, %mul3A_287 : i32
      %add3A_289 = arith.addi %mul3A_2, %mul3A_288 : i32
      %dma_start3A_290 = arith.constant 0 : i32
      %dma_start3A_291 = tpu.memref_slice %arg7[%add3A_282, %dma_start3A_290] : memref<25x400xi32, #tpu.memory_space<vmem>> -> memref<1x400xi32, #tpu.memory_space<vmem>>
      %dma_start3A_292 = tpu.memref_squeeze %dma_start3A_291 : memref<1x400xi32, #tpu.memory_space<vmem>> -> memref<400xi32, #tpu.memory_space<vmem>>
      %dma_start3A_293 = tpu.memref_slice %arg4[%add3A_289] : memref<320000xi32, #tpu.memory_space<hbm>> -> memref<400xi32, #tpu.memory_space<hbm>>
      %dma_start3A_294 = arith.constant 0 : i32
      %dma_start3A_295 = tpu.memref_slice %arg7[%add3A_282, %dma_start3A_294] : memref<25x400xi32, #tpu.memory_space<vmem>> -> memref<1x400xi32, #tpu.memory_space<vmem>>
      %dma_start3A_296 = tpu.memref_squeeze %dma_start3A_295 : memref<1x400xi32, #tpu.memory_space<vmem>> -> memref<400xi32, #tpu.memory_space<vmem>>
      %dma_start3A_297 = tpu.memref_slice %arg4[%add3A_289] : memref<320000xi32, #tpu.memory_space<hbm>> -> memref<400xi32, #tpu.memory_space<hbm>>
      tpu.enqueue_dma source(%dma_start3A_297 : memref<400xi32, #tpu.memory_space<hbm>>) target(%dma_start3A_296 : memref<400xi32, #tpu.memory_space<vmem>>) target_semaphore(%arg10 : memref<!tpu.dma_semaphore, #tpu.memory_space<semaphore_mem>>)
      %mul3A_298 = arith.constant 8 : i32
      %mul3A_299 = arith.muli %scan3A_277, %mul3A_298 : i32
      %add3A_300 = arith.constant 1 : i32
      %add3A_301 = arith.addi %mul3A_299, %add3A_300 : i32
      %gt3A_302 = arith.constant 0 : i32
      %gt3A_303 = arith.cmpi sgt, %scan3A_277, %gt3A_302 : i32
      %convert_element_type3A_304 = arith.extui %gt3A_303 : i1 to i32
      %cond3A_305 = arith.constant 0 : i32
      %cond3A_306 = arith.cmpi ne, %convert_element_type3A_304, %cond3A_305 : i32
      scf.if %cond3A_306 {
        %dma_wait3A_439 = arith.constant 0 : i32
        %dma_wait3A_440 = arith.constant 0 : i32
        %dma_wait3A_441 = tpu.memref_slice %arg6[%dma_wait3A_439, %dma_wait3A_440] : memref<2x400xi32, #tpu.memory_space<vmem>> -> memref<1x400xi32, #tpu.memory_space<vmem>>
        %dma_wait3A_442 = tpu.memref_squeeze %dma_wait3A_441 : memref<1x400xi32, #tpu.memory_space<vmem>> -> memref<400xi32, #tpu.memory_space<vmem>>
        %dma_wait3A_443 = arith.constant 0 : i32
        %dma_wait3A_444 = tpu.memref_slice %arg4[%dma_wait3A_443] : memref<320000xi32, #tpu.memory_space<hbm>> -> memref<400xi32, #tpu.memory_space<hbm>>
        %dma_wait3A_445 = arith.constant 0 : i32
        %dma_wait3A_446 = tpu.memref_slice %arg6[%dma_wait3A_439, %dma_wait3A_445] : memref<2x400xi32, #tpu.memory_space<vmem>> -> memref<1x400xi32, #tpu.memory_space<vmem>>
        %dma_wait3A_447 = tpu.memref_squeeze %dma_wait3A_446 : memref<1x400xi32, #tpu.memory_space<vmem>> -> memref<400xi32, #tpu.memory_space<vmem>>
        %dma_wait3A_448 = arith.constant 0 : i32
        %dma_wait3A_449 = tpu.memref_slice %arg4[%dma_wait3A_448] : memref<320000xi32, #tpu.memory_space<hbm>> -> memref<400xi32, #tpu.memory_space<hbm>>
        tpu.wait_dma2 semaphore(%arg11 : memref<!tpu.dma_semaphore, #tpu.memory_space<semaphore_mem>>) src(%dma_wait3A_449 : memref<400xi32, #tpu.memory_space<hbm>>) dst(%dma_wait3A_447 : memref<400xi32, #tpu.memory_space<vmem>>)
      } else {
      }
      %mul3A_307 = arith.constant 400 : i32
      %mul3A_308 = arith.muli %add3A_301, %mul3A_307 : i32
      %add3A_309 = arith.addi %mul3A_2, %mul3A_308 : i32
      %dma_start3A_310 = arith.constant 0 : i32
      %dma_start3A_311 = tpu.memref_slice %arg7[%add3A_301, %dma_start3A_310] : memref<25x400xi32, #tpu.memory_space<vmem>> -> memref<1x400xi32, #tpu.memory_space<vmem>>
      %dma_start3A_312 = tpu.memref_squeeze %dma_start3A_311 : memref<1x400xi32, #tpu.memory_space<vmem>> -> memref<400xi32, #tpu.memory_space<vmem>>
      %dma_start3A_313 = tpu.memref_slice %arg4[%add3A_309] : memref<320000xi32, #tpu.memory_space<hbm>> -> memref<400xi32, #tpu.memory_space<hbm>>
      %dma_start3A_314 = arith.constant 0 : i32
      %dma_start3A_315 = tpu.memref_slice %arg7[%add3A_301, %dma_start3A_314] : memref<25x400xi32, #tpu.memory_space<vmem>> -> memref<1x400xi32, #tpu.memory_space<vmem>>
      %dma_start3A_316 = tpu.memref_squeeze %dma_start3A_315 : memref<1x400xi32, #tpu.memory_space<vmem>> -> memref<400xi32, #tpu.memory_space<vmem>>
      %dma_start3A_317 = tpu.memref_slice %arg4[%add3A_309] : memref<320000xi32, #tpu.memory_space<hbm>> -> memref<400xi32, #tpu.memory_space<hbm>>
      tpu.enqueue_dma source(%dma_start3A_317 : memref<400xi32, #tpu.memory_space<hbm>>) target(%dma_start3A_316 : memref<400xi32, #tpu.memory_space<vmem>>) target_semaphore(%arg11 : memref<!tpu.dma_semaphore, #tpu.memory_space<semaphore_mem>>)
      %mul3A_318 = arith.constant 8 : i32
      %mul3A_319 = arith.muli %scan3A_277, %mul3A_318 : i32
      %add3A_320 = arith.constant 2 : i32
      %add3A_321 = arith.addi %mul3A_319, %add3A_320 : i32
      %gt3A_322 = arith.constant 0 : i32
      %gt3A_323 = arith.cmpi sgt, %scan3A_277, %gt3A_322 : i32
      %convert_element_type3A_324 = arith.extui %gt3A_323 : i1 to i32
      %cond3A_325 = arith.constant 0 : i32
      %cond3A_326 = arith.cmpi ne, %convert_element_type3A_324, %cond3A_325 : i32
      scf.if %cond3A_326 {
        %dma_wait3A_439 = arith.constant 0 : i32
        %dma_wait3A_440 = arith.constant 0 : i32
        %dma_wait3A_441 = tpu.memref_slice %arg6[%dma_wait3A_439, %dma_wait3A_440] : memref<2x400xi32, #tpu.memory_space<vmem>> -> memref<1x400xi32, #tpu.memory_space<vmem>>
        %dma_wait3A_442 = tpu.memref_squeeze %dma_wait3A_441 : memref<1x400xi32, #tpu.memory_space<vmem>> -> memref<400xi32, #tpu.memory_space<vmem>>
        %dma_wait3A_443 = arith.constant 0 : i32
        %dma_wait3A_444 = tpu.memref_slice %arg4[%dma_wait3A_443] : memref<320000xi32, #tpu.memory_space<hbm>> -> memref<400xi32, #tpu.memory_space<hbm>>
        %dma_wait3A_445 = arith.constant 0 : i32
        %dma_wait3A_446 = tpu.memref_slice %arg6[%dma_wait3A_439, %dma_wait3A_445] : memref<2x400xi32, #tpu.memory_space<vmem>> -> memref<1x400xi32, #tpu.memory_space<vmem>>
        %dma_wait3A_447 = tpu.memref_squeeze %dma_wait3A_446 : memref<1x400xi32, #tpu.memory_space<vmem>> -> memref<400xi32, #tpu.memory_space<vmem>>
        %dma_wait3A_448 = arith.constant 0 : i32
        %dma_wait3A_449 = tpu.memref_slice %arg4[%dma_wait3A_448] : memref<320000xi32, #tpu.memory_space<hbm>> -> memref<400xi32, #tpu.memory_space<hbm>>
        tpu.wait_dma2 semaphore(%arg12 : memref<!tpu.dma_semaphore, #tpu.memory_space<semaphore_mem>>) src(%dma_wait3A_449 : memref<400xi32, #tpu.memory_space<hbm>>) dst(%dma_wait3A_447 : memref<400xi32, #tpu.memory_space<vmem>>)
      } else {
      }
      %mul3A_327 = arith.constant 400 : i32
      %mul3A_328 = arith.muli %add3A_321, %mul3A_327 : i32
      %add3A_329 = arith.addi %mul3A_2, %mul3A_328 : i32
      %dma_start3A_330 = arith.constant 0 : i32
      %dma_start3A_331 = tpu.memref_slice %arg7[%add3A_321, %dma_start3A_330] : memref<25x400xi32, #tpu.memory_space<vmem>> -> memref<1x400xi32, #tpu.memory_space<vmem>>
      %dma_start3A_332 = tpu.memref_squeeze %dma_start3A_331 : memref<1x400xi32, #tpu.memory_space<vmem>> -> memref<400xi32, #tpu.memory_space<vmem>>
      %dma_start3A_333 = tpu.memref_slice %arg4[%add3A_329] : memref<320000xi32, #tpu.memory_space<hbm>> -> memref<400xi32, #tpu.memory_space<hbm>>
      %dma_start3A_334 = arith.constant 0 : i32
      %dma_start3A_335 = tpu.memref_slice %arg7[%add3A_321, %dma_start3A_334] : memref<25x400xi32, #tpu.memory_space<vmem>> -> memref<1x400xi32, #tpu.memory_space<vmem>>
      %dma_start3A_336 = tpu.memref_squeeze %dma_start3A_335 : memref<1x400xi32, #tpu.memory_space<vmem>> -> memref<400xi32, #tpu.memory_space<vmem>>
      %dma_start3A_337 = tpu.memref_slice %arg4[%add3A_329] : memref<320000xi32, #tpu.memory_space<hbm>> -> memref<400xi32, #tpu.memory_space<hbm>>
      tpu.enqueue_dma source(%dma_start3A_337 : memref<400xi32, #tpu.memory_space<hbm>>) target(%dma_start3A_336 : memref<400xi32, #tpu.memory_space<vmem>>) target_semaphore(%arg12 : memref<!tpu.dma_semaphore, #tpu.memory_space<semaphore_mem>>)
      %mul3A_338 = arith.constant 8 : i32
      %mul3A_339 = arith.muli %scan3A_277, %mul3A_338 : i32
      %add3A_340 = arith.constant 3 : i32
      %add3A_341 = arith.addi %mul3A_339, %add3A_340 : i32
      %gt3A_342 = arith.constant 0 : i32
      %gt3A_343 = arith.cmpi sgt, %scan3A_277, %gt3A_342 : i32
      %convert_element_type3A_344 = arith.extui %gt3A_343 : i1 to i32
      %cond3A_345 = arith.constant 0 : i32
      %cond3A_346 = arith.cmpi ne, %convert_element_type3A_344, %cond3A_345 : i32
      scf.if %cond3A_346 {
        %dma_wait3A_439 = arith.constant 0 : i32
        %dma_wait3A_440 = arith.constant 0 : i32
        %dma_wait3A_441 = tpu.memref_slice %arg6[%dma_wait3A_439, %dma_wait3A_440] : memref<2x400xi32, #tpu.memory_space<vmem>> -> memref<1x400xi32, #tpu.memory_space<vmem>>
        %dma_wait3A_442 = tpu.memref_squeeze %dma_wait3A_441 : memref<1x400xi32, #tpu.memory_space<vmem>> -> memref<400xi32, #tpu.memory_space<vmem>>
        %dma_wait3A_443 = arith.constant 0 : i32
        %dma_wait3A_444 = tpu.memref_slice %arg4[%dma_wait3A_443] : memref<320000xi32, #tpu.memory_space<hbm>> -> memref<400xi32, #tpu.memory_space<hbm>>
        %dma_wait3A_445 = arith.constant 0 : i32
        %dma_wait3A_446 = tpu.memref_slice %arg6[%dma_wait3A_439, %dma_wait3A_445] : memref<2x400xi32, #tpu.memory_space<vmem>> -> memref<1x400xi32, #tpu.memory_space<vmem>>
        %dma_wait3A_447 = tpu.memref_squeeze %dma_wait3A_446 : memref<1x400xi32, #tpu.memory_space<vmem>> -> memref<400xi32, #tpu.memory_space<vmem>>
        %dma_wait3A_448 = arith.constant 0 : i32
        %dma_wait3A_449 = tpu.memref_slice %arg4[%dma_wait3A_448] : memref<320000xi32, #tpu.memory_space<hbm>> -> memref<400xi32, #tpu.memory_space<hbm>>
        tpu.wait_dma2 semaphore(%arg13 : memref<!tpu.dma_semaphore, #tpu.memory_space<semaphore_mem>>) src(%dma_wait3A_449 : memref<400xi32, #tpu.memory_space<hbm>>) dst(%dma_wait3A_447 : memref<400xi32, #tpu.memory_space<vmem>>)
      } else {
      }
      %mul3A_347 = arith.constant 400 : i32
      %mul3A_348 = arith.muli %add3A_341, %mul3A_347 : i32
      %add3A_349 = arith.addi %mul3A_2, %mul3A_348 : i32
      %dma_start3A_350 = arith.constant 0 : i32
      %dma_start3A_351 = tpu.memref_slice %arg7[%add3A_341, %dma_start3A_350] : memref<25x400xi32, #tpu.memory_space<vmem>> -> memref<1x400xi32, #tpu.memory_space<vmem>>
      %dma_start3A_352 = tpu.memref_squeeze %dma_start3A_351 : memref<1x400xi32, #tpu.memory_space<vmem>> -> memref<400xi32, #tpu.memory_space<vmem>>
      %dma_start3A_353 = tpu.memref_slice %arg4[%add3A_349] : memref<320000xi32, #tpu.memory_space<hbm>> -> memref<400xi32, #tpu.memory_space<hbm>>
      %dma_start3A_354 = arith.constant 0 : i32
      %dma_start3A_355 = tpu.memref_slice %arg7[%add3A_341, %dma_start3A_354] : memref<25x400xi32, #tpu.memory_space<vmem>> -> memref<1x400xi32, #tpu.memory_space<vmem>>
      %dma_start3A_356 = tpu.memref_squeeze %dma_start3A_355 : memref<1x400xi32, #tpu.memory_space<vmem>> -> memref<400xi32, #tpu.memory_space<vmem>>
      %dma_start3A_357 = tpu.memref_slice %arg4[%add3A_349] : memref<320000xi32, #tpu.memory_space<hbm>> -> memref<400xi32, #tpu.memory_space<hbm>>
      tpu.enqueue_dma source(%dma_start3A_357 : memref<400xi32, #tpu.memory_space<hbm>>) target(%dma_start3A_356 : memref<400xi32, #tpu.memory_space<vmem>>) target_semaphore(%arg13 : memref<!tpu.dma_semaphore, #tpu.memory_space<semaphore_mem>>)
      %mul3A_358 = arith.constant 8 : i32
      %mul3A_359 = arith.muli %scan3A_277, %mul3A_358 : i32
      %add3A_360 = arith.constant 4 : i32
      %add3A_361 = arith.addi %mul3A_359, %add3A_360 : i32
      %gt3A_362 = arith.constant 0 : i32
      %gt3A_363 = arith.cmpi sgt, %scan3A_277, %gt3A_362 : i32
      %convert_element_type3A_364 = arith.extui %gt3A_363 : i1 to i32
      %cond3A_365 = arith.constant 0 : i32
      %cond3A_366 = arith.cmpi ne, %convert_element_type3A_364, %cond3A_365 : i32
      scf.if %cond3A_366 {
        %dma_wait3A_439 = arith.constant 0 : i32
        %dma_wait3A_440 = arith.constant 0 : i32
        %dma_wait3A_441 = tpu.memref_slice %arg6[%dma_wait3A_439, %dma_wait3A_440] : memref<2x400xi32, #tpu.memory_space<vmem>> -> memref<1x400xi32, #tpu.memory_space<vmem>>
        %dma_wait3A_442 = tpu.memref_squeeze %dma_wait3A_441 : memref<1x400xi32, #tpu.memory_space<vmem>> -> memref<400xi32, #tpu.memory_space<vmem>>
        %dma_wait3A_443 = arith.constant 0 : i32
        %dma_wait3A_444 = tpu.memref_slice %arg4[%dma_wait3A_443] : memref<320000xi32, #tpu.memory_space<hbm>> -> memref<400xi32, #tpu.memory_space<hbm>>
        %dma_wait3A_445 = arith.constant 0 : i32
        %dma_wait3A_446 = tpu.memref_slice %arg6[%dma_wait3A_439, %dma_wait3A_445] : memref<2x400xi32, #tpu.memory_space<vmem>> -> memref<1x400xi32, #tpu.memory_space<vmem>>
        %dma_wait3A_447 = tpu.memref_squeeze %dma_wait3A_446 : memref<1x400xi32, #tpu.memory_space<vmem>> -> memref<400xi32, #tpu.memory_space<vmem>>
        %dma_wait3A_448 = arith.constant 0 : i32
        %dma_wait3A_449 = tpu.memref_slice %arg4[%dma_wait3A_448] : memref<320000xi32, #tpu.memory_space<hbm>> -> memref<400xi32, #tpu.memory_space<hbm>>
        tpu.wait_dma2 semaphore(%arg14 : memref<!tpu.dma_semaphore, #tpu.memory_space<semaphore_mem>>) src(%dma_wait3A_449 : memref<400xi32, #tpu.memory_space<hbm>>) dst(%dma_wait3A_447 : memref<400xi32, #tpu.memory_space<vmem>>)
      } else {
      }
      %mul3A_367 = arith.constant 400 : i32
      %mul3A_368 = arith.muli %add3A_361, %mul3A_367 : i32
      %add3A_369 = arith.addi %mul3A_2, %mul3A_368 : i32
      %dma_start3A_370 = arith.constant 0 : i32
      %dma_start3A_371 = tpu.memref_slice %arg7[%add3A_361, %dma_start3A_370] : memref<25x400xi32, #tpu.memory_space<vmem>> -> memref<1x400xi32, #tpu.memory_space<vmem>>
      %dma_start3A_372 = tpu.memref_squeeze %dma_start3A_371 : memref<1x400xi32, #tpu.memory_space<vmem>> -> memref<400xi32, #tpu.memory_space<vmem>>
      %dma_start3A_373 = tpu.memref_slice %arg4[%add3A_369] : memref<320000xi32, #tpu.memory_space<hbm>> -> memref<400xi32, #tpu.memory_space<hbm>>
      %dma_start3A_374 = arith.constant 0 : i32
      %dma_start3A_375 = tpu.memref_slice %arg7[%add3A_361, %dma_start3A_374] : memref<25x400xi32, #tpu.memory_space<vmem>> -> memref<1x400xi32, #tpu.memory_space<vmem>>
      %dma_start3A_376 = tpu.memref_squeeze %dma_start3A_375 : memref<1x400xi32, #tpu.memory_space<vmem>> -> memref<400xi32, #tpu.memory_space<vmem>>
      %dma_start3A_377 = tpu.memref_slice %arg4[%add3A_369] : memref<320000xi32, #tpu.memory_space<hbm>> -> memref<400xi32, #tpu.memory_space<hbm>>
      tpu.enqueue_dma source(%dma_start3A_377 : memref<400xi32, #tpu.memory_space<hbm>>) target(%dma_start3A_376 : memref<400xi32, #tpu.memory_space<vmem>>) target_semaphore(%arg14 : memref<!tpu.dma_semaphore, #tpu.memory_space<semaphore_mem>>)
      %mul3A_378 = arith.constant 8 : i32
      %mul3A_379 = arith.muli %scan3A_277, %mul3A_378 : i32
      %add3A_380 = arith.constant 5 : i32
      %add3A_381 = arith.addi %mul3A_379, %add3A_380 : i32
      %gt3A_382 = arith.constant 0 : i32
      %gt3A_383 = arith.cmpi sgt, %scan3A_277, %gt3A_382 : i32
      %convert_element_type3A_384 = arith.extui %gt3A_383 : i1 to i32
      %cond3A_385 = arith.constant 0 : i32
      %cond3A_386 = arith.cmpi ne, %convert_element_type3A_384, %cond3A_385 : i32
      scf.if %cond3A_386 {
        %dma_wait3A_439 = arith.constant 0 : i32
        %dma_wait3A_440 = arith.constant 0 : i32
        %dma_wait3A_441 = tpu.memref_slice %arg6[%dma_wait3A_439, %dma_wait3A_440] : memref<2x400xi32, #tpu.memory_space<vmem>> -> memref<1x400xi32, #tpu.memory_space<vmem>>
        %dma_wait3A_442 = tpu.memref_squeeze %dma_wait3A_441 : memref<1x400xi32, #tpu.memory_space<vmem>> -> memref<400xi32, #tpu.memory_space<vmem>>
        %dma_wait3A_443 = arith.constant 0 : i32
        %dma_wait3A_444 = tpu.memref_slice %arg4[%dma_wait3A_443] : memref<320000xi32, #tpu.memory_space<hbm>> -> memref<400xi32, #tpu.memory_space<hbm>>
        %dma_wait3A_445 = arith.constant 0 : i32
        %dma_wait3A_446 = tpu.memref_slice %arg6[%dma_wait3A_439, %dma_wait3A_445] : memref<2x400xi32, #tpu.memory_space<vmem>> -> memref<1x400xi32, #tpu.memory_space<vmem>>
        %dma_wait3A_447 = tpu.memref_squeeze %dma_wait3A_446 : memref<1x400xi32, #tpu.memory_space<vmem>> -> memref<400xi32, #tpu.memory_space<vmem>>
        %dma_wait3A_448 = arith.constant 0 : i32
        %dma_wait3A_449 = tpu.memref_slice %arg4[%dma_wait3A_448] : memref<320000xi32, #tpu.memory_space<hbm>> -> memref<400xi32, #tpu.memory_space<hbm>>
        tpu.wait_dma2 semaphore(%arg15 : memref<!tpu.dma_semaphore, #tpu.memory_space<semaphore_mem>>) src(%dma_wait3A_449 : memref<400xi32, #tpu.memory_space<hbm>>) dst(%dma_wait3A_447 : memref<400xi32, #tpu.memory_space<vmem>>)
      } else {
      }
      %mul3A_387 = arith.constant 400 : i32
      %mul3A_388 = arith.muli %add3A_381, %mul3A_387 : i32
      %add3A_389 = arith.addi %mul3A_2, %mul3A_388 : i32
      %dma_start3A_390 = arith.constant 0 : i32
      %dma_start3A_391 = tpu.memref_slice %arg7[%add3A_381, %dma_start3A_390] : memref<25x400xi32, #tpu.memory_space<vmem>> -> memref<1x400xi32, #tpu.memory_space<vmem>>
      %dma_start3A_392 = tpu.memref_squeeze %dma_start3A_391 : memref<1x400xi32, #tpu.memory_space<vmem>> -> memref<400xi32, #tpu.memory_space<vmem>>
      %dma_start3A_393 = tpu.memref_slice %arg4[%add3A_389] : memref<320000xi32, #tpu.memory_space<hbm>> -> memref<400xi32, #tpu.memory_space<hbm>>
      %dma_start3A_394 = arith.constant 0 : i32
      %dma_start3A_395 = tpu.memref_slice %arg7[%add3A_381, %dma_start3A_394] : memref<25x400xi32, #tpu.memory_space<vmem>> -> memref<1x400xi32, #tpu.memory_space<vmem>>
      %dma_start3A_396 = tpu.memref_squeeze %dma_start3A_395 : memref<1x400xi32, #tpu.memory_space<vmem>> -> memref<400xi32, #tpu.memory_space<vmem>>
      %dma_start3A_397 = tpu.memref_slice %arg4[%add3A_389] : memref<320000xi32, #tpu.memory_space<hbm>> -> memref<400xi32, #tpu.memory_space<hbm>>
      tpu.enqueue_dma source(%dma_start3A_397 : memref<400xi32, #tpu.memory_space<hbm>>) target(%dma_start3A_396 : memref<400xi32, #tpu.memory_space<vmem>>) target_semaphore(%arg15 : memref<!tpu.dma_semaphore, #tpu.memory_space<semaphore_mem>>)
      %mul3A_398 = arith.constant 8 : i32
      %mul3A_399 = arith.muli %scan3A_277, %mul3A_398 : i32
      %add3A_400 = arith.constant 6 : i32
      %add3A_401 = arith.addi %mul3A_399, %add3A_400 : i32
      %gt3A_402 = arith.constant 0 : i32
      %gt3A_403 = arith.cmpi sgt, %scan3A_277, %gt3A_402 : i32
      %convert_element_type3A_404 = arith.extui %gt3A_403 : i1 to i32
      %cond3A_405 = arith.constant 0 : i32
      %cond3A_406 = arith.cmpi ne, %convert_element_type3A_404, %cond3A_405 : i32
      scf.if %cond3A_406 {
        %dma_wait3A_439 = arith.constant 0 : i32
        %dma_wait3A_440 = arith.constant 0 : i32
        %dma_wait3A_441 = tpu.memref_slice %arg6[%dma_wait3A_439, %dma_wait3A_440] : memref<2x400xi32, #tpu.memory_space<vmem>> -> memref<1x400xi32, #tpu.memory_space<vmem>>
        %dma_wait3A_442 = tpu.memref_squeeze %dma_wait3A_441 : memref<1x400xi32, #tpu.memory_space<vmem>> -> memref<400xi32, #tpu.memory_space<vmem>>
        %dma_wait3A_443 = arith.constant 0 : i32
        %dma_wait3A_444 = tpu.memref_slice %arg4[%dma_wait3A_443] : memref<320000xi32, #tpu.memory_space<hbm>> -> memref<400xi32, #tpu.memory_space<hbm>>
        %dma_wait3A_445 = arith.constant 0 : i32
        %dma_wait3A_446 = tpu.memref_slice %arg6[%dma_wait3A_439, %dma_wait3A_445] : memref<2x400xi32, #tpu.memory_space<vmem>> -> memref<1x400xi32, #tpu.memory_space<vmem>>
        %dma_wait3A_447 = tpu.memref_squeeze %dma_wait3A_446 : memref<1x400xi32, #tpu.memory_space<vmem>> -> memref<400xi32, #tpu.memory_space<vmem>>
        %dma_wait3A_448 = arith.constant 0 : i32
        %dma_wait3A_449 = tpu.memref_slice %arg4[%dma_wait3A_448] : memref<320000xi32, #tpu.memory_space<hbm>> -> memref<400xi32, #tpu.memory_space<hbm>>
        tpu.wait_dma2 semaphore(%arg16 : memref<!tpu.dma_semaphore, #tpu.memory_space<semaphore_mem>>) src(%dma_wait3A_449 : memref<400xi32, #tpu.memory_space<hbm>>) dst(%dma_wait3A_447 : memref<400xi32, #tpu.memory_space<vmem>>)
      } else {
      }
      %mul3A_407 = arith.constant 400 : i32
      %mul3A_408 = arith.muli %add3A_401, %mul3A_407 : i32
      %add3A_409 = arith.addi %mul3A_2, %mul3A_408 : i32
      %dma_start3A_410 = arith.constant 0 : i32
      %dma_start3A_411 = tpu.memref_slice %arg7[%add3A_401, %dma_start3A_410] : memref<25x400xi32, #tpu.memory_space<vmem>> -> memref<1x400xi32, #tpu.memory_space<vmem>>
      %dma_start3A_412 = tpu.memref_squeeze %dma_start3A_411 : memref<1x400xi32, #tpu.memory_space<vmem>> -> memref<400xi32, #tpu.memory_space<vmem>>
      %dma_start3A_413 = tpu.memref_slice %arg4[%add3A_409] : memref<320000xi32, #tpu.memory_space<hbm>> -> memref<400xi32, #tpu.memory_space<hbm>>
      %dma_start3A_414 = arith.constant 0 : i32
      %dma_start3A_415 = tpu.memref_slice %arg7[%add3A_401, %dma_start3A_414] : memref<25x400xi32, #tpu.memory_space<vmem>> -> memref<1x400xi32, #tpu.memory_space<vmem>>
      %dma_start3A_416 = tpu.memref_squeeze %dma_start3A_415 : memref<1x400xi32, #tpu.memory_space<vmem>> -> memref<400xi32, #tpu.memory_space<vmem>>
      %dma_start3A_417 = tpu.memref_slice %arg4[%add3A_409] : memref<320000xi32, #tpu.memory_space<hbm>> -> memref<400xi32, #tpu.memory_space<hbm>>
      tpu.enqueue_dma source(%dma_start3A_417 : memref<400xi32, #tpu.memory_space<hbm>>) target(%dma_start3A_416 : memref<400xi32, #tpu.memory_space<vmem>>) target_semaphore(%arg16 : memref<!tpu.dma_semaphore, #tpu.memory_space<semaphore_mem>>)
      %mul3A_418 = arith.constant 8 : i32
      %mul3A_419 = arith.muli %scan3A_277, %mul3A_418 : i32
      %add3A_420 = arith.constant 7 : i32
      %add3A_421 = arith.addi %mul3A_419, %add3A_420 : i32
      %gt3A_422 = arith.constant 0 : i32
      %gt3A_423 = arith.cmpi sgt, %scan3A_277, %gt3A_422 : i32
      %convert_element_type3A_424 = arith.extui %gt3A_423 : i1 to i32
      %cond3A_425 = arith.constant 0 : i32
      %cond3A_426 = arith.cmpi ne, %convert_element_type3A_424, %cond3A_425 : i32
      scf.if %cond3A_426 {
        %dma_wait3A_439 = arith.constant 0 : i32
        %dma_wait3A_440 = arith.constant 0 : i32
        %dma_wait3A_441 = tpu.memref_slice %arg6[%dma_wait3A_439, %dma_wait3A_440] : memref<2x400xi32, #tpu.memory_space<vmem>> -> memref<1x400xi32, #tpu.memory_space<vmem>>
        %dma_wait3A_442 = tpu.memref_squeeze %dma_wait3A_441 : memref<1x400xi32, #tpu.memory_space<vmem>> -> memref<400xi32, #tpu.memory_space<vmem>>
        %dma_wait3A_443 = arith.constant 0 : i32
        %dma_wait3A_444 = tpu.memref_slice %arg4[%dma_wait3A_443] : memref<320000xi32, #tpu.memory_space<hbm>> -> memref<400xi32, #tpu.memory_space<hbm>>
        %dma_wait3A_445 = arith.constant 0 : i32
        %dma_wait3A_446 = tpu.memref_slice %arg6[%dma_wait3A_439, %dma_wait3A_445] : memref<2x400xi32, #tpu.memory_space<vmem>> -> memref<1x400xi32, #tpu.memory_space<vmem>>
        %dma_wait3A_447 = tpu.memref_squeeze %dma_wait3A_446 : memref<1x400xi32, #tpu.memory_space<vmem>> -> memref<400xi32, #tpu.memory_space<vmem>>
        %dma_wait3A_448 = arith.constant 0 : i32
        %dma_wait3A_449 = tpu.memref_slice %arg4[%dma_wait3A_448] : memref<320000xi32, #tpu.memory_space<hbm>> -> memref<400xi32, #tpu.memory_space<hbm>>
        tpu.wait_dma2 semaphore(%arg17 : memref<!tpu.dma_semaphore, #tpu.memory_space<semaphore_mem>>) src(%dma_wait3A_449 : memref<400xi32, #tpu.memory_space<hbm>>) dst(%dma_wait3A_447 : memref<400xi32, #tpu.memory_space<vmem>>)
      } else {
      }
      %mul3A_427 = arith.constant 400 : i32
      %mul3A_428 = arith.muli %add3A_421, %mul3A_427 : i32
      %add3A_429 = arith.addi %mul3A_2, %mul3A_428 : i32
      %dma_start3A_430 = arith.constant 0 : i32
      %dma_start3A_431 = tpu.memref_slice %arg7[%add3A_421, %dma_start3A_430] : memref<25x400xi32, #tpu.memory_space<vmem>> -> memref<1x400xi32, #tpu.memory_space<vmem>>
      %dma_start3A_432 = tpu.memref_squeeze %dma_start3A_431 : memref<1x400xi32, #tpu.memory_space<vmem>> -> memref<400xi32, #tpu.memory_space<vmem>>
      %dma_start3A_433 = tpu.memref_slice %arg4[%add3A_429] : memref<320000xi32, #tpu.memory_space<hbm>> -> memref<400xi32, #tpu.memory_space<hbm>>
      %dma_start3A_434 = arith.constant 0 : i32
      %dma_start3A_435 = tpu.memref_slice %arg7[%add3A_421, %dma_start3A_434] : memref<25x400xi32, #tpu.memory_space<vmem>> -> memref<1x400xi32, #tpu.memory_space<vmem>>
      %dma_start3A_436 = tpu.memref_squeeze %dma_start3A_435 : memref<1x400xi32, #tpu.memory_space<vmem>> -> memref<400xi32, #tpu.memory_space<vmem>>
      %dma_start3A_437 = tpu.memref_slice %arg4[%add3A_429] : memref<320000xi32, #tpu.memory_space<hbm>> -> memref<400xi32, #tpu.memory_space<hbm>>
      tpu.enqueue_dma source(%dma_start3A_437 : memref<400xi32, #tpu.memory_space<hbm>>) target(%dma_start3A_436 : memref<400xi32, #tpu.memory_space<vmem>>) target_semaphore(%arg17 : memref<!tpu.dma_semaphore, #tpu.memory_space<semaphore_mem>>)
      %scan3A_438 = arith.constant 0 : i32
      scf.yield %scan3A_438 : i32
    }
    %scan3A_8 = arith.constant 3 : i32
    %dma_wait3A = arith.constant 0 : i32
    %dma_wait3A_9 = arith.constant 0 : i32
    %dma_wait3A_10 = tpu.memref_slice %arg6[%dma_wait3A, %dma_wait3A_9] : memref<2x400xi32, #tpu.memory_space<vmem>> -> memref<1x400xi32, #tpu.memory_space<vmem>>
    %dma_wait3A_11 = tpu.memref_squeeze %dma_wait3A_10 : memref<1x400xi32, #tpu.memory_space<vmem>> -> memref<400xi32, #tpu.memory_space<vmem>>
    %dma_wait3A_12 = arith.constant 0 : i32
    %dma_wait3A_13 = tpu.memref_slice %arg4[%dma_wait3A_12] : memref<320000xi32, #tpu.memory_space<hbm>> -> memref<400xi32, #tpu.memory_space<hbm>>
    %dma_wait3A_14 = arith.constant 0 : i32
    %dma_wait3A_15 = tpu.memref_slice %arg6[%dma_wait3A, %dma_wait3A_14] : memref<2x400xi32, #tpu.memory_space<vmem>> -> memref<1x400xi32, #tpu.memory_space<vmem>>
    %dma_wait3A_16 = tpu.memref_squeeze %dma_wait3A_15 : memref<1x400xi32, #tpu.memory_space<vmem>> -> memref<400xi32, #tpu.memory_space<vmem>>
    %dma_wait3A_17 = arith.constant 0 : i32
    %dma_wait3A_18 = tpu.memref_slice %arg4[%dma_wait3A_17] : memref<320000xi32, #tpu.memory_space<hbm>> -> memref<400xi32, #tpu.memory_space<hbm>>
    tpu.wait_dma2 semaphore(%arg10 : memref<!tpu.dma_semaphore, #tpu.memory_space<semaphore_mem>>) src(%dma_wait3A_18 : memref<400xi32, #tpu.memory_space<hbm>>) dst(%dma_wait3A_16 : memref<400xi32, #tpu.memory_space<vmem>>)
    %add3A_19 = arith.constant 9600 : i32
    %add3A_20 = arith.addi %mul3A_2, %add3A_19 : i32
    %dma_start3A = arith.constant 24 : i32
    %dma_start3A_21 = arith.constant 0 : i32
    %dma_start3A_22 = tpu.memref_slice %arg7[%dma_start3A, %dma_start3A_21] : memref<25x400xi32, #tpu.memory_space<vmem>> -> memref<1x400xi32, #tpu.memory_space<vmem>>
    %dma_start3A_23 = tpu.memref_squeeze %dma_start3A_22 : memref<1x400xi32, #tpu.memory_space<vmem>> -> memref<400xi32, #tpu.memory_space<vmem>>
    %dma_start3A_24 = tpu.memref_slice %arg4[%add3A_20] : memref<320000xi32, #tpu.memory_space<hbm>> -> memref<400xi32, #tpu.memory_space<hbm>>
    %dma_start3A_25 = arith.constant 0 : i32
    %dma_start3A_26 = tpu.memref_slice %arg7[%dma_start3A, %dma_start3A_25] : memref<25x400xi32, #tpu.memory_space<vmem>> -> memref<1x400xi32, #tpu.memory_space<vmem>>
    %dma_start3A_27 = tpu.memref_squeeze %dma_start3A_26 : memref<1x400xi32, #tpu.memory_space<vmem>> -> memref<400xi32, #tpu.memory_space<vmem>>
    %dma_start3A_28 = tpu.memref_slice %arg4[%add3A_20] : memref<320000xi32, #tpu.memory_space<hbm>> -> memref<400xi32, #tpu.memory_space<hbm>>
    tpu.enqueue_dma source(%dma_start3A_28 : memref<400xi32, #tpu.memory_space<hbm>>) target(%dma_start3A_27 : memref<400xi32, #tpu.memory_space<vmem>>) target_semaphore(%arg10 : memref<!tpu.dma_semaphore, #tpu.memory_space<semaphore_mem>>)
    %scan3A_29 = arith.constant 0 : i32
    %scan3A_30 = arith.constant 0 : i32
    %scan3A_31 = arith.constant 400 : i32
    %scan3A_32 = arith.addi %scan3A_30, %scan3A_31 : i32
    %scan3A_33 = arith.constant 1 : i32
    %scan3A_34 = scf.for %scan3A_277 = %scan3A_30 to %scan3A_32 step %scan3A_33 iter_args(%scan3A_278 = %scan3A_29) -> (i32)  : i32 {
      %scan3A_279 = arith.constant 0 : i32
      %scan3A_280 = arith.constant 0 : i32
      %scan3A_281 = arith.constant 4 : i32
      %scan3A_282 = arith.addi %scan3A_280, %scan3A_281 : i32
      %scan3A_283 = arith.constant 1 : i32
      %scan3A_284 = scf.for %scan3A_286 = %scan3A_280 to %scan3A_282 step %scan3A_283 iter_args(%scan3A_287 = %scan3A_279) -> (i32)  : i32 {
        %broadcast_in_dim3A = arith.constant 0.000000e+00 : bf16
        %broadcast_in_dim3A_288 = vector.broadcast %broadcast_in_dim3A : bf16 to vector<32xbf16>
        %mul3A_289 = arith.constant 32 : i32
        %mul3A_290 = arith.muli %scan3A_286, %mul3A_289 : i32
        %swap3A = arith.constant 0 : i32
        %swap3A_291 = arith.index_cast %swap3A : i32 to index
        %swap3A_292 = arith.index_cast %scan3A_277 : i32 to index
        %swap3A_293 = arith.index_cast %mul3A_290 : i32 to index
        %swap3A_294 = tpu.vector_load %arg8[%swap3A_291, %swap3A_292, %swap3A_293] {strides = array<i32>} : memref<2x400x128xbf16, #tpu.memory_space<vmem>>, vector<1x1x32xbf16>,
        %swap3A_295 = vector.shape_cast %swap3A_294 : vector<1x1x32xbf16> to vector<32xbf16>
        %swap3A_296 = vector.shape_cast %broadcast_in_dim3A_288 : vector<32xbf16> to vector<1x1x32xbf16>
        tpu.vector_store %arg8[%swap3A_291, %swap3A_292, %swap3A_293], %swap3A_296 {strides = array<i32>} : memref<2x400x128xbf16, #tpu.memory_space<vmem>>, vector<1x1x32xbf16>,
        %scan3A_297 = arith.constant 0 : i32
        scf.yield %scan3A_297 : i32
      }
      %scan3A_285 = arith.constant 4 : i32
      scf.yield %scan3A_284 : i32
    }
    %scan3A_35 = arith.constant 400 : i32
    %dma_wait3A_36 = arith.constant 0 : i32
    %dma_wait3A_37 = arith.constant 0 : i32
    %dma_wait3A_38 = tpu.memref_slice %arg6[%dma_wait3A_36, %dma_wait3A_37] : memref<2x400xi32, #tpu.memory_space<vmem>> -> memref<1x400xi32, #tpu.memory_space<vmem>>
    %dma_wait3A_39 = tpu.memref_squeeze %dma_wait3A_38 : memref<1x400xi32, #tpu.memory_space<vmem>> -> memref<400xi32, #tpu.memory_space<vmem>>
    %dma_wait3A_40 = arith.constant 0 : i32
    %dma_wait3A_41 = tpu.memref_slice %arg4[%dma_wait3A_40] : memref<320000xi32, #tpu.memory_space<hbm>> -> memref<400xi32, #tpu.memory_space<hbm>>
    %dma_wait3A_42 = arith.constant 0 : i32
    %dma_wait3A_43 = tpu.memref_slice %arg6[%dma_wait3A_36, %dma_wait3A_42] : memref<2x400xi32, #tpu.memory_space<vmem>> -> memref<1x400xi32, #tpu.memory_space<vmem>>
    %dma_wait3A_44 = tpu.memref_squeeze %dma_wait3A_43 : memref<1x400xi32, #tpu.memory_space<vmem>> -> memref<400xi32, #tpu.memory_space<vmem>>
    %dma_wait3A_45 = arith.constant 0 : i32
    %dma_wait3A_46 = tpu.memref_slice %arg4[%dma_wait3A_45] : memref<320000xi32, #tpu.memory_space<hbm>> -> memref<400xi32, #tpu.memory_space<hbm>>
    tpu.wait_dma2 semaphore(%arg10 : memref<!tpu.dma_semaphore, #tpu.memory_space<semaphore_mem>>) src(%dma_wait3A_46 : memref<400xi32, #tpu.memory_space<hbm>>) dst(%dma_wait3A_44 : memref<400xi32, #tpu.memory_space<vmem>>)
    %dma_wait3A_47 = arith.constant 0 : i32
    %dma_wait3A_48 = arith.constant 0 : i32
    %dma_wait3A_49 = tpu.memref_slice %arg6[%dma_wait3A_47, %dma_wait3A_48] : memref<2x400xi32, #tpu.memory_space<vmem>> -> memref<1x400xi32, #tpu.memory_space<vmem>>
    %dma_wait3A_50 = tpu.memref_squeeze %dma_wait3A_49 : memref<1x400xi32, #tpu.memory_space<vmem>> -> memref<400xi32, #tpu.memory_space<vmem>>
    %dma_wait3A_51 = arith.constant 0 : i32
    %dma_wait3A_52 = tpu.memref_slice %arg4[%dma_wait3A_51] : memref<320000xi32, #tpu.memory_space<hbm>> -> memref<400xi32, #tpu.memory_space<hbm>>
    %dma_wait3A_53 = arith.constant 0 : i32
    %dma_wait3A_54 = tpu.memref_slice %arg6[%dma_wait3A_47, %dma_wait3A_53] : memref<2x400xi32, #tpu.memory_space<vmem>> -> memref<1x400xi32, #tpu.memory_space<vmem>>
    %dma_wait3A_55 = tpu.memref_squeeze %dma_wait3A_54 : memref<1x400xi32, #tpu.memory_space<vmem>> -> memref<400xi32, #tpu.memory_space<vmem>>
    %dma_wait3A_56 = arith.constant 0 : i32
    %dma_wait3A_57 = tpu.memref_slice %arg4[%dma_wait3A_56] : memref<320000xi32, #tpu.memory_space<hbm>> -> memref<400xi32, #tpu.memory_space<hbm>>
    tpu.wait_dma2 semaphore(%arg11 : memref<!tpu.dma_semaphore, #tpu.memory_space<semaphore_mem>>) src(%dma_wait3A_57 : memref<400xi32, #tpu.memory_space<hbm>>) dst(%dma_wait3A_55 : memref<400xi32, #tpu.memory_space<vmem>>)
    %dma_wait3A_58 = arith.constant 0 : i32
    %dma_wait3A_59 = arith.constant 0 : i32
    %dma_wait3A_60 = tpu.memref_slice %arg6[%dma_wait3A_58, %dma_wait3A_59] : memref<2x400xi32, #tpu.memory_space<vmem>> -> memref<1x400xi32, #tpu.memory_space<vmem>>
    %dma_wait3A_61 = tpu.memref_squeeze %dma_wait3A_60 : memref<1x400xi32, #tpu.memory_space<vmem>> -> memref<400xi32, #tpu.memory_space<vmem>>
    %dma_wait3A_62 = arith.constant 0 : i32
    %dma_wait3A_63 = tpu.memref_slice %arg4[%dma_wait3A_62] : memref<320000xi32, #tpu.memory_space<hbm>> -> memref<400xi32, #tpu.memory_space<hbm>>
    %dma_wait3A_64 = arith.constant 0 : i32
    %dma_wait3A_65 = tpu.memref_slice %arg6[%dma_wait3A_58, %dma_wait3A_64] : memref<2x400xi32, #tpu.memory_space<vmem>> -> memref<1x400xi32, #tpu.memory_space<vmem>>
    %dma_wait3A_66 = tpu.memref_squeeze %dma_wait3A_65 : memref<1x400xi32, #tpu.memory_space<vmem>> -> memref<400xi32, #tpu.memory_space<vmem>>
    %dma_wait3A_67 = arith.constant 0 : i32
    %dma_wait3A_68 = tpu.memref_slice %arg4[%dma_wait3A_67] : memref<320000xi32, #tpu.memory_space<hbm>> -> memref<400xi32, #tpu.memory_space<hbm>>
    tpu.wait_dma2 semaphore(%arg12 : memref<!tpu.dma_semaphore, #tpu.memory_space<semaphore_mem>>) src(%dma_wait3A_68 : memref<400xi32, #tpu.memory_space<hbm>>) dst(%dma_wait3A_66 : memref<400xi32, #tpu.memory_space<vmem>>)
    %dma_wait3A_69 = arith.constant 0 : i32
    %dma_wait3A_70 = arith.constant 0 : i32
    %dma_wait3A_71 = tpu.memref_slice %arg6[%dma_wait3A_69, %dma_wait3A_70] : memref<2x400xi32, #tpu.memory_space<vmem>> -> memref<1x400xi32, #tpu.memory_space<vmem>>
    %dma_wait3A_72 = tpu.memref_squeeze %dma_wait3A_71 : memref<1x400xi32, #tpu.memory_space<vmem>> -> memref<400xi32, #tpu.memory_space<vmem>>
    %dma_wait3A_73 = arith.constant 0 : i32
    %dma_wait3A_74 = tpu.memref_slice %arg4[%dma_wait3A_73] : memref<320000xi32, #tpu.memory_space<hbm>> -> memref<400xi32, #tpu.memory_space<hbm>>
    %dma_wait3A_75 = arith.constant 0 : i32
    %dma_wait3A_76 = tpu.memref_slice %arg6[%dma_wait3A_69, %dma_wait3A_75] : memref<2x400xi32, #tpu.memory_space<vmem>> -> memref<1x400xi32, #tpu.memory_space<vmem>>
    %dma_wait3A_77 = tpu.memref_squeeze %dma_wait3A_76 : memref<1x400xi32, #tpu.memory_space<vmem>> -> memref<400xi32, #tpu.memory_space<vmem>>
    %dma_wait3A_78 = arith.constant 0 : i32
    %dma_wait3A_79 = tpu.memref_slice %arg4[%dma_wait3A_78] : memref<320000xi32, #tpu.memory_space<hbm>> -> memref<400xi32, #tpu.memory_space<hbm>>
    tpu.wait_dma2 semaphore(%arg13 : memref<!tpu.dma_semaphore, #tpu.memory_space<semaphore_mem>>) src(%dma_wait3A_79 : memref<400xi32, #tpu.memory_space<hbm>>) dst(%dma_wait3A_77 : memref<400xi32, #tpu.memory_space<vmem>>)
    %dma_wait3A_80 = arith.constant 0 : i32
    %dma_wait3A_81 = arith.constant 0 : i32
    %dma_wait3A_82 = tpu.memref_slice %arg6[%dma_wait3A_80, %dma_wait3A_81] : memref<2x400xi32, #tpu.memory_space<vmem>> -> memref<1x400xi32, #tpu.memory_space<vmem>>
    %dma_wait3A_83 = tpu.memref_squeeze %dma_wait3A_82 : memref<1x400xi32, #tpu.memory_space<vmem>> -> memref<400xi32, #tpu.memory_space<vmem>>
    %dma_wait3A_84 = arith.constant 0 : i32
    %dma_wait3A_85 = tpu.memref_slice %arg4[%dma_wait3A_84] : memref<320000xi32, #tpu.memory_space<hbm>> -> memref<400xi32, #tpu.memory_space<hbm>>
    %dma_wait3A_86 = arith.constant 0 : i32
    %dma_wait3A_87 = tpu.memref_slice %arg6[%dma_wait3A_80, %dma_wait3A_86] : memref<2x400xi32, #tpu.memory_space<vmem>> -> memref<1x400xi32, #tpu.memory_space<vmem>>
    %dma_wait3A_88 = tpu.memref_squeeze %dma_wait3A_87 : memref<1x400xi32, #tpu.memory_space<vmem>> -> memref<400xi32, #tpu.memory_space<vmem>>
    %dma_wait3A_89 = arith.constant 0 : i32
    %dma_wait3A_90 = tpu.memref_slice %arg4[%dma_wait3A_89] : memref<320000xi32, #tpu.memory_space<hbm>> -> memref<400xi32, #tpu.memory_space<hbm>>
    tpu.wait_dma2 semaphore(%arg14 : memref<!tpu.dma_semaphore, #tpu.memory_space<semaphore_mem>>) src(%dma_wait3A_90 : memref<400xi32, #tpu.memory_space<hbm>>) dst(%dma_wait3A_88 : memref<400xi32, #tpu.memory_space<vmem>>)
    %dma_wait3A_91 = arith.constant 0 : i32
    %dma_wait3A_92 = arith.constant 0 : i32
    %dma_wait3A_93 = tpu.memref_slice %arg6[%dma_wait3A_91, %dma_wait3A_92] : memref<2x400xi32, #tpu.memory_space<vmem>> -> memref<1x400xi32, #tpu.memory_space<vmem>>
    %dma_wait3A_94 = tpu.memref_squeeze %dma_wait3A_93 : memref<1x400xi32, #tpu.memory_space<vmem>> -> memref<400xi32, #tpu.memory_space<vmem>>
    %dma_wait3A_95 = arith.constant 0 : i32
    %dma_wait3A_96 = tpu.memref_slice %arg4[%dma_wait3A_95] : memref<320000xi32, #tpu.memory_space<hbm>> -> memref<400xi32, #tpu.memory_space<hbm>>
    %dma_wait3A_97 = arith.constant 0 : i32
    %dma_wait3A_98 = tpu.memref_slice %arg6[%dma_wait3A_91, %dma_wait3A_97] : memref<2x400xi32, #tpu.memory_space<vmem>> -> memref<1x400xi32, #tpu.memory_space<vmem>>
    %dma_wait3A_99 = tpu.memref_squeeze %dma_wait3A_98 : memref<1x400xi32, #tpu.memory_space<vmem>> -> memref<400xi32, #tpu.memory_space<vmem>>
    %dma_wait3A_100 = arith.constant 0 : i32
    %dma_wait3A_101 = tpu.memref_slice %arg4[%dma_wait3A_100] : memref<320000xi32, #tpu.memory_space<hbm>> -> memref<400xi32, #tpu.memory_space<hbm>>
    tpu.wait_dma2 semaphore(%arg15 : memref<!tpu.dma_semaphore, #tpu.memory_space<semaphore_mem>>) src(%dma_wait3A_101 : memref<400xi32, #tpu.memory_space<hbm>>) dst(%dma_wait3A_99 : memref<400xi32, #tpu.memory_space<vmem>>)
    %dma_wait3A_102 = arith.constant 0 : i32
    %dma_wait3A_103 = arith.constant 0 : i32
    %dma_wait3A_104 = tpu.memref_slice %arg6[%dma_wait3A_102, %dma_wait3A_103] : memref<2x400xi32, #tpu.memory_space<vmem>> -> memref<1x400xi32, #tpu.memory_space<vmem>>
    %dma_wait3A_105 = tpu.memref_squeeze %dma_wait3A_104 : memref<1x400xi32, #tpu.memory_space<vmem>> -> memref<400xi32, #tpu.memory_space<vmem>>
    %dma_wait3A_106 = arith.constant 0 : i32
    %dma_wait3A_107 = tpu.memref_slice %arg4[%dma_wait3A_106] : memref<320000xi32, #tpu.memory_space<hbm>> -> memref<400xi32, #tpu.memory_space<hbm>>
    %dma_wait3A_108 = arith.constant 0 : i32
    %dma_wait3A_109 = tpu.memref_slice %arg6[%dma_wait3A_102, %dma_wait3A_108] : memref<2x400xi32, #tpu.memory_space<vmem>> -> memref<1x400xi32, #tpu.memory_space<vmem>>
    %dma_wait3A_110 = tpu.memref_squeeze %dma_wait3A_109 : memref<1x400xi32, #tpu.memory_space<vmem>> -> memref<400xi32, #tpu.memory_space<vmem>>
    %dma_wait3A_111 = arith.constant 0 : i32
    %dma_wait3A_112 = tpu.memref_slice %arg4[%dma_wait3A_111] : memref<320000xi32, #tpu.memory_space<hbm>> -> memref<400xi32, #tpu.memory_space<hbm>>
    tpu.wait_dma2 semaphore(%arg16 : memref<!tpu.dma_semaphore, #tpu.memory_space<semaphore_mem>>) src(%dma_wait3A_112 : memref<400xi32, #tpu.memory_space<hbm>>) dst(%dma_wait3A_110 : memref<400xi32, #tpu.memory_space<vmem>>)
    %dma_wait3A_113 = arith.constant 0 : i32
    %dma_wait3A_114 = arith.constant 0 : i32
    %dma_wait3A_115 = tpu.memref_slice %arg6[%dma_wait3A_113, %dma_wait3A_114] : memref<2x400xi32, #tpu.memory_space<vmem>> -> memref<1x400xi32, #tpu.memory_space<vmem>>
    %dma_wait3A_116 = tpu.memref_squeeze %dma_wait3A_115 : memref<1x400xi32, #tpu.memory_space<vmem>> -> memref<400xi32, #tpu.memory_space<vmem>>
    %dma_wait3A_117 = arith.constant 0 : i32
    %dma_wait3A_118 = tpu.memref_slice %arg4[%dma_wait3A_117] : memref<320000xi32, #tpu.memory_space<hbm>> -> memref<400xi32, #tpu.memory_space<hbm>>
    %dma_wait3A_119 = arith.constant 0 : i32
    %dma_wait3A_120 = tpu.memref_slice %arg6[%dma_wait3A_113, %dma_wait3A_119] : memref<2x400xi32, #tpu.memory_space<vmem>> -> memref<1x400xi32, #tpu.memory_space<vmem>>
    %dma_wait3A_121 = tpu.memref_squeeze %dma_wait3A_120 : memref<1x400xi32, #tpu.memory_space<vmem>> -> memref<400xi32, #tpu.memory_space<vmem>>
    %dma_wait3A_122 = arith.constant 0 : i32
    %dma_wait3A_123 = tpu.memref_slice %arg4[%dma_wait3A_122] : memref<320000xi32, #tpu.memory_space<hbm>> -> memref<400xi32, #tpu.memory_space<hbm>>
    tpu.wait_dma2 semaphore(%arg17 : memref<!tpu.dma_semaphore, #tpu.memory_space<semaphore_mem>>) src(%dma_wait3A_123 : memref<400xi32, #tpu.memory_space<hbm>>) dst(%dma_wait3A_121 : memref<400xi32, #tpu.memory_space<vmem>>)
    %mul3A_124 = arith.constant 624 : i32
    %mul3A_125 = arith.muli %arg1, %mul3A_124 : i32
    %multiple_of3A = tpu.assume_multiple %mul3A_125, 8 : i32
    %add3A_126 = arith.constant 0 : i32
    %add3A_127 = arith.addi %multiple_of3A, %add3A_126 : i32
    %run_scoped3A = arith.constant 0 : i32
    "tpu.region"() ({
      %run_scoped3A_277 = tpu.sem_alloc : memref<!tpu.dma_semaphore, #tpu.memory_space<semaphore_mem>>
      %dma_start3A_278 = arith.constant 0 : i32
      %dma_start3A_279 = arith.constant 0 : i32
      %dma_start3A_280 = tpu.memref_slice %arg8[%run_scoped3A, %dma_start3A_278, %dma_start3A_279] : memref<2x400x128xbf16, #tpu.memory_space<vmem>> -> memref<1x400x128xbf16, #tpu.memory_space<vmem>>
      %dma_start3A_281 = tpu.memref_squeeze %dma_start3A_280 : memref<1x400x128xbf16, #tpu.memory_space<vmem>> -> memref<400x128xbf16, #tpu.memory_space<vmem>>
      %dma_start3A_282 = arith.constant 0 : i32
      %dma_start3A_283 = tpu.memref_slice %arg9[%add3A_127, %dma_start3A_282] : memref<10000x128xbf16, #tpu.memory_space<vmem_shared>> -> memref<400x128xbf16, #tpu.memory_space<vmem_shared>>
      %dma_start3A_284 = arith.constant 0 : i32
      %dma_start3A_285 = tpu.memref_slice %arg9[%add3A_127, %dma_start3A_284] : memref<10000x128xbf16, #tpu.memory_space<vmem_shared>> -> memref<400x128xbf16, #tpu.memory_space<vmem_shared>>
      %dma_start3A_286 = arith.constant 0 : i32
      %dma_start3A_287 = arith.constant 0 : i32
      %dma_start3A_288 = tpu.memref_slice %arg8[%run_scoped3A, %dma_start3A_286, %dma_start3A_287] : memref<2x400x128xbf16, #tpu.memory_space<vmem>> -> memref<1x400x128xbf16, #tpu.memory_space<vmem>>
      %dma_start3A_289 = tpu.memref_squeeze %dma_start3A_288 : memref<1x400x128xbf16, #tpu.memory_space<vmem>> -> memref<400x128xbf16, #tpu.memory_space<vmem>>
      tpu.enqueue_dma source(%dma_start3A_289 : memref<400x128xbf16, #tpu.memory_space<vmem>>) target(%dma_start3A_285 : memref<400x128xbf16, #tpu.memory_space<vmem_shared>>) target_semaphore(%run_scoped3A_277 : memref<!tpu.dma_semaphore, #tpu.memory_space<semaphore_mem>>)
      %dma_wait3A_290 = arith.constant 0 : i32
      %dma_wait3A_291 = arith.constant 0 : i32
      %dma_wait3A_292 = tpu.memref_slice %arg8[%run_scoped3A, %dma_wait3A_290, %dma_wait3A_291] : memref<2x400x128xbf16, #tpu.memory_space<vmem>> -> memref<1x400x128xbf16, #tpu.memory_space<vmem>>
      %dma_wait3A_293 = tpu.memref_squeeze %dma_wait3A_292 : memref<1x400x128xbf16, #tpu.memory_space<vmem>> -> memref<400x128xbf16, #tpu.memory_space<vmem>>
      %dma_wait3A_294 = arith.constant 0 : i32
      %dma_wait3A_295 = tpu.memref_slice %arg9[%add3A_127, %dma_wait3A_294] : memref<10000x128xbf16, #tpu.memory_space<vmem_shared>> -> memref<400x128xbf16, #tpu.memory_space<vmem_shared>>
      %dma_wait3A_296 = arith.constant 0 : i32
      %dma_wait3A_297 = tpu.memref_slice %arg9[%add3A_127, %dma_wait3A_296] : memref<10000x128xbf16, #tpu.memory_space<vmem_shared>> -> memref<400x128xbf16, #tpu.memory_space<vmem_shared>>
      %dma_wait3A_298 = arith.constant 0 : i32
      %dma_wait3A_299 = arith.constant 0 : i32
      %dma_wait3A_300 = tpu.memref_slice %arg8[%run_scoped3A, %dma_wait3A_298, %dma_wait3A_299] : memref<2x400x128xbf16, #tpu.memory_space<vmem>> -> memref<1x400x128xbf16, #tpu.memory_space<vmem>>
      %dma_wait3A_301 = tpu.memref_squeeze %dma_wait3A_300 : memref<1x400x128xbf16, #tpu.memory_space<vmem>> -> memref<400x128xbf16, #tpu.memory_space<vmem>>
      tpu.wait_dma2 semaphore(%run_scoped3A_277 : memref<!tpu.dma_semaphore, #tpu.memory_space<semaphore_mem>>) src(%dma_wait3A_301 : memref<400x128xbf16, #tpu.memory_space<vmem>>) dst(%dma_wait3A_297 : memref<400x128xbf16, #tpu.memory_space<vmem_shared>>)
      tpu.yield
    }) : () -> ()
    %add3A_128 = arith.constant 400 : i32
    %add3A_129 = arith.addi %multiple_of3A, %add3A_128 : i32
    %run_scoped3A_130 = arith.constant 0 : i32
    "tpu.region"() ({
      %run_scoped3A_277 = tpu.sem_alloc : memref<!tpu.dma_semaphore, #tpu.memory_space<semaphore_mem>>
      %dma_start3A_278 = arith.constant 0 : i32
      %dma_start3A_279 = arith.constant 0 : i32
      %dma_start3A_280 = tpu.memref_slice %arg8[%run_scoped3A_130, %dma_start3A_278, %dma_start3A_279] : memref<2x400x128xbf16, #tpu.memory_space<vmem>> -> memref<1x224x128xbf16, #tpu.memory_space<vmem>>
      %dma_start3A_281 = tpu.memref_squeeze %dma_start3A_280 : memref<1x224x128xbf16, #tpu.memory_space<vmem>> -> memref<224x128xbf16, #tpu.memory_space<vmem>>
      %dma_start3A_282 = arith.constant 0 : i32
      %dma_start3A_283 = tpu.memref_slice %arg9[%add3A_129, %dma_start3A_282] : memref<10000x128xbf16, #tpu.memory_space<vmem_shared>> -> memref<224x128xbf16, #tpu.memory_space<vmem_shared>>
      %dma_start3A_284 = arith.constant 0 : i32
      %dma_start3A_285 = tpu.memref_slice %arg9[%add3A_129, %dma_start3A_284] : memref<10000x128xbf16, #tpu.memory_space<vmem_shared>> -> memref<224x128xbf16, #tpu.memory_space<vmem_shared>>
      %dma_start3A_286 = arith.constant 0 : i32
      %dma_start3A_287 = arith.constant 0 : i32
      %dma_start3A_288 = tpu.memref_slice %arg8[%run_scoped3A_130, %dma_start3A_286, %dma_start3A_287] : memref<2x400x128xbf16, #tpu.memory_space<vmem>> -> memref<1x224x128xbf16, #tpu.memory_space<vmem>>
      %dma_start3A_289 = tpu.memref_squeeze %dma_start3A_288 : memref<1x224x128xbf16, #tpu.memory_space<vmem>> -> memref<224x128xbf16, #tpu.memory_space<vmem>>
      tpu.enqueue_dma source(%dma_start3A_289 : memref<224x128xbf16, #tpu.memory_space<vmem>>) target(%dma_start3A_285 : memref<224x128xbf16, #tpu.memory_space<vmem_shared>>) target_semaphore(%run_scoped3A_277 : memref<!tpu.dma_semaphore, #tpu.memory_space<semaphore_mem>>)
      %dma_wait3A_290 = arith.constant 0 : i32
      %dma_wait3A_291 = arith.constant 0 : i32
      %dma_wait3A_292 = tpu.memref_slice %arg8[%run_scoped3A_130, %dma_wait3A_290, %dma_wait3A_291] : memref<2x400x128xbf16, #tpu.memory_space<vmem>> -> memref<1x224x128xbf16, #tpu.memory_space<vmem>>
      %dma_wait3A_293 = tpu.memref_squeeze %dma_wait3A_292 : memref<1x224x128xbf16, #tpu.memory_space<vmem>> -> memref<224x128xbf16, #tpu.memory_space<vmem>>
      %dma_wait3A_294 = arith.constant 0 : i32
      %dma_wait3A_295 = tpu.memref_slice %arg9[%add3A_129, %dma_wait3A_294] : memref<10000x128xbf16, #tpu.memory_space<vmem_shared>> -> memref<224x128xbf16, #tpu.memory_space<vmem_shared>>
      %dma_wait3A_296 = arith.constant 0 : i32
      %dma_wait3A_297 = tpu.memref_slice %arg9[%add3A_129, %dma_wait3A_296] : memref<10000x128xbf16, #tpu.memory_space<vmem_shared>> -> memref<224x128xbf16, #tpu.memory_space<vmem_shared>>
      %dma_wait3A_298 = arith.constant 0 : i32
      %dma_wait3A_299 = arith.constant 0 : i32
      %dma_wait3A_300 = tpu.memref_slice %arg8[%run_scoped3A_130, %dma_wait3A_298, %dma_wait3A_299] : memref<2x400x128xbf16, #tpu.memory_space<vmem>> -> memref<1x224x128xbf16, #tpu.memory_space<vmem>>
      %dma_wait3A_301 = tpu.memref_squeeze %dma_wait3A_300 : memref<1x224x128xbf16, #tpu.memory_space<vmem>> -> memref<224x128xbf16, #tpu.memory_space<vmem>>
      tpu.wait_dma2 semaphore(%run_scoped3A_277 : memref<!tpu.dma_semaphore, #tpu.memory_space<semaphore_mem>>) src(%dma_wait3A_301 : memref<224x128xbf16, #tpu.memory_space<vmem>>) dst(%dma_wait3A_297 : memref<224x128xbf16, #tpu.memory_space<vmem_shared>>)
      tpu.yield
    }) : () -> ()
    %eq3A = arith.constant 15 : i32
    %eq3A_131 = arith.cmpi eq, %arg1, %eq3A : i32
    %convert_element_type3A = arith.extui %eq3A_131 : i1 to i32
    %cond3A = arith.constant 0 : i32
    %cond3A_132 = arith.cmpi ne, %convert_element_type3A, %cond3A : i32
    scf.if %cond3A_132 {
      %run_scoped3A_277 = arith.constant 0 : i32
      "tpu.region"() ({
        %run_scoped3A_278 = tpu.sem_alloc : memref<!tpu.dma_semaphore, #tpu.memory_space<semaphore_mem>>
        %dma_start3A_279 = arith.constant 0 : i32
        %dma_start3A_280 = arith.constant 0 : i32
        %dma_start3A_281 = tpu.memref_slice %arg8[%run_scoped3A_277, %dma_start3A_279, %dma_start3A_280] : memref<2x400x128xbf16, #tpu.memory_space<vmem>> -> memref<1x16x128xbf16, #tpu.memory_space<vmem>>
        %dma_start3A_282 = tpu.memref_squeeze %dma_start3A_281 : memref<1x16x128xbf16, #tpu.memory_space<vmem>> -> memref<16x128xbf16, #tpu.memory_space<vmem>>
        %dma_start3A_283 = arith.constant 9984 : i32
        %dma_start3A_284 = arith.constant 0 : i32
        %dma_start3A_285 = tpu.memref_slice %arg9[%dma_start3A_283, %dma_start3A_284] : memref<10000x128xbf16, #tpu.memory_space<vmem_shared>> -> memref<16x128xbf16, #tpu.memory_space<vmem_shared>>
        %dma_start3A_286 = arith.constant 9984 : i32
        %dma_start3A_287 = arith.constant 0 : i32
        %dma_start3A_288 = tpu.memref_slice %arg9[%dma_start3A_286, %dma_start3A_287] : memref<10000x128xbf16, #tpu.memory_space<vmem_shared>> -> memref<16x128xbf16, #tpu.memory_space<vmem_shared>>
        %dma_start3A_289 = arith.constant 0 : i32
        %dma_start3A_290 = arith.constant 0 : i32
        %dma_start3A_291 = tpu.memref_slice %arg8[%run_scoped3A_277, %dma_start3A_289, %dma_start3A_290] : memref<2x400x128xbf16, #tpu.memory_space<vmem>> -> memref<1x16x128xbf16, #tpu.memory_space<vmem>>
        %dma_start3A_292 = tpu.memref_squeeze %dma_start3A_291 : memref<1x16x128xbf16, #tpu.memory_space<vmem>> -> memref<16x128xbf16, #tpu.memory_space<vmem>>
        tpu.enqueue_dma source(%dma_start3A_292 : memref<16x128xbf16, #tpu.memory_space<vmem>>) target(%dma_start3A_288 : memref<16x128xbf16, #tpu.memory_space<vmem_shared>>) target_semaphore(%run_scoped3A_278 : memref<!tpu.dma_semaphore, #tpu.memory_space<semaphore_mem>>)
        %dma_wait3A_293 = arith.constant 0 : i32
        %dma_wait3A_294 = arith.constant 0 : i32
        %dma_wait3A_295 = tpu.memref_slice %arg8[%run_scoped3A_277, %dma_wait3A_293, %dma_wait3A_294] : memref<2x400x128xbf16, #tpu.memory_space<vmem>> -> memref<1x16x128xbf16, #tpu.memory_space<vmem>>
        %dma_wait3A_296 = tpu.memref_squeeze %dma_wait3A_295 : memref<1x16x128xbf16, #tpu.memory_space<vmem>> -> memref<16x128xbf16, #tpu.memory_space<vmem>>
        %dma_wait3A_297 = arith.constant 9984 : i32
        %dma_wait3A_298 = arith.constant 0 : i32
        %dma_wait3A_299 = tpu.memref_slice %arg9[%dma_wait3A_297, %dma_wait3A_298] : memref<10000x128xbf16, #tpu.memory_space<vmem_shared>> -> memref<16x128xbf16, #tpu.memory_space<vmem_shared>>
        %dma_wait3A_300 = arith.constant 9984 : i32
        %dma_wait3A_301 = arith.constant 0 : i32
        %dma_wait3A_302 = tpu.memref_slice %arg9[%dma_wait3A_300, %dma_wait3A_301] : memref<10000x128xbf16, #tpu.memory_space<vmem_shared>> -> memref<16x128xbf16, #tpu.memory_space<vmem_shared>>
        %dma_wait3A_303 = arith.constant 0 : i32
        %dma_wait3A_304 = arith.constant 0 : i32
        %dma_wait3A_305 = tpu.memref_slice %arg8[%run_scoped3A_277, %dma_wait3A_303, %dma_wait3A_304] : memref<2x400x128xbf16, #tpu.memory_space<vmem>> -> memref<1x16x128xbf16, #tpu.memory_space<vmem>>
        %dma_wait3A_306 = tpu.memref_squeeze %dma_wait3A_305 : memref<1x16x128xbf16, #tpu.memory_space<vmem>> -> memref<16x128xbf16, #tpu.memory_space<vmem>>
        tpu.wait_dma2 semaphore(%run_scoped3A_278 : memref<!tpu.dma_semaphore, #tpu.memory_space<semaphore_mem>>) src(%dma_wait3A_306 : memref<16x128xbf16, #tpu.memory_space<vmem>>) dst(%dma_wait3A_302 : memref<16x128xbf16, #tpu.memory_space<vmem_shared>>)
        tpu.yield
      }) : () -> ()
    } else {
    }
    %add3A_133 = arith.constant 0 : i32
    %add3A_134 = arith.addi %mul3A_2, %add3A_133 : i32
    %dma_start3A_135 = arith.constant 0 : i32
    %dma_start3A_136 = arith.constant 0 : i32
    %dma_start3A_137 = tpu.memref_slice %arg6[%dma_start3A_135, %dma_start3A_136] : memref<2x400xi32, #tpu.memory_space<vmem>> -> memref<1x400xi32, #tpu.memory_space<vmem>>
    %dma_start3A_138 = tpu.memref_squeeze %dma_start3A_137 : memref<1x400xi32, #tpu.memory_space<vmem>> -> memref<400xi32, #tpu.memory_space<vmem>>
    %dma_start3A_139 = tpu.memref_slice %arg3[%add3A_134] : memref<320000xi32, #tpu.memory_space<hbm>> -> memref<400xi32, #tpu.memory_space<hbm>>
    %dma_start3A_140 = arith.constant 0 : i32
    %dma_start3A_141 = tpu.memref_slice %arg6[%dma_start3A_135, %dma_start3A_140] : memref<2x400xi32, #tpu.memory_space<vmem>> -> memref<1x400xi32, #tpu.memory_space<vmem>>
    %dma_start3A_142 = tpu.memref_squeeze %dma_start3A_141 : memref<1x400xi32, #tpu.memory_space<vmem>> -> memref<400xi32, #tpu.memory_space<vmem>>
    %dma_start3A_143 = tpu.memref_slice %arg3[%add3A_134] : memref<320000xi32, #tpu.memory_space<hbm>> -> memref<400xi32, #tpu.memory_space<hbm>>
    tpu.enqueue_dma source(%dma_start3A_143 : memref<400xi32, #tpu.memory_space<hbm>>) target(%dma_start3A_142 : memref<400xi32, #tpu.memory_space<vmem>>) target_semaphore(%arg12 : memref<!tpu.dma_semaphore, #tpu.memory_space<semaphore_mem>>)
    %add3A_144 = arith.constant 400 : i32
    %add3A_145 = arith.addi %mul3A_2, %add3A_144 : i32
    %dma_start3A_146 = arith.constant 1 : i32
    %dma_start3A_147 = arith.constant 0 : i32
    %dma_start3A_148 = tpu.memref_slice %arg6[%dma_start3A_146, %dma_start3A_147] : memref<2x400xi32, #tpu.memory_space<vmem>> -> memref<1x400xi32, #tpu.memory_space<vmem>>
    %dma_start3A_149 = tpu.memref_squeeze %dma_start3A_148 : memref<1x400xi32, #tpu.memory_space<vmem>> -> memref<400xi32, #tpu.memory_space<vmem>>
    %dma_start3A_150 = tpu.memref_slice %arg3[%add3A_145] : memref<320000xi32, #tpu.memory_space<hbm>> -> memref<400xi32, #tpu.memory_space<hbm>>
    %dma_start3A_151 = arith.constant 0 : i32
    %dma_start3A_152 = tpu.memref_slice %arg6[%dma_start3A_146, %dma_start3A_151] : memref<2x400xi32, #tpu.memory_space<vmem>> -> memref<1x400xi32, #tpu.memory_space<vmem>>
    %dma_start3A_153 = tpu.memref_squeeze %dma_start3A_152 : memref<1x400xi32, #tpu.memory_space<vmem>> -> memref<400xi32, #tpu.memory_space<vmem>>
    %dma_start3A_154 = tpu.memref_slice %arg3[%add3A_145] : memref<320000xi32, #tpu.memory_space<hbm>> -> memref<400xi32, #tpu.memory_space<hbm>>
    tpu.enqueue_dma source(%dma_start3A_154 : memref<400xi32, #tpu.memory_space<hbm>>) target(%dma_start3A_153 : memref<400xi32, #tpu.memory_space<vmem>>) target_semaphore(%arg13 : memref<!tpu.dma_semaphore, #tpu.memory_space<semaphore_mem>>)
    %dma_wait3A_155 = arith.constant 0 : i32
    %dma_wait3A_156 = arith.constant 0 : i32
    %dma_wait3A_157 = tpu.memref_slice %arg6[%dma_wait3A_155, %dma_wait3A_156] : memref<2x400xi32, #tpu.memory_space<vmem>> -> memref<1x400xi32, #tpu.memory_space<vmem>>
    %dma_wait3A_158 = tpu.memref_squeeze %dma_wait3A_157 : memref<1x400xi32, #tpu.memory_space<vmem>> -> memref<400xi32, #tpu.memory_space<vmem>>
    %dma_wait3A_159 = arith.constant 0 : i32
    %dma_wait3A_160 = tpu.memref_slice %arg4[%dma_wait3A_159] : memref<320000xi32, #tpu.memory_space<hbm>> -> memref<400xi32, #tpu.memory_space<hbm>>
    %dma_wait3A_161 = arith.constant 0 : i32
    %dma_wait3A_162 = tpu.memref_slice %arg6[%dma_wait3A_155, %dma_wait3A_161] : memref<2x400xi32, #tpu.memory_space<vmem>> -> memref<1x400xi32, #tpu.memory_space<vmem>>
    %dma_wait3A_163 = tpu.memref_squeeze %dma_wait3A_162 : memref<1x400xi32, #tpu.memory_space<vmem>> -> memref<400xi32, #tpu.memory_space<vmem>>
    %dma_wait3A_164 = arith.constant 0 : i32
    %dma_wait3A_165 = tpu.memref_slice %arg4[%dma_wait3A_164] : memref<320000xi32, #tpu.memory_space<hbm>> -> memref<400xi32, #tpu.memory_space<hbm>>
    tpu.wait_dma2 semaphore(%arg12 : memref<!tpu.dma_semaphore, #tpu.memory_space<semaphore_mem>>) src(%dma_wait3A_165 : memref<400xi32, #tpu.memory_space<hbm>>) dst(%dma_wait3A_163 : memref<400xi32, #tpu.memory_space<vmem>>)
    %dma_start3A_166 = arith.constant 0 : i32
    %dma_start3A_167 = arith.constant 0 : i32
    %dma_start3A_168 = arith.constant 0 : i32
    %dma_start3A_169 = arith.constant 0 : i32
    %dma_start3A_170 = tpu.memref_slice %arg8[%dma_start3A_167, %dma_start3A_168, %dma_start3A_169] : memref<2x400x128xbf16, #tpu.memory_space<vmem>> -> memref<1x400x128xbf16, #tpu.memory_space<vmem>>
    %dma_start3A_171 = tpu.memref_squeeze %dma_start3A_170 : memref<1x400x128xbf16, #tpu.memory_space<vmem>> -> memref<400x128xbf16, #tpu.memory_space<vmem>>
    %dma_start3A_172 = arith.constant 0 : i32
    %dma_start3A_173 = tpu.memref_slice %arg6[%dma_start3A_166, %dma_start3A_172] : memref<2x400xi32, #tpu.memory_space<vmem>> -> memref<1x400xi32, #tpu.memory_space<vmem>>
    %dma_start3A_174 = tpu.memref_squeeze %dma_start3A_173 : memref<1x400xi32, #tpu.memory_space<vmem>> -> memref<400xi32, #tpu.memory_space<vmem>>
    %dma_start3A_175 = arith.constant 0 : i32
    %dma_start3A_176 = arith.constant 0 : i32
    %dma_start3A_177 = tpu.memref_slice %arg2[%dma_start3A_175, %dma_start3A_176] : memref<10000x128xbf16, #tpu.memory_space<hbm>> -> memref<10000x128xbf16, #tpu.memory_space<hbm>>
    tpu.enqueue_indirect_dma source(%dma_start3A_177 : memref<10000x128xbf16, #tpu.memory_space<hbm>>) target(%dma_start3A_171 : memref<400x128xbf16, #tpu.memory_space<vmem>>) offsets(%dma_start3A_174 : memref<400xi32, #tpu.memory_space<vmem>>) semaphore(%arg10 : memref<!tpu.dma_semaphore, #tpu.memory_space<semaphore_mem>>)
    %barrier3A = arith.constant 0 : index
    tpu.barrier barrier_id(%barrier3A)
    %dma_wait3A_178 = arith.constant 0 : i32
    %dma_wait3A_179 = arith.constant 0 : i32
    %dma_wait3A_180 = tpu.memref_slice %arg6[%dma_wait3A_178, %dma_wait3A_179] : memref<2x400xi32, #tpu.memory_space<vmem>> -> memref<1x400xi32, #tpu.memory_space<vmem>>
    %dma_wait3A_181 = tpu.memref_squeeze %dma_wait3A_180 : memref<1x400xi32, #tpu.memory_space<vmem>> -> memref<400xi32, #tpu.memory_space<vmem>>
    %dma_wait3A_182 = arith.constant 0 : i32
    %dma_wait3A_183 = tpu.memref_slice %arg4[%dma_wait3A_182] : memref<320000xi32, #tpu.memory_space<hbm>> -> memref<400xi32, #tpu.memory_space<hbm>>
    %dma_wait3A_184 = arith.constant 0 : i32
    %dma_wait3A_185 = tpu.memref_slice %arg6[%dma_wait3A_178, %dma_wait3A_184] : memref<2x400xi32, #tpu.memory_space<vmem>> -> memref<1x400xi32, #tpu.memory_space<vmem>>
    %dma_wait3A_186 = tpu.memref_squeeze %dma_wait3A_185 : memref<1x400xi32, #tpu.memory_space<vmem>> -> memref<400xi32, #tpu.memory_space<vmem>>
    %dma_wait3A_187 = arith.constant 0 : i32
    %dma_wait3A_188 = tpu.memref_slice %arg4[%dma_wait3A_187] : memref<320000xi32, #tpu.memory_space<hbm>> -> memref<400xi32, #tpu.memory_space<hbm>>
    tpu.wait_dma2 semaphore(%arg13 : memref<!tpu.dma_semaphore, #tpu.memory_space<semaphore_mem>>) src(%dma_wait3A_188 : memref<400xi32, #tpu.memory_space<hbm>>) dst(%dma_wait3A_186 : memref<400xi32, #tpu.memory_space<vmem>>)
    %dma_start3A_189 = arith.constant 1 : i32
    %dma_start3A_190 = arith.constant 1 : i32
    %dma_start3A_191 = arith.constant 0 : i32
    %dma_start3A_192 = arith.constant 0 : i32
    %dma_start3A_193 = tpu.memref_slice %arg8[%dma_start3A_190, %dma_start3A_191, %dma_start3A_192] : memref<2x400x128xbf16, #tpu.memory_space<vmem>> -> memref<1x400x128xbf16, #tpu.memory_space<vmem>>
    %dma_start3A_194 = tpu.memref_squeeze %dma_start3A_193 : memref<1x400x128xbf16, #tpu.memory_space<vmem>> -> memref<400x128xbf16, #tpu.memory_space<vmem>>
    %dma_start3A_195 = arith.constant 0 : i32
    %dma_start3A_196 = tpu.memref_slice %arg6[%dma_start3A_189, %dma_start3A_195] : memref<2x400xi32, #tpu.memory_space<vmem>> -> memref<1x400xi32, #tpu.memory_space<vmem>>
    %dma_start3A_197 = tpu.memref_squeeze %dma_start3A_196 : memref<1x400xi32, #tpu.memory_space<vmem>> -> memref<400xi32, #tpu.memory_space<vmem>>
    %dma_start3A_198 = arith.constant 0 : i32
    %dma_start3A_199 = arith.constant 0 : i32
    %dma_start3A_200 = tpu.memref_slice %arg2[%dma_start3A_198, %dma_start3A_199] : memref<10000x128xbf16, #tpu.memory_space<hbm>> -> memref<10000x128xbf16, #tpu.memory_space<hbm>>
    tpu.enqueue_indirect_dma source(%dma_start3A_200 : memref<10000x128xbf16, #tpu.memory_space<hbm>>) target(%dma_start3A_194 : memref<400x128xbf16, #tpu.memory_space<vmem>>) offsets(%dma_start3A_197 : memref<400xi32, #tpu.memory_space<vmem>>) semaphore(%arg11 : memref<!tpu.dma_semaphore, #tpu.memory_space<semaphore_mem>>)
    %dma_wait3A_201 = arith.constant 0 : i32
    %dma_wait3A_202 = arith.constant 0 : i32
    %dma_wait3A_203 = arith.constant 0 : i32
    %dma_wait3A_204 = arith.constant 0 : i32
    %dma_wait3A_205 = tpu.memref_slice %arg8[%dma_wait3A_202, %dma_wait3A_203, %dma_wait3A_204] : memref<2x400x128xbf16, #tpu.memory_space<vmem>> -> memref<1x400x128xbf16, #tpu.memory_space<vmem>>
    %dma_wait3A_206 = tpu.memref_squeeze %dma_wait3A_205 : memref<1x400x128xbf16, #tpu.memory_space<vmem>> -> memref<400x128xbf16, #tpu.memory_space<vmem>>
    %dma_wait3A_207 = arith.constant 0 : i32
    %dma_wait3A_208 = tpu.memref_slice %arg6[%dma_wait3A_201, %dma_wait3A_207] : memref<2x400xi32, #tpu.memory_space<vmem>> -> memref<1x400xi32, #tpu.memory_space<vmem>>
    %dma_wait3A_209 = tpu.memref_squeeze %dma_wait3A_208 : memref<1x400xi32, #tpu.memory_space<vmem>> -> memref<400xi32, #tpu.memory_space<vmem>>
    %dma_wait3A_210 = arith.constant 0 : i32
    %dma_wait3A_211 = arith.constant 0 : i32
    %dma_wait3A_212 = tpu.memref_slice %arg2[%dma_wait3A_210, %dma_wait3A_211] : memref<10000x128xbf16, #tpu.memory_space<hbm>> -> memref<10000x128xbf16, #tpu.memory_space<hbm>>
    tpu.wait_indirect_dma semaphore(%arg10 : memref<!tpu.dma_semaphore, #tpu.memory_space<semaphore_mem>>) src(%dma_wait3A_212 : memref<10000x128xbf16, #tpu.memory_space<hbm>>) dst(%dma_wait3A_206 : memref<400x128xbf16, #tpu.memory_space<vmem>>)
    %dma_start3A_213 = arith.constant 0 : i32
    %dma_start3A_214 = arith.constant 0 : i32
    %dma_start3A_215 = arith.constant 0 : i32
    %dma_start3A_216 = arith.constant 0 : i32
    %dma_start3A_217 = tpu.memref_slice %arg8[%dma_start3A_213, %dma_start3A_215, %dma_start3A_216] : memref<2x400x128xbf16, #tpu.memory_space<vmem>> -> memref<1x400x128xbf16, #tpu.memory_space<vmem>>
    %dma_start3A_218 = tpu.memref_squeeze %dma_start3A_217 : memref<1x400x128xbf16, #tpu.memory_space<vmem>> -> memref<400x128xbf16, #tpu.memory_space<vmem>>
    %dma_start3A_219 = arith.constant 0 : i32
    %dma_start3A_220 = tpu.memref_slice %arg7[%dma_start3A_214, %dma_start3A_219] : memref<25x400xi32, #tpu.memory_space<vmem>> -> memref<1x400xi32, #tpu.memory_space<vmem>>
    %dma_start3A_221 = tpu.memref_squeeze %dma_start3A_220 : memref<1x400xi32, #tpu.memory_space<vmem>> -> memref<400xi32, #tpu.memory_space<vmem>>
    %dma_start3A_222 = arith.constant 0 : i32
    %dma_start3A_223 = arith.constant 0 : i32
    %dma_start3A_224 = tpu.memref_slice %arg9[%dma_start3A_222, %dma_start3A_223] : memref<10000x128xbf16, #tpu.memory_space<vmem_shared>> -> memref<10000x128xbf16, #tpu.memory_space<vmem_shared>>
    tpu.enqueue_indirect_dma source(%dma_start3A_218 : memref<400x128xbf16, #tpu.memory_space<vmem>>) target(%dma_start3A_224 : memref<10000x128xbf16, #tpu.memory_space<vmem_shared>>) offsets(%dma_start3A_221 : memref<400xi32, #tpu.memory_space<vmem>>) semaphore(%arg14 : memref<!tpu.dma_semaphore, #tpu.memory_space<semaphore_mem>>) {add = true}
    %add3A_225 = arith.constant 800 : i32
    %add3A_226 = arith.addi %mul3A_2, %add3A_225 : i32
    %dma_start3A_227 = arith.constant 0 : i32
    %dma_start3A_228 = arith.constant 0 : i32
    %dma_start3A_229 = tpu.memref_slice %arg6[%dma_start3A_227, %dma_start3A_228] : memref<2x400xi32, #tpu.memory_space<vmem>> -> memref<1x400xi32, #tpu.memory_space<vmem>>
    %dma_start3A_230 = tpu.memref_squeeze %dma_start3A_229 : memref<1x400xi32, #tpu.memory_space<vmem>> -> memref<400xi32, #tpu.memory_space<vmem>>
    %dma_start3A_231 = tpu.memref_slice %arg3[%add3A_226] : memref<320000xi32, #tpu.memory_space<hbm>> -> memref<400xi32, #tpu.memory_space<hbm>>
    %dma_start3A_232 = arith.constant 0 : i32
    %dma_start3A_233 = tpu.memref_slice %arg6[%dma_start3A_227, %dma_start3A_232] : memref<2x400xi32, #tpu.memory_space<vmem>> -> memref<1x400xi32, #tpu.memory_space<vmem>>
    %dma_start3A_234 = tpu.memref_squeeze %dma_start3A_233 : memref<1x400xi32, #tpu.memory_space<vmem>> -> memref<400xi32, #tpu.memory_space<vmem>>
    %dma_start3A_235 = tpu.memref_slice %arg3[%add3A_226] : memref<320000xi32, #tpu.memory_space<hbm>> -> memref<400xi32, #tpu.memory_space<hbm>>
    tpu.enqueue_dma source(%dma_start3A_235 : memref<400xi32, #tpu.memory_space<hbm>>) target(%dma_start3A_234 : memref<400xi32, #tpu.memory_space<vmem>>) target_semaphore(%arg12 : memref<!tpu.dma_semaphore, #tpu.memory_space<semaphore_mem>>)
    %scan3A_236 = arith.constant 0 : i32
    %scan3A_237 = arith.constant 0 : i32
    %scan3A_238 = arith.constant 12 : i32
    %scan3A_239 = arith.addi %scan3A_237, %scan3A_238 : i32
    %scan3A_240 = arith.constant 1 : i32
    %scan3A_241 = scf.for %scan3A_277 = %scan3A_237 to %scan3A_239 step %scan3A_240 iter_args(%scan3A_278 = %scan3A_236) -> (i32)  : i32 {
      %mul3A_279 = arith.constant 2 : i32
      %mul3A_280 = arith.muli %scan3A_277, %mul3A_279 : i32
      %add3A_281 = arith.constant 1 : i32
      %add3A_282 = arith.addi %add3A_281, %mul3A_280 : i32
      %add3A_283 = arith.constant 0 : i32
      %add3A_284 = arith.addi %add3A_282, %add3A_283 : i32
      %add3A_285 = arith.constant 1 : i32
      %add3A_286 = arith.addi %add3A_284, %add3A_285 : i32
      %lt3A = arith.constant 25 : i32
      %lt3A_287 = arith.cmpi slt, %add3A_286, %lt3A : i32
      %convert_element_type3A_288 = arith.extui %lt3A_287 : i1 to i32
      %cond3A_289 = arith.constant 0 : i32
      %cond3A_290 = arith.cmpi ne, %convert_element_type3A_288, %cond3A_289 : i32
      scf.if %cond3A_290 {
        %dma_wait3A_365 = arith.constant 0 : i32
        %dma_wait3A_366 = arith.constant 0 : i32
        %dma_wait3A_367 = tpu.memref_slice %arg6[%dma_wait3A_365, %dma_wait3A_366] : memref<2x400xi32, #tpu.memory_space<vmem>> -> memref<1x400xi32, #tpu.memory_space<vmem>>
        %dma_wait3A_368 = tpu.memref_squeeze %dma_wait3A_367 : memref<1x400xi32, #tpu.memory_space<vmem>> -> memref<400xi32, #tpu.memory_space<vmem>>
        %dma_wait3A_369 = arith.constant 0 : i32
        %dma_wait3A_370 = tpu.memref_slice %arg4[%dma_wait3A_369] : memref<320000xi32, #tpu.memory_space<hbm>> -> memref<400xi32, #tpu.memory_space<hbm>>
        %dma_wait3A_371 = arith.constant 0 : i32
        %dma_wait3A_372 = tpu.memref_slice %arg6[%dma_wait3A_365, %dma_wait3A_371] : memref<2x400xi32, #tpu.memory_space<vmem>> -> memref<1x400xi32, #tpu.memory_space<vmem>>
        %dma_wait3A_373 = tpu.memref_squeeze %dma_wait3A_372 : memref<1x400xi32, #tpu.memory_space<vmem>> -> memref<400xi32, #tpu.memory_space<vmem>>
        %dma_wait3A_374 = arith.constant 0 : i32
        %dma_wait3A_375 = tpu.memref_slice %arg4[%dma_wait3A_374] : memref<320000xi32, #tpu.memory_space<hbm>> -> memref<400xi32, #tpu.memory_space<hbm>>
        tpu.wait_dma2 semaphore(%arg12 : memref<!tpu.dma_semaphore, #tpu.memory_space<semaphore_mem>>) src(%dma_wait3A_375 : memref<400xi32, #tpu.memory_space<hbm>>) dst(%dma_wait3A_373 : memref<400xi32, #tpu.memory_space<vmem>>)
        %dma_wait3A_376 = arith.constant 0 : i32
        %dma_wait3A_377 = arith.constant 0 : i32
        %dma_wait3A_378 = arith.constant 0 : i32
        %dma_wait3A_379 = arith.constant 0 : i32
        %dma_wait3A_380 = tpu.memref_slice %arg8[%dma_wait3A_376, %dma_wait3A_378, %dma_wait3A_379] : memref<2x400x128xbf16, #tpu.memory_space<vmem>> -> memref<1x400x128xbf16, #tpu.memory_space<vmem>>
        %dma_wait3A_381 = tpu.memref_squeeze %dma_wait3A_380 : memref<1x400x128xbf16, #tpu.memory_space<vmem>> -> memref<400x128xbf16, #tpu.memory_space<vmem>>
        %dma_wait3A_382 = arith.constant 0 : i32
        %dma_wait3A_383 = tpu.memref_slice %arg7[%dma_wait3A_377, %dma_wait3A_382] : memref<25x400xi32, #tpu.memory_space<vmem>> -> memref<1x400xi32, #tpu.memory_space<vmem>>
        %dma_wait3A_384 = tpu.memref_squeeze %dma_wait3A_383 : memref<1x400xi32, #tpu.memory_space<vmem>> -> memref<400xi32, #tpu.memory_space<vmem>>
        %dma_wait3A_385 = arith.constant 0 : i32
        %dma_wait3A_386 = arith.constant 0 : i32
        %dma_wait3A_387 = tpu.memref_slice %arg9[%dma_wait3A_385, %dma_wait3A_386] : memref<10000x128xbf16, #tpu.memory_space<vmem_shared>> -> memref<10000x128xbf16, #tpu.memory_space<vmem_shared>>
        tpu.wait_indirect_dma semaphore(%arg14 : memref<!tpu.dma_semaphore, #tpu.memory_space<semaphore_mem>>) src(%dma_wait3A_381 : memref<400x128xbf16, #tpu.memory_space<vmem>>) dst(%dma_wait3A_387 : memref<10000x128xbf16, #tpu.memory_space<vmem_shared>>)
        %dma_start3A_388 = arith.constant 0 : i32
        %dma_start3A_389 = arith.constant 0 : i32
        %dma_start3A_390 = arith.constant 0 : i32
        %dma_start3A_391 = arith.constant 0 : i32
        %dma_start3A_392 = tpu.memref_slice %arg8[%dma_start3A_389, %dma_start3A_390, %dma_start3A_391] : memref<2x400x128xbf16, #tpu.memory_space<vmem>> -> memref<1x400x128xbf16, #tpu.memory_space<vmem>>
        %dma_start3A_393 = tpu.memref_squeeze %dma_start3A_392 : memref<1x400x128xbf16, #tpu.memory_space<vmem>> -> memref<400x128xbf16, #tpu.memory_space<vmem>>
        %dma_start3A_394 = arith.constant 0 : i32
        %dma_start3A_395 = tpu.memref_slice %arg6[%dma_start3A_388, %dma_start3A_394] : memref<2x400xi32, #tpu.memory_space<vmem>> -> memref<1x400xi32, #tpu.memory_space<vmem>>
        %dma_start3A_396 = tpu.memref_squeeze %dma_start3A_395 : memref<1x400xi32, #tpu.memory_space<vmem>> -> memref<400xi32, #tpu.memory_space<vmem>>
        %dma_start3A_397 = arith.constant 0 : i32
        %dma_start3A_398 = arith.constant 0 : i32
        %dma_start3A_399 = tpu.memref_slice %arg2[%dma_start3A_397, %dma_start3A_398] : memref<10000x128xbf16, #tpu.memory_space<hbm>> -> memref<10000x128xbf16, #tpu.memory_space<hbm>>
        tpu.enqueue_indirect_dma source(%dma_start3A_399 : memref<10000x128xbf16, #tpu.memory_space<hbm>>) target(%dma_start3A_393 : memref<400x128xbf16, #tpu.memory_space<vmem>>) offsets(%dma_start3A_396 : memref<400xi32, #tpu.memory_space<vmem>>) semaphore(%arg10 : memref<!tpu.dma_semaphore, #tpu.memory_space<semaphore_mem>>)
      } else {
      }
      %dma_wait3A_291 = arith.constant 1 : i32
      %dma_wait3A_292 = arith.constant 1 : i32
      %dma_wait3A_293 = arith.constant 0 : i32
      %dma_wait3A_294 = arith.constant 0 : i32
      %dma_wait3A_295 = tpu.memref_slice %arg8[%dma_wait3A_292, %dma_wait3A_293, %dma_wait3A_294] : memref<2x400x128xbf16, #tpu.memory_space<vmem>> -> memref<1x400x128xbf16, #tpu.memory_space<vmem>>
      %dma_wait3A_296 = tpu.memref_squeeze %dma_wait3A_295 : memref<1x400x128xbf16, #tpu.memory_space<vmem>> -> memref<400x128xbf16, #tpu.memory_space<vmem>>
      %dma_wait3A_297 = arith.constant 0 : i32
      %dma_wait3A_298 = tpu.memref_slice %arg6[%dma_wait3A_291, %dma_wait3A_297] : memref<2x400xi32, #tpu.memory_space<vmem>> -> memref<1x400xi32, #tpu.memory_space<vmem>>
      %dma_wait3A_299 = tpu.memref_squeeze %dma_wait3A_298 : memref<1x400xi32, #tpu.memory_space<vmem>> -> memref<400xi32, #tpu.memory_space<vmem>>
      %dma_wait3A_300 = arith.constant 0 : i32
      %dma_wait3A_301 = arith.constant 0 : i32
      %dma_wait3A_302 = tpu.memref_slice %arg2[%dma_wait3A_300, %dma_wait3A_301] : memref<10000x128xbf16, #tpu.memory_space<hbm>> -> memref<10000x128xbf16, #tpu.memory_space<hbm>>
      tpu.wait_indirect_dma semaphore(%arg11 : memref<!tpu.dma_semaphore, #tpu.memory_space<semaphore_mem>>) src(%dma_wait3A_302 : memref<10000x128xbf16, #tpu.memory_space<hbm>>) dst(%dma_wait3A_296 : memref<400x128xbf16, #tpu.memory_space<vmem>>)
      %dma_start3A_303 = arith.constant 1 : i32
      %dma_start3A_304 = arith.constant 0 : i32
      %dma_start3A_305 = arith.constant 0 : i32
      %dma_start3A_306 = tpu.memref_slice %arg8[%dma_start3A_303, %dma_start3A_304, %dma_start3A_305] : memref<2x400x128xbf16, #tpu.memory_space<vmem>> -> memref<1x400x128xbf16, #tpu.memory_space<vmem>>
      %dma_start3A_307 = tpu.memref_squeeze %dma_start3A_306 : memref<1x400x128xbf16, #tpu.memory_space<vmem>> -> memref<400x128xbf16, #tpu.memory_space<vmem>>
      %dma_start3A_308 = arith.constant 0 : i32
      %dma_start3A_309 = tpu.memref_slice %arg7[%add3A_284, %dma_start3A_308] : memref<25x400xi32, #tpu.memory_space<vmem>> -> memref<1x400xi32, #tpu.memory_space<vmem>>
      %dma_start3A_310 = tpu.memref_squeeze %dma_start3A_309 : memref<1x400xi32, #tpu.memory_space<vmem>> -> memref<400xi32, #tpu.memory_space<vmem>>
      %dma_start3A_311 = arith.constant 0 : i32
      %dma_start3A_312 = arith.constant 0 : i32
      %dma_start3A_313 = tpu.memref_slice %arg9[%dma_start3A_311, %dma_start3A_312] : memref<10000x128xbf16, #tpu.memory_space<vmem_shared>> -> memref<10000x128xbf16, #tpu.memory_space<vmem_shared>>
      tpu.enqueue_indirect_dma source(%dma_start3A_307 : memref<400x128xbf16, #tpu.memory_space<vmem>>) target(%dma_start3A_313 : memref<10000x128xbf16, #tpu.memory_space<vmem_shared>>) offsets(%dma_start3A_310 : memref<400xi32, #tpu.memory_space<vmem>>) semaphore(%arg15 : memref<!tpu.dma_semaphore, #tpu.memory_space<semaphore_mem>>) {add = true}
      %add3A_314 = arith.constant 2 : i32
      %add3A_315 = arith.addi %add3A_284, %add3A_314 : i32
      %lt3A_316 = arith.constant 25 : i32
      %lt3A_317 = arith.cmpi slt, %add3A_315, %lt3A_316 : i32
      %convert_element_type3A_318 = arith.extui %lt3A_317 : i1 to i32
      %cond3A_319 = arith.constant 0 : i32
      %cond3A_320 = arith.cmpi ne, %convert_element_type3A_318, %cond3A_319 : i32
      scf.if %cond3A_320 {
        %add3A_365 = arith.constant 2 : i32
        %add3A_366 = arith.addi %add3A_284, %add3A_365 : i32
        %mul3A_367 = arith.constant 400 : i32
        %mul3A_368 = arith.muli %add3A_366, %mul3A_367 : i32
        %add3A_369 = arith.addi %mul3A_2, %mul3A_368 : i32
        %dma_start3A_370 = arith.constant 1 : i32
        %dma_start3A_371 = arith.constant 0 : i32
        %dma_start3A_372 = tpu.memref_slice %arg6[%dma_start3A_370, %dma_start3A_371] : memref<2x400xi32, #tpu.memory_space<vmem>> -> memref<1x400xi32, #tpu.memory_space<vmem>>
        %dma_start3A_373 = tpu.memref_squeeze %dma_start3A_372 : memref<1x400xi32, #tpu.memory_space<vmem>> -> memref<400xi32, #tpu.memory_space<vmem>>
        %dma_start3A_374 = tpu.memref_slice %arg3[%add3A_369] : memref<320000xi32, #tpu.memory_space<hbm>> -> memref<400xi32, #tpu.memory_space<hbm>>
        %dma_start3A_375 = arith.constant 0 : i32
        %dma_start3A_376 = tpu.memref_slice %arg6[%dma_start3A_370, %dma_start3A_375] : memref<2x400xi32, #tpu.memory_space<vmem>> -> memref<1x400xi32, #tpu.memory_space<vmem>>
        %dma_start3A_377 = tpu.memref_squeeze %dma_start3A_376 : memref<1x400xi32, #tpu.memory_space<vmem>> -> memref<400xi32, #tpu.memory_space<vmem>>
        %dma_start3A_378 = tpu.memref_slice %arg3[%add3A_369] : memref<320000xi32, #tpu.memory_space<hbm>> -> memref<400xi32, #tpu.memory_space<hbm>>
        tpu.enqueue_dma source(%dma_start3A_378 : memref<400xi32, #tpu.memory_space<hbm>>) target(%dma_start3A_377 : memref<400xi32, #tpu.memory_space<vmem>>) target_semaphore(%arg13 : memref<!tpu.dma_semaphore, #tpu.memory_space<semaphore_mem>>)
      } else {
      }
      %mul3A_321 = arith.constant 2 : i32
      %mul3A_322 = arith.muli %scan3A_277, %mul3A_321 : i32
      %add3A_323 = arith.constant 1 : i32
      %add3A_324 = arith.addi %add3A_323, %mul3A_322 : i32
      %add3A_325 = arith.constant 1 : i32
      %add3A_326 = arith.addi %add3A_324, %add3A_325 : i32
      %add3A_327 = arith.constant 1 : i32
      %add3A_328 = arith.addi %add3A_326, %add3A_327 : i32
      %lt3A_329 = arith.constant 25 : i32
      %lt3A_330 = arith.cmpi slt, %add3A_328, %lt3A_329 : i32
      %convert_element_type3A_331 = arith.extui %lt3A_330 : i1 to i32
      %cond3A_332 = arith.constant 0 : i32
      %cond3A_333 = arith.cmpi ne, %convert_element_type3A_331, %cond3A_332 : i32
      scf.if %cond3A_333 {
        %dma_wait3A_365 = arith.constant 0 : i32
        %dma_wait3A_366 = arith.constant 0 : i32
        %dma_wait3A_367 = tpu.memref_slice %arg6[%dma_wait3A_365, %dma_wait3A_366] : memref<2x400xi32, #tpu.memory_space<vmem>> -> memref<1x400xi32, #tpu.memory_space<vmem>>
        %dma_wait3A_368 = tpu.memref_squeeze %dma_wait3A_367 : memref<1x400xi32, #tpu.memory_space<vmem>> -> memref<400xi32, #tpu.memory_space<vmem>>
        %dma_wait3A_369 = arith.constant 0 : i32
        %dma_wait3A_370 = tpu.memref_slice %arg4[%dma_wait3A_369] : memref<320000xi32, #tpu.memory_space<hbm>> -> memref<400xi32, #tpu.memory_space<hbm>>
        %dma_wait3A_371 = arith.constant 0 : i32
        %dma_wait3A_372 = tpu.memref_slice %arg6[%dma_wait3A_365, %dma_wait3A_371] : memref<2x400xi32, #tpu.memory_space<vmem>> -> memref<1x400xi32, #tpu.memory_space<vmem>>
        %dma_wait3A_373 = tpu.memref_squeeze %dma_wait3A_372 : memref<1x400xi32, #tpu.memory_space<vmem>> -> memref<400xi32, #tpu.memory_space<vmem>>
        %dma_wait3A_374 = arith.constant 0 : i32
        %dma_wait3A_375 = tpu.memref_slice %arg4[%dma_wait3A_374] : memref<320000xi32, #tpu.memory_space<hbm>> -> memref<400xi32, #tpu.memory_space<hbm>>
        tpu.wait_dma2 semaphore(%arg13 : memref<!tpu.dma_semaphore, #tpu.memory_space<semaphore_mem>>) src(%dma_wait3A_375 : memref<400xi32, #tpu.memory_space<hbm>>) dst(%dma_wait3A_373 : memref<400xi32, #tpu.memory_space<vmem>>)
        %dma_wait3A_376 = arith.constant 1 : i32
        %dma_wait3A_377 = arith.constant 0 : i32
        %dma_wait3A_378 = arith.constant 0 : i32
        %dma_wait3A_379 = arith.constant 0 : i32
        %dma_wait3A_380 = tpu.memref_slice %arg8[%dma_wait3A_376, %dma_wait3A_378, %dma_wait3A_379] : memref<2x400x128xbf16, #tpu.memory_space<vmem>> -> memref<1x400x128xbf16, #tpu.memory_space<vmem>>
        %dma_wait3A_381 = tpu.memref_squeeze %dma_wait3A_380 : memref<1x400x128xbf16, #tpu.memory_space<vmem>> -> memref<400x128xbf16, #tpu.memory_space<vmem>>
        %dma_wait3A_382 = arith.constant 0 : i32
        %dma_wait3A_383 = tpu.memref_slice %arg7[%dma_wait3A_377, %dma_wait3A_382] : memref<25x400xi32, #tpu.memory_space<vmem>> -> memref<1x400xi32, #tpu.memory_space<vmem>>
        %dma_wait3A_384 = tpu.memref_squeeze %dma_wait3A_383 : memref<1x400xi32, #tpu.memory_space<vmem>> -> memref<400xi32, #tpu.memory_space<vmem>>
        %dma_wait3A_385 = arith.constant 0 : i32
        %dma_wait3A_386 = arith.constant 0 : i32
        %dma_wait3A_387 = tpu.memref_slice %arg9[%dma_wait3A_385, %dma_wait3A_386] : memref<10000x128xbf16, #tpu.memory_space<vmem_shared>> -> memref<10000x128xbf16, #tpu.memory_space<vmem_shared>>
        tpu.wait_indirect_dma semaphore(%arg15 : memref<!tpu.dma_semaphore, #tpu.memory_space<semaphore_mem>>) src(%dma_wait3A_381 : memref<400x128xbf16, #tpu.memory_space<vmem>>) dst(%dma_wait3A_387 : memref<10000x128xbf16, #tpu.memory_space<vmem_shared>>)
        %dma_start3A_388 = arith.constant 1 : i32
        %dma_start3A_389 = arith.constant 1 : i32
        %dma_start3A_390 = arith.constant 0 : i32
        %dma_start3A_391 = arith.constant 0 : i32
        %dma_start3A_392 = tpu.memref_slice %arg8[%dma_start3A_389, %dma_start3A_390, %dma_start3A_391] : memref<2x400x128xbf16, #tpu.memory_space<vmem>> -> memref<1x400x128xbf16, #tpu.memory_space<vmem>>
        %dma_start3A_393 = tpu.memref_squeeze %dma_start3A_392 : memref<1x400x128xbf16, #tpu.memory_space<vmem>> -> memref<400x128xbf16, #tpu.memory_space<vmem>>
        %dma_start3A_394 = arith.constant 0 : i32
        %dma_start3A_395 = tpu.memref_slice %arg6[%dma_start3A_388, %dma_start3A_394] : memref<2x400xi32, #tpu.memory_space<vmem>> -> memref<1x400xi32, #tpu.memory_space<vmem>>
        %dma_start3A_396 = tpu.memref_squeeze %dma_start3A_395 : memref<1x400xi32, #tpu.memory_space<vmem>> -> memref<400xi32, #tpu.memory_space<vmem>>
        %dma_start3A_397 = arith.constant 0 : i32
        %dma_start3A_398 = arith.constant 0 : i32
        %dma_start3A_399 = tpu.memref_slice %arg2[%dma_start3A_397, %dma_start3A_398] : memref<10000x128xbf16, #tpu.memory_space<hbm>> -> memref<10000x128xbf16, #tpu.memory_space<hbm>>
        tpu.enqueue_indirect_dma source(%dma_start3A_399 : memref<10000x128xbf16, #tpu.memory_space<hbm>>) target(%dma_start3A_393 : memref<400x128xbf16, #tpu.memory_space<vmem>>) offsets(%dma_start3A_396 : memref<400xi32, #tpu.memory_space<vmem>>) semaphore(%arg11 : memref<!tpu.dma_semaphore, #tpu.memory_space<semaphore_mem>>)
      } else {
      }
      %dma_wait3A_334 = arith.constant 0 : i32
      %dma_wait3A_335 = arith.constant 0 : i32
      %dma_wait3A_336 = arith.constant 0 : i32
      %dma_wait3A_337 = arith.constant 0 : i32
      %dma_wait3A_338 = tpu.memref_slice %arg8[%dma_wait3A_335, %dma_wait3A_336, %dma_wait3A_337] : memref<2x400x128xbf16, #tpu.memory_space<vmem>> -> memref<1x400x128xbf16, #tpu.memory_space<vmem>>
      %dma_wait3A_339 = tpu.memref_squeeze %dma_wait3A_338 : memref<1x400x128xbf16, #tpu.memory_space<vmem>> -> memref<400x128xbf16, #tpu.memory_space<vmem>>
      %dma_wait3A_340 = arith.constant 0 : i32
      %dma_wait3A_341 = tpu.memref_slice %arg6[%dma_wait3A_334, %dma_wait3A_340] : memref<2x400xi32, #tpu.memory_space<vmem>> -> memref<1x400xi32, #tpu.memory_space<vmem>>
      %dma_wait3A_342 = tpu.memref_squeeze %dma_wait3A_341 : memref<1x400xi32, #tpu.memory_space<vmem>> -> memref<400xi32, #tpu.memory_space<vmem>>
      %dma_wait3A_343 = arith.constant 0 : i32
      %dma_wait3A_344 = arith.constant 0 : i32
      %dma_wait3A_345 = tpu.memref_slice %arg2[%dma_wait3A_343, %dma_wait3A_344] : memref<10000x128xbf16, #tpu.memory_space<hbm>> -> memref<10000x128xbf16, #tpu.memory_space<hbm>>
      tpu.wait_indirect_dma semaphore(%arg10 : memref<!tpu.dma_semaphore, #tpu.memory_space<semaphore_mem>>) src(%dma_wait3A_345 : memref<10000x128xbf16, #tpu.memory_space<hbm>>) dst(%dma_wait3A_339 : memref<400x128xbf16, #tpu.memory_space<vmem>>)
      %dma_start3A_346 = arith.constant 0 : i32
      %dma_start3A_347 = arith.constant 0 : i32
      %dma_start3A_348 = arith.constant 0 : i32
      %dma_start3A_349 = tpu.memref_slice %arg8[%dma_start3A_346, %dma_start3A_347, %dma_start3A_348] : memref<2x400x128xbf16, #tpu.memory_space<vmem>> -> memref<1x400x128xbf16, #tpu.memory_space<vmem>>
      %dma_start3A_350 = tpu.memref_squeeze %dma_start3A_349 : memref<1x400x128xbf16, #tpu.memory_space<vmem>> -> memref<400x128xbf16, #tpu.memory_space<vmem>>
      %dma_start3A_351 = arith.constant 0 : i32
      %dma_start3A_352 = tpu.memref_slice %arg7[%add3A_326, %dma_start3A_351] : memref<25x400xi32, #tpu.memory_space<vmem>> -> memref<1x400xi32, #tpu.memory_space<vmem>>
      %dma_start3A_353 = tpu.memref_squeeze %dma_start3A_352 : memref<1x400xi32, #tpu.memory_space<vmem>> -> memref<400xi32, #tpu.memory_space<vmem>>
      %dma_start3A_354 = arith.constant 0 : i32
      %dma_start3A_355 = arith.constant 0 : i32
      %dma_start3A_356 = tpu.memref_slice %arg9[%dma_start3A_354, %dma_start3A_355] : memref<10000x128xbf16, #tpu.memory_space<vmem_shared>> -> memref<10000x128xbf16, #tpu.memory_space<vmem_shared>>
      tpu.enqueue_indirect_dma source(%dma_start3A_350 : memref<400x128xbf16, #tpu.memory_space<vmem>>) target(%dma_start3A_356 : memref<10000x128xbf16, #tpu.memory_space<vmem_shared>>) offsets(%dma_start3A_353 : memref<400xi32, #tpu.memory_space<vmem>>) semaphore(%arg14 : memref<!tpu.dma_semaphore, #tpu.memory_space<semaphore_mem>>) {add = true}
      %add3A_357 = arith.constant 2 : i32
      %add3A_358 = arith.addi %add3A_326, %add3A_357 : i32
      %lt3A_359 = arith.constant 25 : i32
      %lt3A_360 = arith.cmpi slt, %add3A_358, %lt3A_359 : i32
      %convert_element_type3A_361 = arith.extui %lt3A_360 : i1 to i32
      %cond3A_362 = arith.constant 0 : i32
      %cond3A_363 = arith.cmpi ne, %convert_element_type3A_361, %cond3A_362 : i32
      scf.if %cond3A_363 {
        %add3A_365 = arith.constant 2 : i32
        %add3A_366 = arith.addi %add3A_326, %add3A_365 : i32
        %mul3A_367 = arith.constant 400 : i32
        %mul3A_368 = arith.muli %add3A_366, %mul3A_367 : i32
        %add3A_369 = arith.addi %mul3A_2, %mul3A_368 : i32
        %dma_start3A_370 = arith.constant 0 : i32
        %dma_start3A_371 = arith.constant 0 : i32
        %dma_start3A_372 = tpu.memref_slice %arg6[%dma_start3A_370, %dma_start3A_371] : memref<2x400xi32, #tpu.memory_space<vmem>> -> memref<1x400xi32, #tpu.memory_space<vmem>>
        %dma_start3A_373 = tpu.memref_squeeze %dma_start3A_372 : memref<1x400xi32, #tpu.memory_space<vmem>> -> memref<400xi32, #tpu.memory_space<vmem>>
        %dma_start3A_374 = tpu.memref_slice %arg3[%add3A_369] : memref<320000xi32, #tpu.memory_space<hbm>> -> memref<400xi32, #tpu.memory_space<hbm>>
        %dma_start3A_375 = arith.constant 0 : i32
        %dma_start3A_376 = tpu.memref_slice %arg6[%dma_start3A_370, %dma_start3A_375] : memref<2x400xi32, #tpu.memory_space<vmem>> -> memref<1x400xi32, #tpu.memory_space<vmem>>
        %dma_start3A_377 = tpu.memref_squeeze %dma_start3A_376 : memref<1x400xi32, #tpu.memory_space<vmem>> -> memref<400xi32, #tpu.memory_space<vmem>>
        %dma_start3A_378 = tpu.memref_slice %arg3[%add3A_369] : memref<320000xi32, #tpu.memory_space<hbm>> -> memref<400xi32, #tpu.memory_space<hbm>>
        tpu.enqueue_dma source(%dma_start3A_378 : memref<400xi32, #tpu.memory_space<hbm>>) target(%dma_start3A_377 : memref<400xi32, #tpu.memory_space<vmem>>) target_semaphore(%arg12 : memref<!tpu.dma_semaphore, #tpu.memory_space<semaphore_mem>>)
      } else {
      }
      %scan3A_364 = arith.constant 0 : i32
      scf.yield %scan3A_364 : i32
    }
    %scan3A_242 = arith.constant 12 : i32
    %dma_wait3A_243 = arith.constant 1 : i32
    %dma_wait3A_244 = arith.constant 0 : i32
    %dma_wait3A_245 = arith.constant 0 : i32
    %dma_wait3A_246 = arith.constant 0 : i32
    %dma_wait3A_247 = tpu.memref_slice %arg8[%dma_wait3A_243, %dma_wait3A_245, %dma_wait3A_246] : memref<2x400x128xbf16, #tpu.memory_space<vmem>> -> memref<1x400x128xbf16, #tpu.memory_space<vmem>>
    %dma_wait3A_248 = tpu.memref_squeeze %dma_wait3A_247 : memref<1x400x128xbf16, #tpu.memory_space<vmem>> -> memref<400x128xbf16, #tpu.memory_space<vmem>>
    %dma_wait3A_249 = arith.constant 0 : i32
    %dma_wait3A_250 = tpu.memref_slice %arg7[%dma_wait3A_244, %dma_wait3A_249] : memref<25x400xi32, #tpu.memory_space<vmem>> -> memref<1x400xi32, #tpu.memory_space<vmem>>
    %dma_wait3A_251 = tpu.memref_squeeze %dma_wait3A_250 : memref<1x400xi32, #tpu.memory_space<vmem>> -> memref<400xi32, #tpu.memory_space<vmem>>
    %dma_wait3A_252 = arith.constant 0 : i32
    %dma_wait3A_253 = arith.constant 0 : i32
    %dma_wait3A_254 = tpu.memref_slice %arg9[%dma_wait3A_252, %dma_wait3A_253] : memref<10000x128xbf16, #tpu.memory_space<vmem_shared>> -> memref<10000x128xbf16, #tpu.memory_space<vmem_shared>>
    tpu.wait_indirect_dma semaphore(%arg15 : memref<!tpu.dma_semaphore, #tpu.memory_space<semaphore_mem>>) src(%dma_wait3A_248 : memref<400x128xbf16, #tpu.memory_space<vmem>>) dst(%dma_wait3A_254 : memref<10000x128xbf16, #tpu.memory_space<vmem_shared>>)
    %dma_wait3A_255 = arith.constant 0 : i32
    %dma_wait3A_256 = arith.constant 0 : i32
    %dma_wait3A_257 = arith.constant 0 : i32
    %dma_wait3A_258 = arith.constant 0 : i32
    %dma_wait3A_259 = tpu.memref_slice %arg8[%dma_wait3A_255, %dma_wait3A_257, %dma_wait3A_258] : memref<2x400x128xbf16, #tpu.memory_space<vmem>> -> memref<1x400x128xbf16, #tpu.memory_space<vmem>>
    %dma_wait3A_260 = tpu.memref_squeeze %dma_wait3A_259 : memref<1x400x128xbf16, #tpu.memory_space<vmem>> -> memref<400x128xbf16, #tpu.memory_space<vmem>>
    %dma_wait3A_261 = arith.constant 0 : i32
    %dma_wait3A_262 = tpu.memref_slice %arg7[%dma_wait3A_256, %dma_wait3A_261] : memref<25x400xi32, #tpu.memory_space<vmem>> -> memref<1x400xi32, #tpu.memory_space<vmem>>
    %dma_wait3A_263 = tpu.memref_squeeze %dma_wait3A_262 : memref<1x400xi32, #tpu.memory_space<vmem>> -> memref<400xi32, #tpu.memory_space<vmem>>
    %dma_wait3A_264 = arith.constant 0 : i32
    %dma_wait3A_265 = arith.constant 0 : i32
    %dma_wait3A_266 = tpu.memref_slice %arg9[%dma_wait3A_264, %dma_wait3A_265] : memref<10000x128xbf16, #tpu.memory_space<vmem_shared>> -> memref<10000x128xbf16, #tpu.memory_space<vmem_shared>>
    tpu.wait_indirect_dma semaphore(%arg14 : memref<!tpu.dma_semaphore, #tpu.memory_space<semaphore_mem>>) src(%dma_wait3A_260 : memref<400x128xbf16, #tpu.memory_space<vmem>>) dst(%dma_wait3A_266 : memref<10000x128xbf16, #tpu.memory_space<vmem_shared>>)
    %barrier3A_267 = arith.constant 0 : index
    tpu.barrier barrier_id(%barrier3A_267)
    %mul3A_268 = arith.constant 10000 : i32
    %mul3A_269 = arith.muli %arg0, %mul3A_268 : i32
    %add3A_270 = arith.addi %mul3A_269, %multiple_of3A : i32
    %multiple_of3A_271 = tpu.assume_multiple %add3A_270, 8 : i32
    "tpu.region"() ({
      %run_scoped3A_277 = tpu.sem_alloc : memref<!tpu.dma_semaphore, #tpu.memory_space<semaphore_mem>>
      %dma_start3A_278 = arith.constant 0 : i32
      %dma_start3A_279 = tpu.memref_slice %arg5[%multiple_of3A_271, %dma_start3A_278] : memref<20000x128xbf16, #tpu.memory_space<hbm>> -> memref<624x128xbf16, #tpu.memory_space<hbm>>
      %dma_start3A_280 = arith.constant 0 : i32
      %dma_start3A_281 = tpu.memref_slice %arg9[%multiple_of3A, %dma_start3A_280] : memref<10000x128xbf16, #tpu.memory_space<vmem_shared>> -> memref<624x128xbf16, #tpu.memory_space<vmem_shared>>
      tpu.enqueue_dma source(%dma_start3A_281 : memref<624x128xbf16, #tpu.memory_space<vmem_shared>>) target(%dma_start3A_279 : memref<624x128xbf16, #tpu.memory_space<hbm>>) target_semaphore(%run_scoped3A_277 : memref<!tpu.dma_semaphore, #tpu.memory_space<semaphore_mem>>)
      %dma_wait3A_282 = arith.constant 0 : i32
      %dma_wait3A_283 = tpu.memref_slice %arg5[%multiple_of3A_271, %dma_wait3A_282] : memref<20000x128xbf16, #tpu.memory_space<hbm>> -> memref<624x128xbf16, #tpu.memory_space<hbm>>
      %dma_wait3A_284 = arith.constant 0 : i32
      %dma_wait3A_285 = tpu.memref_slice %arg9[%multiple_of3A, %dma_wait3A_284] : memref<10000x128xbf16, #tpu.memory_space<vmem_shared>> -> memref<624x128xbf16, #tpu.memory_space<vmem_shared>>
      tpu.wait_dma2 semaphore(%run_scoped3A_277 : memref<!tpu.dma_semaphore, #tpu.memory_space<semaphore_mem>>) src(%dma_wait3A_285 : memref<624x128xbf16, #tpu.memory_space<vmem_shared>>) dst(%dma_wait3A_283 : memref<624x128xbf16, #tpu.memory_space<hbm>>)
      tpu.yield
    }) : () -> ()
    %eq3A_272 = arith.constant 15 : i32
    %eq3A_273 = arith.cmpi eq, %arg1, %eq3A_272 : i32
    %convert_element_type3A_274 = arith.extui %eq3A_273 : i1 to i32
    %cond3A_275 = arith.constant 0 : i32
    %cond3A_276 = arith.cmpi ne, %convert_element_type3A_274, %cond3A_275 : i32
    scf.if %cond3A_276 {
      %mul3A_277 = arith.constant 10000 : i32
      %mul3A_278 = arith.muli %arg0, %mul3A_277 : i32
      %add3A_279 = arith.constant 9984 : i32
      %add3A_280 = arith.addi %mul3A_278, %add3A_279 : i32
      "tpu.region"() ({
        %run_scoped3A_281 = tpu.sem_alloc : memref<!tpu.dma_semaphore, #tpu.memory_space<semaphore_mem>>
        %dma_start3A_282 = arith.constant 0 : i32
        %dma_start3A_283 = tpu.memref_slice %arg5[%add3A_280, %dma_start3A_282] : memref<20000x128xbf16, #tpu.memory_space<hbm>> -> memref<16x128xbf16, #tpu.memory_space<hbm>>
        %dma_start3A_284 = arith.constant 9984 : i32
        %dma_start3A_285 = arith.constant 0 : i32
        %dma_start3A_286 = tpu.memref_slice %arg9[%dma_start3A_284, %dma_start3A_285] : memref<10000x128xbf16, #tpu.memory_space<vmem_shared>> -> memref<16x128xbf16, #tpu.memory_space<vmem_shared>>
        tpu.enqueue_dma source(%dma_start3A_286 : memref<16x128xbf16, #tpu.memory_space<vmem_shared>>) target(%dma_start3A_283 : memref<16x128xbf16, #tpu.memory_space<hbm>>) target_semaphore(%run_scoped3A_281 : memref<!tpu.dma_semaphore, #tpu.memory_space<semaphore_mem>>)
        %dma_wait3A_287 = arith.constant 0 : i32
        %dma_wait3A_288 = tpu.memref_slice %arg5[%add3A_280, %dma_wait3A_287] : memref<20000x128xbf16, #tpu.memory_space<hbm>> -> memref<16x128xbf16, #tpu.memory_space<hbm>>
        %dma_wait3A_289 = arith.constant 9984 : i32
        %dma_wait3A_290 = arith.constant 0 : i32
        %dma_wait3A_291 = tpu.memref_slice %arg9[%dma_wait3A_289, %dma_wait3A_290] : memref<10000x128xbf16, #tpu.memory_space<vmem_shared>> -> memref<16x128xbf16, #tpu.memory_space<vmem_shared>>
        tpu.wait_dma2 semaphore(%run_scoped3A_281 : memref<!tpu.dma_semaphore, #tpu.memory_space<semaphore_mem>>) src(%dma_wait3A_291 : memref<16x128xbf16, #tpu.memory_space<vmem_shared>>) dst(%dma_wait3A_288 : memref<16x128xbf16, #tpu.memory_space<hbm>>)
        tpu.yield
      }) : () -> ()
    } else {
    }
    return
  }
}

#map = affine_map<(d0, d1) -> (0, 0)>
#map1 = affine_map<(d0, d1) -> (0)>
module attributes {stable_mosaic.version = 14 : i64} {
  func.func @seg(%arg0: i32, %arg1: i32, %arg2: memref<10000x128xf32, #tpu.memory_space<hbm>>, %arg3: memref<320000xi32, #tpu.memory_space<hbm>>, %arg4: memref<320000xi32, #tpu.memory_space<hbm>>, %arg5: memref<20000x32xbf16, #tpu.memory_space<hbm>>, %arg6: memref<2x2000xi32, #tpu.memory_space<vmem>>, %arg7: memref<5x2000xi32, #tpu.memory_space<vmem>>, %arg8: memref<2x2000x32xbf16, #tpu.memory_space<vmem>>, %arg9: memref<10000x32xbf16, #tpu.memory_space<vmem_shared>>, %arg10: memref<!tpu.dma_semaphore, #tpu.memory_space<semaphore_mem>>, %arg11: memref<!tpu.dma_semaphore, #tpu.memory_space<semaphore_mem>>, %arg12: memref<!tpu.dma_semaphore, #tpu.memory_space<semaphore_mem>>, %arg13: memref<!tpu.dma_semaphore, #tpu.memory_space<semaphore_mem>>, %arg14: memref<!tpu.dma_semaphore, #tpu.memory_space<semaphore_mem>>, %arg15: memref<!tpu.dma_semaphore, #tpu.memory_space<semaphore_mem>>, %arg16: memref<!tpu.dma_semaphore, #tpu.memory_space<semaphore_mem>>, %arg17: memref<!tpu.dma_semaphore, #tpu.memory_space<semaphore_mem>>) attributes {dimension_semantics = [#tpu.dimension_semantics<core_parallel>, #tpu.dimension_semantics<subcore_parallel>], iteration_bounds = array<i64: 2, 16>, scalar_prefetch = 0 : i64, scratch_operands = 12 : i64, tpu.core_type = #tpu.core_type<sc_vector_subcore>, window_params = [{transform_indices = #map}, {transform_indices = #map1}, {transform_indices = #map1}, {transform_indices = #map}]} {
    %mul3A = arith.constant 16 : i32
    %mul3A_0 = arith.muli %arg0, %mul3A : i32
    %add3A = arith.addi %mul3A_0, %arg1 : i32
    %mul3A_1 = arith.constant 10000 : i32
    %mul3A_2 = arith.muli %add3A, %mul3A_1 : i32
    %scan3A = arith.constant 0 : i32
    %scan3A_3 = arith.constant 0 : i32
    %mul3A_4 = arith.constant 5 : i32
    %mul3A_5 = arith.muli %scan3A_3, %mul3A_4 : i32
    %add3A_6 = arith.constant 0 : i32
    %add3A_7 = arith.addi %mul3A_5, %add3A_6 : i32
    %gt3A = arith.constant 0 : i32
    %gt3A_8 = arith.cmpi sgt, %scan3A_3, %gt3A : i32
    %convert_element_type3A = arith.extui %gt3A_8 : i1 to i32
    %cond3A = arith.constant 0 : i32
    %cond3A_9 = arith.cmpi ne, %convert_element_type3A, %cond3A : i32
    scf.if %cond3A_9 {
      %dma_wait3A_313 = arith.constant 0 : i32
      %dma_wait3A_314 = arith.constant 0 : i32
      %dma_wait3A_315 = tpu.memref_slice %arg6[%dma_wait3A_313, %dma_wait3A_314] : memref<2x2000xi32, #tpu.memory_space<vmem>> -> memref<1x2000xi32, #tpu.memory_space<vmem>>
      %dma_wait3A_316 = tpu.memref_squeeze %dma_wait3A_315 : memref<1x2000xi32, #tpu.memory_space<vmem>> -> memref<2000xi32, #tpu.memory_space<vmem>>
      %dma_wait3A_317 = arith.constant 0 : i32
      %dma_wait3A_318 = tpu.memref_slice %arg4[%dma_wait3A_317] : memref<320000xi32, #tpu.memory_space<hbm>> -> memref<2000xi32, #tpu.memory_space<hbm>>
      %dma_wait3A_319 = arith.constant 0 : i32
      %dma_wait3A_320 = tpu.memref_slice %arg6[%dma_wait3A_313, %dma_wait3A_319] : memref<2x2000xi32, #tpu.memory_space<vmem>> -> memref<1x2000xi32, #tpu.memory_space<vmem>>
      %dma_wait3A_321 = tpu.memref_squeeze %dma_wait3A_320 : memref<1x2000xi32, #tpu.memory_space<vmem>> -> memref<2000xi32, #tpu.memory_space<vmem>>
      %dma_wait3A_322 = arith.constant 0 : i32
      %dma_wait3A_323 = tpu.memref_slice %arg4[%dma_wait3A_322] : memref<320000xi32, #tpu.memory_space<hbm>> -> memref<2000xi32, #tpu.memory_space<hbm>>
      tpu.wait_dma2 semaphore(%arg10 : memref<!tpu.dma_semaphore, #tpu.memory_space<semaphore_mem>>) src(%dma_wait3A_323 : memref<2000xi32, #tpu.memory_space<hbm>>) dst(%dma_wait3A_321 : memref<2000xi32, #tpu.memory_space<vmem>>)
    } else {
    }
    %mul3A_10 = arith.constant 2000 : i32
    %mul3A_11 = arith.muli %add3A_7, %mul3A_10 : i32
    %add3A_12 = arith.addi %mul3A_2, %mul3A_11 : i32
    %dma_start3A = arith.constant 0 : i32
    %dma_start3A_13 = tpu.memref_slice %arg7[%add3A_7, %dma_start3A] : memref<5x2000xi32, #tpu.memory_space<vmem>> -> memref<1x2000xi32, #tpu.memory_space<vmem>>
    %dma_start3A_14 = tpu.memref_squeeze %dma_start3A_13 : memref<1x2000xi32, #tpu.memory_space<vmem>> -> memref<2000xi32, #tpu.memory_space<vmem>>
    %dma_start3A_15 = tpu.memref_slice %arg4[%add3A_12] : memref<320000xi32, #tpu.memory_space<hbm>> -> memref<2000xi32, #tpu.memory_space<hbm>>
    %dma_start3A_16 = arith.constant 0 : i32
    %dma_start3A_17 = tpu.memref_slice %arg7[%add3A_7, %dma_start3A_16] : memref<5x2000xi32, #tpu.memory_space<vmem>> -> memref<1x2000xi32, #tpu.memory_space<vmem>>
    %dma_start3A_18 = tpu.memref_squeeze %dma_start3A_17 : memref<1x2000xi32, #tpu.memory_space<vmem>> -> memref<2000xi32, #tpu.memory_space<vmem>>
    %dma_start3A_19 = tpu.memref_slice %arg4[%add3A_12] : memref<320000xi32, #tpu.memory_space<hbm>> -> memref<2000xi32, #tpu.memory_space<hbm>>
    tpu.enqueue_dma source(%dma_start3A_19 : memref<2000xi32, #tpu.memory_space<hbm>>) target(%dma_start3A_18 : memref<2000xi32, #tpu.memory_space<vmem>>) target_semaphore(%arg10 : memref<!tpu.dma_semaphore, #tpu.memory_space<semaphore_mem>>)
    %mul3A_20 = arith.constant 5 : i32
    %mul3A_21 = arith.muli %scan3A_3, %mul3A_20 : i32
    %add3A_22 = arith.constant 1 : i32
    %add3A_23 = arith.addi %mul3A_21, %add3A_22 : i32
    %gt3A_24 = arith.constant 0 : i32
    %gt3A_25 = arith.cmpi sgt, %scan3A_3, %gt3A_24 : i32
    %convert_element_type3A_26 = arith.extui %gt3A_25 : i1 to i32
    %cond3A_27 = arith.constant 0 : i32
    %cond3A_28 = arith.cmpi ne, %convert_element_type3A_26, %cond3A_27 : i32
    scf.if %cond3A_28 {
      %dma_wait3A_313 = arith.constant 0 : i32
      %dma_wait3A_314 = arith.constant 0 : i32
      %dma_wait3A_315 = tpu.memref_slice %arg6[%dma_wait3A_313, %dma_wait3A_314] : memref<2x2000xi32, #tpu.memory_space<vmem>> -> memref<1x2000xi32, #tpu.memory_space<vmem>>
      %dma_wait3A_316 = tpu.memref_squeeze %dma_wait3A_315 : memref<1x2000xi32, #tpu.memory_space<vmem>> -> memref<2000xi32, #tpu.memory_space<vmem>>
      %dma_wait3A_317 = arith.constant 0 : i32
      %dma_wait3A_318 = tpu.memref_slice %arg4[%dma_wait3A_317] : memref<320000xi32, #tpu.memory_space<hbm>> -> memref<2000xi32, #tpu.memory_space<hbm>>
      %dma_wait3A_319 = arith.constant 0 : i32
      %dma_wait3A_320 = tpu.memref_slice %arg6[%dma_wait3A_313, %dma_wait3A_319] : memref<2x2000xi32, #tpu.memory_space<vmem>> -> memref<1x2000xi32, #tpu.memory_space<vmem>>
      %dma_wait3A_321 = tpu.memref_squeeze %dma_wait3A_320 : memref<1x2000xi32, #tpu.memory_space<vmem>> -> memref<2000xi32, #tpu.memory_space<vmem>>
      %dma_wait3A_322 = arith.constant 0 : i32
      %dma_wait3A_323 = tpu.memref_slice %arg4[%dma_wait3A_322] : memref<320000xi32, #tpu.memory_space<hbm>> -> memref<2000xi32, #tpu.memory_space<hbm>>
      tpu.wait_dma2 semaphore(%arg11 : memref<!tpu.dma_semaphore, #tpu.memory_space<semaphore_mem>>) src(%dma_wait3A_323 : memref<2000xi32, #tpu.memory_space<hbm>>) dst(%dma_wait3A_321 : memref<2000xi32, #tpu.memory_space<vmem>>)
    } else {
    }
    %mul3A_29 = arith.constant 2000 : i32
    %mul3A_30 = arith.muli %add3A_23, %mul3A_29 : i32
    %add3A_31 = arith.addi %mul3A_2, %mul3A_30 : i32
    %dma_start3A_32 = arith.constant 0 : i32
    %dma_start3A_33 = tpu.memref_slice %arg7[%add3A_23, %dma_start3A_32] : memref<5x2000xi32, #tpu.memory_space<vmem>> -> memref<1x2000xi32, #tpu.memory_space<vmem>>
    %dma_start3A_34 = tpu.memref_squeeze %dma_start3A_33 : memref<1x2000xi32, #tpu.memory_space<vmem>> -> memref<2000xi32, #tpu.memory_space<vmem>>
    %dma_start3A_35 = tpu.memref_slice %arg4[%add3A_31] : memref<320000xi32, #tpu.memory_space<hbm>> -> memref<2000xi32, #tpu.memory_space<hbm>>
    %dma_start3A_36 = arith.constant 0 : i32
    %dma_start3A_37 = tpu.memref_slice %arg7[%add3A_23, %dma_start3A_36] : memref<5x2000xi32, #tpu.memory_space<vmem>> -> memref<1x2000xi32, #tpu.memory_space<vmem>>
    %dma_start3A_38 = tpu.memref_squeeze %dma_start3A_37 : memref<1x2000xi32, #tpu.memory_space<vmem>> -> memref<2000xi32, #tpu.memory_space<vmem>>
    %dma_start3A_39 = tpu.memref_slice %arg4[%add3A_31] : memref<320000xi32, #tpu.memory_space<hbm>> -> memref<2000xi32, #tpu.memory_space<hbm>>
    tpu.enqueue_dma source(%dma_start3A_39 : memref<2000xi32, #tpu.memory_space<hbm>>) target(%dma_start3A_38 : memref<2000xi32, #tpu.memory_space<vmem>>) target_semaphore(%arg11 : memref<!tpu.dma_semaphore, #tpu.memory_space<semaphore_mem>>)
    %mul3A_40 = arith.constant 5 : i32
    %mul3A_41 = arith.muli %scan3A_3, %mul3A_40 : i32
    %add3A_42 = arith.constant 2 : i32
    %add3A_43 = arith.addi %mul3A_41, %add3A_42 : i32
    %gt3A_44 = arith.constant 0 : i32
    %gt3A_45 = arith.cmpi sgt, %scan3A_3, %gt3A_44 : i32
    %convert_element_type3A_46 = arith.extui %gt3A_45 : i1 to i32
    %cond3A_47 = arith.constant 0 : i32
    %cond3A_48 = arith.cmpi ne, %convert_element_type3A_46, %cond3A_47 : i32
    scf.if %cond3A_48 {
      %dma_wait3A_313 = arith.constant 0 : i32
      %dma_wait3A_314 = arith.constant 0 : i32
      %dma_wait3A_315 = tpu.memref_slice %arg6[%dma_wait3A_313, %dma_wait3A_314] : memref<2x2000xi32, #tpu.memory_space<vmem>> -> memref<1x2000xi32, #tpu.memory_space<vmem>>
      %dma_wait3A_316 = tpu.memref_squeeze %dma_wait3A_315 : memref<1x2000xi32, #tpu.memory_space<vmem>> -> memref<2000xi32, #tpu.memory_space<vmem>>
      %dma_wait3A_317 = arith.constant 0 : i32
      %dma_wait3A_318 = tpu.memref_slice %arg4[%dma_wait3A_317] : memref<320000xi32, #tpu.memory_space<hbm>> -> memref<2000xi32, #tpu.memory_space<hbm>>
      %dma_wait3A_319 = arith.constant 0 : i32
      %dma_wait3A_320 = tpu.memref_slice %arg6[%dma_wait3A_313, %dma_wait3A_319] : memref<2x2000xi32, #tpu.memory_space<vmem>> -> memref<1x2000xi32, #tpu.memory_space<vmem>>
      %dma_wait3A_321 = tpu.memref_squeeze %dma_wait3A_320 : memref<1x2000xi32, #tpu.memory_space<vmem>> -> memref<2000xi32, #tpu.memory_space<vmem>>
      %dma_wait3A_322 = arith.constant 0 : i32
      %dma_wait3A_323 = tpu.memref_slice %arg4[%dma_wait3A_322] : memref<320000xi32, #tpu.memory_space<hbm>> -> memref<2000xi32, #tpu.memory_space<hbm>>
      tpu.wait_dma2 semaphore(%arg12 : memref<!tpu.dma_semaphore, #tpu.memory_space<semaphore_mem>>) src(%dma_wait3A_323 : memref<2000xi32, #tpu.memory_space<hbm>>) dst(%dma_wait3A_321 : memref<2000xi32, #tpu.memory_space<vmem>>)
    } else {
    }
    %mul3A_49 = arith.constant 2000 : i32
    %mul3A_50 = arith.muli %add3A_43, %mul3A_49 : i32
    %add3A_51 = arith.addi %mul3A_2, %mul3A_50 : i32
    %dma_start3A_52 = arith.constant 0 : i32
    %dma_start3A_53 = tpu.memref_slice %arg7[%add3A_43, %dma_start3A_52] : memref<5x2000xi32, #tpu.memory_space<vmem>> -> memref<1x2000xi32, #tpu.memory_space<vmem>>
    %dma_start3A_54 = tpu.memref_squeeze %dma_start3A_53 : memref<1x2000xi32, #tpu.memory_space<vmem>> -> memref<2000xi32, #tpu.memory_space<vmem>>
    %dma_start3A_55 = tpu.memref_slice %arg4[%add3A_51] : memref<320000xi32, #tpu.memory_space<hbm>> -> memref<2000xi32, #tpu.memory_space<hbm>>
    %dma_start3A_56 = arith.constant 0 : i32
    %dma_start3A_57 = tpu.memref_slice %arg7[%add3A_43, %dma_start3A_56] : memref<5x2000xi32, #tpu.memory_space<vmem>> -> memref<1x2000xi32, #tpu.memory_space<vmem>>
    %dma_start3A_58 = tpu.memref_squeeze %dma_start3A_57 : memref<1x2000xi32, #tpu.memory_space<vmem>> -> memref<2000xi32, #tpu.memory_space<vmem>>
    %dma_start3A_59 = tpu.memref_slice %arg4[%add3A_51] : memref<320000xi32, #tpu.memory_space<hbm>> -> memref<2000xi32, #tpu.memory_space<hbm>>
    tpu.enqueue_dma source(%dma_start3A_59 : memref<2000xi32, #tpu.memory_space<hbm>>) target(%dma_start3A_58 : memref<2000xi32, #tpu.memory_space<vmem>>) target_semaphore(%arg12 : memref<!tpu.dma_semaphore, #tpu.memory_space<semaphore_mem>>)
    %mul3A_60 = arith.constant 5 : i32
    %mul3A_61 = arith.muli %scan3A_3, %mul3A_60 : i32
    %add3A_62 = arith.constant 3 : i32
    %add3A_63 = arith.addi %mul3A_61, %add3A_62 : i32
    %gt3A_64 = arith.constant 0 : i32
    %gt3A_65 = arith.cmpi sgt, %scan3A_3, %gt3A_64 : i32
    %convert_element_type3A_66 = arith.extui %gt3A_65 : i1 to i32
    %cond3A_67 = arith.constant 0 : i32
    %cond3A_68 = arith.cmpi ne, %convert_element_type3A_66, %cond3A_67 : i32
    scf.if %cond3A_68 {
      %dma_wait3A_313 = arith.constant 0 : i32
      %dma_wait3A_314 = arith.constant 0 : i32
      %dma_wait3A_315 = tpu.memref_slice %arg6[%dma_wait3A_313, %dma_wait3A_314] : memref<2x2000xi32, #tpu.memory_space<vmem>> -> memref<1x2000xi32, #tpu.memory_space<vmem>>
      %dma_wait3A_316 = tpu.memref_squeeze %dma_wait3A_315 : memref<1x2000xi32, #tpu.memory_space<vmem>> -> memref<2000xi32, #tpu.memory_space<vmem>>
      %dma_wait3A_317 = arith.constant 0 : i32
      %dma_wait3A_318 = tpu.memref_slice %arg4[%dma_wait3A_317] : memref<320000xi32, #tpu.memory_space<hbm>> -> memref<2000xi32, #tpu.memory_space<hbm>>
      %dma_wait3A_319 = arith.constant 0 : i32
      %dma_wait3A_320 = tpu.memref_slice %arg6[%dma_wait3A_313, %dma_wait3A_319] : memref<2x2000xi32, #tpu.memory_space<vmem>> -> memref<1x2000xi32, #tpu.memory_space<vmem>>
      %dma_wait3A_321 = tpu.memref_squeeze %dma_wait3A_320 : memref<1x2000xi32, #tpu.memory_space<vmem>> -> memref<2000xi32, #tpu.memory_space<vmem>>
      %dma_wait3A_322 = arith.constant 0 : i32
      %dma_wait3A_323 = tpu.memref_slice %arg4[%dma_wait3A_322] : memref<320000xi32, #tpu.memory_space<hbm>> -> memref<2000xi32, #tpu.memory_space<hbm>>
      tpu.wait_dma2 semaphore(%arg13 : memref<!tpu.dma_semaphore, #tpu.memory_space<semaphore_mem>>) src(%dma_wait3A_323 : memref<2000xi32, #tpu.memory_space<hbm>>) dst(%dma_wait3A_321 : memref<2000xi32, #tpu.memory_space<vmem>>)
    } else {
    }
    %mul3A_69 = arith.constant 2000 : i32
    %mul3A_70 = arith.muli %add3A_63, %mul3A_69 : i32
    %add3A_71 = arith.addi %mul3A_2, %mul3A_70 : i32
    %dma_start3A_72 = arith.constant 0 : i32
    %dma_start3A_73 = tpu.memref_slice %arg7[%add3A_63, %dma_start3A_72] : memref<5x2000xi32, #tpu.memory_space<vmem>> -> memref<1x2000xi32, #tpu.memory_space<vmem>>
    %dma_start3A_74 = tpu.memref_squeeze %dma_start3A_73 : memref<1x2000xi32, #tpu.memory_space<vmem>> -> memref<2000xi32, #tpu.memory_space<vmem>>
    %dma_start3A_75 = tpu.memref_slice %arg4[%add3A_71] : memref<320000xi32, #tpu.memory_space<hbm>> -> memref<2000xi32, #tpu.memory_space<hbm>>
    %dma_start3A_76 = arith.constant 0 : i32
    %dma_start3A_77 = tpu.memref_slice %arg7[%add3A_63, %dma_start3A_76] : memref<5x2000xi32, #tpu.memory_space<vmem>> -> memref<1x2000xi32, #tpu.memory_space<vmem>>
    %dma_start3A_78 = tpu.memref_squeeze %dma_start3A_77 : memref<1x2000xi32, #tpu.memory_space<vmem>> -> memref<2000xi32, #tpu.memory_space<vmem>>
    %dma_start3A_79 = tpu.memref_slice %arg4[%add3A_71] : memref<320000xi32, #tpu.memory_space<hbm>> -> memref<2000xi32, #tpu.memory_space<hbm>>
    tpu.enqueue_dma source(%dma_start3A_79 : memref<2000xi32, #tpu.memory_space<hbm>>) target(%dma_start3A_78 : memref<2000xi32, #tpu.memory_space<vmem>>) target_semaphore(%arg13 : memref<!tpu.dma_semaphore, #tpu.memory_space<semaphore_mem>>)
    %mul3A_80 = arith.constant 5 : i32
    %mul3A_81 = arith.muli %scan3A_3, %mul3A_80 : i32
    %add3A_82 = arith.constant 4 : i32
    %add3A_83 = arith.addi %mul3A_81, %add3A_82 : i32
    %gt3A_84 = arith.constant 0 : i32
    %gt3A_85 = arith.cmpi sgt, %scan3A_3, %gt3A_84 : i32
    %convert_element_type3A_86 = arith.extui %gt3A_85 : i1 to i32
    %cond3A_87 = arith.constant 0 : i32
    %cond3A_88 = arith.cmpi ne, %convert_element_type3A_86, %cond3A_87 : i32
    scf.if %cond3A_88 {
      %dma_wait3A_313 = arith.constant 0 : i32
      %dma_wait3A_314 = arith.constant 0 : i32
      %dma_wait3A_315 = tpu.memref_slice %arg6[%dma_wait3A_313, %dma_wait3A_314] : memref<2x2000xi32, #tpu.memory_space<vmem>> -> memref<1x2000xi32, #tpu.memory_space<vmem>>
      %dma_wait3A_316 = tpu.memref_squeeze %dma_wait3A_315 : memref<1x2000xi32, #tpu.memory_space<vmem>> -> memref<2000xi32, #tpu.memory_space<vmem>>
      %dma_wait3A_317 = arith.constant 0 : i32
      %dma_wait3A_318 = tpu.memref_slice %arg4[%dma_wait3A_317] : memref<320000xi32, #tpu.memory_space<hbm>> -> memref<2000xi32, #tpu.memory_space<hbm>>
      %dma_wait3A_319 = arith.constant 0 : i32
      %dma_wait3A_320 = tpu.memref_slice %arg6[%dma_wait3A_313, %dma_wait3A_319] : memref<2x2000xi32, #tpu.memory_space<vmem>> -> memref<1x2000xi32, #tpu.memory_space<vmem>>
      %dma_wait3A_321 = tpu.memref_squeeze %dma_wait3A_320 : memref<1x2000xi32, #tpu.memory_space<vmem>> -> memref<2000xi32, #tpu.memory_space<vmem>>
      %dma_wait3A_322 = arith.constant 0 : i32
      %dma_wait3A_323 = tpu.memref_slice %arg4[%dma_wait3A_322] : memref<320000xi32, #tpu.memory_space<hbm>> -> memref<2000xi32, #tpu.memory_space<hbm>>
      tpu.wait_dma2 semaphore(%arg14 : memref<!tpu.dma_semaphore, #tpu.memory_space<semaphore_mem>>) src(%dma_wait3A_323 : memref<2000xi32, #tpu.memory_space<hbm>>) dst(%dma_wait3A_321 : memref<2000xi32, #tpu.memory_space<vmem>>)
    } else {
    }
    %mul3A_89 = arith.constant 2000 : i32
    %mul3A_90 = arith.muli %add3A_83, %mul3A_89 : i32
    %add3A_91 = arith.addi %mul3A_2, %mul3A_90 : i32
    %dma_start3A_92 = arith.constant 0 : i32
    %dma_start3A_93 = tpu.memref_slice %arg7[%add3A_83, %dma_start3A_92] : memref<5x2000xi32, #tpu.memory_space<vmem>> -> memref<1x2000xi32, #tpu.memory_space<vmem>>
    %dma_start3A_94 = tpu.memref_squeeze %dma_start3A_93 : memref<1x2000xi32, #tpu.memory_space<vmem>> -> memref<2000xi32, #tpu.memory_space<vmem>>
    %dma_start3A_95 = tpu.memref_slice %arg4[%add3A_91] : memref<320000xi32, #tpu.memory_space<hbm>> -> memref<2000xi32, #tpu.memory_space<hbm>>
    %dma_start3A_96 = arith.constant 0 : i32
    %dma_start3A_97 = tpu.memref_slice %arg7[%add3A_83, %dma_start3A_96] : memref<5x2000xi32, #tpu.memory_space<vmem>> -> memref<1x2000xi32, #tpu.memory_space<vmem>>
    %dma_start3A_98 = tpu.memref_squeeze %dma_start3A_97 : memref<1x2000xi32, #tpu.memory_space<vmem>> -> memref<2000xi32, #tpu.memory_space<vmem>>
    %dma_start3A_99 = tpu.memref_slice %arg4[%add3A_91] : memref<320000xi32, #tpu.memory_space<hbm>> -> memref<2000xi32, #tpu.memory_space<hbm>>
    tpu.enqueue_dma source(%dma_start3A_99 : memref<2000xi32, #tpu.memory_space<hbm>>) target(%dma_start3A_98 : memref<2000xi32, #tpu.memory_space<vmem>>) target_semaphore(%arg14 : memref<!tpu.dma_semaphore, #tpu.memory_space<semaphore_mem>>)
    %scan3A_100 = arith.constant 0 : i32
    %scan3A_101 = arith.constant 1 : i32
    %scan3A_102 = arith.constant 0 : i32
    %scan3A_103 = arith.constant 0 : i32
    %scan3A_104 = arith.constant 2000 : i32
    %scan3A_105 = arith.addi %scan3A_103, %scan3A_104 : i32
    %scan3A_106 = arith.constant 1 : i32
    %scan3A_107 = scf.for %scan3A_313 = %scan3A_103 to %scan3A_105 step %scan3A_106 iter_args(%scan3A_314 = %scan3A_102) -> (i32)  : i32 {
      %scan3A_315 = arith.constant 0 : i32
      %scan3A_316 = arith.constant 0 : i32
      %broadcast_in_dim3A = arith.constant 0.000000e+00 : bf16
      %broadcast_in_dim3A_317 = vector.broadcast %broadcast_in_dim3A : bf16 to vector<32xbf16>
      %mul3A_318 = arith.constant 32 : i32
      %mul3A_319 = arith.muli %scan3A_316, %mul3A_318 : i32
      %swap3A = arith.constant 0 : i32
      %swap3A_320 = arith.index_cast %swap3A : i32 to index
      %swap3A_321 = arith.index_cast %scan3A_313 : i32 to index
      %swap3A_322 = arith.index_cast %mul3A_319 : i32 to index
      %swap3A_323 = tpu.vector_load %arg8[%swap3A_320, %swap3A_321, %swap3A_322] {strides = array<i32>} : memref<2x2000x32xbf16, #tpu.memory_space<vmem>>, vector<1x1x32xbf16>,
      %swap3A_324 = vector.shape_cast %swap3A_323 : vector<1x1x32xbf16> to vector<32xbf16>
      %swap3A_325 = vector.shape_cast %broadcast_in_dim3A_317 : vector<32xbf16> to vector<1x1x32xbf16>
      tpu.vector_store %arg8[%swap3A_320, %swap3A_321, %swap3A_322], %swap3A_325 {strides = array<i32>} : memref<2x2000x32xbf16, #tpu.memory_space<vmem>>, vector<1x1x32xbf16>,
      %scan3A_326 = arith.constant 0 : i32
      %scan3A_327 = arith.constant 1 : i32
      scf.yield %scan3A_326 : i32
    }
    %scan3A_108 = arith.constant 2000 : i32
    %dma_wait3A = arith.constant 0 : i32
    %dma_wait3A_109 = arith.constant 0 : i32
    %dma_wait3A_110 = tpu.memref_slice %arg6[%dma_wait3A, %dma_wait3A_109] : memref<2x2000xi32, #tpu.memory_space<vmem>> -> memref<1x2000xi32, #tpu.memory_space<vmem>>
    %dma_wait3A_111 = tpu.memref_squeeze %dma_wait3A_110 : memref<1x2000xi32, #tpu.memory_space<vmem>> -> memref<2000xi32, #tpu.memory_space<vmem>>
    %dma_wait3A_112 = arith.constant 0 : i32
    %dma_wait3A_113 = tpu.memref_slice %arg4[%dma_wait3A_112] : memref<320000xi32, #tpu.memory_space<hbm>> -> memref<2000xi32, #tpu.memory_space<hbm>>
    %dma_wait3A_114 = arith.constant 0 : i32
    %dma_wait3A_115 = tpu.memref_slice %arg6[%dma_wait3A, %dma_wait3A_114] : memref<2x2000xi32, #tpu.memory_space<vmem>> -> memref<1x2000xi32, #tpu.memory_space<vmem>>
    %dma_wait3A_116 = tpu.memref_squeeze %dma_wait3A_115 : memref<1x2000xi32, #tpu.memory_space<vmem>> -> memref<2000xi32, #tpu.memory_space<vmem>>
    %dma_wait3A_117 = arith.constant 0 : i32
    %dma_wait3A_118 = tpu.memref_slice %arg4[%dma_wait3A_117] : memref<320000xi32, #tpu.memory_space<hbm>> -> memref<2000xi32, #tpu.memory_space<hbm>>
    tpu.wait_dma2 semaphore(%arg10 : memref<!tpu.dma_semaphore, #tpu.memory_space<semaphore_mem>>) src(%dma_wait3A_118 : memref<2000xi32, #tpu.memory_space<hbm>>) dst(%dma_wait3A_116 : memref<2000xi32, #tpu.memory_space<vmem>>)
    %dma_wait3A_119 = arith.constant 0 : i32
    %dma_wait3A_120 = arith.constant 0 : i32
    %dma_wait3A_121 = tpu.memref_slice %arg6[%dma_wait3A_119, %dma_wait3A_120] : memref<2x2000xi32, #tpu.memory_space<vmem>> -> memref<1x2000xi32, #tpu.memory_space<vmem>>
    %dma_wait3A_122 = tpu.memref_squeeze %dma_wait3A_121 : memref<1x2000xi32, #tpu.memory_space<vmem>> -> memref<2000xi32, #tpu.memory_space<vmem>>
    %dma_wait3A_123 = arith.constant 0 : i32
    %dma_wait3A_124 = tpu.memref_slice %arg4[%dma_wait3A_123] : memref<320000xi32, #tpu.memory_space<hbm>> -> memref<2000xi32, #tpu.memory_space<hbm>>
    %dma_wait3A_125 = arith.constant 0 : i32
    %dma_wait3A_126 = tpu.memref_slice %arg6[%dma_wait3A_119, %dma_wait3A_125] : memref<2x2000xi32, #tpu.memory_space<vmem>> -> memref<1x2000xi32, #tpu.memory_space<vmem>>
    %dma_wait3A_127 = tpu.memref_squeeze %dma_wait3A_126 : memref<1x2000xi32, #tpu.memory_space<vmem>> -> memref<2000xi32, #tpu.memory_space<vmem>>
    %dma_wait3A_128 = arith.constant 0 : i32
    %dma_wait3A_129 = tpu.memref_slice %arg4[%dma_wait3A_128] : memref<320000xi32, #tpu.memory_space<hbm>> -> memref<2000xi32, #tpu.memory_space<hbm>>
    tpu.wait_dma2 semaphore(%arg11 : memref<!tpu.dma_semaphore, #tpu.memory_space<semaphore_mem>>) src(%dma_wait3A_129 : memref<2000xi32, #tpu.memory_space<hbm>>) dst(%dma_wait3A_127 : memref<2000xi32, #tpu.memory_space<vmem>>)
    %dma_wait3A_130 = arith.constant 0 : i32
    %dma_wait3A_131 = arith.constant 0 : i32
    %dma_wait3A_132 = tpu.memref_slice %arg6[%dma_wait3A_130, %dma_wait3A_131] : memref<2x2000xi32, #tpu.memory_space<vmem>> -> memref<1x2000xi32, #tpu.memory_space<vmem>>
    %dma_wait3A_133 = tpu.memref_squeeze %dma_wait3A_132 : memref<1x2000xi32, #tpu.memory_space<vmem>> -> memref<2000xi32, #tpu.memory_space<vmem>>
    %dma_wait3A_134 = arith.constant 0 : i32
    %dma_wait3A_135 = tpu.memref_slice %arg4[%dma_wait3A_134] : memref<320000xi32, #tpu.memory_space<hbm>> -> memref<2000xi32, #tpu.memory_space<hbm>>
    %dma_wait3A_136 = arith.constant 0 : i32
    %dma_wait3A_137 = tpu.memref_slice %arg6[%dma_wait3A_130, %dma_wait3A_136] : memref<2x2000xi32, #tpu.memory_space<vmem>> -> memref<1x2000xi32, #tpu.memory_space<vmem>>
    %dma_wait3A_138 = tpu.memref_squeeze %dma_wait3A_137 : memref<1x2000xi32, #tpu.memory_space<vmem>> -> memref<2000xi32, #tpu.memory_space<vmem>>
    %dma_wait3A_139 = arith.constant 0 : i32
    %dma_wait3A_140 = tpu.memref_slice %arg4[%dma_wait3A_139] : memref<320000xi32, #tpu.memory_space<hbm>> -> memref<2000xi32, #tpu.memory_space<hbm>>
    tpu.wait_dma2 semaphore(%arg12 : memref<!tpu.dma_semaphore, #tpu.memory_space<semaphore_mem>>) src(%dma_wait3A_140 : memref<2000xi32, #tpu.memory_space<hbm>>) dst(%dma_wait3A_138 : memref<2000xi32, #tpu.memory_space<vmem>>)
    %dma_wait3A_141 = arith.constant 0 : i32
    %dma_wait3A_142 = arith.constant 0 : i32
    %dma_wait3A_143 = tpu.memref_slice %arg6[%dma_wait3A_141, %dma_wait3A_142] : memref<2x2000xi32, #tpu.memory_space<vmem>> -> memref<1x2000xi32, #tpu.memory_space<vmem>>
    %dma_wait3A_144 = tpu.memref_squeeze %dma_wait3A_143 : memref<1x2000xi32, #tpu.memory_space<vmem>> -> memref<2000xi32, #tpu.memory_space<vmem>>
    %dma_wait3A_145 = arith.constant 0 : i32
    %dma_wait3A_146 = tpu.memref_slice %arg4[%dma_wait3A_145] : memref<320000xi32, #tpu.memory_space<hbm>> -> memref<2000xi32, #tpu.memory_space<hbm>>
    %dma_wait3A_147 = arith.constant 0 : i32
    %dma_wait3A_148 = tpu.memref_slice %arg6[%dma_wait3A_141, %dma_wait3A_147] : memref<2x2000xi32, #tpu.memory_space<vmem>> -> memref<1x2000xi32, #tpu.memory_space<vmem>>
    %dma_wait3A_149 = tpu.memref_squeeze %dma_wait3A_148 : memref<1x2000xi32, #tpu.memory_space<vmem>> -> memref<2000xi32, #tpu.memory_space<vmem>>
    %dma_wait3A_150 = arith.constant 0 : i32
    %dma_wait3A_151 = tpu.memref_slice %arg4[%dma_wait3A_150] : memref<320000xi32, #tpu.memory_space<hbm>> -> memref<2000xi32, #tpu.memory_space<hbm>>
    tpu.wait_dma2 semaphore(%arg13 : memref<!tpu.dma_semaphore, #tpu.memory_space<semaphore_mem>>) src(%dma_wait3A_151 : memref<2000xi32, #tpu.memory_space<hbm>>) dst(%dma_wait3A_149 : memref<2000xi32, #tpu.memory_space<vmem>>)
    %dma_wait3A_152 = arith.constant 0 : i32
    %dma_wait3A_153 = arith.constant 0 : i32
    %dma_wait3A_154 = tpu.memref_slice %arg6[%dma_wait3A_152, %dma_wait3A_153] : memref<2x2000xi32, #tpu.memory_space<vmem>> -> memref<1x2000xi32, #tpu.memory_space<vmem>>
    %dma_wait3A_155 = tpu.memref_squeeze %dma_wait3A_154 : memref<1x2000xi32, #tpu.memory_space<vmem>> -> memref<2000xi32, #tpu.memory_space<vmem>>
    %dma_wait3A_156 = arith.constant 0 : i32
    %dma_wait3A_157 = tpu.memref_slice %arg4[%dma_wait3A_156] : memref<320000xi32, #tpu.memory_space<hbm>> -> memref<2000xi32, #tpu.memory_space<hbm>>
    %dma_wait3A_158 = arith.constant 0 : i32
    %dma_wait3A_159 = tpu.memref_slice %arg6[%dma_wait3A_152, %dma_wait3A_158] : memref<2x2000xi32, #tpu.memory_space<vmem>> -> memref<1x2000xi32, #tpu.memory_space<vmem>>
    %dma_wait3A_160 = tpu.memref_squeeze %dma_wait3A_159 : memref<1x2000xi32, #tpu.memory_space<vmem>> -> memref<2000xi32, #tpu.memory_space<vmem>>
    %dma_wait3A_161 = arith.constant 0 : i32
    %dma_wait3A_162 = tpu.memref_slice %arg4[%dma_wait3A_161] : memref<320000xi32, #tpu.memory_space<hbm>> -> memref<2000xi32, #tpu.memory_space<hbm>>
    tpu.wait_dma2 semaphore(%arg14 : memref<!tpu.dma_semaphore, #tpu.memory_space<semaphore_mem>>) src(%dma_wait3A_162 : memref<2000xi32, #tpu.memory_space<hbm>>) dst(%dma_wait3A_160 : memref<2000xi32, #tpu.memory_space<vmem>>)
    %mul3A_163 = arith.constant 624 : i32
    %mul3A_164 = arith.muli %arg1, %mul3A_163 : i32
    %multiple_of3A = tpu.assume_multiple %mul3A_164, 8 : i32
    %add3A_165 = arith.constant 0 : i32
    %add3A_166 = arith.addi %multiple_of3A, %add3A_165 : i32
    %run_scoped3A = arith.constant 0 : i32
    "tpu.region"() ({
      %run_scoped3A_313 = tpu.sem_alloc : memref<!tpu.dma_semaphore, #tpu.memory_space<semaphore_mem>>
      %dma_start3A_314 = arith.constant 0 : i32
      %dma_start3A_315 = arith.constant 0 : i32
      %dma_start3A_316 = tpu.memref_slice %arg8[%run_scoped3A, %dma_start3A_314, %dma_start3A_315] : memref<2x2000x32xbf16, #tpu.memory_space<vmem>> -> memref<1x624x32xbf16, #tpu.memory_space<vmem>>
      %dma_start3A_317 = tpu.memref_squeeze %dma_start3A_316 : memref<1x624x32xbf16, #tpu.memory_space<vmem>> -> memref<624x32xbf16, #tpu.memory_space<vmem>>
      %dma_start3A_318 = arith.constant 0 : i32
      %dma_start3A_319 = tpu.memref_slice %arg9[%add3A_166, %dma_start3A_318] : memref<10000x32xbf16, #tpu.memory_space<vmem_shared>> -> memref<624x32xbf16, #tpu.memory_space<vmem_shared>>
      %dma_start3A_320 = arith.constant 0 : i32
      %dma_start3A_321 = tpu.memref_slice %arg9[%add3A_166, %dma_start3A_320] : memref<10000x32xbf16, #tpu.memory_space<vmem_shared>> -> memref<624x32xbf16, #tpu.memory_space<vmem_shared>>
      %dma_start3A_322 = arith.constant 0 : i32
      %dma_start3A_323 = arith.constant 0 : i32
      %dma_start3A_324 = tpu.memref_slice %arg8[%run_scoped3A, %dma_start3A_322, %dma_start3A_323] : memref<2x2000x32xbf16, #tpu.memory_space<vmem>> -> memref<1x624x32xbf16, #tpu.memory_space<vmem>>
      %dma_start3A_325 = tpu.memref_squeeze %dma_start3A_324 : memref<1x624x32xbf16, #tpu.memory_space<vmem>> -> memref<624x32xbf16, #tpu.memory_space<vmem>>
      tpu.enqueue_dma source(%dma_start3A_325 : memref<624x32xbf16, #tpu.memory_space<vmem>>) target(%dma_start3A_321 : memref<624x32xbf16, #tpu.memory_space<vmem_shared>>) target_semaphore(%run_scoped3A_313 : memref<!tpu.dma_semaphore, #tpu.memory_space<semaphore_mem>>)
      %dma_wait3A_326 = arith.constant 0 : i32
      %dma_wait3A_327 = arith.constant 0 : i32
      %dma_wait3A_328 = tpu.memref_slice %arg8[%run_scoped3A, %dma_wait3A_326, %dma_wait3A_327] : memref<2x2000x32xbf16, #tpu.memory_space<vmem>> -> memref<1x624x32xbf16, #tpu.memory_space<vmem>>
      %dma_wait3A_329 = tpu.memref_squeeze %dma_wait3A_328 : memref<1x624x32xbf16, #tpu.memory_space<vmem>> -> memref<624x32xbf16, #tpu.memory_space<vmem>>
      %dma_wait3A_330 = arith.constant 0 : i32
      %dma_wait3A_331 = tpu.memref_slice %arg9[%add3A_166, %dma_wait3A_330] : memref<10000x32xbf16, #tpu.memory_space<vmem_shared>> -> memref<624x32xbf16, #tpu.memory_space<vmem_shared>>
      %dma_wait3A_332 = arith.constant 0 : i32
      %dma_wait3A_333 = tpu.memref_slice %arg9[%add3A_166, %dma_wait3A_332] : memref<10000x32xbf16, #tpu.memory_space<vmem_shared>> -> memref<624x32xbf16, #tpu.memory_space<vmem_shared>>
      %dma_wait3A_334 = arith.constant 0 : i32
      %dma_wait3A_335 = arith.constant 0 : i32
      %dma_wait3A_336 = tpu.memref_slice %arg8[%run_scoped3A, %dma_wait3A_334, %dma_wait3A_335] : memref<2x2000x32xbf16, #tpu.memory_space<vmem>> -> memref<1x624x32xbf16, #tpu.memory_space<vmem>>
      %dma_wait3A_337 = tpu.memref_squeeze %dma_wait3A_336 : memref<1x624x32xbf16, #tpu.memory_space<vmem>> -> memref<624x32xbf16, #tpu.memory_space<vmem>>
      tpu.wait_dma2 semaphore(%run_scoped3A_313 : memref<!tpu.dma_semaphore, #tpu.memory_space<semaphore_mem>>) src(%dma_wait3A_337 : memref<624x32xbf16, #tpu.memory_space<vmem>>) dst(%dma_wait3A_333 : memref<624x32xbf16, #tpu.memory_space<vmem_shared>>)
      tpu.yield
    }) : () -> ()
    %eq3A = arith.constant 15 : i32
    %eq3A_167 = arith.cmpi eq, %arg1, %eq3A : i32
    %convert_element_type3A_168 = arith.extui %eq3A_167 : i1 to i32
    %cond3A_169 = arith.constant 0 : i32
    %cond3A_170 = arith.cmpi ne, %convert_element_type3A_168, %cond3A_169 : i32
    scf.if %cond3A_170 {
      %run_scoped3A_313 = arith.constant 0 : i32
      "tpu.region"() ({
        %run_scoped3A_314 = tpu.sem_alloc : memref<!tpu.dma_semaphore, #tpu.memory_space<semaphore_mem>>
        %dma_start3A_315 = arith.constant 0 : i32
        %dma_start3A_316 = arith.constant 0 : i32
        %dma_start3A_317 = tpu.memref_slice %arg8[%run_scoped3A_313, %dma_start3A_315, %dma_start3A_316] : memref<2x2000x32xbf16, #tpu.memory_space<vmem>> -> memref<1x16x32xbf16, #tpu.memory_space<vmem>>
        %dma_start3A_318 = tpu.memref_squeeze %dma_start3A_317 : memref<1x16x32xbf16, #tpu.memory_space<vmem>> -> memref<16x32xbf16, #tpu.memory_space<vmem>>
        %dma_start3A_319 = arith.constant 9984 : i32
        %dma_start3A_320 = arith.constant 0 : i32
        %dma_start3A_321 = tpu.memref_slice %arg9[%dma_start3A_319, %dma_start3A_320] : memref<10000x32xbf16, #tpu.memory_space<vmem_shared>> -> memref<16x32xbf16, #tpu.memory_space<vmem_shared>>
        %dma_start3A_322 = arith.constant 9984 : i32
        %dma_start3A_323 = arith.constant 0 : i32
        %dma_start3A_324 = tpu.memref_slice %arg9[%dma_start3A_322, %dma_start3A_323] : memref<10000x32xbf16, #tpu.memory_space<vmem_shared>> -> memref<16x32xbf16, #tpu.memory_space<vmem_shared>>
        %dma_start3A_325 = arith.constant 0 : i32
        %dma_start3A_326 = arith.constant 0 : i32
        %dma_start3A_327 = tpu.memref_slice %arg8[%run_scoped3A_313, %dma_start3A_325, %dma_start3A_326] : memref<2x2000x32xbf16, #tpu.memory_space<vmem>> -> memref<1x16x32xbf16, #tpu.memory_space<vmem>>
        %dma_start3A_328 = tpu.memref_squeeze %dma_start3A_327 : memref<1x16x32xbf16, #tpu.memory_space<vmem>> -> memref<16x32xbf16, #tpu.memory_space<vmem>>
        tpu.enqueue_dma source(%dma_start3A_328 : memref<16x32xbf16, #tpu.memory_space<vmem>>) target(%dma_start3A_324 : memref<16x32xbf16, #tpu.memory_space<vmem_shared>>) target_semaphore(%run_scoped3A_314 : memref<!tpu.dma_semaphore, #tpu.memory_space<semaphore_mem>>)
        %dma_wait3A_329 = arith.constant 0 : i32
        %dma_wait3A_330 = arith.constant 0 : i32
        %dma_wait3A_331 = tpu.memref_slice %arg8[%run_scoped3A_313, %dma_wait3A_329, %dma_wait3A_330] : memref<2x2000x32xbf16, #tpu.memory_space<vmem>> -> memref<1x16x32xbf16, #tpu.memory_space<vmem>>
        %dma_wait3A_332 = tpu.memref_squeeze %dma_wait3A_331 : memref<1x16x32xbf16, #tpu.memory_space<vmem>> -> memref<16x32xbf16, #tpu.memory_space<vmem>>
        %dma_wait3A_333 = arith.constant 9984 : i32
        %dma_wait3A_334 = arith.constant 0 : i32
        %dma_wait3A_335 = tpu.memref_slice %arg9[%dma_wait3A_333, %dma_wait3A_334] : memref<10000x32xbf16, #tpu.memory_space<vmem_shared>> -> memref<16x32xbf16, #tpu.memory_space<vmem_shared>>
        %dma_wait3A_336 = arith.constant 9984 : i32
        %dma_wait3A_337 = arith.constant 0 : i32
        %dma_wait3A_338 = tpu.memref_slice %arg9[%dma_wait3A_336, %dma_wait3A_337] : memref<10000x32xbf16, #tpu.memory_space<vmem_shared>> -> memref<16x32xbf16, #tpu.memory_space<vmem_shared>>
        %dma_wait3A_339 = arith.constant 0 : i32
        %dma_wait3A_340 = arith.constant 0 : i32
        %dma_wait3A_341 = tpu.memref_slice %arg8[%run_scoped3A_313, %dma_wait3A_339, %dma_wait3A_340] : memref<2x2000x32xbf16, #tpu.memory_space<vmem>> -> memref<1x16x32xbf16, #tpu.memory_space<vmem>>
        %dma_wait3A_342 = tpu.memref_squeeze %dma_wait3A_341 : memref<1x16x32xbf16, #tpu.memory_space<vmem>> -> memref<16x32xbf16, #tpu.memory_space<vmem>>
        tpu.wait_dma2 semaphore(%run_scoped3A_314 : memref<!tpu.dma_semaphore, #tpu.memory_space<semaphore_mem>>) src(%dma_wait3A_342 : memref<16x32xbf16, #tpu.memory_space<vmem>>) dst(%dma_wait3A_338 : memref<16x32xbf16, #tpu.memory_space<vmem_shared>>)
        tpu.yield
      }) : () -> ()
    } else {
    }
    %scan3A_171 = arith.constant 0 : i32
    %scan3A_172 = arith.constant 0 : i32
    %scan3A_173 = arith.constant 2000 : i32
    %scan3A_174 = arith.addi %scan3A_172, %scan3A_173 : i32
    %scan3A_175 = arith.constant 1 : i32
    %scan3A_176 = scf.for %scan3A_313 = %scan3A_172 to %scan3A_174 step %scan3A_175 iter_args(%scan3A_314 = %scan3A_171) -> (i32)  : i32 {
      %scan3A_315 = arith.constant 0 : i32
      %scan3A_316 = arith.constant 0 : i32
      %broadcast_in_dim3A = arith.constant 1.000000e+00 : bf16
      %broadcast_in_dim3A_317 = vector.broadcast %broadcast_in_dim3A : bf16 to vector<32xbf16>
      %mul3A_318 = arith.constant 32 : i32
      %mul3A_319 = arith.muli %scan3A_316, %mul3A_318 : i32
      %swap3A = arith.constant 0 : i32
      %swap3A_320 = arith.index_cast %swap3A : i32 to index
      %swap3A_321 = arith.index_cast %scan3A_313 : i32 to index
      %swap3A_322 = arith.index_cast %mul3A_319 : i32 to index
      %swap3A_323 = tpu.vector_load %arg8[%swap3A_320, %swap3A_321, %swap3A_322] {strides = array<i32>} : memref<2x2000x32xbf16, #tpu.memory_space<vmem>>, vector<1x1x32xbf16>,
      %swap3A_324 = vector.shape_cast %swap3A_323 : vector<1x1x32xbf16> to vector<32xbf16>
      %swap3A_325 = vector.shape_cast %broadcast_in_dim3A_317 : vector<32xbf16> to vector<1x1x32xbf16>
      tpu.vector_store %arg8[%swap3A_320, %swap3A_321, %swap3A_322], %swap3A_325 {strides = array<i32>} : memref<2x2000x32xbf16, #tpu.memory_space<vmem>>, vector<1x1x32xbf16>,
      %scan3A_326 = arith.constant 0 : i32
      %scan3A_327 = arith.constant 1 : i32
      scf.yield %scan3A_326 : i32
    }
    %scan3A_177 = arith.constant 2000 : i32
    %barrier3A = arith.constant 0 : index
    tpu.barrier barrier_id(%barrier3A)
    %dma_start3A_178 = arith.constant 0 : i32
    %dma_start3A_179 = arith.constant 0 : i32
    %dma_start3A_180 = arith.constant 0 : i32
    %dma_start3A_181 = arith.constant 0 : i32
    %dma_start3A_182 = tpu.memref_slice %arg8[%dma_start3A_178, %dma_start3A_180, %dma_start3A_181] : memref<2x2000x32xbf16, #tpu.memory_space<vmem>> -> memref<1x2000x32xbf16, #tpu.memory_space<vmem>>
    %dma_start3A_183 = tpu.memref_squeeze %dma_start3A_182 : memref<1x2000x32xbf16, #tpu.memory_space<vmem>> -> memref<2000x32xbf16, #tpu.memory_space<vmem>>
    %dma_start3A_184 = arith.constant 0 : i32
    %dma_start3A_185 = tpu.memref_slice %arg7[%dma_start3A_179, %dma_start3A_184] : memref<5x2000xi32, #tpu.memory_space<vmem>> -> memref<1x2000xi32, #tpu.memory_space<vmem>>
    %dma_start3A_186 = tpu.memref_squeeze %dma_start3A_185 : memref<1x2000xi32, #tpu.memory_space<vmem>> -> memref<2000xi32, #tpu.memory_space<vmem>>
    %dma_start3A_187 = arith.constant 0 : i32
    %dma_start3A_188 = arith.constant 0 : i32
    %dma_start3A_189 = tpu.memref_slice %arg9[%dma_start3A_187, %dma_start3A_188] : memref<10000x32xbf16, #tpu.memory_space<vmem_shared>> -> memref<10000x32xbf16, #tpu.memory_space<vmem_shared>>
    tpu.enqueue_indirect_dma source(%dma_start3A_183 : memref<2000x32xbf16, #tpu.memory_space<vmem>>) target(%dma_start3A_189 : memref<10000x32xbf16, #tpu.memory_space<vmem_shared>>) offsets(%dma_start3A_186 : memref<2000xi32, #tpu.memory_space<vmem>>) semaphore(%arg10 : memref<!tpu.dma_semaphore, #tpu.memory_space<semaphore_mem>>) {add = true}
    %dma_start3A_190 = arith.constant 0 : i32
    %dma_start3A_191 = arith.constant 1 : i32
    %dma_start3A_192 = arith.constant 0 : i32
    %dma_start3A_193 = arith.constant 0 : i32
    %dma_start3A_194 = tpu.memref_slice %arg8[%dma_start3A_190, %dma_start3A_192, %dma_start3A_193] : memref<2x2000x32xbf16, #tpu.memory_space<vmem>> -> memref<1x2000x32xbf16, #tpu.memory_space<vmem>>
    %dma_start3A_195 = tpu.memref_squeeze %dma_start3A_194 : memref<1x2000x32xbf16, #tpu.memory_space<vmem>> -> memref<2000x32xbf16, #tpu.memory_space<vmem>>
    %dma_start3A_196 = arith.constant 0 : i32
    %dma_start3A_197 = tpu.memref_slice %arg7[%dma_start3A_191, %dma_start3A_196] : memref<5x2000xi32, #tpu.memory_space<vmem>> -> memref<1x2000xi32, #tpu.memory_space<vmem>>
    %dma_start3A_198 = tpu.memref_squeeze %dma_start3A_197 : memref<1x2000xi32, #tpu.memory_space<vmem>> -> memref<2000xi32, #tpu.memory_space<vmem>>
    %dma_start3A_199 = arith.constant 0 : i32
    %dma_start3A_200 = arith.constant 0 : i32
    %dma_start3A_201 = tpu.memref_slice %arg9[%dma_start3A_199, %dma_start3A_200] : memref<10000x32xbf16, #tpu.memory_space<vmem_shared>> -> memref<10000x32xbf16, #tpu.memory_space<vmem_shared>>
    tpu.enqueue_indirect_dma source(%dma_start3A_195 : memref<2000x32xbf16, #tpu.memory_space<vmem>>) target(%dma_start3A_201 : memref<10000x32xbf16, #tpu.memory_space<vmem_shared>>) offsets(%dma_start3A_198 : memref<2000xi32, #tpu.memory_space<vmem>>) semaphore(%arg11 : memref<!tpu.dma_semaphore, #tpu.memory_space<semaphore_mem>>) {add = true}
    %dma_start3A_202 = arith.constant 0 : i32
    %dma_start3A_203 = arith.constant 2 : i32
    %dma_start3A_204 = arith.constant 0 : i32
    %dma_start3A_205 = arith.constant 0 : i32
    %dma_start3A_206 = tpu.memref_slice %arg8[%dma_start3A_202, %dma_start3A_204, %dma_start3A_205] : memref<2x2000x32xbf16, #tpu.memory_space<vmem>> -> memref<1x2000x32xbf16, #tpu.memory_space<vmem>>
    %dma_start3A_207 = tpu.memref_squeeze %dma_start3A_206 : memref<1x2000x32xbf16, #tpu.memory_space<vmem>> -> memref<2000x32xbf16, #tpu.memory_space<vmem>>
    %dma_start3A_208 = arith.constant 0 : i32
    %dma_start3A_209 = tpu.memref_slice %arg7[%dma_start3A_203, %dma_start3A_208] : memref<5x2000xi32, #tpu.memory_space<vmem>> -> memref<1x2000xi32, #tpu.memory_space<vmem>>
    %dma_start3A_210 = tpu.memref_squeeze %dma_start3A_209 : memref<1x2000xi32, #tpu.memory_space<vmem>> -> memref<2000xi32, #tpu.memory_space<vmem>>
    %dma_start3A_211 = arith.constant 0 : i32
    %dma_start3A_212 = arith.constant 0 : i32
    %dma_start3A_213 = tpu.memref_slice %arg9[%dma_start3A_211, %dma_start3A_212] : memref<10000x32xbf16, #tpu.memory_space<vmem_shared>> -> memref<10000x32xbf16, #tpu.memory_space<vmem_shared>>
    tpu.enqueue_indirect_dma source(%dma_start3A_207 : memref<2000x32xbf16, #tpu.memory_space<vmem>>) target(%dma_start3A_213 : memref<10000x32xbf16, #tpu.memory_space<vmem_shared>>) offsets(%dma_start3A_210 : memref<2000xi32, #tpu.memory_space<vmem>>) semaphore(%arg12 : memref<!tpu.dma_semaphore, #tpu.memory_space<semaphore_mem>>) {add = true}
    %dma_start3A_214 = arith.constant 0 : i32
    %dma_start3A_215 = arith.constant 3 : i32
    %dma_start3A_216 = arith.constant 0 : i32
    %dma_start3A_217 = arith.constant 0 : i32
    %dma_start3A_218 = tpu.memref_slice %arg8[%dma_start3A_214, %dma_start3A_216, %dma_start3A_217] : memref<2x2000x32xbf16, #tpu.memory_space<vmem>> -> memref<1x2000x32xbf16, #tpu.memory_space<vmem>>
    %dma_start3A_219 = tpu.memref_squeeze %dma_start3A_218 : memref<1x2000x32xbf16, #tpu.memory_space<vmem>> -> memref<2000x32xbf16, #tpu.memory_space<vmem>>
    %dma_start3A_220 = arith.constant 0 : i32
    %dma_start3A_221 = tpu.memref_slice %arg7[%dma_start3A_215, %dma_start3A_220] : memref<5x2000xi32, #tpu.memory_space<vmem>> -> memref<1x2000xi32, #tpu.memory_space<vmem>>
    %dma_start3A_222 = tpu.memref_squeeze %dma_start3A_221 : memref<1x2000xi32, #tpu.memory_space<vmem>> -> memref<2000xi32, #tpu.memory_space<vmem>>
    %dma_start3A_223 = arith.constant 0 : i32
    %dma_start3A_224 = arith.constant 0 : i32
    %dma_start3A_225 = tpu.memref_slice %arg9[%dma_start3A_223, %dma_start3A_224] : memref<10000x32xbf16, #tpu.memory_space<vmem_shared>> -> memref<10000x32xbf16, #tpu.memory_space<vmem_shared>>
    tpu.enqueue_indirect_dma source(%dma_start3A_219 : memref<2000x32xbf16, #tpu.memory_space<vmem>>) target(%dma_start3A_225 : memref<10000x32xbf16, #tpu.memory_space<vmem_shared>>) offsets(%dma_start3A_222 : memref<2000xi32, #tpu.memory_space<vmem>>) semaphore(%arg13 : memref<!tpu.dma_semaphore, #tpu.memory_space<semaphore_mem>>) {add = true}
    %dma_start3A_226 = arith.constant 0 : i32
    %dma_start3A_227 = arith.constant 4 : i32
    %dma_start3A_228 = arith.constant 0 : i32
    %dma_start3A_229 = arith.constant 0 : i32
    %dma_start3A_230 = tpu.memref_slice %arg8[%dma_start3A_226, %dma_start3A_228, %dma_start3A_229] : memref<2x2000x32xbf16, #tpu.memory_space<vmem>> -> memref<1x2000x32xbf16, #tpu.memory_space<vmem>>
    %dma_start3A_231 = tpu.memref_squeeze %dma_start3A_230 : memref<1x2000x32xbf16, #tpu.memory_space<vmem>> -> memref<2000x32xbf16, #tpu.memory_space<vmem>>
    %dma_start3A_232 = arith.constant 0 : i32
    %dma_start3A_233 = tpu.memref_slice %arg7[%dma_start3A_227, %dma_start3A_232] : memref<5x2000xi32, #tpu.memory_space<vmem>> -> memref<1x2000xi32, #tpu.memory_space<vmem>>
    %dma_start3A_234 = tpu.memref_squeeze %dma_start3A_233 : memref<1x2000xi32, #tpu.memory_space<vmem>> -> memref<2000xi32, #tpu.memory_space<vmem>>
    %dma_start3A_235 = arith.constant 0 : i32
    %dma_start3A_236 = arith.constant 0 : i32
    %dma_start3A_237 = tpu.memref_slice %arg9[%dma_start3A_235, %dma_start3A_236] : memref<10000x32xbf16, #tpu.memory_space<vmem_shared>> -> memref<10000x32xbf16, #tpu.memory_space<vmem_shared>>
    tpu.enqueue_indirect_dma source(%dma_start3A_231 : memref<2000x32xbf16, #tpu.memory_space<vmem>>) target(%dma_start3A_237 : memref<10000x32xbf16, #tpu.memory_space<vmem_shared>>) offsets(%dma_start3A_234 : memref<2000xi32, #tpu.memory_space<vmem>>) semaphore(%arg14 : memref<!tpu.dma_semaphore, #tpu.memory_space<semaphore_mem>>) {add = true}
    %scan3A_238 = arith.constant 0 : i32
    %scan3A_239 = arith.constant 0 : i32
    %scan3A_240 = arith.constant 0 : i32
    %scan3A_241 = arith.addi %scan3A_239, %scan3A_240 : i32
    %scan3A_242 = arith.constant 0 : i32
    %dma_wait3A_243 = arith.constant 0 : i32
    %dma_wait3A_244 = arith.constant 0 : i32
    %dma_wait3A_245 = arith.constant 0 : i32
    %dma_wait3A_246 = arith.constant 0 : i32
    %dma_wait3A_247 = tpu.memref_slice %arg8[%dma_wait3A_243, %dma_wait3A_245, %dma_wait3A_246] : memref<2x2000x32xbf16, #tpu.memory_space<vmem>> -> memref<1x2000x32xbf16, #tpu.memory_space<vmem>>
    %dma_wait3A_248 = tpu.memref_squeeze %dma_wait3A_247 : memref<1x2000x32xbf16, #tpu.memory_space<vmem>> -> memref<2000x32xbf16, #tpu.memory_space<vmem>>
    %dma_wait3A_249 = arith.constant 0 : i32
    %dma_wait3A_250 = tpu.memref_slice %arg7[%dma_wait3A_244, %dma_wait3A_249] : memref<5x2000xi32, #tpu.memory_space<vmem>> -> memref<1x2000xi32, #tpu.memory_space<vmem>>
    %dma_wait3A_251 = tpu.memref_squeeze %dma_wait3A_250 : memref<1x2000xi32, #tpu.memory_space<vmem>> -> memref<2000xi32, #tpu.memory_space<vmem>>
    %dma_wait3A_252 = arith.constant 0 : i32
    %dma_wait3A_253 = arith.constant 0 : i32
    %dma_wait3A_254 = tpu.memref_slice %arg9[%dma_wait3A_252, %dma_wait3A_253] : memref<10000x32xbf16, #tpu.memory_space<vmem_shared>> -> memref<10000x32xbf16, #tpu.memory_space<vmem_shared>>
    tpu.wait_indirect_dma semaphore(%arg10 : memref<!tpu.dma_semaphore, #tpu.memory_space<semaphore_mem>>) src(%dma_wait3A_248 : memref<2000x32xbf16, #tpu.memory_space<vmem>>) dst(%dma_wait3A_254 : memref<10000x32xbf16, #tpu.memory_space<vmem_shared>>)
    %dma_wait3A_255 = arith.constant 0 : i32
    %dma_wait3A_256 = arith.constant 0 : i32
    %dma_wait3A_257 = arith.constant 0 : i32
    %dma_wait3A_258 = arith.constant 0 : i32
    %dma_wait3A_259 = tpu.memref_slice %arg8[%dma_wait3A_255, %dma_wait3A_257, %dma_wait3A_258] : memref<2x2000x32xbf16, #tpu.memory_space<vmem>> -> memref<1x2000x32xbf16, #tpu.memory_space<vmem>>
    %dma_wait3A_260 = tpu.memref_squeeze %dma_wait3A_259 : memref<1x2000x32xbf16, #tpu.memory_space<vmem>> -> memref<2000x32xbf16, #tpu.memory_space<vmem>>
    %dma_wait3A_261 = arith.constant 0 : i32
    %dma_wait3A_262 = tpu.memref_slice %arg7[%dma_wait3A_256, %dma_wait3A_261] : memref<5x2000xi32, #tpu.memory_space<vmem>> -> memref<1x2000xi32, #tpu.memory_space<vmem>>
    %dma_wait3A_263 = tpu.memref_squeeze %dma_wait3A_262 : memref<1x2000xi32, #tpu.memory_space<vmem>> -> memref<2000xi32, #tpu.memory_space<vmem>>
    %dma_wait3A_264 = arith.constant 0 : i32
    %dma_wait3A_265 = arith.constant 0 : i32
    %dma_wait3A_266 = tpu.memref_slice %arg9[%dma_wait3A_264, %dma_wait3A_265] : memref<10000x32xbf16, #tpu.memory_space<vmem_shared>> -> memref<10000x32xbf16, #tpu.memory_space<vmem_shared>>
    tpu.wait_indirect_dma semaphore(%arg11 : memref<!tpu.dma_semaphore, #tpu.memory_space<semaphore_mem>>) src(%dma_wait3A_260 : memref<2000x32xbf16, #tpu.memory_space<vmem>>) dst(%dma_wait3A_266 : memref<10000x32xbf16, #tpu.memory_space<vmem_shared>>)
    %dma_wait3A_267 = arith.constant 0 : i32
    %dma_wait3A_268 = arith.constant 0 : i32
    %dma_wait3A_269 = arith.constant 0 : i32
    %dma_wait3A_270 = arith.constant 0 : i32
    %dma_wait3A_271 = tpu.memref_slice %arg8[%dma_wait3A_267, %dma_wait3A_269, %dma_wait3A_270] : memref<2x2000x32xbf16, #tpu.memory_space<vmem>> -> memref<1x2000x32xbf16, #tpu.memory_space<vmem>>
    %dma_wait3A_272 = tpu.memref_squeeze %dma_wait3A_271 : memref<1x2000x32xbf16, #tpu.memory_space<vmem>> -> memref<2000x32xbf16, #tpu.memory_space<vmem>>
    %dma_wait3A_273 = arith.constant 0 : i32
    %dma_wait3A_274 = tpu.memref_slice %arg7[%dma_wait3A_268, %dma_wait3A_273] : memref<5x2000xi32, #tpu.memory_space<vmem>> -> memref<1x2000xi32, #tpu.memory_space<vmem>>
    %dma_wait3A_275 = tpu.memref_squeeze %dma_wait3A_274 : memref<1x2000xi32, #tpu.memory_space<vmem>> -> memref<2000xi32, #tpu.memory_space<vmem>>
    %dma_wait3A_276 = arith.constant 0 : i32
    %dma_wait3A_277 = arith.constant 0 : i32
    %dma_wait3A_278 = tpu.memref_slice %arg9[%dma_wait3A_276, %dma_wait3A_277] : memref<10000x32xbf16, #tpu.memory_space<vmem_shared>> -> memref<10000x32xbf16, #tpu.memory_space<vmem_shared>>
    tpu.wait_indirect_dma semaphore(%arg12 : memref<!tpu.dma_semaphore, #tpu.memory_space<semaphore_mem>>) src(%dma_wait3A_272 : memref<2000x32xbf16, #tpu.memory_space<vmem>>) dst(%dma_wait3A_278 : memref<10000x32xbf16, #tpu.memory_space<vmem_shared>>)
    %dma_wait3A_279 = arith.constant 0 : i32
    %dma_wait3A_280 = arith.constant 0 : i32
    %dma_wait3A_281 = arith.constant 0 : i32
    %dma_wait3A_282 = arith.constant 0 : i32
    %dma_wait3A_283 = tpu.memref_slice %arg8[%dma_wait3A_279, %dma_wait3A_281, %dma_wait3A_282] : memref<2x2000x32xbf16, #tpu.memory_space<vmem>> -> memref<1x2000x32xbf16, #tpu.memory_space<vmem>>
    %dma_wait3A_284 = tpu.memref_squeeze %dma_wait3A_283 : memref<1x2000x32xbf16, #tpu.memory_space<vmem>> -> memref<2000x32xbf16, #tpu.memory_space<vmem>>
    %dma_wait3A_285 = arith.constant 0 : i32
    %dma_wait3A_286 = tpu.memref_slice %arg7[%dma_wait3A_280, %dma_wait3A_285] : memref<5x2000xi32, #tpu.memory_space<vmem>> -> memref<1x2000xi32, #tpu.memory_space<vmem>>
    %dma_wait3A_287 = tpu.memref_squeeze %dma_wait3A_286 : memref<1x2000xi32, #tpu.memory_space<vmem>> -> memref<2000xi32, #tpu.memory_space<vmem>>
    %dma_wait3A_288 = arith.constant 0 : i32
    %dma_wait3A_289 = arith.constant 0 : i32
    %dma_wait3A_290 = tpu.memref_slice %arg9[%dma_wait3A_288, %dma_wait3A_289] : memref<10000x32xbf16, #tpu.memory_space<vmem_shared>> -> memref<10000x32xbf16, #tpu.memory_space<vmem_shared>>
    tpu.wait_indirect_dma semaphore(%arg13 : memref<!tpu.dma_semaphore, #tpu.memory_space<semaphore_mem>>) src(%dma_wait3A_284 : memref<2000x32xbf16, #tpu.memory_space<vmem>>) dst(%dma_wait3A_290 : memref<10000x32xbf16, #tpu.memory_space<vmem_shared>>)
    %dma_wait3A_291 = arith.constant 0 : i32
    %dma_wait3A_292 = arith.constant 0 : i32
    %dma_wait3A_293 = arith.constant 0 : i32
    %dma_wait3A_294 = arith.constant 0 : i32
    %dma_wait3A_295 = tpu.memref_slice %arg8[%dma_wait3A_291, %dma_wait3A_293, %dma_wait3A_294] : memref<2x2000x32xbf16, #tpu.memory_space<vmem>> -> memref<1x2000x32xbf16, #tpu.memory_space<vmem>>
    %dma_wait3A_296 = tpu.memref_squeeze %dma_wait3A_295 : memref<1x2000x32xbf16, #tpu.memory_space<vmem>> -> memref<2000x32xbf16, #tpu.memory_space<vmem>>
    %dma_wait3A_297 = arith.constant 0 : i32
    %dma_wait3A_298 = tpu.memref_slice %arg7[%dma_wait3A_292, %dma_wait3A_297] : memref<5x2000xi32, #tpu.memory_space<vmem>> -> memref<1x2000xi32, #tpu.memory_space<vmem>>
    %dma_wait3A_299 = tpu.memref_squeeze %dma_wait3A_298 : memref<1x2000xi32, #tpu.memory_space<vmem>> -> memref<2000xi32, #tpu.memory_space<vmem>>
    %dma_wait3A_300 = arith.constant 0 : i32
    %dma_wait3A_301 = arith.constant 0 : i32
    %dma_wait3A_302 = tpu.memref_slice %arg9[%dma_wait3A_300, %dma_wait3A_301] : memref<10000x32xbf16, #tpu.memory_space<vmem_shared>> -> memref<10000x32xbf16, #tpu.memory_space<vmem_shared>>
    tpu.wait_indirect_dma semaphore(%arg14 : memref<!tpu.dma_semaphore, #tpu.memory_space<semaphore_mem>>) src(%dma_wait3A_296 : memref<2000x32xbf16, #tpu.memory_space<vmem>>) dst(%dma_wait3A_302 : memref<10000x32xbf16, #tpu.memory_space<vmem_shared>>)
    %barrier3A_303 = arith.constant 0 : index
    tpu.barrier barrier_id(%barrier3A_303)
    %mul3A_304 = arith.constant 10000 : i32
    %mul3A_305 = arith.muli %arg0, %mul3A_304 : i32
    %add3A_306 = arith.addi %mul3A_305, %multiple_of3A : i32
    %multiple_of3A_307 = tpu.assume_multiple %add3A_306, 8 : i32
    "tpu.region"() ({
      %run_scoped3A_313 = tpu.sem_alloc : memref<!tpu.dma_semaphore, #tpu.memory_space<semaphore_mem>>
      %dma_start3A_314 = arith.constant 0 : i32
      %dma_start3A_315 = tpu.memref_slice %arg5[%multiple_of3A_307, %dma_start3A_314] : memref<20000x32xbf16, #tpu.memory_space<hbm>> -> memref<624x32xbf16, #tpu.memory_space<hbm>>
      %dma_start3A_316 = arith.constant 0 : i32
      %dma_start3A_317 = tpu.memref_slice %arg9[%multiple_of3A, %dma_start3A_316] : memref<10000x32xbf16, #tpu.memory_space<vmem_shared>> -> memref<624x32xbf16, #tpu.memory_space<vmem_shared>>
      tpu.enqueue_dma source(%dma_start3A_317 : memref<624x32xbf16, #tpu.memory_space<vmem_shared>>) target(%dma_start3A_315 : memref<624x32xbf16, #tpu.memory_space<hbm>>) target_semaphore(%run_scoped3A_313 : memref<!tpu.dma_semaphore, #tpu.memory_space<semaphore_mem>>)
      %dma_wait3A_318 = arith.constant 0 : i32
      %dma_wait3A_319 = tpu.memref_slice %arg5[%multiple_of3A_307, %dma_wait3A_318] : memref<20000x32xbf16, #tpu.memory_space<hbm>> -> memref<624x32xbf16, #tpu.memory_space<hbm>>
      %dma_wait3A_320 = arith.constant 0 : i32
      %dma_wait3A_321 = tpu.memref_slice %arg9[%multiple_of3A, %dma_wait3A_320] : memref<10000x32xbf16, #tpu.memory_space<vmem_shared>> -> memref<624x32xbf16, #tpu.memory_space<vmem_shared>>
      tpu.wait_dma2 semaphore(%run_scoped3A_313 : memref<!tpu.dma_semaphore, #tpu.memory_space<semaphore_mem>>) src(%dma_wait3A_321 : memref<624x32xbf16, #tpu.memory_space<vmem_shared>>) dst(%dma_wait3A_319 : memref<624x32xbf16, #tpu.memory_space<hbm>>)
      tpu.yield
    }) : () -> ()
    %eq3A_308 = arith.constant 15 : i32
    %eq3A_309 = arith.cmpi eq, %arg1, %eq3A_308 : i32
    %convert_element_type3A_310 = arith.extui %eq3A_309 : i1 to i32
    %cond3A_311 = arith.constant 0 : i32
    %cond3A_312 = arith.cmpi ne, %convert_element_type3A_310, %cond3A_311 : i32
    scf.if %cond3A_312 {
      %mul3A_313 = arith.constant 10000 : i32
      %mul3A_314 = arith.muli %arg0, %mul3A_313 : i32
      %add3A_315 = arith.constant 9984 : i32
      %add3A_316 = arith.addi %mul3A_314, %add3A_315 : i32
      "tpu.region"() ({
        %run_scoped3A_317 = tpu.sem_alloc : memref<!tpu.dma_semaphore, #tpu.memory_space<semaphore_mem>>
        %dma_start3A_318 = arith.constant 0 : i32
        %dma_start3A_319 = tpu.memref_slice %arg5[%add3A_316, %dma_start3A_318] : memref<20000x32xbf16, #tpu.memory_space<hbm>> -> memref<16x32xbf16, #tpu.memory_space<hbm>>
        %dma_start3A_320 = arith.constant 9984 : i32
        %dma_start3A_321 = arith.constant 0 : i32
        %dma_start3A_322 = tpu.memref_slice %arg9[%dma_start3A_320, %dma_start3A_321] : memref<10000x32xbf16, #tpu.memory_space<vmem_shared>> -> memref<16x32xbf16, #tpu.memory_space<vmem_shared>>
        tpu.enqueue_dma source(%dma_start3A_322 : memref<16x32xbf16, #tpu.memory_space<vmem_shared>>) target(%dma_start3A_319 : memref<16x32xbf16, #tpu.memory_space<hbm>>) target_semaphore(%run_scoped3A_317 : memref<!tpu.dma_semaphore, #tpu.memory_space<semaphore_mem>>)
        %dma_wait3A_323 = arith.constant 0 : i32
        %dma_wait3A_324 = tpu.memref_slice %arg5[%add3A_316, %dma_wait3A_323] : memref<20000x32xbf16, #tpu.memory_space<hbm>> -> memref<16x32xbf16, #tpu.memory_space<hbm>>
        %dma_wait3A_325 = arith.constant 9984 : i32
        %dma_wait3A_326 = arith.constant 0 : i32
        %dma_wait3A_327 = tpu.memref_slice %arg9[%dma_wait3A_325, %dma_wait3A_326] : memref<10000x32xbf16, #tpu.memory_space<vmem_shared>> -> memref<16x32xbf16, #tpu.memory_space<vmem_shared>>
        tpu.wait_dma2 semaphore(%run_scoped3A_317 : memref<!tpu.dma_semaphore, #tpu.memory_space<semaphore_mem>>) src(%dma_wait3A_327 : memref<16x32xbf16, #tpu.memory_space<vmem_shared>>) dst(%dma_wait3A_324 : memref<16x32xbf16, #tpu.memory_space<hbm>>)
        tpu.yield
      }) : () -> ()
    } else {
    }
    return
  }
}

#map = affine_map<(d0, d1) -> (0, 0)>
#map1 = affine_map<(d0, d1) -> (0)>
module attributes {stable_mosaic.version = 14 : i64} {
  func.func @seg(%arg0: i32, %arg1: i32, %arg2: memref<10000x128xbf16, #tpu.memory_space<hbm>>, %arg3: memref<320000xi32, #tpu.memory_space<hbm>>, %arg4: memref<320000xi32, #tpu.memory_space<hbm>>, %arg5: memref<20000x128xbf16, #tpu.memory_space<hbm>>, %arg6: memref<2x400xi32, #tpu.memory_space<vmem>>, %arg7: memref<25x400xi32, #tpu.memory_space<vmem>>, %arg8: memref<2x400x128xbf16, #tpu.memory_space<vmem>>, %arg9: memref<10000x128xbf16, #tpu.memory_space<vmem_shared>>, %arg10: memref<!tpu.dma_semaphore, #tpu.memory_space<semaphore_mem>>, %arg11: memref<!tpu.dma_semaphore, #tpu.memory_space<semaphore_mem>>, %arg12: memref<!tpu.dma_semaphore, #tpu.memory_space<semaphore_mem>>, %arg13: memref<!tpu.dma_semaphore, #tpu.memory_space<semaphore_mem>>, %arg14: memref<!tpu.dma_semaphore, #tpu.memory_space<semaphore_mem>>, %arg15: memref<!tpu.dma_semaphore, #tpu.memory_space<semaphore_mem>>, %arg16: memref<!tpu.dma_semaphore, #tpu.memory_space<semaphore_mem>>, %arg17: memref<!tpu.dma_semaphore, #tpu.memory_space<semaphore_mem>>) attributes {dimension_semantics = [#tpu.dimension_semantics<core_parallel>, #tpu.dimension_semantics<subcore_parallel>], iteration_bounds = array<i64: 2, 16>, scalar_prefetch = 0 : i64, scratch_operands = 12 : i64, tpu.core_type = #tpu.core_type<sc_vector_subcore>, window_params = [{transform_indices = #map}, {transform_indices = #map1}, {transform_indices = #map1}, {transform_indices = #map}]} {
    %mul3A = arith.constant 16 : i32
    %mul3A_0 = arith.muli %arg0, %mul3A : i32
    %add3A = arith.addi %mul3A_0, %arg1 : i32
    %mul3A_1 = arith.constant 10000 : i32
    %mul3A_2 = arith.muli %add3A, %mul3A_1 : i32
    %scan3A = arith.constant 0 : i32
    %scan3A_3 = arith.constant 0 : i32
    %scan3A_4 = arith.constant 3 : i32
    %scan3A_5 = arith.addi %scan3A_3, %scan3A_4 : i32
    %scan3A_6 = arith.constant 1 : i32
    %scan3A_7 = scf.for %scan3A_277 = %scan3A_3 to %scan3A_5 step %scan3A_6 iter_args(%scan3A_278 = %scan3A) -> (i32)  : i32 {
      %mul3A_279 = arith.constant 8 : i32
      %mul3A_280 = arith.muli %scan3A_277, %mul3A_279 : i32
      %add3A_281 = arith.constant 0 : i32
      %add3A_282 = arith.addi %mul3A_280, %add3A_281 : i32
      %gt3A = arith.constant 0 : i32
      %gt3A_283 = arith.cmpi sgt, %scan3A_277, %gt3A : i32
      %convert_element_type3A_284 = arith.extui %gt3A_283 : i1 to i32
      %cond3A_285 = arith.constant 0 : i32
      %cond3A_286 = arith.cmpi ne, %convert_element_type3A_284, %cond3A_285 : i32
      scf.if %cond3A_286 {
        %dma_wait3A_439 = arith.constant 0 : i32
        %dma_wait3A_440 = arith.constant 0 : i32
        %dma_wait3A_441 = tpu.memref_slice %arg6[%dma_wait3A_439, %dma_wait3A_440] : memref<2x400xi32, #tpu.memory_space<vmem>> -> memref<1x400xi32, #tpu.memory_space<vmem>>
        %dma_wait3A_442 = tpu.memref_squeeze %dma_wait3A_441 : memref<1x400xi32, #tpu.memory_space<vmem>> -> memref<400xi32, #tpu.memory_space<vmem>>
        %dma_wait3A_443 = arith.constant 0 : i32
        %dma_wait3A_444 = tpu.memref_slice %arg4[%dma_wait3A_443] : memref<320000xi32, #tpu.memory_space<hbm>> -> memref<400xi32, #tpu.memory_space<hbm>>
        %dma_wait3A_445 = arith.constant 0 : i32
        %dma_wait3A_446 = tpu.memref_slice %arg6[%dma_wait3A_439, %dma_wait3A_445] : memref<2x400xi32, #tpu.memory_space<vmem>> -> memref<1x400xi32, #tpu.memory_space<vmem>>
        %dma_wait3A_447 = tpu.memref_squeeze %dma_wait3A_446 : memref<1x400xi32, #tpu.memory_space<vmem>> -> memref<400xi32, #tpu.memory_space<vmem>>
        %dma_wait3A_448 = arith.constant 0 : i32
        %dma_wait3A_449 = tpu.memref_slice %arg4[%dma_wait3A_448] : memref<320000xi32, #tpu.memory_space<hbm>> -> memref<400xi32, #tpu.memory_space<hbm>>
        tpu.wait_dma2 semaphore(%arg10 : memref<!tpu.dma_semaphore, #tpu.memory_space<semaphore_mem>>) src(%dma_wait3A_449 : memref<400xi32, #tpu.memory_space<hbm>>) dst(%dma_wait3A_447 : memref<400xi32, #tpu.memory_space<vmem>>)
      } else {
      }
      %mul3A_287 = arith.constant 400 : i32
      %mul3A_288 = arith.muli %add3A_282, %mul3A_287 : i32
      %add3A_289 = arith.addi %mul3A_2, %mul3A_288 : i32
      %dma_start3A_290 = arith.constant 0 : i32
      %dma_start3A_291 = tpu.memref_slice %arg7[%add3A_282, %dma_start3A_290] : memref<25x400xi32, #tpu.memory_space<vmem>> -> memref<1x400xi32, #tpu.memory_space<vmem>>
      %dma_start3A_292 = tpu.memref_squeeze %dma_start3A_291 : memref<1x400xi32, #tpu.memory_space<vmem>> -> memref<400xi32, #tpu.memory_space<vmem>>
      %dma_start3A_293 = tpu.memref_slice %arg4[%add3A_289] : memref<320000xi32, #tpu.memory_space<hbm>> -> memref<400xi32, #tpu.memory_space<hbm>>
      %dma_start3A_294 = arith.constant 0 : i32
      %dma_start3A_295 = tpu.memref_slice %arg7[%add3A_282, %dma_start3A_294] : memref<25x400xi32, #tpu.memory_space<vmem>> -> memref<1x400xi32, #tpu.memory_space<vmem>>
      %dma_start3A_296 = tpu.memref_squeeze %dma_start3A_295 : memref<1x400xi32, #tpu.memory_space<vmem>> -> memref<400xi32, #tpu.memory_space<vmem>>
      %dma_start3A_297 = tpu.memref_slice %arg4[%add3A_289] : memref<320000xi32, #tpu.memory_space<hbm>> -> memref<400xi32, #tpu.memory_space<hbm>>
      tpu.enqueue_dma source(%dma_start3A_297 : memref<400xi32, #tpu.memory_space<hbm>>) target(%dma_start3A_296 : memref<400xi32, #tpu.memory_space<vmem>>) target_semaphore(%arg10 : memref<!tpu.dma_semaphore, #tpu.memory_space<semaphore_mem>>)
      %mul3A_298 = arith.constant 8 : i32
      %mul3A_299 = arith.muli %scan3A_277, %mul3A_298 : i32
      %add3A_300 = arith.constant 1 : i32
      %add3A_301 = arith.addi %mul3A_299, %add3A_300 : i32
      %gt3A_302 = arith.constant 0 : i32
      %gt3A_303 = arith.cmpi sgt, %scan3A_277, %gt3A_302 : i32
      %convert_element_type3A_304 = arith.extui %gt3A_303 : i1 to i32
      %cond3A_305 = arith.constant 0 : i32
      %cond3A_306 = arith.cmpi ne, %convert_element_type3A_304, %cond3A_305 : i32
      scf.if %cond3A_306 {
        %dma_wait3A_439 = arith.constant 0 : i32
        %dma_wait3A_440 = arith.constant 0 : i32
        %dma_wait3A_441 = tpu.memref_slice %arg6[%dma_wait3A_439, %dma_wait3A_440] : memref<2x400xi32, #tpu.memory_space<vmem>> -> memref<1x400xi32, #tpu.memory_space<vmem>>
        %dma_wait3A_442 = tpu.memref_squeeze %dma_wait3A_441 : memref<1x400xi32, #tpu.memory_space<vmem>> -> memref<400xi32, #tpu.memory_space<vmem>>
        %dma_wait3A_443 = arith.constant 0 : i32
        %dma_wait3A_444 = tpu.memref_slice %arg4[%dma_wait3A_443] : memref<320000xi32, #tpu.memory_space<hbm>> -> memref<400xi32, #tpu.memory_space<hbm>>
        %dma_wait3A_445 = arith.constant 0 : i32
        %dma_wait3A_446 = tpu.memref_slice %arg6[%dma_wait3A_439, %dma_wait3A_445] : memref<2x400xi32, #tpu.memory_space<vmem>> -> memref<1x400xi32, #tpu.memory_space<vmem>>
        %dma_wait3A_447 = tpu.memref_squeeze %dma_wait3A_446 : memref<1x400xi32, #tpu.memory_space<vmem>> -> memref<400xi32, #tpu.memory_space<vmem>>
        %dma_wait3A_448 = arith.constant 0 : i32
        %dma_wait3A_449 = tpu.memref_slice %arg4[%dma_wait3A_448] : memref<320000xi32, #tpu.memory_space<hbm>> -> memref<400xi32, #tpu.memory_space<hbm>>
        tpu.wait_dma2 semaphore(%arg11 : memref<!tpu.dma_semaphore, #tpu.memory_space<semaphore_mem>>) src(%dma_wait3A_449 : memref<400xi32, #tpu.memory_space<hbm>>) dst(%dma_wait3A_447 : memref<400xi32, #tpu.memory_space<vmem>>)
      } else {
      }
      %mul3A_307 = arith.constant 400 : i32
      %mul3A_308 = arith.muli %add3A_301, %mul3A_307 : i32
      %add3A_309 = arith.addi %mul3A_2, %mul3A_308 : i32
      %dma_start3A_310 = arith.constant 0 : i32
      %dma_start3A_311 = tpu.memref_slice %arg7[%add3A_301, %dma_start3A_310] : memref<25x400xi32, #tpu.memory_space<vmem>> -> memref<1x400xi32, #tpu.memory_space<vmem>>
      %dma_start3A_312 = tpu.memref_squeeze %dma_start3A_311 : memref<1x400xi32, #tpu.memory_space<vmem>> -> memref<400xi32, #tpu.memory_space<vmem>>
      %dma_start3A_313 = tpu.memref_slice %arg4[%add3A_309] : memref<320000xi32, #tpu.memory_space<hbm>> -> memref<400xi32, #tpu.memory_space<hbm>>
      %dma_start3A_314 = arith.constant 0 : i32
      %dma_start3A_315 = tpu.memref_slice %arg7[%add3A_301, %dma_start3A_314] : memref<25x400xi32, #tpu.memory_space<vmem>> -> memref<1x400xi32, #tpu.memory_space<vmem>>
      %dma_start3A_316 = tpu.memref_squeeze %dma_start3A_315 : memref<1x400xi32, #tpu.memory_space<vmem>> -> memref<400xi32, #tpu.memory_space<vmem>>
      %dma_start3A_317 = tpu.memref_slice %arg4[%add3A_309] : memref<320000xi32, #tpu.memory_space<hbm>> -> memref<400xi32, #tpu.memory_space<hbm>>
      tpu.enqueue_dma source(%dma_start3A_317 : memref<400xi32, #tpu.memory_space<hbm>>) target(%dma_start3A_316 : memref<400xi32, #tpu.memory_space<vmem>>) target_semaphore(%arg11 : memref<!tpu.dma_semaphore, #tpu.memory_space<semaphore_mem>>)
      %mul3A_318 = arith.constant 8 : i32
      %mul3A_319 = arith.muli %scan3A_277, %mul3A_318 : i32
      %add3A_320 = arith.constant 2 : i32
      %add3A_321 = arith.addi %mul3A_319, %add3A_320 : i32
      %gt3A_322 = arith.constant 0 : i32
      %gt3A_323 = arith.cmpi sgt, %scan3A_277, %gt3A_322 : i32
      %convert_element_type3A_324 = arith.extui %gt3A_323 : i1 to i32
      %cond3A_325 = arith.constant 0 : i32
      %cond3A_326 = arith.cmpi ne, %convert_element_type3A_324, %cond3A_325 : i32
      scf.if %cond3A_326 {
        %dma_wait3A_439 = arith.constant 0 : i32
        %dma_wait3A_440 = arith.constant 0 : i32
        %dma_wait3A_441 = tpu.memref_slice %arg6[%dma_wait3A_439, %dma_wait3A_440] : memref<2x400xi32, #tpu.memory_space<vmem>> -> memref<1x400xi32, #tpu.memory_space<vmem>>
        %dma_wait3A_442 = tpu.memref_squeeze %dma_wait3A_441 : memref<1x400xi32, #tpu.memory_space<vmem>> -> memref<400xi32, #tpu.memory_space<vmem>>
        %dma_wait3A_443 = arith.constant 0 : i32
        %dma_wait3A_444 = tpu.memref_slice %arg4[%dma_wait3A_443] : memref<320000xi32, #tpu.memory_space<hbm>> -> memref<400xi32, #tpu.memory_space<hbm>>
        %dma_wait3A_445 = arith.constant 0 : i32
        %dma_wait3A_446 = tpu.memref_slice %arg6[%dma_wait3A_439, %dma_wait3A_445] : memref<2x400xi32, #tpu.memory_space<vmem>> -> memref<1x400xi32, #tpu.memory_space<vmem>>
        %dma_wait3A_447 = tpu.memref_squeeze %dma_wait3A_446 : memref<1x400xi32, #tpu.memory_space<vmem>> -> memref<400xi32, #tpu.memory_space<vmem>>
        %dma_wait3A_448 = arith.constant 0 : i32
        %dma_wait3A_449 = tpu.memref_slice %arg4[%dma_wait3A_448] : memref<320000xi32, #tpu.memory_space<hbm>> -> memref<400xi32, #tpu.memory_space<hbm>>
        tpu.wait_dma2 semaphore(%arg12 : memref<!tpu.dma_semaphore, #tpu.memory_space<semaphore_mem>>) src(%dma_wait3A_449 : memref<400xi32, #tpu.memory_space<hbm>>) dst(%dma_wait3A_447 : memref<400xi32, #tpu.memory_space<vmem>>)
      } else {
      }
      %mul3A_327 = arith.constant 400 : i32
      %mul3A_328 = arith.muli %add3A_321, %mul3A_327 : i32
      %add3A_329 = arith.addi %mul3A_2, %mul3A_328 : i32
      %dma_start3A_330 = arith.constant 0 : i32
      %dma_start3A_331 = tpu.memref_slice %arg7[%add3A_321, %dma_start3A_330] : memref<25x400xi32, #tpu.memory_space<vmem>> -> memref<1x400xi32, #tpu.memory_space<vmem>>
      %dma_start3A_332 = tpu.memref_squeeze %dma_start3A_331 : memref<1x400xi32, #tpu.memory_space<vmem>> -> memref<400xi32, #tpu.memory_space<vmem>>
      %dma_start3A_333 = tpu.memref_slice %arg4[%add3A_329] : memref<320000xi32, #tpu.memory_space<hbm>> -> memref<400xi32, #tpu.memory_space<hbm>>
      %dma_start3A_334 = arith.constant 0 : i32
      %dma_start3A_335 = tpu.memref_slice %arg7[%add3A_321, %dma_start3A_334] : memref<25x400xi32, #tpu.memory_space<vmem>> -> memref<1x400xi32, #tpu.memory_space<vmem>>
      %dma_start3A_336 = tpu.memref_squeeze %dma_start3A_335 : memref<1x400xi32, #tpu.memory_space<vmem>> -> memref<400xi32, #tpu.memory_space<vmem>>
      %dma_start3A_337 = tpu.memref_slice %arg4[%add3A_329] : memref<320000xi32, #tpu.memory_space<hbm>> -> memref<400xi32, #tpu.memory_space<hbm>>
      tpu.enqueue_dma source(%dma_start3A_337 : memref<400xi32, #tpu.memory_space<hbm>>) target(%dma_start3A_336 : memref<400xi32, #tpu.memory_space<vmem>>) target_semaphore(%arg12 : memref<!tpu.dma_semaphore, #tpu.memory_space<semaphore_mem>>)
      %mul3A_338 = arith.constant 8 : i32
      %mul3A_339 = arith.muli %scan3A_277, %mul3A_338 : i32
      %add3A_340 = arith.constant 3 : i32
      %add3A_341 = arith.addi %mul3A_339, %add3A_340 : i32
      %gt3A_342 = arith.constant 0 : i32
      %gt3A_343 = arith.cmpi sgt, %scan3A_277, %gt3A_342 : i32
      %convert_element_type3A_344 = arith.extui %gt3A_343 : i1 to i32
      %cond3A_345 = arith.constant 0 : i32
      %cond3A_346 = arith.cmpi ne, %convert_element_type3A_344, %cond3A_345 : i32
      scf.if %cond3A_346 {
        %dma_wait3A_439 = arith.constant 0 : i32
        %dma_wait3A_440 = arith.constant 0 : i32
        %dma_wait3A_441 = tpu.memref_slice %arg6[%dma_wait3A_439, %dma_wait3A_440] : memref<2x400xi32, #tpu.memory_space<vmem>> -> memref<1x400xi32, #tpu.memory_space<vmem>>
        %dma_wait3A_442 = tpu.memref_squeeze %dma_wait3A_441 : memref<1x400xi32, #tpu.memory_space<vmem>> -> memref<400xi32, #tpu.memory_space<vmem>>
        %dma_wait3A_443 = arith.constant 0 : i32
        %dma_wait3A_444 = tpu.memref_slice %arg4[%dma_wait3A_443] : memref<320000xi32, #tpu.memory_space<hbm>> -> memref<400xi32, #tpu.memory_space<hbm>>
        %dma_wait3A_445 = arith.constant 0 : i32
        %dma_wait3A_446 = tpu.memref_slice %arg6[%dma_wait3A_439, %dma_wait3A_445] : memref<2x400xi32, #tpu.memory_space<vmem>> -> memref<1x400xi32, #tpu.memory_space<vmem>>
        %dma_wait3A_447 = tpu.memref_squeeze %dma_wait3A_446 : memref<1x400xi32, #tpu.memory_space<vmem>> -> memref<400xi32, #tpu.memory_space<vmem>>
        %dma_wait3A_448 = arith.constant 0 : i32
        %dma_wait3A_449 = tpu.memref_slice %arg4[%dma_wait3A_448] : memref<320000xi32, #tpu.memory_space<hbm>> -> memref<400xi32, #tpu.memory_space<hbm>>
        tpu.wait_dma2 semaphore(%arg13 : memref<!tpu.dma_semaphore, #tpu.memory_space<semaphore_mem>>) src(%dma_wait3A_449 : memref<400xi32, #tpu.memory_space<hbm>>) dst(%dma_wait3A_447 : memref<400xi32, #tpu.memory_space<vmem>>)
      } else {
      }
      %mul3A_347 = arith.constant 400 : i32
      %mul3A_348 = arith.muli %add3A_341, %mul3A_347 : i32
      %add3A_349 = arith.addi %mul3A_2, %mul3A_348 : i32
      %dma_start3A_350 = arith.constant 0 : i32
      %dma_start3A_351 = tpu.memref_slice %arg7[%add3A_341, %dma_start3A_350] : memref<25x400xi32, #tpu.memory_space<vmem>> -> memref<1x400xi32, #tpu.memory_space<vmem>>
      %dma_start3A_352 = tpu.memref_squeeze %dma_start3A_351 : memref<1x400xi32, #tpu.memory_space<vmem>> -> memref<400xi32, #tpu.memory_space<vmem>>
      %dma_start3A_353 = tpu.memref_slice %arg4[%add3A_349] : memref<320000xi32, #tpu.memory_space<hbm>> -> memref<400xi32, #tpu.memory_space<hbm>>
      %dma_start3A_354 = arith.constant 0 : i32
      %dma_start3A_355 = tpu.memref_slice %arg7[%add3A_341, %dma_start3A_354] : memref<25x400xi32, #tpu.memory_space<vmem>> -> memref<1x400xi32, #tpu.memory_space<vmem>>
      %dma_start3A_356 = tpu.memref_squeeze %dma_start3A_355 : memref<1x400xi32, #tpu.memory_space<vmem>> -> memref<400xi32, #tpu.memory_space<vmem>>
      %dma_start3A_357 = tpu.memref_slice %arg4[%add3A_349] : memref<320000xi32, #tpu.memory_space<hbm>> -> memref<400xi32, #tpu.memory_space<hbm>>
      tpu.enqueue_dma source(%dma_start3A_357 : memref<400xi32, #tpu.memory_space<hbm>>) target(%dma_start3A_356 : memref<400xi32, #tpu.memory_space<vmem>>) target_semaphore(%arg13 : memref<!tpu.dma_semaphore, #tpu.memory_space<semaphore_mem>>)
      %mul3A_358 = arith.constant 8 : i32
      %mul3A_359 = arith.muli %scan3A_277, %mul3A_358 : i32
      %add3A_360 = arith.constant 4 : i32
      %add3A_361 = arith.addi %mul3A_359, %add3A_360 : i32
      %gt3A_362 = arith.constant 0 : i32
      %gt3A_363 = arith.cmpi sgt, %scan3A_277, %gt3A_362 : i32
      %convert_element_type3A_364 = arith.extui %gt3A_363 : i1 to i32
      %cond3A_365 = arith.constant 0 : i32
      %cond3A_366 = arith.cmpi ne, %convert_element_type3A_364, %cond3A_365 : i32
      scf.if %cond3A_366 {
        %dma_wait3A_439 = arith.constant 0 : i32
        %dma_wait3A_440 = arith.constant 0 : i32
        %dma_wait3A_441 = tpu.memref_slice %arg6[%dma_wait3A_439, %dma_wait3A_440] : memref<2x400xi32, #tpu.memory_space<vmem>> -> memref<1x400xi32, #tpu.memory_space<vmem>>
        %dma_wait3A_442 = tpu.memref_squeeze %dma_wait3A_441 : memref<1x400xi32, #tpu.memory_space<vmem>> -> memref<400xi32, #tpu.memory_space<vmem>>
        %dma_wait3A_443 = arith.constant 0 : i32
        %dma_wait3A_444 = tpu.memref_slice %arg4[%dma_wait3A_443] : memref<320000xi32, #tpu.memory_space<hbm>> -> memref<400xi32, #tpu.memory_space<hbm>>
        %dma_wait3A_445 = arith.constant 0 : i32
        %dma_wait3A_446 = tpu.memref_slice %arg6[%dma_wait3A_439, %dma_wait3A_445] : memref<2x400xi32, #tpu.memory_space<vmem>> -> memref<1x400xi32, #tpu.memory_space<vmem>>
        %dma_wait3A_447 = tpu.memref_squeeze %dma_wait3A_446 : memref<1x400xi32, #tpu.memory_space<vmem>> -> memref<400xi32, #tpu.memory_space<vmem>>
        %dma_wait3A_448 = arith.constant 0 : i32
        %dma_wait3A_449 = tpu.memref_slice %arg4[%dma_wait3A_448] : memref<320000xi32, #tpu.memory_space<hbm>> -> memref<400xi32, #tpu.memory_space<hbm>>
        tpu.wait_dma2 semaphore(%arg14 : memref<!tpu.dma_semaphore, #tpu.memory_space<semaphore_mem>>) src(%dma_wait3A_449 : memref<400xi32, #tpu.memory_space<hbm>>) dst(%dma_wait3A_447 : memref<400xi32, #tpu.memory_space<vmem>>)
      } else {
      }
      %mul3A_367 = arith.constant 400 : i32
      %mul3A_368 = arith.muli %add3A_361, %mul3A_367 : i32
      %add3A_369 = arith.addi %mul3A_2, %mul3A_368 : i32
      %dma_start3A_370 = arith.constant 0 : i32
      %dma_start3A_371 = tpu.memref_slice %arg7[%add3A_361, %dma_start3A_370] : memref<25x400xi32, #tpu.memory_space<vmem>> -> memref<1x400xi32, #tpu.memory_space<vmem>>
      %dma_start3A_372 = tpu.memref_squeeze %dma_start3A_371 : memref<1x400xi32, #tpu.memory_space<vmem>> -> memref<400xi32, #tpu.memory_space<vmem>>
      %dma_start3A_373 = tpu.memref_slice %arg4[%add3A_369] : memref<320000xi32, #tpu.memory_space<hbm>> -> memref<400xi32, #tpu.memory_space<hbm>>
      %dma_start3A_374 = arith.constant 0 : i32
      %dma_start3A_375 = tpu.memref_slice %arg7[%add3A_361, %dma_start3A_374] : memref<25x400xi32, #tpu.memory_space<vmem>> -> memref<1x400xi32, #tpu.memory_space<vmem>>
      %dma_start3A_376 = tpu.memref_squeeze %dma_start3A_375 : memref<1x400xi32, #tpu.memory_space<vmem>> -> memref<400xi32, #tpu.memory_space<vmem>>
      %dma_start3A_377 = tpu.memref_slice %arg4[%add3A_369] : memref<320000xi32, #tpu.memory_space<hbm>> -> memref<400xi32, #tpu.memory_space<hbm>>
      tpu.enqueue_dma source(%dma_start3A_377 : memref<400xi32, #tpu.memory_space<hbm>>) target(%dma_start3A_376 : memref<400xi32, #tpu.memory_space<vmem>>) target_semaphore(%arg14 : memref<!tpu.dma_semaphore, #tpu.memory_space<semaphore_mem>>)
      %mul3A_378 = arith.constant 8 : i32
      %mul3A_379 = arith.muli %scan3A_277, %mul3A_378 : i32
      %add3A_380 = arith.constant 5 : i32
      %add3A_381 = arith.addi %mul3A_379, %add3A_380 : i32
      %gt3A_382 = arith.constant 0 : i32
      %gt3A_383 = arith.cmpi sgt, %scan3A_277, %gt3A_382 : i32
      %convert_element_type3A_384 = arith.extui %gt3A_383 : i1 to i32
      %cond3A_385 = arith.constant 0 : i32
      %cond3A_386 = arith.cmpi ne, %convert_element_type3A_384, %cond3A_385 : i32
      scf.if %cond3A_386 {
        %dma_wait3A_439 = arith.constant 0 : i32
        %dma_wait3A_440 = arith.constant 0 : i32
        %dma_wait3A_441 = tpu.memref_slice %arg6[%dma_wait3A_439, %dma_wait3A_440] : memref<2x400xi32, #tpu.memory_space<vmem>> -> memref<1x400xi32, #tpu.memory_space<vmem>>
        %dma_wait3A_442 = tpu.memref_squeeze %dma_wait3A_441 : memref<1x400xi32, #tpu.memory_space<vmem>> -> memref<400xi32, #tpu.memory_space<vmem>>
        %dma_wait3A_443 = arith.constant 0 : i32
        %dma_wait3A_444 = tpu.memref_slice %arg4[%dma_wait3A_443] : memref<320000xi32, #tpu.memory_space<hbm>> -> memref<400xi32, #tpu.memory_space<hbm>>
        %dma_wait3A_445 = arith.constant 0 : i32
        %dma_wait3A_446 = tpu.memref_slice %arg6[%dma_wait3A_439, %dma_wait3A_445] : memref<2x400xi32, #tpu.memory_space<vmem>> -> memref<1x400xi32, #tpu.memory_space<vmem>>
        %dma_wait3A_447 = tpu.memref_squeeze %dma_wait3A_446 : memref<1x400xi32, #tpu.memory_space<vmem>> -> memref<400xi32, #tpu.memory_space<vmem>>
        %dma_wait3A_448 = arith.constant 0 : i32
        %dma_wait3A_449 = tpu.memref_slice %arg4[%dma_wait3A_448] : memref<320000xi32, #tpu.memory_space<hbm>> -> memref<400xi32, #tpu.memory_space<hbm>>
        tpu.wait_dma2 semaphore(%arg15 : memref<!tpu.dma_semaphore, #tpu.memory_space<semaphore_mem>>) src(%dma_wait3A_449 : memref<400xi32, #tpu.memory_space<hbm>>) dst(%dma_wait3A_447 : memref<400xi32, #tpu.memory_space<vmem>>)
      } else {
      }
      %mul3A_387 = arith.constant 400 : i32
      %mul3A_388 = arith.muli %add3A_381, %mul3A_387 : i32
      %add3A_389 = arith.addi %mul3A_2, %mul3A_388 : i32
      %dma_start3A_390 = arith.constant 0 : i32
      %dma_start3A_391 = tpu.memref_slice %arg7[%add3A_381, %dma_start3A_390] : memref<25x400xi32, #tpu.memory_space<vmem>> -> memref<1x400xi32, #tpu.memory_space<vmem>>
      %dma_start3A_392 = tpu.memref_squeeze %dma_start3A_391 : memref<1x400xi32, #tpu.memory_space<vmem>> -> memref<400xi32, #tpu.memory_space<vmem>>
      %dma_start3A_393 = tpu.memref_slice %arg4[%add3A_389] : memref<320000xi32, #tpu.memory_space<hbm>> -> memref<400xi32, #tpu.memory_space<hbm>>
      %dma_start3A_394 = arith.constant 0 : i32
      %dma_start3A_395 = tpu.memref_slice %arg7[%add3A_381, %dma_start3A_394] : memref<25x400xi32, #tpu.memory_space<vmem>> -> memref<1x400xi32, #tpu.memory_space<vmem>>
      %dma_start3A_396 = tpu.memref_squeeze %dma_start3A_395 : memref<1x400xi32, #tpu.memory_space<vmem>> -> memref<400xi32, #tpu.memory_space<vmem>>
      %dma_start3A_397 = tpu.memref_slice %arg4[%add3A_389] : memref<320000xi32, #tpu.memory_space<hbm>> -> memref<400xi32, #tpu.memory_space<hbm>>
      tpu.enqueue_dma source(%dma_start3A_397 : memref<400xi32, #tpu.memory_space<hbm>>) target(%dma_start3A_396 : memref<400xi32, #tpu.memory_space<vmem>>) target_semaphore(%arg15 : memref<!tpu.dma_semaphore, #tpu.memory_space<semaphore_mem>>)
      %mul3A_398 = arith.constant 8 : i32
      %mul3A_399 = arith.muli %scan3A_277, %mul3A_398 : i32
      %add3A_400 = arith.constant 6 : i32
      %add3A_401 = arith.addi %mul3A_399, %add3A_400 : i32
      %gt3A_402 = arith.constant 0 : i32
      %gt3A_403 = arith.cmpi sgt, %scan3A_277, %gt3A_402 : i32
      %convert_element_type3A_404 = arith.extui %gt3A_403 : i1 to i32
      %cond3A_405 = arith.constant 0 : i32
      %cond3A_406 = arith.cmpi ne, %convert_element_type3A_404, %cond3A_405 : i32
      scf.if %cond3A_406 {
        %dma_wait3A_439 = arith.constant 0 : i32
        %dma_wait3A_440 = arith.constant 0 : i32
        %dma_wait3A_441 = tpu.memref_slice %arg6[%dma_wait3A_439, %dma_wait3A_440] : memref<2x400xi32, #tpu.memory_space<vmem>> -> memref<1x400xi32, #tpu.memory_space<vmem>>
        %dma_wait3A_442 = tpu.memref_squeeze %dma_wait3A_441 : memref<1x400xi32, #tpu.memory_space<vmem>> -> memref<400xi32, #tpu.memory_space<vmem>>
        %dma_wait3A_443 = arith.constant 0 : i32
        %dma_wait3A_444 = tpu.memref_slice %arg4[%dma_wait3A_443] : memref<320000xi32, #tpu.memory_space<hbm>> -> memref<400xi32, #tpu.memory_space<hbm>>
        %dma_wait3A_445 = arith.constant 0 : i32
        %dma_wait3A_446 = tpu.memref_slice %arg6[%dma_wait3A_439, %dma_wait3A_445] : memref<2x400xi32, #tpu.memory_space<vmem>> -> memref<1x400xi32, #tpu.memory_space<vmem>>
        %dma_wait3A_447 = tpu.memref_squeeze %dma_wait3A_446 : memref<1x400xi32, #tpu.memory_space<vmem>> -> memref<400xi32, #tpu.memory_space<vmem>>
        %dma_wait3A_448 = arith.constant 0 : i32
        %dma_wait3A_449 = tpu.memref_slice %arg4[%dma_wait3A_448] : memref<320000xi32, #tpu.memory_space<hbm>> -> memref<400xi32, #tpu.memory_space<hbm>>
        tpu.wait_dma2 semaphore(%arg16 : memref<!tpu.dma_semaphore, #tpu.memory_space<semaphore_mem>>) src(%dma_wait3A_449 : memref<400xi32, #tpu.memory_space<hbm>>) dst(%dma_wait3A_447 : memref<400xi32, #tpu.memory_space<vmem>>)
      } else {
      }
      %mul3A_407 = arith.constant 400 : i32
      %mul3A_408 = arith.muli %add3A_401, %mul3A_407 : i32
      %add3A_409 = arith.addi %mul3A_2, %mul3A_408 : i32
      %dma_start3A_410 = arith.constant 0 : i32
      %dma_start3A_411 = tpu.memref_slice %arg7[%add3A_401, %dma_start3A_410] : memref<25x400xi32, #tpu.memory_space<vmem>> -> memref<1x400xi32, #tpu.memory_space<vmem>>
      %dma_start3A_412 = tpu.memref_squeeze %dma_start3A_411 : memref<1x400xi32, #tpu.memory_space<vmem>> -> memref<400xi32, #tpu.memory_space<vmem>>
      %dma_start3A_413 = tpu.memref_slice %arg4[%add3A_409] : memref<320000xi32, #tpu.memory_space<hbm>> -> memref<400xi32, #tpu.memory_space<hbm>>
      %dma_start3A_414 = arith.constant 0 : i32
      %dma_start3A_415 = tpu.memref_slice %arg7[%add3A_401, %dma_start3A_414] : memref<25x400xi32, #tpu.memory_space<vmem>> -> memref<1x400xi32, #tpu.memory_space<vmem>>
      %dma_start3A_416 = tpu.memref_squeeze %dma_start3A_415 : memref<1x400xi32, #tpu.memory_space<vmem>> -> memref<400xi32, #tpu.memory_space<vmem>>
      %dma_start3A_417 = tpu.memref_slice %arg4[%add3A_409] : memref<320000xi32, #tpu.memory_space<hbm>> -> memref<400xi32, #tpu.memory_space<hbm>>
      tpu.enqueue_dma source(%dma_start3A_417 : memref<400xi32, #tpu.memory_space<hbm>>) target(%dma_start3A_416 : memref<400xi32, #tpu.memory_space<vmem>>) target_semaphore(%arg16 : memref<!tpu.dma_semaphore, #tpu.memory_space<semaphore_mem>>)
      %mul3A_418 = arith.constant 8 : i32
      %mul3A_419 = arith.muli %scan3A_277, %mul3A_418 : i32
      %add3A_420 = arith.constant 7 : i32
      %add3A_421 = arith.addi %mul3A_419, %add3A_420 : i32
      %gt3A_422 = arith.constant 0 : i32
      %gt3A_423 = arith.cmpi sgt, %scan3A_277, %gt3A_422 : i32
      %convert_element_type3A_424 = arith.extui %gt3A_423 : i1 to i32
      %cond3A_425 = arith.constant 0 : i32
      %cond3A_426 = arith.cmpi ne, %convert_element_type3A_424, %cond3A_425 : i32
      scf.if %cond3A_426 {
        %dma_wait3A_439 = arith.constant 0 : i32
        %dma_wait3A_440 = arith.constant 0 : i32
        %dma_wait3A_441 = tpu.memref_slice %arg6[%dma_wait3A_439, %dma_wait3A_440] : memref<2x400xi32, #tpu.memory_space<vmem>> -> memref<1x400xi32, #tpu.memory_space<vmem>>
        %dma_wait3A_442 = tpu.memref_squeeze %dma_wait3A_441 : memref<1x400xi32, #tpu.memory_space<vmem>> -> memref<400xi32, #tpu.memory_space<vmem>>
        %dma_wait3A_443 = arith.constant 0 : i32
        %dma_wait3A_444 = tpu.memref_slice %arg4[%dma_wait3A_443] : memref<320000xi32, #tpu.memory_space<hbm>> -> memref<400xi32, #tpu.memory_space<hbm>>
        %dma_wait3A_445 = arith.constant 0 : i32
        %dma_wait3A_446 = tpu.memref_slice %arg6[%dma_wait3A_439, %dma_wait3A_445] : memref<2x400xi32, #tpu.memory_space<vmem>> -> memref<1x400xi32, #tpu.memory_space<vmem>>
        %dma_wait3A_447 = tpu.memref_squeeze %dma_wait3A_446 : memref<1x400xi32, #tpu.memory_space<vmem>> -> memref<400xi32, #tpu.memory_space<vmem>>
        %dma_wait3A_448 = arith.constant 0 : i32
        %dma_wait3A_449 = tpu.memref_slice %arg4[%dma_wait3A_448] : memref<320000xi32, #tpu.memory_space<hbm>> -> memref<400xi32, #tpu.memory_space<hbm>>
        tpu.wait_dma2 semaphore(%arg17 : memref<!tpu.dma_semaphore, #tpu.memory_space<semaphore_mem>>) src(%dma_wait3A_449 : memref<400xi32, #tpu.memory_space<hbm>>) dst(%dma_wait3A_447 : memref<400xi32, #tpu.memory_space<vmem>>)
      } else {
      }
      %mul3A_427 = arith.constant 400 : i32
      %mul3A_428 = arith.muli %add3A_421, %mul3A_427 : i32
      %add3A_429 = arith.addi %mul3A_2, %mul3A_428 : i32
      %dma_start3A_430 = arith.constant 0 : i32
      %dma_start3A_431 = tpu.memref_slice %arg7[%add3A_421, %dma_start3A_430] : memref<25x400xi32, #tpu.memory_space<vmem>> -> memref<1x400xi32, #tpu.memory_space<vmem>>
      %dma_start3A_432 = tpu.memref_squeeze %dma_start3A_431 : memref<1x400xi32, #tpu.memory_space<vmem>> -> memref<400xi32, #tpu.memory_space<vmem>>
      %dma_start3A_433 = tpu.memref_slice %arg4[%add3A_429] : memref<320000xi32, #tpu.memory_space<hbm>> -> memref<400xi32, #tpu.memory_space<hbm>>
      %dma_start3A_434 = arith.constant 0 : i32
      %dma_start3A_435 = tpu.memref_slice %arg7[%add3A_421, %dma_start3A_434] : memref<25x400xi32, #tpu.memory_space<vmem>> -> memref<1x400xi32, #tpu.memory_space<vmem>>
      %dma_start3A_436 = tpu.memref_squeeze %dma_start3A_435 : memref<1x400xi32, #tpu.memory_space<vmem>> -> memref<400xi32, #tpu.memory_space<vmem>>
      %dma_start3A_437 = tpu.memref_slice %arg4[%add3A_429] : memref<320000xi32, #tpu.memory_space<hbm>> -> memref<400xi32, #tpu.memory_space<hbm>>
      tpu.enqueue_dma source(%dma_start3A_437 : memref<400xi32, #tpu.memory_space<hbm>>) target(%dma_start3A_436 : memref<400xi32, #tpu.memory_space<vmem>>) target_semaphore(%arg17 : memref<!tpu.dma_semaphore, #tpu.memory_space<semaphore_mem>>)
      %scan3A_438 = arith.constant 0 : i32
      scf.yield %scan3A_438 : i32
    }
    %scan3A_8 = arith.constant 3 : i32
    %dma_wait3A = arith.constant 0 : i32
    %dma_wait3A_9 = arith.constant 0 : i32
    %dma_wait3A_10 = tpu.memref_slice %arg6[%dma_wait3A, %dma_wait3A_9] : memref<2x400xi32, #tpu.memory_space<vmem>> -> memref<1x400xi32, #tpu.memory_space<vmem>>
    %dma_wait3A_11 = tpu.memref_squeeze %dma_wait3A_10 : memref<1x400xi32, #tpu.memory_space<vmem>> -> memref<400xi32, #tpu.memory_space<vmem>>
    %dma_wait3A_12 = arith.constant 0 : i32
    %dma_wait3A_13 = tpu.memref_slice %arg4[%dma_wait3A_12] : memref<320000xi32, #tpu.memory_space<hbm>> -> memref<400xi32, #tpu.memory_space<hbm>>
    %dma_wait3A_14 = arith.constant 0 : i32
    %dma_wait3A_15 = tpu.memref_slice %arg6[%dma_wait3A, %dma_wait3A_14] : memref<2x400xi32, #tpu.memory_space<vmem>> -> memref<1x400xi32, #tpu.memory_space<vmem>>
    %dma_wait3A_16 = tpu.memref_squeeze %dma_wait3A_15 : memref<1x400xi32, #tpu.memory_space<vmem>> -> memref<400xi32, #tpu.memory_space<vmem>>
    %dma_wait3A_17 = arith.constant 0 : i32
    %dma_wait3A_18 = tpu.memref_slice %arg4[%dma_wait3A_17] : memref<320000xi32, #tpu.memory_space<hbm>> -> memref<400xi32, #tpu.memory_space<hbm>>
    tpu.wait_dma2 semaphore(%arg10 : memref<!tpu.dma_semaphore, #tpu.memory_space<semaphore_mem>>) src(%dma_wait3A_18 : memref<400xi32, #tpu.memory_space<hbm>>) dst(%dma_wait3A_16 : memref<400xi32, #tpu.memory_space<vmem>>)
    %add3A_19 = arith.constant 9600 : i32
    %add3A_20 = arith.addi %mul3A_2, %add3A_19 : i32
    %dma_start3A = arith.constant 24 : i32
    %dma_start3A_21 = arith.constant 0 : i32
    %dma_start3A_22 = tpu.memref_slice %arg7[%dma_start3A, %dma_start3A_21] : memref<25x400xi32, #tpu.memory_space<vmem>> -> memref<1x400xi32, #tpu.memory_space<vmem>>
    %dma_start3A_23 = tpu.memref_squeeze %dma_start3A_22 : memref<1x400xi32, #tpu.memory_space<vmem>> -> memref<400xi32, #tpu.memory_space<vmem>>
    %dma_start3A_24 = tpu.memref_slice %arg4[%add3A_20] : memref<320000xi32, #tpu.memory_space<hbm>> -> memref<400xi32, #tpu.memory_space<hbm>>
    %dma_start3A_25 = arith.constant 0 : i32
    %dma_start3A_26 = tpu.memref_slice %arg7[%dma_start3A, %dma_start3A_25] : memref<25x400xi32, #tpu.memory_space<vmem>> -> memref<1x400xi32, #tpu.memory_space<vmem>>
    %dma_start3A_27 = tpu.memref_squeeze %dma_start3A_26 : memref<1x400xi32, #tpu.memory_space<vmem>> -> memref<400xi32, #tpu.memory_space<vmem>>
    %dma_start3A_28 = tpu.memref_slice %arg4[%add3A_20] : memref<320000xi32, #tpu.memory_space<hbm>> -> memref<400xi32, #tpu.memory_space<hbm>>
    tpu.enqueue_dma source(%dma_start3A_28 : memref<400xi32, #tpu.memory_space<hbm>>) target(%dma_start3A_27 : memref<400xi32, #tpu.memory_space<vmem>>) target_semaphore(%arg10 : memref<!tpu.dma_semaphore, #tpu.memory_space<semaphore_mem>>)
    %scan3A_29 = arith.constant 0 : i32
    %scan3A_30 = arith.constant 0 : i32
    %scan3A_31 = arith.constant 400 : i32
    %scan3A_32 = arith.addi %scan3A_30, %scan3A_31 : i32
    %scan3A_33 = arith.constant 1 : i32
    %scan3A_34 = scf.for %scan3A_277 = %scan3A_30 to %scan3A_32 step %scan3A_33 iter_args(%scan3A_278 = %scan3A_29) -> (i32)  : i32 {
      %scan3A_279 = arith.constant 0 : i32
      %scan3A_280 = arith.constant 0 : i32
      %scan3A_281 = arith.constant 4 : i32
      %scan3A_282 = arith.addi %scan3A_280, %scan3A_281 : i32
      %scan3A_283 = arith.constant 1 : i32
      %scan3A_284 = scf.for %scan3A_286 = %scan3A_280 to %scan3A_282 step %scan3A_283 iter_args(%scan3A_287 = %scan3A_279) -> (i32)  : i32 {
        %broadcast_in_dim3A = arith.constant 0.000000e+00 : bf16
        %broadcast_in_dim3A_288 = vector.broadcast %broadcast_in_dim3A : bf16 to vector<32xbf16>
        %mul3A_289 = arith.constant 32 : i32
        %mul3A_290 = arith.muli %scan3A_286, %mul3A_289 : i32
        %swap3A = arith.constant 0 : i32
        %swap3A_291 = arith.index_cast %swap3A : i32 to index
        %swap3A_292 = arith.index_cast %scan3A_277 : i32 to index
        %swap3A_293 = arith.index_cast %mul3A_290 : i32 to index
        %swap3A_294 = tpu.vector_load %arg8[%swap3A_291, %swap3A_292, %swap3A_293] {strides = array<i32>} : memref<2x400x128xbf16, #tpu.memory_space<vmem>>, vector<1x1x32xbf16>,
        %swap3A_295 = vector.shape_cast %swap3A_294 : vector<1x1x32xbf16> to vector<32xbf16>
        %swap3A_296 = vector.shape_cast %broadcast_in_dim3A_288 : vector<32xbf16> to vector<1x1x32xbf16>
        tpu.vector_store %arg8[%swap3A_291, %swap3A_292, %swap3A_293], %swap3A_296 {strides = array<i32>} : memref<2x400x128xbf16, #tpu.memory_space<vmem>>, vector<1x1x32xbf16>,
        %scan3A_297 = arith.constant 0 : i32
        scf.yield %scan3A_297 : i32
      }
      %scan3A_285 = arith.constant 4 : i32
      scf.yield %scan3A_284 : i32
    }
    %scan3A_35 = arith.constant 400 : i32
    %dma_wait3A_36 = arith.constant 0 : i32
    %dma_wait3A_37 = arith.constant 0 : i32
    %dma_wait3A_38 = tpu.memref_slice %arg6[%dma_wait3A_36, %dma_wait3A_37] : memref<2x400xi32, #tpu.memory_space<vmem>> -> memref<1x400xi32, #tpu.memory_space<vmem>>
    %dma_wait3A_39 = tpu.memref_squeeze %dma_wait3A_38 : memref<1x400xi32, #tpu.memory_space<vmem>> -> memref<400xi32, #tpu.memory_space<vmem>>
    %dma_wait3A_40 = arith.constant 0 : i32
    %dma_wait3A_41 = tpu.memref_slice %arg4[%dma_wait3A_40] : memref<320000xi32, #tpu.memory_space<hbm>> -> memref<400xi32, #tpu.memory_space<hbm>>
    %dma_wait3A_42 = arith.constant 0 : i32
    %dma_wait3A_43 = tpu.memref_slice %arg6[%dma_wait3A_36, %dma_wait3A_42] : memref<2x400xi32, #tpu.memory_space<vmem>> -> memref<1x400xi32, #tpu.memory_space<vmem>>
    %dma_wait3A_44 = tpu.memref_squeeze %dma_wait3A_43 : memref<1x400xi32, #tpu.memory_space<vmem>> -> memref<400xi32, #tpu.memory_space<vmem>>
    %dma_wait3A_45 = arith.constant 0 : i32
    %dma_wait3A_46 = tpu.memref_slice %arg4[%dma_wait3A_45] : memref<320000xi32, #tpu.memory_space<hbm>> -> memref<400xi32, #tpu.memory_space<hbm>>
    tpu.wait_dma2 semaphore(%arg10 : memref<!tpu.dma_semaphore, #tpu.memory_space<semaphore_mem>>) src(%dma_wait3A_46 : memref<400xi32, #tpu.memory_space<hbm>>) dst(%dma_wait3A_44 : memref<400xi32, #tpu.memory_space<vmem>>)
    %dma_wait3A_47 = arith.constant 0 : i32
    %dma_wait3A_48 = arith.constant 0 : i32
    %dma_wait3A_49 = tpu.memref_slice %arg6[%dma_wait3A_47, %dma_wait3A_48] : memref<2x400xi32, #tpu.memory_space<vmem>> -> memref<1x400xi32, #tpu.memory_space<vmem>>
    %dma_wait3A_50 = tpu.memref_squeeze %dma_wait3A_49 : memref<1x400xi32, #tpu.memory_space<vmem>> -> memref<400xi32, #tpu.memory_space<vmem>>
    %dma_wait3A_51 = arith.constant 0 : i32
    %dma_wait3A_52 = tpu.memref_slice %arg4[%dma_wait3A_51] : memref<320000xi32, #tpu.memory_space<hbm>> -> memref<400xi32, #tpu.memory_space<hbm>>
    %dma_wait3A_53 = arith.constant 0 : i32
    %dma_wait3A_54 = tpu.memref_slice %arg6[%dma_wait3A_47, %dma_wait3A_53] : memref<2x400xi32, #tpu.memory_space<vmem>> -> memref<1x400xi32, #tpu.memory_space<vmem>>
    %dma_wait3A_55 = tpu.memref_squeeze %dma_wait3A_54 : memref<1x400xi32, #tpu.memory_space<vmem>> -> memref<400xi32, #tpu.memory_space<vmem>>
    %dma_wait3A_56 = arith.constant 0 : i32
    %dma_wait3A_57 = tpu.memref_slice %arg4[%dma_wait3A_56] : memref<320000xi32, #tpu.memory_space<hbm>> -> memref<400xi32, #tpu.memory_space<hbm>>
    tpu.wait_dma2 semaphore(%arg11 : memref<!tpu.dma_semaphore, #tpu.memory_space<semaphore_mem>>) src(%dma_wait3A_57 : memref<400xi32, #tpu.memory_space<hbm>>) dst(%dma_wait3A_55 : memref<400xi32, #tpu.memory_space<vmem>>)
    %dma_wait3A_58 = arith.constant 0 : i32
    %dma_wait3A_59 = arith.constant 0 : i32
    %dma_wait3A_60 = tpu.memref_slice %arg6[%dma_wait3A_58, %dma_wait3A_59] : memref<2x400xi32, #tpu.memory_space<vmem>> -> memref<1x400xi32, #tpu.memory_space<vmem>>
    %dma_wait3A_61 = tpu.memref_squeeze %dma_wait3A_60 : memref<1x400xi32, #tpu.memory_space<vmem>> -> memref<400xi32, #tpu.memory_space<vmem>>
    %dma_wait3A_62 = arith.constant 0 : i32
    %dma_wait3A_63 = tpu.memref_slice %arg4[%dma_wait3A_62] : memref<320000xi32, #tpu.memory_space<hbm>> -> memref<400xi32, #tpu.memory_space<hbm>>
    %dma_wait3A_64 = arith.constant 0 : i32
    %dma_wait3A_65 = tpu.memref_slice %arg6[%dma_wait3A_58, %dma_wait3A_64] : memref<2x400xi32, #tpu.memory_space<vmem>> -> memref<1x400xi32, #tpu.memory_space<vmem>>
    %dma_wait3A_66 = tpu.memref_squeeze %dma_wait3A_65 : memref<1x400xi32, #tpu.memory_space<vmem>> -> memref<400xi32, #tpu.memory_space<vmem>>
    %dma_wait3A_67 = arith.constant 0 : i32
    %dma_wait3A_68 = tpu.memref_slice %arg4[%dma_wait3A_67] : memref<320000xi32, #tpu.memory_space<hbm>> -> memref<400xi32, #tpu.memory_space<hbm>>
    tpu.wait_dma2 semaphore(%arg12 : memref<!tpu.dma_semaphore, #tpu.memory_space<semaphore_mem>>) src(%dma_wait3A_68 : memref<400xi32, #tpu.memory_space<hbm>>) dst(%dma_wait3A_66 : memref<400xi32, #tpu.memory_space<vmem>>)
    %dma_wait3A_69 = arith.constant 0 : i32
    %dma_wait3A_70 = arith.constant 0 : i32
    %dma_wait3A_71 = tpu.memref_slice %arg6[%dma_wait3A_69, %dma_wait3A_70] : memref<2x400xi32, #tpu.memory_space<vmem>> -> memref<1x400xi32, #tpu.memory_space<vmem>>
    %dma_wait3A_72 = tpu.memref_squeeze %dma_wait3A_71 : memref<1x400xi32, #tpu.memory_space<vmem>> -> memref<400xi32, #tpu.memory_space<vmem>>
    %dma_wait3A_73 = arith.constant 0 : i32
    %dma_wait3A_74 = tpu.memref_slice %arg4[%dma_wait3A_73] : memref<320000xi32, #tpu.memory_space<hbm>> -> memref<400xi32, #tpu.memory_space<hbm>>
    %dma_wait3A_75 = arith.constant 0 : i32
    %dma_wait3A_76 = tpu.memref_slice %arg6[%dma_wait3A_69, %dma_wait3A_75] : memref<2x400xi32, #tpu.memory_space<vmem>> -> memref<1x400xi32, #tpu.memory_space<vmem>>
    %dma_wait3A_77 = tpu.memref_squeeze %dma_wait3A_76 : memref<1x400xi32, #tpu.memory_space<vmem>> -> memref<400xi32, #tpu.memory_space<vmem>>
    %dma_wait3A_78 = arith.constant 0 : i32
    %dma_wait3A_79 = tpu.memref_slice %arg4[%dma_wait3A_78] : memref<320000xi32, #tpu.memory_space<hbm>> -> memref<400xi32, #tpu.memory_space<hbm>>
    tpu.wait_dma2 semaphore(%arg13 : memref<!tpu.dma_semaphore, #tpu.memory_space<semaphore_mem>>) src(%dma_wait3A_79 : memref<400xi32, #tpu.memory_space<hbm>>) dst(%dma_wait3A_77 : memref<400xi32, #tpu.memory_space<vmem>>)
    %dma_wait3A_80 = arith.constant 0 : i32
    %dma_wait3A_81 = arith.constant 0 : i32
    %dma_wait3A_82 = tpu.memref_slice %arg6[%dma_wait3A_80, %dma_wait3A_81] : memref<2x400xi32, #tpu.memory_space<vmem>> -> memref<1x400xi32, #tpu.memory_space<vmem>>
    %dma_wait3A_83 = tpu.memref_squeeze %dma_wait3A_82 : memref<1x400xi32, #tpu.memory_space<vmem>> -> memref<400xi32, #tpu.memory_space<vmem>>
    %dma_wait3A_84 = arith.constant 0 : i32
    %dma_wait3A_85 = tpu.memref_slice %arg4[%dma_wait3A_84] : memref<320000xi32, #tpu.memory_space<hbm>> -> memref<400xi32, #tpu.memory_space<hbm>>
    %dma_wait3A_86 = arith.constant 0 : i32
    %dma_wait3A_87 = tpu.memref_slice %arg6[%dma_wait3A_80, %dma_wait3A_86] : memref<2x400xi32, #tpu.memory_space<vmem>> -> memref<1x400xi32, #tpu.memory_space<vmem>>
    %dma_wait3A_88 = tpu.memref_squeeze %dma_wait3A_87 : memref<1x400xi32, #tpu.memory_space<vmem>> -> memref<400xi32, #tpu.memory_space<vmem>>
    %dma_wait3A_89 = arith.constant 0 : i32
    %dma_wait3A_90 = tpu.memref_slice %arg4[%dma_wait3A_89] : memref<320000xi32, #tpu.memory_space<hbm>> -> memref<400xi32, #tpu.memory_space<hbm>>
    tpu.wait_dma2 semaphore(%arg14 : memref<!tpu.dma_semaphore, #tpu.memory_space<semaphore_mem>>) src(%dma_wait3A_90 : memref<400xi32, #tpu.memory_space<hbm>>) dst(%dma_wait3A_88 : memref<400xi32, #tpu.memory_space<vmem>>)
    %dma_wait3A_91 = arith.constant 0 : i32
    %dma_wait3A_92 = arith.constant 0 : i32
    %dma_wait3A_93 = tpu.memref_slice %arg6[%dma_wait3A_91, %dma_wait3A_92] : memref<2x400xi32, #tpu.memory_space<vmem>> -> memref<1x400xi32, #tpu.memory_space<vmem>>
    %dma_wait3A_94 = tpu.memref_squeeze %dma_wait3A_93 : memref<1x400xi32, #tpu.memory_space<vmem>> -> memref<400xi32, #tpu.memory_space<vmem>>
    %dma_wait3A_95 = arith.constant 0 : i32
    %dma_wait3A_96 = tpu.memref_slice %arg4[%dma_wait3A_95] : memref<320000xi32, #tpu.memory_space<hbm>> -> memref<400xi32, #tpu.memory_space<hbm>>
    %dma_wait3A_97 = arith.constant 0 : i32
    %dma_wait3A_98 = tpu.memref_slice %arg6[%dma_wait3A_91, %dma_wait3A_97] : memref<2x400xi32, #tpu.memory_space<vmem>> -> memref<1x400xi32, #tpu.memory_space<vmem>>
    %dma_wait3A_99 = tpu.memref_squeeze %dma_wait3A_98 : memref<1x400xi32, #tpu.memory_space<vmem>> -> memref<400xi32, #tpu.memory_space<vmem>>
    %dma_wait3A_100 = arith.constant 0 : i32
    %dma_wait3A_101 = tpu.memref_slice %arg4[%dma_wait3A_100] : memref<320000xi32, #tpu.memory_space<hbm>> -> memref<400xi32, #tpu.memory_space<hbm>>
    tpu.wait_dma2 semaphore(%arg15 : memref<!tpu.dma_semaphore, #tpu.memory_space<semaphore_mem>>) src(%dma_wait3A_101 : memref<400xi32, #tpu.memory_space<hbm>>) dst(%dma_wait3A_99 : memref<400xi32, #tpu.memory_space<vmem>>)
    %dma_wait3A_102 = arith.constant 0 : i32
    %dma_wait3A_103 = arith.constant 0 : i32
    %dma_wait3A_104 = tpu.memref_slice %arg6[%dma_wait3A_102, %dma_wait3A_103] : memref<2x400xi32, #tpu.memory_space<vmem>> -> memref<1x400xi32, #tpu.memory_space<vmem>>
    %dma_wait3A_105 = tpu.memref_squeeze %dma_wait3A_104 : memref<1x400xi32, #tpu.memory_space<vmem>> -> memref<400xi32, #tpu.memory_space<vmem>>
    %dma_wait3A_106 = arith.constant 0 : i32
    %dma_wait3A_107 = tpu.memref_slice %arg4[%dma_wait3A_106] : memref<320000xi32, #tpu.memory_space<hbm>> -> memref<400xi32, #tpu.memory_space<hbm>>
    %dma_wait3A_108 = arith.constant 0 : i32
    %dma_wait3A_109 = tpu.memref_slice %arg6[%dma_wait3A_102, %dma_wait3A_108] : memref<2x400xi32, #tpu.memory_space<vmem>> -> memref<1x400xi32, #tpu.memory_space<vmem>>
    %dma_wait3A_110 = tpu.memref_squeeze %dma_wait3A_109 : memref<1x400xi32, #tpu.memory_space<vmem>> -> memref<400xi32, #tpu.memory_space<vmem>>
    %dma_wait3A_111 = arith.constant 0 : i32
    %dma_wait3A_112 = tpu.memref_slice %arg4[%dma_wait3A_111] : memref<320000xi32, #tpu.memory_space<hbm>> -> memref<400xi32, #tpu.memory_space<hbm>>
    tpu.wait_dma2 semaphore(%arg16 : memref<!tpu.dma_semaphore, #tpu.memory_space<semaphore_mem>>) src(%dma_wait3A_112 : memref<400xi32, #tpu.memory_space<hbm>>) dst(%dma_wait3A_110 : memref<400xi32, #tpu.memory_space<vmem>>)
    %dma_wait3A_113 = arith.constant 0 : i32
    %dma_wait3A_114 = arith.constant 0 : i32
    %dma_wait3A_115 = tpu.memref_slice %arg6[%dma_wait3A_113, %dma_wait3A_114] : memref<2x400xi32, #tpu.memory_space<vmem>> -> memref<1x400xi32, #tpu.memory_space<vmem>>
    %dma_wait3A_116 = tpu.memref_squeeze %dma_wait3A_115 : memref<1x400xi32, #tpu.memory_space<vmem>> -> memref<400xi32, #tpu.memory_space<vmem>>
    %dma_wait3A_117 = arith.constant 0 : i32
    %dma_wait3A_118 = tpu.memref_slice %arg4[%dma_wait3A_117] : memref<320000xi32, #tpu.memory_space<hbm>> -> memref<400xi32, #tpu.memory_space<hbm>>
    %dma_wait3A_119 = arith.constant 0 : i32
    %dma_wait3A_120 = tpu.memref_slice %arg6[%dma_wait3A_113, %dma_wait3A_119] : memref<2x400xi32, #tpu.memory_space<vmem>> -> memref<1x400xi32, #tpu.memory_space<vmem>>
    %dma_wait3A_121 = tpu.memref_squeeze %dma_wait3A_120 : memref<1x400xi32, #tpu.memory_space<vmem>> -> memref<400xi32, #tpu.memory_space<vmem>>
    %dma_wait3A_122 = arith.constant 0 : i32
    %dma_wait3A_123 = tpu.memref_slice %arg4[%dma_wait3A_122] : memref<320000xi32, #tpu.memory_space<hbm>> -> memref<400xi32, #tpu.memory_space<hbm>>
    tpu.wait_dma2 semaphore(%arg17 : memref<!tpu.dma_semaphore, #tpu.memory_space<semaphore_mem>>) src(%dma_wait3A_123 : memref<400xi32, #tpu.memory_space<hbm>>) dst(%dma_wait3A_121 : memref<400xi32, #tpu.memory_space<vmem>>)
    %mul3A_124 = arith.constant 624 : i32
    %mul3A_125 = arith.muli %arg1, %mul3A_124 : i32
    %multiple_of3A = tpu.assume_multiple %mul3A_125, 8 : i32
    %add3A_126 = arith.constant 0 : i32
    %add3A_127 = arith.addi %multiple_of3A, %add3A_126 : i32
    %run_scoped3A = arith.constant 0 : i32
    "tpu.region"() ({
      %run_scoped3A_277 = tpu.sem_alloc : memref<!tpu.dma_semaphore, #tpu.memory_space<semaphore_mem>>
      %dma_start3A_278 = arith.constant 0 : i32
      %dma_start3A_279 = arith.constant 0 : i32
      %dma_start3A_280 = tpu.memref_slice %arg8[%run_scoped3A, %dma_start3A_278, %dma_start3A_279] : memref<2x400x128xbf16, #tpu.memory_space<vmem>> -> memref<1x400x128xbf16, #tpu.memory_space<vmem>>
      %dma_start3A_281 = tpu.memref_squeeze %dma_start3A_280 : memref<1x400x128xbf16, #tpu.memory_space<vmem>> -> memref<400x128xbf16, #tpu.memory_space<vmem>>
      %dma_start3A_282 = arith.constant 0 : i32
      %dma_start3A_283 = tpu.memref_slice %arg9[%add3A_127, %dma_start3A_282] : memref<10000x128xbf16, #tpu.memory_space<vmem_shared>> -> memref<400x128xbf16, #tpu.memory_space<vmem_shared>>
      %dma_start3A_284 = arith.constant 0 : i32
      %dma_start3A_285 = tpu.memref_slice %arg9[%add3A_127, %dma_start3A_284] : memref<10000x128xbf16, #tpu.memory_space<vmem_shared>> -> memref<400x128xbf16, #tpu.memory_space<vmem_shared>>
      %dma_start3A_286 = arith.constant 0 : i32
      %dma_start3A_287 = arith.constant 0 : i32
      %dma_start3A_288 = tpu.memref_slice %arg8[%run_scoped3A, %dma_start3A_286, %dma_start3A_287] : memref<2x400x128xbf16, #tpu.memory_space<vmem>> -> memref<1x400x128xbf16, #tpu.memory_space<vmem>>
      %dma_start3A_289 = tpu.memref_squeeze %dma_start3A_288 : memref<1x400x128xbf16, #tpu.memory_space<vmem>> -> memref<400x128xbf16, #tpu.memory_space<vmem>>
      tpu.enqueue_dma source(%dma_start3A_289 : memref<400x128xbf16, #tpu.memory_space<vmem>>) target(%dma_start3A_285 : memref<400x128xbf16, #tpu.memory_space<vmem_shared>>) target_semaphore(%run_scoped3A_277 : memref<!tpu.dma_semaphore, #tpu.memory_space<semaphore_mem>>)
      %dma_wait3A_290 = arith.constant 0 : i32
      %dma_wait3A_291 = arith.constant 0 : i32
      %dma_wait3A_292 = tpu.memref_slice %arg8[%run_scoped3A, %dma_wait3A_290, %dma_wait3A_291] : memref<2x400x128xbf16, #tpu.memory_space<vmem>> -> memref<1x400x128xbf16, #tpu.memory_space<vmem>>
      %dma_wait3A_293 = tpu.memref_squeeze %dma_wait3A_292 : memref<1x400x128xbf16, #tpu.memory_space<vmem>> -> memref<400x128xbf16, #tpu.memory_space<vmem>>
      %dma_wait3A_294 = arith.constant 0 : i32
      %dma_wait3A_295 = tpu.memref_slice %arg9[%add3A_127, %dma_wait3A_294] : memref<10000x128xbf16, #tpu.memory_space<vmem_shared>> -> memref<400x128xbf16, #tpu.memory_space<vmem_shared>>
      %dma_wait3A_296 = arith.constant 0 : i32
      %dma_wait3A_297 = tpu.memref_slice %arg9[%add3A_127, %dma_wait3A_296] : memref<10000x128xbf16, #tpu.memory_space<vmem_shared>> -> memref<400x128xbf16, #tpu.memory_space<vmem_shared>>
      %dma_wait3A_298 = arith.constant 0 : i32
      %dma_wait3A_299 = arith.constant 0 : i32
      %dma_wait3A_300 = tpu.memref_slice %arg8[%run_scoped3A, %dma_wait3A_298, %dma_wait3A_299] : memref<2x400x128xbf16, #tpu.memory_space<vmem>> -> memref<1x400x128xbf16, #tpu.memory_space<vmem>>
      %dma_wait3A_301 = tpu.memref_squeeze %dma_wait3A_300 : memref<1x400x128xbf16, #tpu.memory_space<vmem>> -> memref<400x128xbf16, #tpu.memory_space<vmem>>
      tpu.wait_dma2 semaphore(%run_scoped3A_277 : memref<!tpu.dma_semaphore, #tpu.memory_space<semaphore_mem>>) src(%dma_wait3A_301 : memref<400x128xbf16, #tpu.memory_space<vmem>>) dst(%dma_wait3A_297 : memref<400x128xbf16, #tpu.memory_space<vmem_shared>>)
      tpu.yield
    }) : () -> ()
    %add3A_128 = arith.constant 400 : i32
    %add3A_129 = arith.addi %multiple_of3A, %add3A_128 : i32
    %run_scoped3A_130 = arith.constant 0 : i32
    "tpu.region"() ({
      %run_scoped3A_277 = tpu.sem_alloc : memref<!tpu.dma_semaphore, #tpu.memory_space<semaphore_mem>>
      %dma_start3A_278 = arith.constant 0 : i32
      %dma_start3A_279 = arith.constant 0 : i32
      %dma_start3A_280 = tpu.memref_slice %arg8[%run_scoped3A_130, %dma_start3A_278, %dma_start3A_279] : memref<2x400x128xbf16, #tpu.memory_space<vmem>> -> memref<1x224x128xbf16, #tpu.memory_space<vmem>>
      %dma_start3A_281 = tpu.memref_squeeze %dma_start3A_280 : memref<1x224x128xbf16, #tpu.memory_space<vmem>> -> memref<224x128xbf16, #tpu.memory_space<vmem>>
      %dma_start3A_282 = arith.constant 0 : i32
      %dma_start3A_283 = tpu.memref_slice %arg9[%add3A_129, %dma_start3A_282] : memref<10000x128xbf16, #tpu.memory_space<vmem_shared>> -> memref<224x128xbf16, #tpu.memory_space<vmem_shared>>
      %dma_start3A_284 = arith.constant 0 : i32
      %dma_start3A_285 = tpu.memref_slice %arg9[%add3A_129, %dma_start3A_284] : memref<10000x128xbf16, #tpu.memory_space<vmem_shared>> -> memref<224x128xbf16, #tpu.memory_space<vmem_shared>>
      %dma_start3A_286 = arith.constant 0 : i32
      %dma_start3A_287 = arith.constant 0 : i32
      %dma_start3A_288 = tpu.memref_slice %arg8[%run_scoped3A_130, %dma_start3A_286, %dma_start3A_287] : memref<2x400x128xbf16, #tpu.memory_space<vmem>> -> memref<1x224x128xbf16, #tpu.memory_space<vmem>>
      %dma_start3A_289 = tpu.memref_squeeze %dma_start3A_288 : memref<1x224x128xbf16, #tpu.memory_space<vmem>> -> memref<224x128xbf16, #tpu.memory_space<vmem>>
      tpu.enqueue_dma source(%dma_start3A_289 : memref<224x128xbf16, #tpu.memory_space<vmem>>) target(%dma_start3A_285 : memref<224x128xbf16, #tpu.memory_space<vmem_shared>>) target_semaphore(%run_scoped3A_277 : memref<!tpu.dma_semaphore, #tpu.memory_space<semaphore_mem>>)
      %dma_wait3A_290 = arith.constant 0 : i32
      %dma_wait3A_291 = arith.constant 0 : i32
      %dma_wait3A_292 = tpu.memref_slice %arg8[%run_scoped3A_130, %dma_wait3A_290, %dma_wait3A_291] : memref<2x400x128xbf16, #tpu.memory_space<vmem>> -> memref<1x224x128xbf16, #tpu.memory_space<vmem>>
      %dma_wait3A_293 = tpu.memref_squeeze %dma_wait3A_292 : memref<1x224x128xbf16, #tpu.memory_space<vmem>> -> memref<224x128xbf16, #tpu.memory_space<vmem>>
      %dma_wait3A_294 = arith.constant 0 : i32
      %dma_wait3A_295 = tpu.memref_slice %arg9[%add3A_129, %dma_wait3A_294] : memref<10000x128xbf16, #tpu.memory_space<vmem_shared>> -> memref<224x128xbf16, #tpu.memory_space<vmem_shared>>
      %dma_wait3A_296 = arith.constant 0 : i32
      %dma_wait3A_297 = tpu.memref_slice %arg9[%add3A_129, %dma_wait3A_296] : memref<10000x128xbf16, #tpu.memory_space<vmem_shared>> -> memref<224x128xbf16, #tpu.memory_space<vmem_shared>>
      %dma_wait3A_298 = arith.constant 0 : i32
      %dma_wait3A_299 = arith.constant 0 : i32
      %dma_wait3A_300 = tpu.memref_slice %arg8[%run_scoped3A_130, %dma_wait3A_298, %dma_wait3A_299] : memref<2x400x128xbf16, #tpu.memory_space<vmem>> -> memref<1x224x128xbf16, #tpu.memory_space<vmem>>
      %dma_wait3A_301 = tpu.memref_squeeze %dma_wait3A_300 : memref<1x224x128xbf16, #tpu.memory_space<vmem>> -> memref<224x128xbf16, #tpu.memory_space<vmem>>
      tpu.wait_dma2 semaphore(%run_scoped3A_277 : memref<!tpu.dma_semaphore, #tpu.memory_space<semaphore_mem>>) src(%dma_wait3A_301 : memref<224x128xbf16, #tpu.memory_space<vmem>>) dst(%dma_wait3A_297 : memref<224x128xbf16, #tpu.memory_space<vmem_shared>>)
      tpu.yield
    }) : () -> ()
    %eq3A = arith.constant 15 : i32
    %eq3A_131 = arith.cmpi eq, %arg1, %eq3A : i32
    %convert_element_type3A = arith.extui %eq3A_131 : i1 to i32
    %cond3A = arith.constant 0 : i32
    %cond3A_132 = arith.cmpi ne, %convert_element_type3A, %cond3A : i32
    scf.if %cond3A_132 {
      %run_scoped3A_277 = arith.constant 0 : i32
      "tpu.region"() ({
        %run_scoped3A_278 = tpu.sem_alloc : memref<!tpu.dma_semaphore, #tpu.memory_space<semaphore_mem>>
        %dma_start3A_279 = arith.constant 0 : i32
        %dma_start3A_280 = arith.constant 0 : i32
        %dma_start3A_281 = tpu.memref_slice %arg8[%run_scoped3A_277, %dma_start3A_279, %dma_start3A_280] : memref<2x400x128xbf16, #tpu.memory_space<vmem>> -> memref<1x16x128xbf16, #tpu.memory_space<vmem>>
        %dma_start3A_282 = tpu.memref_squeeze %dma_start3A_281 : memref<1x16x128xbf16, #tpu.memory_space<vmem>> -> memref<16x128xbf16, #tpu.memory_space<vmem>>
        %dma_start3A_283 = arith.constant 9984 : i32
        %dma_start3A_284 = arith.constant 0 : i32
        %dma_start3A_285 = tpu.memref_slice %arg9[%dma_start3A_283, %dma_start3A_284] : memref<10000x128xbf16, #tpu.memory_space<vmem_shared>> -> memref<16x128xbf16, #tpu.memory_space<vmem_shared>>
        %dma_start3A_286 = arith.constant 9984 : i32
        %dma_start3A_287 = arith.constant 0 : i32
        %dma_start3A_288 = tpu.memref_slice %arg9[%dma_start3A_286, %dma_start3A_287] : memref<10000x128xbf16, #tpu.memory_space<vmem_shared>> -> memref<16x128xbf16, #tpu.memory_space<vmem_shared>>
        %dma_start3A_289 = arith.constant 0 : i32
        %dma_start3A_290 = arith.constant 0 : i32
        %dma_start3A_291 = tpu.memref_slice %arg8[%run_scoped3A_277, %dma_start3A_289, %dma_start3A_290] : memref<2x400x128xbf16, #tpu.memory_space<vmem>> -> memref<1x16x128xbf16, #tpu.memory_space<vmem>>
        %dma_start3A_292 = tpu.memref_squeeze %dma_start3A_291 : memref<1x16x128xbf16, #tpu.memory_space<vmem>> -> memref<16x128xbf16, #tpu.memory_space<vmem>>
        tpu.enqueue_dma source(%dma_start3A_292 : memref<16x128xbf16, #tpu.memory_space<vmem>>) target(%dma_start3A_288 : memref<16x128xbf16, #tpu.memory_space<vmem_shared>>) target_semaphore(%run_scoped3A_278 : memref<!tpu.dma_semaphore, #tpu.memory_space<semaphore_mem>>)
        %dma_wait3A_293 = arith.constant 0 : i32
        %dma_wait3A_294 = arith.constant 0 : i32
        %dma_wait3A_295 = tpu.memref_slice %arg8[%run_scoped3A_277, %dma_wait3A_293, %dma_wait3A_294] : memref<2x400x128xbf16, #tpu.memory_space<vmem>> -> memref<1x16x128xbf16, #tpu.memory_space<vmem>>
        %dma_wait3A_296 = tpu.memref_squeeze %dma_wait3A_295 : memref<1x16x128xbf16, #tpu.memory_space<vmem>> -> memref<16x128xbf16, #tpu.memory_space<vmem>>
        %dma_wait3A_297 = arith.constant 9984 : i32
        %dma_wait3A_298 = arith.constant 0 : i32
        %dma_wait3A_299 = tpu.memref_slice %arg9[%dma_wait3A_297, %dma_wait3A_298] : memref<10000x128xbf16, #tpu.memory_space<vmem_shared>> -> memref<16x128xbf16, #tpu.memory_space<vmem_shared>>
        %dma_wait3A_300 = arith.constant 9984 : i32
        %dma_wait3A_301 = arith.constant 0 : i32
        %dma_wait3A_302 = tpu.memref_slice %arg9[%dma_wait3A_300, %dma_wait3A_301] : memref<10000x128xbf16, #tpu.memory_space<vmem_shared>> -> memref<16x128xbf16, #tpu.memory_space<vmem_shared>>
        %dma_wait3A_303 = arith.constant 0 : i32
        %dma_wait3A_304 = arith.constant 0 : i32
        %dma_wait3A_305 = tpu.memref_slice %arg8[%run_scoped3A_277, %dma_wait3A_303, %dma_wait3A_304] : memref<2x400x128xbf16, #tpu.memory_space<vmem>> -> memref<1x16x128xbf16, #tpu.memory_space<vmem>>
        %dma_wait3A_306 = tpu.memref_squeeze %dma_wait3A_305 : memref<1x16x128xbf16, #tpu.memory_space<vmem>> -> memref<16x128xbf16, #tpu.memory_space<vmem>>
        tpu.wait_dma2 semaphore(%run_scoped3A_278 : memref<!tpu.dma_semaphore, #tpu.memory_space<semaphore_mem>>) src(%dma_wait3A_306 : memref<16x128xbf16, #tpu.memory_space<vmem>>) dst(%dma_wait3A_302 : memref<16x128xbf16, #tpu.memory_space<vmem_shared>>)
        tpu.yield
      }) : () -> ()
    } else {
    }
    %add3A_133 = arith.constant 0 : i32
    %add3A_134 = arith.addi %mul3A_2, %add3A_133 : i32
    %dma_start3A_135 = arith.constant 0 : i32
    %dma_start3A_136 = arith.constant 0 : i32
    %dma_start3A_137 = tpu.memref_slice %arg6[%dma_start3A_135, %dma_start3A_136] : memref<2x400xi32, #tpu.memory_space<vmem>> -> memref<1x400xi32, #tpu.memory_space<vmem>>
    %dma_start3A_138 = tpu.memref_squeeze %dma_start3A_137 : memref<1x400xi32, #tpu.memory_space<vmem>> -> memref<400xi32, #tpu.memory_space<vmem>>
    %dma_start3A_139 = tpu.memref_slice %arg3[%add3A_134] : memref<320000xi32, #tpu.memory_space<hbm>> -> memref<400xi32, #tpu.memory_space<hbm>>
    %dma_start3A_140 = arith.constant 0 : i32
    %dma_start3A_141 = tpu.memref_slice %arg6[%dma_start3A_135, %dma_start3A_140] : memref<2x400xi32, #tpu.memory_space<vmem>> -> memref<1x400xi32, #tpu.memory_space<vmem>>
    %dma_start3A_142 = tpu.memref_squeeze %dma_start3A_141 : memref<1x400xi32, #tpu.memory_space<vmem>> -> memref<400xi32, #tpu.memory_space<vmem>>
    %dma_start3A_143 = tpu.memref_slice %arg3[%add3A_134] : memref<320000xi32, #tpu.memory_space<hbm>> -> memref<400xi32, #tpu.memory_space<hbm>>
    tpu.enqueue_dma source(%dma_start3A_143 : memref<400xi32, #tpu.memory_space<hbm>>) target(%dma_start3A_142 : memref<400xi32, #tpu.memory_space<vmem>>) target_semaphore(%arg12 : memref<!tpu.dma_semaphore, #tpu.memory_space<semaphore_mem>>)
    %add3A_144 = arith.constant 400 : i32
    %add3A_145 = arith.addi %mul3A_2, %add3A_144 : i32
    %dma_start3A_146 = arith.constant 1 : i32
    %dma_start3A_147 = arith.constant 0 : i32
    %dma_start3A_148 = tpu.memref_slice %arg6[%dma_start3A_146, %dma_start3A_147] : memref<2x400xi32, #tpu.memory_space<vmem>> -> memref<1x400xi32, #tpu.memory_space<vmem>>
    %dma_start3A_149 = tpu.memref_squeeze %dma_start3A_148 : memref<1x400xi32, #tpu.memory_space<vmem>> -> memref<400xi32, #tpu.memory_space<vmem>>
    %dma_start3A_150 = tpu.memref_slice %arg3[%add3A_145] : memref<320000xi32, #tpu.memory_space<hbm>> -> memref<400xi32, #tpu.memory_space<hbm>>
    %dma_start3A_151 = arith.constant 0 : i32
    %dma_start3A_152 = tpu.memref_slice %arg6[%dma_start3A_146, %dma_start3A_151] : memref<2x400xi32, #tpu.memory_space<vmem>> -> memref<1x400xi32, #tpu.memory_space<vmem>>
    %dma_start3A_153 = tpu.memref_squeeze %dma_start3A_152 : memref<1x400xi32, #tpu.memory_space<vmem>> -> memref<400xi32, #tpu.memory_space<vmem>>
    %dma_start3A_154 = tpu.memref_slice %arg3[%add3A_145] : memref<320000xi32, #tpu.memory_space<hbm>> -> memref<400xi32, #tpu.memory_space<hbm>>
    tpu.enqueue_dma source(%dma_start3A_154 : memref<400xi32, #tpu.memory_space<hbm>>) target(%dma_start3A_153 : memref<400xi32, #tpu.memory_space<vmem>>) target_semaphore(%arg13 : memref<!tpu.dma_semaphore, #tpu.memory_space<semaphore_mem>>)
    %dma_wait3A_155 = arith.constant 0 : i32
    %dma_wait3A_156 = arith.constant 0 : i32
    %dma_wait3A_157 = tpu.memref_slice %arg6[%dma_wait3A_155, %dma_wait3A_156] : memref<2x400xi32, #tpu.memory_space<vmem>> -> memref<1x400xi32, #tpu.memory_space<vmem>>
    %dma_wait3A_158 = tpu.memref_squeeze %dma_wait3A_157 : memref<1x400xi32, #tpu.memory_space<vmem>> -> memref<400xi32, #tpu.memory_space<vmem>>
    %dma_wait3A_159 = arith.constant 0 : i32
    %dma_wait3A_160 = tpu.memref_slice %arg4[%dma_wait3A_159] : memref<320000xi32, #tpu.memory_space<hbm>> -> memref<400xi32, #tpu.memory_space<hbm>>
    %dma_wait3A_161 = arith.constant 0 : i32
    %dma_wait3A_162 = tpu.memref_slice %arg6[%dma_wait3A_155, %dma_wait3A_161] : memref<2x400xi32, #tpu.memory_space<vmem>> -> memref<1x400xi32, #tpu.memory_space<vmem>>
    %dma_wait3A_163 = tpu.memref_squeeze %dma_wait3A_162 : memref<1x400xi32, #tpu.memory_space<vmem>> -> memref<400xi32, #tpu.memory_space<vmem>>
    %dma_wait3A_164 = arith.constant 0 : i32
    %dma_wait3A_165 = tpu.memref_slice %arg4[%dma_wait3A_164] : memref<320000xi32, #tpu.memory_space<hbm>> -> memref<400xi32, #tpu.memory_space<hbm>>
    tpu.wait_dma2 semaphore(%arg12 : memref<!tpu.dma_semaphore, #tpu.memory_space<semaphore_mem>>) src(%dma_wait3A_165 : memref<400xi32, #tpu.memory_space<hbm>>) dst(%dma_wait3A_163 : memref<400xi32, #tpu.memory_space<vmem>>)
    %dma_start3A_166 = arith.constant 0 : i32
    %dma_start3A_167 = arith.constant 0 : i32
    %dma_start3A_168 = arith.constant 0 : i32
    %dma_start3A_169 = arith.constant 0 : i32
    %dma_start3A_170 = tpu.memref_slice %arg8[%dma_start3A_167, %dma_start3A_168, %dma_start3A_169] : memref<2x400x128xbf16, #tpu.memory_space<vmem>> -> memref<1x400x128xbf16, #tpu.memory_space<vmem>>
    %dma_start3A_171 = tpu.memref_squeeze %dma_start3A_170 : memref<1x400x128xbf16, #tpu.memory_space<vmem>> -> memref<400x128xbf16, #tpu.memory_space<vmem>>
    %dma_start3A_172 = arith.constant 0 : i32
    %dma_start3A_173 = tpu.memref_slice %arg6[%dma_start3A_166, %dma_start3A_172] : memref<2x400xi32, #tpu.memory_space<vmem>> -> memref<1x400xi32, #tpu.memory_space<vmem>>
    %dma_start3A_174 = tpu.memref_squeeze %dma_start3A_173 : memref<1x400xi32, #tpu.memory_space<vmem>> -> memref<400xi32, #tpu.memory_space<vmem>>
    %dma_start3A_175 = arith.constant 0 : i32
    %dma_start3A_176 = arith.constant 0 : i32
    %dma_start3A_177 = tpu.memref_slice %arg2[%dma_start3A_175, %dma_start3A_176] : memref<10000x128xbf16, #tpu.memory_space<hbm>> -> memref<10000x128xbf16, #tpu.memory_space<hbm>>
    tpu.enqueue_indirect_dma source(%dma_start3A_177 : memref<10000x128xbf16, #tpu.memory_space<hbm>>) target(%dma_start3A_171 : memref<400x128xbf16, #tpu.memory_space<vmem>>) offsets(%dma_start3A_174 : memref<400xi32, #tpu.memory_space<vmem>>) semaphore(%arg10 : memref<!tpu.dma_semaphore, #tpu.memory_space<semaphore_mem>>)
    %barrier3A = arith.constant 0 : index
    tpu.barrier barrier_id(%barrier3A)
    %dma_wait3A_178 = arith.constant 0 : i32
    %dma_wait3A_179 = arith.constant 0 : i32
    %dma_wait3A_180 = tpu.memref_slice %arg6[%dma_wait3A_178, %dma_wait3A_179] : memref<2x400xi32, #tpu.memory_space<vmem>> -> memref<1x400xi32, #tpu.memory_space<vmem>>
    %dma_wait3A_181 = tpu.memref_squeeze %dma_wait3A_180 : memref<1x400xi32, #tpu.memory_space<vmem>> -> memref<400xi32, #tpu.memory_space<vmem>>
    %dma_wait3A_182 = arith.constant 0 : i32
    %dma_wait3A_183 = tpu.memref_slice %arg4[%dma_wait3A_182] : memref<320000xi32, #tpu.memory_space<hbm>> -> memref<400xi32, #tpu.memory_space<hbm>>
    %dma_wait3A_184 = arith.constant 0 : i32
    %dma_wait3A_185 = tpu.memref_slice %arg6[%dma_wait3A_178, %dma_wait3A_184] : memref<2x400xi32, #tpu.memory_space<vmem>> -> memref<1x400xi32, #tpu.memory_space<vmem>>
    %dma_wait3A_186 = tpu.memref_squeeze %dma_wait3A_185 : memref<1x400xi32, #tpu.memory_space<vmem>> -> memref<400xi32, #tpu.memory_space<vmem>>
    %dma_wait3A_187 = arith.constant 0 : i32
    %dma_wait3A_188 = tpu.memref_slice %arg4[%dma_wait3A_187] : memref<320000xi32, #tpu.memory_space<hbm>> -> memref<400xi32, #tpu.memory_space<hbm>>
    tpu.wait_dma2 semaphore(%arg13 : memref<!tpu.dma_semaphore, #tpu.memory_space<semaphore_mem>>) src(%dma_wait3A_188 : memref<400xi32, #tpu.memory_space<hbm>>) dst(%dma_wait3A_186 : memref<400xi32, #tpu.memory_space<vmem>>)
    %dma_start3A_189 = arith.constant 1 : i32
    %dma_start3A_190 = arith.constant 1 : i32
    %dma_start3A_191 = arith.constant 0 : i32
    %dma_start3A_192 = arith.constant 0 : i32
    %dma_start3A_193 = tpu.memref_slice %arg8[%dma_start3A_190, %dma_start3A_191, %dma_start3A_192] : memref<2x400x128xbf16, #tpu.memory_space<vmem>> -> memref<1x400x128xbf16, #tpu.memory_space<vmem>>
    %dma_start3A_194 = tpu.memref_squeeze %dma_start3A_193 : memref<1x400x128xbf16, #tpu.memory_space<vmem>> -> memref<400x128xbf16, #tpu.memory_space<vmem>>
    %dma_start3A_195 = arith.constant 0 : i32
    %dma_start3A_196 = tpu.memref_slice %arg6[%dma_start3A_189, %dma_start3A_195] : memref<2x400xi32, #tpu.memory_space<vmem>> -> memref<1x400xi32, #tpu.memory_space<vmem>>
    %dma_start3A_197 = tpu.memref_squeeze %dma_start3A_196 : memref<1x400xi32, #tpu.memory_space<vmem>> -> memref<400xi32, #tpu.memory_space<vmem>>
    %dma_start3A_198 = arith.constant 0 : i32
    %dma_start3A_199 = arith.constant 0 : i32
    %dma_start3A_200 = tpu.memref_slice %arg2[%dma_start3A_198, %dma_start3A_199] : memref<10000x128xbf16, #tpu.memory_space<hbm>> -> memref<10000x128xbf16, #tpu.memory_space<hbm>>
    tpu.enqueue_indirect_dma source(%dma_start3A_200 : memref<10000x128xbf16, #tpu.memory_space<hbm>>) target(%dma_start3A_194 : memref<400x128xbf16, #tpu.memory_space<vmem>>) offsets(%dma_start3A_197 : memref<400xi32, #tpu.memory_space<vmem>>) semaphore(%arg11 : memref<!tpu.dma_semaphore, #tpu.memory_space<semaphore_mem>>)
    %dma_wait3A_201 = arith.constant 0 : i32
    %dma_wait3A_202 = arith.constant 0 : i32
    %dma_wait3A_203 = arith.constant 0 : i32
    %dma_wait3A_204 = arith.constant 0 : i32
    %dma_wait3A_205 = tpu.memref_slice %arg8[%dma_wait3A_202, %dma_wait3A_203, %dma_wait3A_204] : memref<2x400x128xbf16, #tpu.memory_space<vmem>> -> memref<1x400x128xbf16, #tpu.memory_space<vmem>>
    %dma_wait3A_206 = tpu.memref_squeeze %dma_wait3A_205 : memref<1x400x128xbf16, #tpu.memory_space<vmem>> -> memref<400x128xbf16, #tpu.memory_space<vmem>>
    %dma_wait3A_207 = arith.constant 0 : i32
    %dma_wait3A_208 = tpu.memref_slice %arg6[%dma_wait3A_201, %dma_wait3A_207] : memref<2x400xi32, #tpu.memory_space<vmem>> -> memref<1x400xi32, #tpu.memory_space<vmem>>
    %dma_wait3A_209 = tpu.memref_squeeze %dma_wait3A_208 : memref<1x400xi32, #tpu.memory_space<vmem>> -> memref<400xi32, #tpu.memory_space<vmem>>
    %dma_wait3A_210 = arith.constant 0 : i32
    %dma_wait3A_211 = arith.constant 0 : i32
    %dma_wait3A_212 = tpu.memref_slice %arg2[%dma_wait3A_210, %dma_wait3A_211] : memref<10000x128xbf16, #tpu.memory_space<hbm>> -> memref<10000x128xbf16, #tpu.memory_space<hbm>>
    tpu.wait_indirect_dma semaphore(%arg10 : memref<!tpu.dma_semaphore, #tpu.memory_space<semaphore_mem>>) src(%dma_wait3A_212 : memref<10000x128xbf16, #tpu.memory_space<hbm>>) dst(%dma_wait3A_206 : memref<400x128xbf16, #tpu.memory_space<vmem>>)
    %dma_start3A_213 = arith.constant 0 : i32
    %dma_start3A_214 = arith.constant 0 : i32
    %dma_start3A_215 = arith.constant 0 : i32
    %dma_start3A_216 = arith.constant 0 : i32
    %dma_start3A_217 = tpu.memref_slice %arg8[%dma_start3A_213, %dma_start3A_215, %dma_start3A_216] : memref<2x400x128xbf16, #tpu.memory_space<vmem>> -> memref<1x400x128xbf16, #tpu.memory_space<vmem>>
    %dma_start3A_218 = tpu.memref_squeeze %dma_start3A_217 : memref<1x400x128xbf16, #tpu.memory_space<vmem>> -> memref<400x128xbf16, #tpu.memory_space<vmem>>
    %dma_start3A_219 = arith.constant 0 : i32
    %dma_start3A_220 = tpu.memref_slice %arg7[%dma_start3A_214, %dma_start3A_219] : memref<25x400xi32, #tpu.memory_space<vmem>> -> memref<1x400xi32, #tpu.memory_space<vmem>>
    %dma_start3A_221 = tpu.memref_squeeze %dma_start3A_220 : memref<1x400xi32, #tpu.memory_space<vmem>> -> memref<400xi32, #tpu.memory_space<vmem>>
    %dma_start3A_222 = arith.constant 0 : i32
    %dma_start3A_223 = arith.constant 0 : i32
    %dma_start3A_224 = tpu.memref_slice %arg9[%dma_start3A_222, %dma_start3A_223] : memref<10000x128xbf16, #tpu.memory_space<vmem_shared>> -> memref<10000x128xbf16, #tpu.memory_space<vmem_shared>>
    tpu.enqueue_indirect_dma source(%dma_start3A_218 : memref<400x128xbf16, #tpu.memory_space<vmem>>) target(%dma_start3A_224 : memref<10000x128xbf16, #tpu.memory_space<vmem_shared>>) offsets(%dma_start3A_221 : memref<400xi32, #tpu.memory_space<vmem>>) semaphore(%arg14 : memref<!tpu.dma_semaphore, #tpu.memory_space<semaphore_mem>>) {add = true}
    %add3A_225 = arith.constant 800 : i32
    %add3A_226 = arith.addi %mul3A_2, %add3A_225 : i32
    %dma_start3A_227 = arith.constant 0 : i32
    %dma_start3A_228 = arith.constant 0 : i32
    %dma_start3A_229 = tpu.memref_slice %arg6[%dma_start3A_227, %dma_start3A_228] : memref<2x400xi32, #tpu.memory_space<vmem>> -> memref<1x400xi32, #tpu.memory_space<vmem>>
    %dma_start3A_230 = tpu.memref_squeeze %dma_start3A_229 : memref<1x400xi32, #tpu.memory_space<vmem>> -> memref<400xi32, #tpu.memory_space<vmem>>
    %dma_start3A_231 = tpu.memref_slice %arg3[%add3A_226] : memref<320000xi32, #tpu.memory_space<hbm>> -> memref<400xi32, #tpu.memory_space<hbm>>
    %dma_start3A_232 = arith.constant 0 : i32
    %dma_start3A_233 = tpu.memref_slice %arg6[%dma_start3A_227, %dma_start3A_232] : memref<2x400xi32, #tpu.memory_space<vmem>> -> memref<1x400xi32, #tpu.memory_space<vmem>>
    %dma_start3A_234 = tpu.memref_squeeze %dma_start3A_233 : memref<1x400xi32, #tpu.memory_space<vmem>> -> memref<400xi32, #tpu.memory_space<vmem>>
    %dma_start3A_235 = tpu.memref_slice %arg3[%add3A_226] : memref<320000xi32, #tpu.memory_space<hbm>> -> memref<400xi32, #tpu.memory_space<hbm>>
    tpu.enqueue_dma source(%dma_start3A_235 : memref<400xi32, #tpu.memory_space<hbm>>) target(%dma_start3A_234 : memref<400xi32, #tpu.memory_space<vmem>>) target_semaphore(%arg12 : memref<!tpu.dma_semaphore, #tpu.memory_space<semaphore_mem>>)
    %scan3A_236 = arith.constant 0 : i32
    %scan3A_237 = arith.constant 0 : i32
    %scan3A_238 = arith.constant 12 : i32
    %scan3A_239 = arith.addi %scan3A_237, %scan3A_238 : i32
    %scan3A_240 = arith.constant 1 : i32
    %scan3A_241 = scf.for %scan3A_277 = %scan3A_237 to %scan3A_239 step %scan3A_240 iter_args(%scan3A_278 = %scan3A_236) -> (i32)  : i32 {
      %mul3A_279 = arith.constant 2 : i32
      %mul3A_280 = arith.muli %scan3A_277, %mul3A_279 : i32
      %add3A_281 = arith.constant 1 : i32
      %add3A_282 = arith.addi %add3A_281, %mul3A_280 : i32
      %add3A_283 = arith.constant 0 : i32
      %add3A_284 = arith.addi %add3A_282, %add3A_283 : i32
      %add3A_285 = arith.constant 1 : i32
      %add3A_286 = arith.addi %add3A_284, %add3A_285 : i32
      %lt3A = arith.constant 25 : i32
      %lt3A_287 = arith.cmpi slt, %add3A_286, %lt3A : i32
      %convert_element_type3A_288 = arith.extui %lt3A_287 : i1 to i32
      %cond3A_289 = arith.constant 0 : i32
      %cond3A_290 = arith.cmpi ne, %convert_element_type3A_288, %cond3A_289 : i32
      scf.if %cond3A_290 {
        %dma_wait3A_365 = arith.constant 0 : i32
        %dma_wait3A_366 = arith.constant 0 : i32
        %dma_wait3A_367 = tpu.memref_slice %arg6[%dma_wait3A_365, %dma_wait3A_366] : memref<2x400xi32, #tpu.memory_space<vmem>> -> memref<1x400xi32, #tpu.memory_space<vmem>>
        %dma_wait3A_368 = tpu.memref_squeeze %dma_wait3A_367 : memref<1x400xi32, #tpu.memory_space<vmem>> -> memref<400xi32, #tpu.memory_space<vmem>>
        %dma_wait3A_369 = arith.constant 0 : i32
        %dma_wait3A_370 = tpu.memref_slice %arg4[%dma_wait3A_369] : memref<320000xi32, #tpu.memory_space<hbm>> -> memref<400xi32, #tpu.memory_space<hbm>>
        %dma_wait3A_371 = arith.constant 0 : i32
        %dma_wait3A_372 = tpu.memref_slice %arg6[%dma_wait3A_365, %dma_wait3A_371] : memref<2x400xi32, #tpu.memory_space<vmem>> -> memref<1x400xi32, #tpu.memory_space<vmem>>
        %dma_wait3A_373 = tpu.memref_squeeze %dma_wait3A_372 : memref<1x400xi32, #tpu.memory_space<vmem>> -> memref<400xi32, #tpu.memory_space<vmem>>
        %dma_wait3A_374 = arith.constant 0 : i32
        %dma_wait3A_375 = tpu.memref_slice %arg4[%dma_wait3A_374] : memref<320000xi32, #tpu.memory_space<hbm>> -> memref<400xi32, #tpu.memory_space<hbm>>
        tpu.wait_dma2 semaphore(%arg12 : memref<!tpu.dma_semaphore, #tpu.memory_space<semaphore_mem>>) src(%dma_wait3A_375 : memref<400xi32, #tpu.memory_space<hbm>>) dst(%dma_wait3A_373 : memref<400xi32, #tpu.memory_space<vmem>>)
        %dma_wait3A_376 = arith.constant 0 : i32
        %dma_wait3A_377 = arith.constant 0 : i32
        %dma_wait3A_378 = arith.constant 0 : i32
        %dma_wait3A_379 = arith.constant 0 : i32
        %dma_wait3A_380 = tpu.memref_slice %arg8[%dma_wait3A_376, %dma_wait3A_378, %dma_wait3A_379] : memref<2x400x128xbf16, #tpu.memory_space<vmem>> -> memref<1x400x128xbf16, #tpu.memory_space<vmem>>
        %dma_wait3A_381 = tpu.memref_squeeze %dma_wait3A_380 : memref<1x400x128xbf16, #tpu.memory_space<vmem>> -> memref<400x128xbf16, #tpu.memory_space<vmem>>
        %dma_wait3A_382 = arith.constant 0 : i32
        %dma_wait3A_383 = tpu.memref_slice %arg7[%dma_wait3A_377, %dma_wait3A_382] : memref<25x400xi32, #tpu.memory_space<vmem>> -> memref<1x400xi32, #tpu.memory_space<vmem>>
        %dma_wait3A_384 = tpu.memref_squeeze %dma_wait3A_383 : memref<1x400xi32, #tpu.memory_space<vmem>> -> memref<400xi32, #tpu.memory_space<vmem>>
        %dma_wait3A_385 = arith.constant 0 : i32
        %dma_wait3A_386 = arith.constant 0 : i32
        %dma_wait3A_387 = tpu.memref_slice %arg9[%dma_wait3A_385, %dma_wait3A_386] : memref<10000x128xbf16, #tpu.memory_space<vmem_shared>> -> memref<10000x128xbf16, #tpu.memory_space<vmem_shared>>
        tpu.wait_indirect_dma semaphore(%arg14 : memref<!tpu.dma_semaphore, #tpu.memory_space<semaphore_mem>>) src(%dma_wait3A_381 : memref<400x128xbf16, #tpu.memory_space<vmem>>) dst(%dma_wait3A_387 : memref<10000x128xbf16, #tpu.memory_space<vmem_shared>>)
        %dma_start3A_388 = arith.constant 0 : i32
        %dma_start3A_389 = arith.constant 0 : i32
        %dma_start3A_390 = arith.constant 0 : i32
        %dma_start3A_391 = arith.constant 0 : i32
        %dma_start3A_392 = tpu.memref_slice %arg8[%dma_start3A_389, %dma_start3A_390, %dma_start3A_391] : memref<2x400x128xbf16, #tpu.memory_space<vmem>> -> memref<1x400x128xbf16, #tpu.memory_space<vmem>>
        %dma_start3A_393 = tpu.memref_squeeze %dma_start3A_392 : memref<1x400x128xbf16, #tpu.memory_space<vmem>> -> memref<400x128xbf16, #tpu.memory_space<vmem>>
        %dma_start3A_394 = arith.constant 0 : i32
        %dma_start3A_395 = tpu.memref_slice %arg6[%dma_start3A_388, %dma_start3A_394] : memref<2x400xi32, #tpu.memory_space<vmem>> -> memref<1x400xi32, #tpu.memory_space<vmem>>
        %dma_start3A_396 = tpu.memref_squeeze %dma_start3A_395 : memref<1x400xi32, #tpu.memory_space<vmem>> -> memref<400xi32, #tpu.memory_space<vmem>>
        %dma_start3A_397 = arith.constant 0 : i32
        %dma_start3A_398 = arith.constant 0 : i32
        %dma_start3A_399 = tpu.memref_slice %arg2[%dma_start3A_397, %dma_start3A_398] : memref<10000x128xbf16, #tpu.memory_space<hbm>> -> memref<10000x128xbf16, #tpu.memory_space<hbm>>
        tpu.enqueue_indirect_dma source(%dma_start3A_399 : memref<10000x128xbf16, #tpu.memory_space<hbm>>) target(%dma_start3A_393 : memref<400x128xbf16, #tpu.memory_space<vmem>>) offsets(%dma_start3A_396 : memref<400xi32, #tpu.memory_space<vmem>>) semaphore(%arg10 : memref<!tpu.dma_semaphore, #tpu.memory_space<semaphore_mem>>)
      } else {
      }
      %dma_wait3A_291 = arith.constant 1 : i32
      %dma_wait3A_292 = arith.constant 1 : i32
      %dma_wait3A_293 = arith.constant 0 : i32
      %dma_wait3A_294 = arith.constant 0 : i32
      %dma_wait3A_295 = tpu.memref_slice %arg8[%dma_wait3A_292, %dma_wait3A_293, %dma_wait3A_294] : memref<2x400x128xbf16, #tpu.memory_space<vmem>> -> memref<1x400x128xbf16, #tpu.memory_space<vmem>>
      %dma_wait3A_296 = tpu.memref_squeeze %dma_wait3A_295 : memref<1x400x128xbf16, #tpu.memory_space<vmem>> -> memref<400x128xbf16, #tpu.memory_space<vmem>>
      %dma_wait3A_297 = arith.constant 0 : i32
      %dma_wait3A_298 = tpu.memref_slice %arg6[%dma_wait3A_291, %dma_wait3A_297] : memref<2x400xi32, #tpu.memory_space<vmem>> -> memref<1x400xi32, #tpu.memory_space<vmem>>
      %dma_wait3A_299 = tpu.memref_squeeze %dma_wait3A_298 : memref<1x400xi32, #tpu.memory_space<vmem>> -> memref<400xi32, #tpu.memory_space<vmem>>
      %dma_wait3A_300 = arith.constant 0 : i32
      %dma_wait3A_301 = arith.constant 0 : i32
      %dma_wait3A_302 = tpu.memref_slice %arg2[%dma_wait3A_300, %dma_wait3A_301] : memref<10000x128xbf16, #tpu.memory_space<hbm>> -> memref<10000x128xbf16, #tpu.memory_space<hbm>>
      tpu.wait_indirect_dma semaphore(%arg11 : memref<!tpu.dma_semaphore, #tpu.memory_space<semaphore_mem>>) src(%dma_wait3A_302 : memref<10000x128xbf16, #tpu.memory_space<hbm>>) dst(%dma_wait3A_296 : memref<400x128xbf16, #tpu.memory_space<vmem>>)
      %dma_start3A_303 = arith.constant 1 : i32
      %dma_start3A_304 = arith.constant 0 : i32
      %dma_start3A_305 = arith.constant 0 : i32
      %dma_start3A_306 = tpu.memref_slice %arg8[%dma_start3A_303, %dma_start3A_304, %dma_start3A_305] : memref<2x400x128xbf16, #tpu.memory_space<vmem>> -> memref<1x400x128xbf16, #tpu.memory_space<vmem>>
      %dma_start3A_307 = tpu.memref_squeeze %dma_start3A_306 : memref<1x400x128xbf16, #tpu.memory_space<vmem>> -> memref<400x128xbf16, #tpu.memory_space<vmem>>
      %dma_start3A_308 = arith.constant 0 : i32
      %dma_start3A_309 = tpu.memref_slice %arg7[%add3A_284, %dma_start3A_308] : memref<25x400xi32, #tpu.memory_space<vmem>> -> memref<1x400xi32, #tpu.memory_space<vmem>>
      %dma_start3A_310 = tpu.memref_squeeze %dma_start3A_309 : memref<1x400xi32, #tpu.memory_space<vmem>> -> memref<400xi32, #tpu.memory_space<vmem>>
      %dma_start3A_311 = arith.constant 0 : i32
      %dma_start3A_312 = arith.constant 0 : i32
      %dma_start3A_313 = tpu.memref_slice %arg9[%dma_start3A_311, %dma_start3A_312] : memref<10000x128xbf16, #tpu.memory_space<vmem_shared>> -> memref<10000x128xbf16, #tpu.memory_space<vmem_shared>>
      tpu.enqueue_indirect_dma source(%dma_start3A_307 : memref<400x128xbf16, #tpu.memory_space<vmem>>) target(%dma_start3A_313 : memref<10000x128xbf16, #tpu.memory_space<vmem_shared>>) offsets(%dma_start3A_310 : memref<400xi32, #tpu.memory_space<vmem>>) semaphore(%arg15 : memref<!tpu.dma_semaphore, #tpu.memory_space<semaphore_mem>>) {add = true}
      %add3A_314 = arith.constant 2 : i32
      %add3A_315 = arith.addi %add3A_284, %add3A_314 : i32
      %lt3A_316 = arith.constant 25 : i32
      %lt3A_317 = arith.cmpi slt, %add3A_315, %lt3A_316 : i32
      %convert_element_type3A_318 = arith.extui %lt3A_317 : i1 to i32
      %cond3A_319 = arith.constant 0 : i32
      %cond3A_320 = arith.cmpi ne, %convert_element_type3A_318, %cond3A_319 : i32
      scf.if %cond3A_320 {
        %add3A_365 = arith.constant 2 : i32
        %add3A_366 = arith.addi %add3A_284, %add3A_365 : i32
        %mul3A_367 = arith.constant 400 : i32
        %mul3A_368 = arith.muli %add3A_366, %mul3A_367 : i32
        %add3A_369 = arith.addi %mul3A_2, %mul3A_368 : i32
        %dma_start3A_370 = arith.constant 1 : i32
        %dma_start3A_371 = arith.constant 0 : i32
        %dma_start3A_372 = tpu.memref_slice %arg6[%dma_start3A_370, %dma_start3A_371] : memref<2x400xi32, #tpu.memory_space<vmem>> -> memref<1x400xi32, #tpu.memory_space<vmem>>
        %dma_start3A_373 = tpu.memref_squeeze %dma_start3A_372 : memref<1x400xi32, #tpu.memory_space<vmem>> -> memref<400xi32, #tpu.memory_space<vmem>>
        %dma_start3A_374 = tpu.memref_slice %arg3[%add3A_369] : memref<320000xi32, #tpu.memory_space<hbm>> -> memref<400xi32, #tpu.memory_space<hbm>>
        %dma_start3A_375 = arith.constant 0 : i32
        %dma_start3A_376 = tpu.memref_slice %arg6[%dma_start3A_370, %dma_start3A_375] : memref<2x400xi32, #tpu.memory_space<vmem>> -> memref<1x400xi32, #tpu.memory_space<vmem>>
        %dma_start3A_377 = tpu.memref_squeeze %dma_start3A_376 : memref<1x400xi32, #tpu.memory_space<vmem>> -> memref<400xi32, #tpu.memory_space<vmem>>
        %dma_start3A_378 = tpu.memref_slice %arg3[%add3A_369] : memref<320000xi32, #tpu.memory_space<hbm>> -> memref<400xi32, #tpu.memory_space<hbm>>
        tpu.enqueue_dma source(%dma_start3A_378 : memref<400xi32, #tpu.memory_space<hbm>>) target(%dma_start3A_377 : memref<400xi32, #tpu.memory_space<vmem>>) target_semaphore(%arg13 : memref<!tpu.dma_semaphore, #tpu.memory_space<semaphore_mem>>)
      } else {
      }
      %mul3A_321 = arith.constant 2 : i32
      %mul3A_322 = arith.muli %scan3A_277, %mul3A_321 : i32
      %add3A_323 = arith.constant 1 : i32
      %add3A_324 = arith.addi %add3A_323, %mul3A_322 : i32
      %add3A_325 = arith.constant 1 : i32
      %add3A_326 = arith.addi %add3A_324, %add3A_325 : i32
      %add3A_327 = arith.constant 1 : i32
      %add3A_328 = arith.addi %add3A_326, %add3A_327 : i32
      %lt3A_329 = arith.constant 25 : i32
      %lt3A_330 = arith.cmpi slt, %add3A_328, %lt3A_329 : i32
      %convert_element_type3A_331 = arith.extui %lt3A_330 : i1 to i32
      %cond3A_332 = arith.constant 0 : i32
      %cond3A_333 = arith.cmpi ne, %convert_element_type3A_331, %cond3A_332 : i32
      scf.if %cond3A_333 {
        %dma_wait3A_365 = arith.constant 0 : i32
        %dma_wait3A_366 = arith.constant 0 : i32
        %dma_wait3A_367 = tpu.memref_slice %arg6[%dma_wait3A_365, %dma_wait3A_366] : memref<2x400xi32, #tpu.memory_space<vmem>> -> memref<1x400xi32, #tpu.memory_space<vmem>>
        %dma_wait3A_368 = tpu.memref_squeeze %dma_wait3A_367 : memref<1x400xi32, #tpu.memory_space<vmem>> -> memref<400xi32, #tpu.memory_space<vmem>>
        %dma_wait3A_369 = arith.constant 0 : i32
        %dma_wait3A_370 = tpu.memref_slice %arg4[%dma_wait3A_369] : memref<320000xi32, #tpu.memory_space<hbm>> -> memref<400xi32, #tpu.memory_space<hbm>>
        %dma_wait3A_371 = arith.constant 0 : i32
        %dma_wait3A_372 = tpu.memref_slice %arg6[%dma_wait3A_365, %dma_wait3A_371] : memref<2x400xi32, #tpu.memory_space<vmem>> -> memref<1x400xi32, #tpu.memory_space<vmem>>
        %dma_wait3A_373 = tpu.memref_squeeze %dma_wait3A_372 : memref<1x400xi32, #tpu.memory_space<vmem>> -> memref<400xi32, #tpu.memory_space<vmem>>
        %dma_wait3A_374 = arith.constant 0 : i32
        %dma_wait3A_375 = tpu.memref_slice %arg4[%dma_wait3A_374] : memref<320000xi32, #tpu.memory_space<hbm>> -> memref<400xi32, #tpu.memory_space<hbm>>
        tpu.wait_dma2 semaphore(%arg13 : memref<!tpu.dma_semaphore, #tpu.memory_space<semaphore_mem>>) src(%dma_wait3A_375 : memref<400xi32, #tpu.memory_space<hbm>>) dst(%dma_wait3A_373 : memref<400xi32, #tpu.memory_space<vmem>>)
        %dma_wait3A_376 = arith.constant 1 : i32
        %dma_wait3A_377 = arith.constant 0 : i32
        %dma_wait3A_378 = arith.constant 0 : i32
        %dma_wait3A_379 = arith.constant 0 : i32
        %dma_wait3A_380 = tpu.memref_slice %arg8[%dma_wait3A_376, %dma_wait3A_378, %dma_wait3A_379] : memref<2x400x128xbf16, #tpu.memory_space<vmem>> -> memref<1x400x128xbf16, #tpu.memory_space<vmem>>
        %dma_wait3A_381 = tpu.memref_squeeze %dma_wait3A_380 : memref<1x400x128xbf16, #tpu.memory_space<vmem>> -> memref<400x128xbf16, #tpu.memory_space<vmem>>
        %dma_wait3A_382 = arith.constant 0 : i32
        %dma_wait3A_383 = tpu.memref_slice %arg7[%dma_wait3A_377, %dma_wait3A_382] : memref<25x400xi32, #tpu.memory_space<vmem>> -> memref<1x400xi32, #tpu.memory_space<vmem>>
        %dma_wait3A_384 = tpu.memref_squeeze %dma_wait3A_383 : memref<1x400xi32, #tpu.memory_space<vmem>> -> memref<400xi32, #tpu.memory_space<vmem>>
        %dma_wait3A_385 = arith.constant 0 : i32
        %dma_wait3A_386 = arith.constant 0 : i32
        %dma_wait3A_387 = tpu.memref_slice %arg9[%dma_wait3A_385, %dma_wait3A_386] : memref<10000x128xbf16, #tpu.memory_space<vmem_shared>> -> memref<10000x128xbf16, #tpu.memory_space<vmem_shared>>
        tpu.wait_indirect_dma semaphore(%arg15 : memref<!tpu.dma_semaphore, #tpu.memory_space<semaphore_mem>>) src(%dma_wait3A_381 : memref<400x128xbf16, #tpu.memory_space<vmem>>) dst(%dma_wait3A_387 : memref<10000x128xbf16, #tpu.memory_space<vmem_shared>>)
        %dma_start3A_388 = arith.constant 1 : i32
        %dma_start3A_389 = arith.constant 1 : i32
        %dma_start3A_390 = arith.constant 0 : i32
        %dma_start3A_391 = arith.constant 0 : i32
        %dma_start3A_392 = tpu.memref_slice %arg8[%dma_start3A_389, %dma_start3A_390, %dma_start3A_391] : memref<2x400x128xbf16, #tpu.memory_space<vmem>> -> memref<1x400x128xbf16, #tpu.memory_space<vmem>>
        %dma_start3A_393 = tpu.memref_squeeze %dma_start3A_392 : memref<1x400x128xbf16, #tpu.memory_space<vmem>> -> memref<400x128xbf16, #tpu.memory_space<vmem>>
        %dma_start3A_394 = arith.constant 0 : i32
        %dma_start3A_395 = tpu.memref_slice %arg6[%dma_start3A_388, %dma_start3A_394] : memref<2x400xi32, #tpu.memory_space<vmem>> -> memref<1x400xi32, #tpu.memory_space<vmem>>
        %dma_start3A_396 = tpu.memref_squeeze %dma_start3A_395 : memref<1x400xi32, #tpu.memory_space<vmem>> -> memref<400xi32, #tpu.memory_space<vmem>>
        %dma_start3A_397 = arith.constant 0 : i32
        %dma_start3A_398 = arith.constant 0 : i32
        %dma_start3A_399 = tpu.memref_slice %arg2[%dma_start3A_397, %dma_start3A_398] : memref<10000x128xbf16, #tpu.memory_space<hbm>> -> memref<10000x128xbf16, #tpu.memory_space<hbm>>
        tpu.enqueue_indirect_dma source(%dma_start3A_399 : memref<10000x128xbf16, #tpu.memory_space<hbm>>) target(%dma_start3A_393 : memref<400x128xbf16, #tpu.memory_space<vmem>>) offsets(%dma_start3A_396 : memref<400xi32, #tpu.memory_space<vmem>>) semaphore(%arg11 : memref<!tpu.dma_semaphore, #tpu.memory_space<semaphore_mem>>)
      } else {
      }
      %dma_wait3A_334 = arith.constant 0 : i32
      %dma_wait3A_335 = arith.constant 0 : i32
      %dma_wait3A_336 = arith.constant 0 : i32
      %dma_wait3A_337 = arith.constant 0 : i32
      %dma_wait3A_338 = tpu.memref_slice %arg8[%dma_wait3A_335, %dma_wait3A_336, %dma_wait3A_337] : memref<2x400x128xbf16, #tpu.memory_space<vmem>> -> memref<1x400x128xbf16, #tpu.memory_space<vmem>>
      %dma_wait3A_339 = tpu.memref_squeeze %dma_wait3A_338 : memref<1x400x128xbf16, #tpu.memory_space<vmem>> -> memref<400x128xbf16, #tpu.memory_space<vmem>>
      %dma_wait3A_340 = arith.constant 0 : i32
      %dma_wait3A_341 = tpu.memref_slice %arg6[%dma_wait3A_334, %dma_wait3A_340] : memref<2x400xi32, #tpu.memory_space<vmem>> -> memref<1x400xi32, #tpu.memory_space<vmem>>
      %dma_wait3A_342 = tpu.memref_squeeze %dma_wait3A_341 : memref<1x400xi32, #tpu.memory_space<vmem>> -> memref<400xi32, #tpu.memory_space<vmem>>
      %dma_wait3A_343 = arith.constant 0 : i32
      %dma_wait3A_344 = arith.constant 0 : i32
      %dma_wait3A_345 = tpu.memref_slice %arg2[%dma_wait3A_343, %dma_wait3A_344] : memref<10000x128xbf16, #tpu.memory_space<hbm>> -> memref<10000x128xbf16, #tpu.memory_space<hbm>>
      tpu.wait_indirect_dma semaphore(%arg10 : memref<!tpu.dma_semaphore, #tpu.memory_space<semaphore_mem>>) src(%dma_wait3A_345 : memref<10000x128xbf16, #tpu.memory_space<hbm>>) dst(%dma_wait3A_339 : memref<400x128xbf16, #tpu.memory_space<vmem>>)
      %dma_start3A_346 = arith.constant 0 : i32
      %dma_start3A_347 = arith.constant 0 : i32
      %dma_start3A_348 = arith.constant 0 : i32
      %dma_start3A_349 = tpu.memref_slice %arg8[%dma_start3A_346, %dma_start3A_347, %dma_start3A_348] : memref<2x400x128xbf16, #tpu.memory_space<vmem>> -> memref<1x400x128xbf16, #tpu.memory_space<vmem>>
      %dma_start3A_350 = tpu.memref_squeeze %dma_start3A_349 : memref<1x400x128xbf16, #tpu.memory_space<vmem>> -> memref<400x128xbf16, #tpu.memory_space<vmem>>
      %dma_start3A_351 = arith.constant 0 : i32
      %dma_start3A_352 = tpu.memref_slice %arg7[%add3A_326, %dma_start3A_351] : memref<25x400xi32, #tpu.memory_space<vmem>> -> memref<1x400xi32, #tpu.memory_space<vmem>>
      %dma_start3A_353 = tpu.memref_squeeze %dma_start3A_352 : memref<1x400xi32, #tpu.memory_space<vmem>> -> memref<400xi32, #tpu.memory_space<vmem>>
      %dma_start3A_354 = arith.constant 0 : i32
      %dma_start3A_355 = arith.constant 0 : i32
      %dma_start3A_356 = tpu.memref_slice %arg9[%dma_start3A_354, %dma_start3A_355] : memref<10000x128xbf16, #tpu.memory_space<vmem_shared>> -> memref<10000x128xbf16, #tpu.memory_space<vmem_shared>>
      tpu.enqueue_indirect_dma source(%dma_start3A_350 : memref<400x128xbf16, #tpu.memory_space<vmem>>) target(%dma_start3A_356 : memref<10000x128xbf16, #tpu.memory_space<vmem_shared>>) offsets(%dma_start3A_353 : memref<400xi32, #tpu.memory_space<vmem>>) semaphore(%arg14 : memref<!tpu.dma_semaphore, #tpu.memory_space<semaphore_mem>>) {add = true}
      %add3A_357 = arith.constant 2 : i32
      %add3A_358 = arith.addi %add3A_326, %add3A_357 : i32
      %lt3A_359 = arith.constant 25 : i32
      %lt3A_360 = arith.cmpi slt, %add3A_358, %lt3A_359 : i32
      %convert_element_type3A_361 = arith.extui %lt3A_360 : i1 to i32
      %cond3A_362 = arith.constant 0 : i32
      %cond3A_363 = arith.cmpi ne, %convert_element_type3A_361, %cond3A_362 : i32
      scf.if %cond3A_363 {
        %add3A_365 = arith.constant 2 : i32
        %add3A_366 = arith.addi %add3A_326, %add3A_365 : i32
        %mul3A_367 = arith.constant 400 : i32
        %mul3A_368 = arith.muli %add3A_366, %mul3A_367 : i32
        %add3A_369 = arith.addi %mul3A_2, %mul3A_368 : i32
        %dma_start3A_370 = arith.constant 0 : i32
        %dma_start3A_371 = arith.constant 0 : i32
        %dma_start3A_372 = tpu.memref_slice %arg6[%dma_start3A_370, %dma_start3A_371] : memref<2x400xi32, #tpu.memory_space<vmem>> -> memref<1x400xi32, #tpu.memory_space<vmem>>
        %dma_start3A_373 = tpu.memref_squeeze %dma_start3A_372 : memref<1x400xi32, #tpu.memory_space<vmem>> -> memref<400xi32, #tpu.memory_space<vmem>>
        %dma_start3A_374 = tpu.memref_slice %arg3[%add3A_369] : memref<320000xi32, #tpu.memory_space<hbm>> -> memref<400xi32, #tpu.memory_space<hbm>>
        %dma_start3A_375 = arith.constant 0 : i32
        %dma_start3A_376 = tpu.memref_slice %arg6[%dma_start3A_370, %dma_start3A_375] : memref<2x400xi32, #tpu.memory_space<vmem>> -> memref<1x400xi32, #tpu.memory_space<vmem>>
        %dma_start3A_377 = tpu.memref_squeeze %dma_start3A_376 : memref<1x400xi32, #tpu.memory_space<vmem>> -> memref<400xi32, #tpu.memory_space<vmem>>
        %dma_start3A_378 = tpu.memref_slice %arg3[%add3A_369] : memref<320000xi32, #tpu.memory_space<hbm>> -> memref<400xi32, #tpu.memory_space<hbm>>
        tpu.enqueue_dma source(%dma_start3A_378 : memref<400xi32, #tpu.memory_space<hbm>>) target(%dma_start3A_377 : memref<400xi32, #tpu.memory_space<vmem>>) target_semaphore(%arg12 : memref<!tpu.dma_semaphore, #tpu.memory_space<semaphore_mem>>)
      } else {
      }
      %scan3A_364 = arith.constant 0 : i32
      scf.yield %scan3A_364 : i32
    }
    %scan3A_242 = arith.constant 12 : i32
    %dma_wait3A_243 = arith.constant 1 : i32
    %dma_wait3A_244 = arith.constant 0 : i32
    %dma_wait3A_245 = arith.constant 0 : i32
    %dma_wait3A_246 = arith.constant 0 : i32
    %dma_wait3A_247 = tpu.memref_slice %arg8[%dma_wait3A_243, %dma_wait3A_245, %dma_wait3A_246] : memref<2x400x128xbf16, #tpu.memory_space<vmem>> -> memref<1x400x128xbf16, #tpu.memory_space<vmem>>
    %dma_wait3A_248 = tpu.memref_squeeze %dma_wait3A_247 : memref<1x400x128xbf16, #tpu.memory_space<vmem>> -> memref<400x128xbf16, #tpu.memory_space<vmem>>
    %dma_wait3A_249 = arith.constant 0 : i32
    %dma_wait3A_250 = tpu.memref_slice %arg7[%dma_wait3A_244, %dma_wait3A_249] : memref<25x400xi32, #tpu.memory_space<vmem>> -> memref<1x400xi32, #tpu.memory_space<vmem>>
    %dma_wait3A_251 = tpu.memref_squeeze %dma_wait3A_250 : memref<1x400xi32, #tpu.memory_space<vmem>> -> memref<400xi32, #tpu.memory_space<vmem>>
    %dma_wait3A_252 = arith.constant 0 : i32
    %dma_wait3A_253 = arith.constant 0 : i32
    %dma_wait3A_254 = tpu.memref_slice %arg9[%dma_wait3A_252, %dma_wait3A_253] : memref<10000x128xbf16, #tpu.memory_space<vmem_shared>> -> memref<10000x128xbf16, #tpu.memory_space<vmem_shared>>
    tpu.wait_indirect_dma semaphore(%arg15 : memref<!tpu.dma_semaphore, #tpu.memory_space<semaphore_mem>>) src(%dma_wait3A_248 : memref<400x128xbf16, #tpu.memory_space<vmem>>) dst(%dma_wait3A_254 : memref<10000x128xbf16, #tpu.memory_space<vmem_shared>>)
    %dma_wait3A_255 = arith.constant 0 : i32
    %dma_wait3A_256 = arith.constant 0 : i32
    %dma_wait3A_257 = arith.constant 0 : i32
    %dma_wait3A_258 = arith.constant 0 : i32
    %dma_wait3A_259 = tpu.memref_slice %arg8[%dma_wait3A_255, %dma_wait3A_257, %dma_wait3A_258] : memref<2x400x128xbf16, #tpu.memory_space<vmem>> -> memref<1x400x128xbf16, #tpu.memory_space<vmem>>
    %dma_wait3A_260 = tpu.memref_squeeze %dma_wait3A_259 : memref<1x400x128xbf16, #tpu.memory_space<vmem>> -> memref<400x128xbf16, #tpu.memory_space<vmem>>
    %dma_wait3A_261 = arith.constant 0 : i32
    %dma_wait3A_262 = tpu.memref_slice %arg7[%dma_wait3A_256, %dma_wait3A_261] : memref<25x400xi32, #tpu.memory_space<vmem>> -> memref<1x400xi32, #tpu.memory_space<vmem>>
    %dma_wait3A_263 = tpu.memref_squeeze %dma_wait3A_262 : memref<1x400xi32, #tpu.memory_space<vmem>> -> memref<400xi32, #tpu.memory_space<vmem>>
    %dma_wait3A_264 = arith.constant 0 : i32
    %dma_wait3A_265 = arith.constant 0 : i32
    %dma_wait3A_266 = tpu.memref_slice %arg9[%dma_wait3A_264, %dma_wait3A_265] : memref<10000x128xbf16, #tpu.memory_space<vmem_shared>> -> memref<10000x128xbf16, #tpu.memory_space<vmem_shared>>
    tpu.wait_indirect_dma semaphore(%arg14 : memref<!tpu.dma_semaphore, #tpu.memory_space<semaphore_mem>>) src(%dma_wait3A_260 : memref<400x128xbf16, #tpu.memory_space<vmem>>) dst(%dma_wait3A_266 : memref<10000x128xbf16, #tpu.memory_space<vmem_shared>>)
    %barrier3A_267 = arith.constant 0 : index
    tpu.barrier barrier_id(%barrier3A_267)
    %mul3A_268 = arith.constant 10000 : i32
    %mul3A_269 = arith.muli %arg0, %mul3A_268 : i32
    %add3A_270 = arith.addi %mul3A_269, %multiple_of3A : i32
    %multiple_of3A_271 = tpu.assume_multiple %add3A_270, 8 : i32
    "tpu.region"() ({
      %run_scoped3A_277 = tpu.sem_alloc : memref<!tpu.dma_semaphore, #tpu.memory_space<semaphore_mem>>
      %dma_start3A_278 = arith.constant 0 : i32
      %dma_start3A_279 = tpu.memref_slice %arg5[%multiple_of3A_271, %dma_start3A_278] : memref<20000x128xbf16, #tpu.memory_space<hbm>> -> memref<624x128xbf16, #tpu.memory_space<hbm>>
      %dma_start3A_280 = arith.constant 0 : i32
      %dma_start3A_281 = tpu.memref_slice %arg9[%multiple_of3A, %dma_start3A_280] : memref<10000x128xbf16, #tpu.memory_space<vmem_shared>> -> memref<624x128xbf16, #tpu.memory_space<vmem_shared>>
      tpu.enqueue_dma source(%dma_start3A_281 : memref<624x128xbf16, #tpu.memory_space<vmem_shared>>) target(%dma_start3A_279 : memref<624x128xbf16, #tpu.memory_space<hbm>>) target_semaphore(%run_scoped3A_277 : memref<!tpu.dma_semaphore, #tpu.memory_space<semaphore_mem>>)
      %dma_wait3A_282 = arith.constant 0 : i32
      %dma_wait3A_283 = tpu.memref_slice %arg5[%multiple_of3A_271, %dma_wait3A_282] : memref<20000x128xbf16, #tpu.memory_space<hbm>> -> memref<624x128xbf16, #tpu.memory_space<hbm>>
      %dma_wait3A_284 = arith.constant 0 : i32
      %dma_wait3A_285 = tpu.memref_slice %arg9[%multiple_of3A, %dma_wait3A_284] : memref<10000x128xbf16, #tpu.memory_space<vmem_shared>> -> memref<624x128xbf16, #tpu.memory_space<vmem_shared>>
      tpu.wait_dma2 semaphore(%run_scoped3A_277 : memref<!tpu.dma_semaphore, #tpu.memory_space<semaphore_mem>>) src(%dma_wait3A_285 : memref<624x128xbf16, #tpu.memory_space<vmem_shared>>) dst(%dma_wait3A_283 : memref<624x128xbf16, #tpu.memory_space<hbm>>)
      tpu.yield
    }) : () -> ()
    %eq3A_272 = arith.constant 15 : i32
    %eq3A_273 = arith.cmpi eq, %arg1, %eq3A_272 : i32
    %convert_element_type3A_274 = arith.extui %eq3A_273 : i1 to i32
    %cond3A_275 = arith.constant 0 : i32
    %cond3A_276 = arith.cmpi ne, %convert_element_type3A_274, %cond3A_275 : i32
    scf.if %cond3A_276 {
      %mul3A_277 = arith.constant 10000 : i32
      %mul3A_278 = arith.muli %arg0, %mul3A_277 : i32
      %add3A_279 = arith.constant 9984 : i32
      %add3A_280 = arith.addi %mul3A_278, %add3A_279 : i32
      "tpu.region"() ({
        %run_scoped3A_281 = tpu.sem_alloc : memref<!tpu.dma_semaphore, #tpu.memory_space<semaphore_mem>>
        %dma_start3A_282 = arith.constant 0 : i32
        %dma_start3A_283 = tpu.memref_slice %arg5[%add3A_280, %dma_start3A_282] : memref<20000x128xbf16, #tpu.memory_space<hbm>> -> memref<16x128xbf16, #tpu.memory_space<hbm>>
        %dma_start3A_284 = arith.constant 9984 : i32
        %dma_start3A_285 = arith.constant 0 : i32
        %dma_start3A_286 = tpu.memref_slice %arg9[%dma_start3A_284, %dma_start3A_285] : memref<10000x128xbf16, #tpu.memory_space<vmem_shared>> -> memref<16x128xbf16, #tpu.memory_space<vmem_shared>>
        tpu.enqueue_dma source(%dma_start3A_286 : memref<16x128xbf16, #tpu.memory_space<vmem_shared>>) target(%dma_start3A_283 : memref<16x128xbf16, #tpu.memory_space<hbm>>) target_semaphore(%run_scoped3A_281 : memref<!tpu.dma_semaphore, #tpu.memory_space<semaphore_mem>>)
        %dma_wait3A_287 = arith.constant 0 : i32
        %dma_wait3A_288 = tpu.memref_slice %arg5[%add3A_280, %dma_wait3A_287] : memref<20000x128xbf16, #tpu.memory_space<hbm>> -> memref<16x128xbf16, #tpu.memory_space<hbm>>
        %dma_wait3A_289 = arith.constant 9984 : i32
        %dma_wait3A_290 = arith.constant 0 : i32
        %dma_wait3A_291 = tpu.memref_slice %arg9[%dma_wait3A_289, %dma_wait3A_290] : memref<10000x128xbf16, #tpu.memory_space<vmem_shared>> -> memref<16x128xbf16, #tpu.memory_space<vmem_shared>>
        tpu.wait_dma2 semaphore(%run_scoped3A_281 : memref<!tpu.dma_semaphore, #tpu.memory_space<semaphore_mem>>) src(%dma_wait3A_291 : memref<16x128xbf16, #tpu.memory_space<vmem_shared>>) dst(%dma_wait3A_288 : memref<16x128xbf16, #tpu.memory_space<hbm>>)
        tpu.yield
      }) : () -> ()
    } else {
    }
    return
  }
}

module attributes {stable_mosaic.version = 14 : i64} {
  func.func @body(%arg0: i32, %arg1: memref<2000x128xf32, #tpu.memory_space<vmem>>, %arg2: memref<2000x128xbf16, #tpu.memory_space<vmem>>) attributes {dimension_semantics = [#tpu.dimension_semantics<arbitrary>], iteration_bounds = array<i64: 5>, scalar_prefetch = 0 : i64, scratch_operands = 0 : i64, tpu.core_type = #tpu.core_type<tc>, window_params = [{transform_indices = @transform_0, window_bounds = array<i64: 2000, 128>}, {transform_indices = @transform_1, window_bounds = array<i64: 2000, 128>}]} {
    %get3A = arith.constant 0 : index
    %get3A_0 = arith.constant 0 : index
    %get3A_1 = vector.load %arg1[%get3A, %get3A_0] : memref<2000x128xf32, #tpu.memory_space<vmem>>, vector<2000x128xf32>
    %convert_element_type3A = arith.truncf %get3A_1 : vector<2000x128xf32> to vector<2000x128xbf16>
    %swap3A = arith.constant 0 : index
    %swap3A_2 = arith.constant 0 : index
    %swap3A_3 = vector.load %arg2[%swap3A, %swap3A_2] : memref<2000x128xbf16, #tpu.memory_space<vmem>>, vector<2000x128xbf16>
    tpu.vector_store %arg2[%swap3A, %swap3A_2], %convert_element_type3A {strides = array<i32>} : memref<2000x128xbf16, #tpu.memory_space<vmem>>, vector<2000x128xbf16>,
    return
  }
  func.func @transform_0(%arg0: i32) -> (i32, i32) {
    %c0_i32 = arith.constant 0 : i32
    %c0_i32_0 = arith.constant 0 : i32
    return %arg0, %c0_i32 : i32, i32
  }
  func.func @transform_1(%arg0: i32) -> (i32, i32) {
    %c0_i32 = arith.constant 0 : i32
    %c0_i32_0 = arith.constant 0 : i32
    return %arg0, %c0_i32 : i32, i32
  }
}

module attributes {stable_mosaic.version = 14 : i64} {
  func.func @body(%arg0: i32, %arg1: memref<2000x128xf32, #tpu.memory_space<vmem>>, %arg2: memref<2x2000x128xbf16, #tpu.memory_space<vmem>>, %arg3: memref<2x2000x32xbf16, #tpu.memory_space<vmem>>, %arg4: memref<128x128xf32, #tpu.memory_space<vmem>>, %arg5: memref<128x128xf32, #tpu.memory_space<vmem>>, %arg6: memref<1x128xf32, #tpu.memory_space<vmem>>, %arg7: memref<2000x128xf32, #tpu.memory_space<vmem>>, %arg8: memref<2000x128xbf16, #tpu.memory_space<vmem>>) attributes {dimension_semantics = [#tpu.dimension_semantics<arbitrary>], iteration_bounds = array<i64: 5>, scalar_prefetch = 0 : i64, scratch_operands = 0 : i64, tpu.core_type = #tpu.core_type<tc>, window_params = [{transform_indices = @transform_0, window_bounds = array<i64: 2000, 128>}, {transform_indices = @transform_1, window_bounds = array<i64: 2, 2000, 128>}, {transform_indices = @transform_2, window_bounds = array<i64: 2, 2000, 32>}, {pipeline_mode = #tpu.pipeline_mode<synchronous>, transform_indices = @transform_3, window_bounds = array<i64: 128, 128>}, {pipeline_mode = #tpu.pipeline_mode<synchronous>, transform_indices = @transform_4, window_bounds = array<i64: 128, 128>}, {pipeline_mode = #tpu.pipeline_mode<synchronous>, transform_indices = @transform_5, window_bounds = array<i64: 1, 128>}, {transform_indices = @transform_6, window_bounds = array<i64: 2000, 128>}, {transform_indices = @transform_7, window_bounds = array<i64: 2000, 128>}]} {
    %get3A = arith.constant 0 : index
    %get3A_0 = arith.constant 0 : index
    %get3A_1 = arith.constant 0 : index
    %get3A_2 = vector.load %arg2[%get3A, %get3A_0, %get3A_1] : memref<2x2000x128xbf16, #tpu.memory_space<vmem>>, vector<1x2000x128xbf16>
    %get3A_3 = vector.shape_cast %get3A_2 : vector<1x2000x128xbf16> to vector<2000x128xbf16>
    %convert_element_type3A = arith.extf %get3A_3 : vector<2000x128xbf16> to vector<2000x128xf32>
    %get3A_4 = arith.constant 1 : index
    %get3A_5 = arith.constant 0 : index
    %get3A_6 = arith.constant 0 : index
    %get3A_7 = vector.load %arg2[%get3A_4, %get3A_5, %get3A_6] : memref<2x2000x128xbf16, #tpu.memory_space<vmem>>, vector<1x2000x128xbf16>
    %get3A_8 = vector.shape_cast %get3A_7 : vector<1x2000x128xbf16> to vector<2000x128xbf16>
    %convert_element_type3A_9 = arith.extf %get3A_8 : vector<2000x128xbf16> to vector<2000x128xf32>
    %add3A = arith.addf %convert_element_type3A, %convert_element_type3A_9 : vector<2000x128xf32>
    %get3A_10 = arith.constant 0 : index
    %get3A_11 = arith.constant 0 : index
    %get3A_12 = arith.constant 0 : index
    %get3A_13 = vector.load %arg3[%get3A_10, %get3A_11, %get3A_12] : memref<2x2000x32xbf16, #tpu.memory_space<vmem>>, vector<1x2000x1xbf16>
    %get3A_14 = vector.shape_cast %get3A_13 : vector<1x2000x1xbf16> to vector<2000x1xbf16>
    %convert_element_type3A_15 = arith.extf %get3A_14 : vector<2000x1xbf16> to vector<2000x1xf32>
    %get3A_16 = arith.constant 1 : index
    %get3A_17 = arith.constant 0 : index
    %get3A_18 = arith.constant 0 : index
    %get3A_19 = vector.load %arg3[%get3A_16, %get3A_17, %get3A_18] : memref<2x2000x32xbf16, #tpu.memory_space<vmem>>, vector<1x2000x1xbf16>
    %get3A_20 = vector.shape_cast %get3A_19 : vector<1x2000x1xbf16> to vector<2000x1xbf16>
    %convert_element_type3A_21 = arith.extf %get3A_20 : vector<2000x1xbf16> to vector<2000x1xf32>
    %add3A_22 = arith.addf %convert_element_type3A_15, %convert_element_type3A_21 : vector<2000x1xf32>
    %max3A = arith.constant 1.000000e+00 : f32
    %max3A_23 = vector.broadcast %max3A : f32 to vector<2000x1xf32>
    %max3A_24 = arith.maximumf %add3A_22, %max3A_23 : vector<2000x1xf32>
    %div3A = vector.broadcast %max3A_24 : vector<2000x1xf32> to vector<2000x128xf32>
    %div3A_25 = arith.divf %add3A, %div3A : vector<2000x128xf32>
    %get3A_26 = arith.constant 0 : index
    %get3A_27 = arith.constant 0 : index
    %get3A_28 = vector.load %arg1[%get3A_26, %get3A_27] : memref<2000x128xf32, #tpu.memory_space<vmem>>, vector<2000x128xf32>
    %get3A_29 = arith.constant 0 : index
    %get3A_30 = arith.constant 0 : index
    %get3A_31 = vector.load %arg4[%get3A_29, %get3A_30] : memref<128x128xf32, #tpu.memory_space<vmem>>, vector<128x128xf32>
    %dot_general3A = arith.constant dense<0.000000e+00> : vector<2000x128xf32>
    %dot_general3A_32 = tpu.matmul %get3A_28, %get3A_31, %dot_general3A {dimension_numbers = #tpu.dot_dimension_numbers<[1], [0], [0], [1], [0, 0, 1, 1], [], []>, transpose_lhs_hint = false} : vector<2000x128xf32>, vector<128x128xf32>, vector<2000x128xf32> -> vector<2000x128xf32>
    %get3A_33 = arith.constant 0 : index
    %get3A_34 = arith.constant 0 : index
    %get3A_35 = vector.load %arg5[%get3A_33, %get3A_34] : memref<128x128xf32, #tpu.memory_space<vmem>>, vector<128x128xf32>
    %dot_general3A_36 = arith.constant dense<0.000000e+00> : vector<2000x128xf32>
    %dot_general3A_37 = tpu.matmul %div3A_25, %get3A_35, %dot_general3A_36 {dimension_numbers = #tpu.dot_dimension_numbers<[1], [0], [0], [1], [0, 0, 1, 1], [], []>, transpose_lhs_hint = false} : vector<2000x128xf32>, vector<128x128xf32>, vector<2000x128xf32> -> vector<2000x128xf32>
    %add3A_38 = arith.addf %dot_general3A_32, %dot_general3A_37 : vector<2000x128xf32>
    %get3A_39 = arith.constant 0 : index
    %get3A_40 = arith.constant 0 : index
    %get3A_41 = vector.load %arg6[%get3A_39, %get3A_40] : memref<1x128xf32, #tpu.memory_space<vmem>>, vector<1x128xf32>
    %add3A_42 = vector.broadcast %get3A_41 : vector<1x128xf32> to vector<2000x128xf32>
    %add3A_43 = arith.addf %add3A_38, %add3A_42 : vector<2000x128xf32>
    %max3A_44 = arith.constant 0.000000e+00 : f32
    %max3A_45 = vector.broadcast %max3A_44 : f32 to vector<2000x128xf32>
    %max3A_46 = arith.maximumf %add3A_43, %max3A_45 : vector<2000x128xf32>
    %swap3A = arith.constant 0 : index
    %swap3A_47 = arith.constant 0 : index
    %swap3A_48 = vector.load %arg7[%swap3A, %swap3A_47] : memref<2000x128xf32, #tpu.memory_space<vmem>>, vector<2000x128xf32>
    tpu.vector_store %arg7[%swap3A, %swap3A_47], %max3A_46 {strides = array<i32>} : memref<2000x128xf32, #tpu.memory_space<vmem>>, vector<2000x128xf32>,
    %convert_element_type3A_49 = arith.truncf %max3A_46 : vector<2000x128xf32> to vector<2000x128xbf16>
    %swap3A_50 = arith.constant 0 : index
    %swap3A_51 = arith.constant 0 : index
    %swap3A_52 = vector.load %arg8[%swap3A_50, %swap3A_51] : memref<2000x128xbf16, #tpu.memory_space<vmem>>, vector<2000x128xbf16>
    tpu.vector_store %arg8[%swap3A_50, %swap3A_51], %convert_element_type3A_49 {strides = array<i32>} : memref<2000x128xbf16, #tpu.memory_space<vmem>>, vector<2000x128xbf16>,
    return
  }
  func.func @transform_0(%arg0: i32) -> (i32, i32) {
    %c0_i32 = arith.constant 0 : i32
    %c0_i32_0 = arith.constant 0 : i32
    return %arg0, %c0_i32 : i32, i32
  }
  func.func @transform_1(%arg0: i32) -> (i32, i32, i32) {
    %c0_i32 = arith.constant 0 : i32
    %c0_i32_0 = arith.constant 0 : i32
    %c0_i32_1 = arith.constant 0 : i32
    return %c0_i32, %arg0, %c0_i32_0 : i32, i32, i32
  }
  func.func @transform_2(%arg0: i32) -> (i32, i32, i32) {
    %c0_i32 = arith.constant 0 : i32
    %c0_i32_0 = arith.constant 0 : i32
    %c0_i32_1 = arith.constant 0 : i32
    return %c0_i32, %arg0, %c0_i32_0 : i32, i32, i32
  }
  func.func @transform_3(%arg0: i32) -> (i32, i32) {
    %c0_i32 = arith.constant 0 : i32
    %c0_i32_0 = arith.constant 0 : i32
    %c0_i32_1 = arith.constant 0 : i32
    return %c0_i32, %c0_i32_0 : i32, i32
  }
  func.func @transform_4(%arg0: i32) -> (i32, i32) {
    %c0_i32 = arith.constant 0 : i32
    %c0_i32_0 = arith.constant 0 : i32
    %c0_i32_1 = arith.constant 0 : i32
    return %c0_i32, %c0_i32_0 : i32, i32
  }
  func.func @transform_5(%arg0: i32) -> (i32, i32) {
    %c0_i32 = arith.constant 0 : i32
    %c0_i32_0 = arith.constant 0 : i32
    %c0_i32_1 = arith.constant 0 : i32
    return %c0_i32, %c0_i32_0 : i32, i32
  }
  func.func @transform_6(%arg0: i32) -> (i32, i32) {
    %c0_i32 = arith.constant 0 : i32
    %c0_i32_0 = arith.constant 0 : i32
    return %arg0, %c0_i32 : i32, i32
  }
  func.func @transform_7(%arg0: i32) -> (i32, i32) {
    %c0_i32 = arith.constant 0 : i32
    %c0_i32_0 = arith.constant 0 : i32
    return %arg0, %c0_i32 : i32, i32
  }
}

module attributes {stable_mosaic.version = 14 : i64} {
  func.func @body(%arg0: i32, %arg1: memref<2000x128xf32, #tpu.memory_space<vmem>>, %arg2: memref<2x2000x128xbf16, #tpu.memory_space<vmem>>, %arg3: memref<2x2000x32xbf16, #tpu.memory_space<vmem>>, %arg4: memref<128x128xf32, #tpu.memory_space<vmem>>, %arg5: memref<128x128xf32, #tpu.memory_space<vmem>>, %arg6: memref<1x128xf32, #tpu.memory_space<vmem>>, %arg7: memref<128x64xf32, #tpu.memory_space<vmem>>, %arg8: memref<1x64xf32, #tpu.memory_space<vmem>>, %arg9: memref<64x2xf32, #tpu.memory_space<vmem>>, %arg10: memref<1x2xf32, #tpu.memory_space<vmem>>, %arg11: memref<1x2xf32, #tpu.memory_space<vmem>>, %arg12: memref<1x128xf32, #tpu.memory_space<vmem>>) attributes {dimension_semantics = [#tpu.dimension_semantics<arbitrary>], iteration_bounds = array<i64: 5>, scalar_prefetch = 0 : i64, scratch_operands = 1 : i64, tpu.core_type = #tpu.core_type<tc>, window_params = [{transform_indices = @transform_0, window_bounds = array<i64: 2000, 128>}, {transform_indices = @transform_1, window_bounds = array<i64: 2, 2000, 128>}, {transform_indices = @transform_2, window_bounds = array<i64: 2, 2000, 32>}, {pipeline_mode = #tpu.pipeline_mode<synchronous>, transform_indices = @transform_3, window_bounds = array<i64: 128, 128>}, {pipeline_mode = #tpu.pipeline_mode<synchronous>, transform_indices = @transform_4, window_bounds = array<i64: 128, 128>}, {pipeline_mode = #tpu.pipeline_mode<synchronous>, transform_indices = @transform_5, window_bounds = array<i64: 1, 128>}, {pipeline_mode = #tpu.pipeline_mode<synchronous>, transform_indices = @transform_6, window_bounds = array<i64: 128, 64>}, {pipeline_mode = #tpu.pipeline_mode<synchronous>, transform_indices = @transform_7, window_bounds = array<i64: 1, 64>}, {pipeline_mode = #tpu.pipeline_mode<synchronous>, transform_indices = @transform_8, window_bounds = array<i64: 64, 2>}, {pipeline_mode = #tpu.pipeline_mode<synchronous>, transform_indices = @transform_9, window_bounds = array<i64: 1, 2>}, {pipeline_mode = #tpu.pipeline_mode<synchronous>, transform_indices = @transform_10, window_bounds = array<i64: 1, 2>}]} {
    %eq3A = arith.constant 0 : i32
    %eq3A_0 = arith.cmpi eq, %arg0, %eq3A : i32
    %convert_element_type3A = arith.extui %eq3A_0 : i1 to i32
    %cond3A = arith.constant 0 : i32
    %cond3A_1 = arith.cmpi ne, %convert_element_type3A, %cond3A : i32
    scf.if %cond3A_1 {
      %broadcast_in_dim3A_62 = arith.constant 0.000000e+00 : f32
      %broadcast_in_dim3A_63 = vector.broadcast %broadcast_in_dim3A_62 : f32 to vector<1x128xf32>
      %swap3A_64 = arith.constant 0 : index
      %swap3A_65 = arith.constant 0 : index
      %swap3A_66 = vector.load %arg12[%swap3A_64, %swap3A_65] : memref<1x128xf32, #tpu.memory_space<vmem>>, vector<1x128xf32>
      tpu.vector_store %arg12[%swap3A_64, %swap3A_65], %broadcast_in_dim3A_63 {strides = array<i32>} : memref<1x128xf32, #tpu.memory_space<vmem>>, vector<1x128xf32>,
    } else {
    }
    %get3A = arith.constant 0 : index
    %get3A_2 = arith.constant 0 : index
    %get3A_3 = arith.constant 0 : index
    %get3A_4 = vector.load %arg2[%get3A, %get3A_2, %get3A_3] : memref<2x2000x128xbf16, #tpu.memory_space<vmem>>, vector<1x2000x128xbf16>
    %get3A_5 = vector.shape_cast %get3A_4 : vector<1x2000x128xbf16> to vector<2000x128xbf16>
    %convert_element_type3A_6 = arith.extf %get3A_5 : vector<2000x128xbf16> to vector<2000x128xf32>
    %get3A_7 = arith.constant 1 : index
    %get3A_8 = arith.constant 0 : index
    %get3A_9 = arith.constant 0 : index
    %get3A_10 = vector.load %arg2[%get3A_7, %get3A_8, %get3A_9] : memref<2x2000x128xbf16, #tpu.memory_space<vmem>>, vector<1x2000x128xbf16>
    %get3A_11 = vector.shape_cast %get3A_10 : vector<1x2000x128xbf16> to vector<2000x128xbf16>
    %convert_element_type3A_12 = arith.extf %get3A_11 : vector<2000x128xbf16> to vector<2000x128xf32>
    %add3A = arith.addf %convert_element_type3A_6, %convert_element_type3A_12 : vector<2000x128xf32>
    %get3A_13 = arith.constant 0 : index
    %get3A_14 = arith.constant 0 : index
    %get3A_15 = arith.constant 0 : index
    %get3A_16 = vector.load %arg3[%get3A_13, %get3A_14, %get3A_15] : memref<2x2000x32xbf16, #tpu.memory_space<vmem>>, vector<1x2000x1xbf16>
    %get3A_17 = vector.shape_cast %get3A_16 : vector<1x2000x1xbf16> to vector<2000x1xbf16>
    %convert_element_type3A_18 = arith.extf %get3A_17 : vector<2000x1xbf16> to vector<2000x1xf32>
    %get3A_19 = arith.constant 1 : index
    %get3A_20 = arith.constant 0 : index
    %get3A_21 = arith.constant 0 : index
    %get3A_22 = vector.load %arg3[%get3A_19, %get3A_20, %get3A_21] : memref<2x2000x32xbf16, #tpu.memory_space<vmem>>, vector<1x2000x1xbf16>
    %get3A_23 = vector.shape_cast %get3A_22 : vector<1x2000x1xbf16> to vector<2000x1xbf16>
    %convert_element_type3A_24 = arith.extf %get3A_23 : vector<2000x1xbf16> to vector<2000x1xf32>
    %add3A_25 = arith.addf %convert_element_type3A_18, %convert_element_type3A_24 : vector<2000x1xf32>
    %max3A = arith.constant 1.000000e+00 : f32
    %max3A_26 = vector.broadcast %max3A : f32 to vector<2000x1xf32>
    %max3A_27 = arith.maximumf %add3A_25, %max3A_26 : vector<2000x1xf32>
    %div3A = vector.broadcast %max3A_27 : vector<2000x1xf32> to vector<2000x128xf32>
    %div3A_28 = arith.divf %add3A, %div3A : vector<2000x128xf32>
    %get3A_29 = arith.constant 0 : index
    %get3A_30 = arith.constant 0 : index
    %get3A_31 = vector.load %arg1[%get3A_29, %get3A_30] : memref<2000x128xf32, #tpu.memory_space<vmem>>, vector<2000x128xf32>
    %get3A_32 = arith.constant 0 : index
    %get3A_33 = arith.constant 0 : index
    %get3A_34 = vector.load %arg4[%get3A_32, %get3A_33] : memref<128x128xf32, #tpu.memory_space<vmem>>, vector<128x128xf32>
    %dot_general3A = arith.constant dense<0.000000e+00> : vector<2000x128xf32>
    %dot_general3A_35 = tpu.matmul %get3A_31, %get3A_34, %dot_general3A {dimension_numbers = #tpu.dot_dimension_numbers<[1], [0], [0], [1], [0, 0, 1, 1], [], []>, transpose_lhs_hint = false} : vector<2000x128xf32>, vector<128x128xf32>, vector<2000x128xf32> -> vector<2000x128xf32>
    %get3A_36 = arith.constant 0 : index
    %get3A_37 = arith.constant 0 : index
    %get3A_38 = vector.load %arg5[%get3A_36, %get3A_37] : memref<128x128xf32, #tpu.memory_space<vmem>>, vector<128x128xf32>
    %dot_general3A_39 = arith.constant dense<0.000000e+00> : vector<2000x128xf32>
    %dot_general3A_40 = tpu.matmul %div3A_28, %get3A_38, %dot_general3A_39 {dimension_numbers = #tpu.dot_dimension_numbers<[1], [0], [0], [1], [0, 0, 1, 1], [], []>, transpose_lhs_hint = false} : vector<2000x128xf32>, vector<128x128xf32>, vector<2000x128xf32> -> vector<2000x128xf32>
    %add3A_41 = arith.addf %dot_general3A_35, %dot_general3A_40 : vector<2000x128xf32>
    %get3A_42 = arith.constant 0 : index
    %get3A_43 = arith.constant 0 : index
    %get3A_44 = vector.load %arg6[%get3A_42, %get3A_43] : memref<1x128xf32, #tpu.memory_space<vmem>>, vector<1x128xf32>
    %add3A_45 = vector.broadcast %get3A_44 : vector<1x128xf32> to vector<2000x128xf32>
    %add3A_46 = arith.addf %add3A_41, %add3A_45 : vector<2000x128xf32>
    %max3A_47 = arith.constant 0.000000e+00 : f32
    %max3A_48 = vector.broadcast %max3A_47 : f32 to vector<2000x128xf32>
    %max3A_49 = arith.maximumf %add3A_46, %max3A_48 : vector<2000x128xf32>
    %get3A_50 = arith.constant 0 : index
    %get3A_51 = arith.constant 0 : index
    %get3A_52 = vector.load %arg12[%get3A_50, %get3A_51] : memref<1x128xf32, #tpu.memory_space<vmem>>, vector<1x128xf32>
    %reduce_sum3A = arith.constant dense<0.000000e+00> : vector<128xf32>
    %reduce_sum3A_53 = vector.multi_reduction <add>, %max3A_49, %reduce_sum3A [0] : vector<2000x128xf32> to vector<128xf32>
    %broadcast_in_dim3A = vector.shape_cast %reduce_sum3A_53 : vector<128xf32> to vector<1x128xf32>
    %add3A_54 = arith.addf %get3A_52, %broadcast_in_dim3A : vector<1x128xf32>
    %swap3A = arith.constant 0 : index
    %swap3A_55 = arith.constant 0 : index
    %swap3A_56 = vector.load %arg12[%swap3A, %swap3A_55] : memref<1x128xf32, #tpu.memory_space<vmem>>, vector<1x128xf32>
    tpu.vector_store %arg12[%swap3A, %swap3A_55], %add3A_54 {strides = array<i32>} : memref<1x128xf32, #tpu.memory_space<vmem>>, vector<1x128xf32>,
    %eq3A_57 = arith.constant 4 : i32
    %eq3A_58 = arith.cmpi eq, %arg0, %eq3A_57 : i32
    %convert_element_type3A_59 = arith.extui %eq3A_58 : i1 to i32
    %cond3A_60 = arith.constant 0 : i32
    %cond3A_61 = arith.cmpi ne, %convert_element_type3A_59, %cond3A_60 : i32
    scf.if %cond3A_61 {
      %get3A_62 = arith.constant 0 : index
      %get3A_63 = arith.constant 0 : index
      %get3A_64 = vector.load %arg12[%get3A_62, %get3A_63] : memref<1x128xf32, #tpu.memory_space<vmem>>, vector<1x128xf32>
      %div3A_65 = arith.constant 1.000000e+04 : f32
      %div3A_66 = vector.broadcast %div3A_65 : f32 to vector<1x128xf32>
      %div3A_67 = arith.divf %get3A_64, %div3A_66 : vector<1x128xf32>
      %get3A_68 = arith.constant 0 : index
      %get3A_69 = arith.constant 0 : index
      %get3A_70 = vector.load %arg7[%get3A_68, %get3A_69] : memref<128x64xf32, #tpu.memory_space<vmem>>, vector<128x64xf32>
      %dot_general3A_71 = arith.constant dense<0.000000e+00> : vector<1x64xf32>
      %dot_general3A_72 = tpu.matmul %div3A_67, %get3A_70, %dot_general3A_71 {dimension_numbers = #tpu.dot_dimension_numbers<[1], [0], [0], [1], [0, 0, 1, 1], [], []>, transpose_lhs_hint = false} : vector<1x128xf32>, vector<128x64xf32>, vector<1x64xf32> -> vector<1x64xf32>
      %get3A_73 = arith.constant 0 : index
      %get3A_74 = arith.constant 0 : index
      %get3A_75 = vector.load %arg8[%get3A_73, %get3A_74] : memref<1x64xf32, #tpu.memory_space<vmem>>, vector<1x64xf32>
      %add3A_76 = arith.addf %dot_general3A_72, %get3A_75 : vector<1x64xf32>
      %max3A_77 = arith.constant 0.000000e+00 : f32
      %max3A_78 = vector.broadcast %max3A_77 : f32 to vector<1x64xf32>
      %max3A_79 = arith.maximumf %add3A_76, %max3A_78 : vector<1x64xf32>
      %get3A_80 = arith.constant 0 : index
      %get3A_81 = arith.constant 0 : index
      %get3A_82 = vector.load %arg9[%get3A_80, %get3A_81] : memref<64x2xf32, #tpu.memory_space<vmem>>, vector<64x2xf32>
      %dot_general3A_83 = arith.constant dense<0.000000e+00> : vector<1x2xf32>
      %dot_general3A_84 = tpu.matmul %max3A_79, %get3A_82, %dot_general3A_83 {dimension_numbers = #tpu.dot_dimension_numbers<[1], [0], [0], [1], [0, 0, 1, 1], [], []>, transpose_lhs_hint = false} : vector<1x64xf32>, vector<64x2xf32>, vector<1x2xf32> -> vector<1x2xf32>
      %get3A_85 = arith.constant 0 : index
      %get3A_86 = arith.constant 0 : index
      %get3A_87 = vector.load %arg10[%get3A_85, %get3A_86] : memref<1x2xf32, #tpu.memory_space<vmem>>, vector<1x2xf32>
      %add3A_88 = arith.addf %dot_general3A_84, %get3A_87 : vector<1x2xf32>
      %reduce_max3A = vector.shape_cast %add3A_88 : vector<1x2xf32> to vector<1x1x2xf32>
      %reduce_max3A_89 = arith.constant dense<0xFF800000> : vector<1xf32>
      %reduce_max3A_90 = vector.multi_reduction <maximumf>, %reduce_max3A, %reduce_max3A_89 [1, 2] : vector<1x1x2xf32> to vector<1xf32>
      %reduce_max3A_91 = vector.shape_cast %reduce_max3A_90 : vector<1xf32> to vector<1x1x1xf32>
      %reduce_max3A_92 = vector.extract %reduce_max3A_91[0, 0, 0] : f32 from vector<1x1x1xf32>
      %sub3A = vector.broadcast %reduce_max3A_92 : f32 to vector<1x2xf32>
      %sub3A_93 = arith.subf %add3A_88, %sub3A : vector<1x2xf32>
      %exp3A = math.exp %sub3A_93 : vector<1x2xf32>
      %reduce_sum3A_94 = vector.shape_cast %exp3A : vector<1x2xf32> to vector<1x1x2xf32>
      %reduce_sum3A_95 = arith.constant dense<0.000000e+00> : vector<1xf32>
      %reduce_sum3A_96 = vector.multi_reduction <add>, %reduce_sum3A_94, %reduce_sum3A_95 [1, 2] : vector<1x1x2xf32> to vector<1xf32>
      %reduce_sum3A_97 = vector.shape_cast %reduce_sum3A_96 : vector<1xf32> to vector<1x1x1xf32>
      %reduce_sum3A_98 = vector.extract %reduce_sum3A_97[0, 0, 0] : f32 from vector<1x1x1xf32>
      %log3A = math.log %reduce_sum3A_98 : f32
      %add3A_99 = arith.addf %reduce_max3A_92, %log3A : f32
      %sub3A_100 = vector.broadcast %add3A_99 : f32 to vector<1x2xf32>
      %sub3A_101 = arith.subf %add3A_88, %sub3A_100 : vector<1x2xf32>
      %swap3A_102 = arith.constant 0 : index
      %swap3A_103 = arith.constant 0 : index
      %swap3A_104 = vector.load %arg11[%swap3A_102, %swap3A_103] : memref<1x2xf32, #tpu.memory_space<vmem>>, vector<1x2xf32>
      tpu.vector_store %arg11[%swap3A_102, %swap3A_103], %sub3A_101 {strides = array<i32>} : memref<1x2xf32, #tpu.memory_space<vmem>>, vector<1x2xf32>,
    } else {
    }
    return
  }
  func.func @transform_0(%arg0: i32) -> (i32, i32) {
    %c0_i32 = arith.constant 0 : i32
    %c0_i32_0 = arith.constant 0 : i32
    return %arg0, %c0_i32 : i32, i32
  }
  func.func @transform_1(%arg0: i32) -> (i32, i32, i32) {
    %c0_i32 = arith.constant 0 : i32
    %c0_i32_0 = arith.constant 0 : i32
    %c0_i32_1 = arith.constant 0 : i32
    return %c0_i32, %arg0, %c0_i32_0 : i32, i32, i32
  }
  func.func @transform_2(%arg0: i32) -> (i32, i32, i32) {
    %c0_i32 = arith.constant 0 : i32
    %c0_i32_0 = arith.constant 0 : i32
    %c0_i32_1 = arith.constant 0 : i32
    return %c0_i32, %arg0, %c0_i32_0 : i32, i32, i32
  }
  func.func @transform_3(%arg0: i32) -> (i32, i32) {
    %c0_i32 = arith.constant 0 : i32
    %c0_i32_0 = arith.constant 0 : i32
    %c0_i32_1 = arith.constant 0 : i32
    return %c0_i32, %c0_i32_0 : i32, i32
  }
  func.func @transform_4(%arg0: i32) -> (i32, i32) {
    %c0_i32 = arith.constant 0 : i32
    %c0_i32_0 = arith.constant 0 : i32
    %c0_i32_1 = arith.constant 0 : i32
    return %c0_i32, %c0_i32_0 : i32, i32
  }
  func.func @transform_5(%arg0: i32) -> (i32, i32) {
    %c0_i32 = arith.constant 0 : i32
    %c0_i32_0 = arith.constant 0 : i32
    %c0_i32_1 = arith.constant 0 : i32
    return %c0_i32, %c0_i32_0 : i32, i32
  }
  func.func @transform_6(%arg0: i32) -> (i32, i32) {
    %c0_i32 = arith.constant 0 : i32
    %c0_i32_0 = arith.constant 0 : i32
    %c0_i32_1 = arith.constant 0 : i32
    return %c0_i32, %c0_i32_0 : i32, i32
  }
  func.func @transform_7(%arg0: i32) -> (i32, i32) {
    %c0_i32 = arith.constant 0 : i32
    %c0_i32_0 = arith.constant 0 : i32
    %c0_i32_1 = arith.constant 0 : i32
    return %c0_i32, %c0_i32_0 : i32, i32
  }
  func.func @transform_8(%arg0: i32) -> (i32, i32) {
    %c0_i32 = arith.constant 0 : i32
    %c0_i32_0 = arith.constant 0 : i32
    %c0_i32_1 = arith.constant 0 : i32
    return %c0_i32, %c0_i32_0 : i32, i32
  }
  func.func @transform_9(%arg0: i32) -> (i32, i32) {
    %c0_i32 = arith.constant 0 : i32
    %c0_i32_0 = arith.constant 0 : i32
    %c0_i32_1 = arith.constant 0 : i32
    return %c0_i32, %c0_i32_0 : i32, i32
  }
  func.func @transform_10(%arg0: i32) -> (i32, i32) {
    %c0_i32 = arith.constant 0 : i32
    %c0_i32_0 = arith.constant 0 : i32
    %c0_i32_1 = arith.constant 0 : i32
    return %c0_i32, %c0_i32_0 : i32, i32
  }
}

</mosaic_0001>

<sc_bundles>
// kernel: kernel.10.cloned.1.call-start
scs
__scs_entry_jumppad:
0x0: {  	(pc) =	sbr.rel $0x88, $3  }
0x1: {  	(tag) =	ssettag $0x0;
	lr =	simm.s32 $0x1  }
0x2: {  	[smem:$0x3F92] =	sst lr;
	_ =	strace $0xD0000000  }
0x3: {  	_ = 	snop  }
0x4: {  	_ = 	snop  }
0x5: {  	_ = 	snop  }
0x6: {  	_ = 	snop  }
0x7: {  	_ = 	snop  }
__scs_overlays_trampoline_lowered:
0x8: {  	[smem:$0x3FA1] =	sst s0  }
0x9: {  	[smem:$0x3FA2] =	sst s1  }
0xa: {  	[smem:$0x3FA3] =	sst s2  }
0xb: {  	[smem:$0x3FA4] =	sst s3  }
0xc: {  	[smem:$0x3FA5] =	sst s4  }
0xd: {  	[smem:$0x3FA6] =	sst s5  }
0xe: {  	[smem:$0x3FA7] =	sst s6  }
0xf: {  	[smem:$0x3FA8] =	sst s7  }
0x10: {  	[smem:$0x3FA9] =	sst s8  }
0x11: {  	[smem:$0x3FAA] =	sst s9;
	s0 =	simm.s32 @!p0 $0x0  }
0x12: {  	s1 =	sld [smem:$0x3F90];
	s0 =	simm.s32 @p0 $0x1  }
0x13: {  	[smem:$0x3FAB] =	sst s0;
	s0 =	simm.s32 @!p1 $0x0  }
0x14: {  	s2 =	sld [smem:$0x3F8F];
	s0 =	simm.s32 @p1 $0x1  }
0x15: {  	[smem:$0x3FAC] =	sst s0;
	s0 =	simm.s32 @!p2 $0x0  }
0x16: {  	s3 =	sld [smem:$0x3FDB];
	s0 =	simm.s32 @p2 $0x1  }
0x17: {  	s4 =	simm.s32 $0x1BF5;
	[smem:$0x3FAE] =	sst s0  }
0x18: {  	s0 =	sld [smem:$0x3F91];
	_ =	swait.ge [sflag:s4], $0x0  }
0x19: {  	s7 =	sld [smem:$0x3F92]  }
0x1a: {  	s8 =	sadd.s32 $0xFFFFE003, lr  }
0x1b: {  	s9 =	sadd.s32 $0xFFFFFEF7, lr;
	s5 =	simm.s32 $0xFFFFFFFF;
	p2 =	slt.u32 s8, $0xFFFFF086  }
0x1c: {  	p1 =	slt.u32 s9, $0xF7A;
	s5 =	simm.s32 @!p2 $0x0  }
0x1d: {  	s5 =	simm.s32 @p1 $0x1;
	p0 =	seq.s32 s7, s2  }
0x1e: {  	s7 =	smul.u32 @!p0 $0xF7A, s2;
	p2 =	seq.s32 @!p0 s5, $0x0  }
0x1f: {  	s9 =	smul.u32 $0xF7A, s1;
	s8 =	simm.s32 @!p0 $0x1BF5;
	p2 =	por !p2, p0  }
0x20: {  	[sflag:s8] =	ssyncset.s32 @!p0 $0xFFFFF086;
	s6 =	sadd.s32 @!p0 s3, s7;
	s7 =	simm.s32 @!p0 $0x108  }
0x21: {  	s3 =	sadd.s32 s3, s9;
	s6 =	sadd.s32 @!p0 $0x88, s6;
	s7 =	simm.s32 @p2 $0x1082  }
0x22: {  	[simem:s7], [sflag:s8] =	dma.local @!p0 [hbm:s6], $0xF7A  }
0x23: {  	s9 =	sor.u32 $0xD0000000, s2;
	s6 =	simm.s32 $0x108;
	_ =	swait.ge @!p0 [sflag:s8], $0x0  }
0x24: {  	s3 =	sadd.s32 $0x88, s3;
	s6 =	simm.s32 @!p1 $0x1082;
	[sflag:s4] =	ssyncset.s32 $0xFFFFF086  }
0x25: {  	[simem:s6], [sflag:s4] =	dma.local [hbm:s3], $0xF7A  }
0x26: {  	[smem:$0x3F92] =	sst s1;
	(tag) =	ssettag s2;
	_ =	strace s9  }
0x27: {  	s1 =	sld [smem:$0x3FA2]  }
0x28: {  	s2 =	sld [smem:$0x3FA3]  }
0x29: {  	s4 =	sld [smem:$0x3FA5]  }
0x2a: {  	p0 =	seq.s32 s5, $0x0;
	s5 =	sld [smem:$0x3FA6]  }
0x2b: {  	s6 =	sld [smem:$0x3FA7]  }
0x2c: {  	s7 =	sld [smem:$0x3FA8]  }
0x2d: {  	s3 =	simm.s32 $0x108;
	s8 =	sld [smem:$0x3FA9]  }
0x2e: {  	s3 =	simm.s32 @!p0 $0x1082;
	s9 =	sld [smem:$0x3FAA]  }
0x2f: {  	lr =	sadd.s32 s0, s3;
	s0 =	sld [smem:$0x3FA1]  }
0x30: {  	s3 =	sld [smem:$0x3FA4]  }
0x31: {  	[smem:$0x3FAD] =	sst s10  }
0x32: {  	s10 =	sld [smem:$0x3FAB];
	_ =	sdelay $0x3  }
0x33: {  	p0 =	seq.s32 s10, $0x1;
	s10 =	sld [smem:$0x3FAD];
	_ =	sdelay $0x3  }
0x34: {  	[smem:$0x3FAD] =	sst s10  }
0x35: {  	s10 =	sld [smem:$0x3FAC];
	_ =	sdelay $0x3  }
0x36: {  	p1 =	seq.s32 s10, $0x1;
	s10 =	sld [smem:$0x3FAD];
	_ =	sdelay $0x3  }
0x37: {  	[smem:$0x3FAD] =	sst s10  }
0x38: {  	s10 =	sld [smem:$0x3FAE]  }
0x39: {  	_ = 	snop;
	(pc) =	sbr.ind lr, $3  }
0x3a: {  	_ = 	snop  }
0x3b: {  	_ = 	snop  }
0x3c: {  	p2 =	seq.s32 s10, $0x1;
	s10 =	sld [smem:$0x3FAD]  }
0x3d: {  	_ =	shalt  }
0x3e: {  	_ =	shalt  }
0x3f: {  	_ =	shalt  }
0x40: {  	_ =	shalt  }
0x41: {  	_ =	shalt  }
0x42: {  	_ =	shalt  }
0x43: {  	_ =	shalt  }
0x44: {  	_ =	shalt  }
0x45: {  	_ =	shalt  }
0x46: {  	_ =	shalt  }
0x47: {  	_ =	shalt  }
0x48: {  	_ =	shalt  }
0x49: {  	_ =	shalt  }
0x4a: {  	_ =	shalt  }
0x4b: {  	_ =	shalt  }
0x4c: {  	_ =	shalt  }
0x4d: {  	_ =	shalt  }
0x4e: {  	_ =	shalt  }
0x4f: {  	_ =	shalt  }
0x50: {  	_ =	shalt  }
0x51: {  	_ =	shalt  }
0x52: {  	_ =	shalt  }
0x53: {  	_ =	shalt  }
0x54: {  	_ =	shalt  }
0x55: {  	_ =	shalt  }
0x56: {  	_ =	shalt  }
0x57: {  	_ =	shalt  }
0x58: {  	_ =	shalt  }
0x59: {  	_ =	shalt  }
0x5a: {  	_ =	shalt  }
0x5b: {  	_ =	shalt  }
0x5c: {  	_ =	shalt  }
0x5d: {  	_ =	shalt  }
0x5e: {  	_ =	shalt  }
0x5f: {  	_ =	shalt  }
0x60: {  	_ =	shalt  }
0x61: {  	_ =	shalt  }
0x62: {  	_ =	shalt  }
0x63: {  	_ =	shalt  }
0x64: {  	_ =	shalt  }
0x65: {  	_ =	shalt  }
0x66: {  	_ =	shalt  }
0x67: {  	_ =	shalt  }
0x68: {  	_ =	shalt  }
0x69: {  	_ =	shalt  }
0x6a: {  	_ =	shalt  }
0x6b: {  	_ =	shalt  }
0x6c: {  	_ =	shalt  }
0x6d: {  	_ =	shalt  }
0x6e: {  	_ =	shalt  }
0x6f: {  	_ =	shalt  }
0x70: {  	_ =	shalt  }
0x71: {  	_ =	shalt  }
0x72: {  	_ =	shalt  }
0x73: {  	_ =	shalt  }
0x74: {  	_ =	shalt  }
0x75: {  	_ =	shalt  }
0x76: {  	_ =	shalt  }
0x77: {  	_ =	shalt  }
0x78: {  	_ =	shalt  }
0x79: {  	_ =	shalt  }
0x7a: {  	_ =	shalt  }
0x7b: {  	_ =	shalt  }
0x7c: {  	_ =	shalt  }
0x7d: {  	_ =	shalt  }
0x7e: {  	_ =	shalt  }
0x7f: {  	_ =	shalt  }
0x80: {  	_ =	shalt  }
0x81: {  	_ =	shalt  }
0x82: {  	_ =	shalt  }
0x83: {  	_ =	shalt  }
0x84: {  	_ =	shalt  }
0x85: {  	_ =	shalt  }
0x86: {  	_ =	shalt  }
0x87: {  	_ =	shalt  }
.Lfunc_end0:
.L_simem_size_0:
called_computation_lowered:
.L_overlay_start_0:
0x88: {  	s2 =	sld [smem:$0x3FD9]  }
0x89: {  	s3 =	sld [smem:$0x3FFE];
	_ =	sdelay $0x1  }
0x8a: {  	s1 =	srdreg.scid  }
0x8b: {  	s0 =	sand.u32 $0x1, s1  }
0x8c: {  	s16 =	sshll.u32 s0, $0xA;
	s2 =	sadd.s32 s3, s2  }
0x8d: {  	s2 =	sadd.s32 s2, s16  }
0x8e: {  	[smem:$0x3FB9] =	sst s2  }
0x8f: {  	_ = 	snop  }
0x90: {  	(tm) =	ssettm $0x1  }
0x91: {  	s17 =	sld [smem:$0x3FFB];
	_ =	sdelay $0x3  }
0x92: {  	_ =	strace s17  }
0x93: {  	s2 =	sld [smem:$0x3FFC];
	_ =	sdelay $0x3  }
0x94: {  	_ =	strace s2  }
0x95: {  	s2 =	sld [smem:$0x3FFD];
	_ =	sdelay $0x3  }
0x96: {  	_ =	strace s2  }
0x97: {  	_ =	strace $0x8FFFFFFF  }
0x98: {  	s18 =	sld [smem:$0x3FDB];
	_ =	sdelay $0x1  }
0x99: {  	s19 =	simm.s32 $_scs_section_size  }
0x9a: {  	s4 =	simm.s32 $_size__tile_overlayer_lowered;
	s5 =	simm.s32 $_tile_overlayer_lowered  }
0x9b: {  	s22 =	simm.s32 $0x1BFF;
	s21 =	sshll.u32 s5, $0x1;
	s2 =	sadd.s32 s19, s18  }
0x9c: {  	s6 =	simm.s32 $0x0;
	s20 =	sshll.u32 s4, $0x1;
	s4 =	sadd.s32 s21, s2  }
0x9d: {  	[timem:s6], [sflag:s22] =	dma.local [hbm:s4], s20  }
0x9e: {  	_ =	swait.ge [sflag:s22], s20  }
0x9f: {  	s3 =	ssub.s32 $0x0, s20;
	[sflag:s22] =	ssyncset.done $0x0  }
0xa0: {  	[sflag:s22] =	ssyncadd.s32 s3;
	_ =	sdelay $0x1  }
0xa1: {  	s23 =	simm.s32 $0x1B8B  }
0xa2: {  	_ =	swait.ge [sflag:s23], $0x1  }
0xa3: {  	[sflag:s23] =	ssyncset.done $0x0  }
0xa4: {  	s25 =	simm.s32 $0x1B8E;
	s24 =	sld [smem:$0x3FFE];
	[sflag:s23] =	ssyncadd.s32 $0xFFFFFFFF  }
0xa5: {  	s26 =	simm.s32 $execute0_lowered;
	[smem:$0x3FD2] =	sst s25  }
0xa6: {  	s4 =	sshll.u32 s26, $0x1;
	_ =	strace $0x80000046;
	[dreg:$0x1] =	wrdreg $0xFFFFFFFF  }
0xa7: {  	s28 =	simm.s32 $_size_execute0_lowered;
	s2 =	sadd.s32 s2, s4;
	[dreg:$0x0] =	wrdreg $0x0  }
0xa8: {  	s4 =	sshll.u32 s28, $0x1;
	[dreg:$0x2] =	wrdreg s2  }
0xa9: {  	[dreg:$0x3] =	wrdreg s4  }
0xaa: {  	[dreg:$0x4] =	wrdreg $0xC0  }
0xab: {  	_ =	task [dreg:s6], $0x5FFFF  }
0xac: {  	[dreg:$0x1] =	wrdreg $0xFFFFFFFF  }
0xad: {  	[dreg:$0x0] =	wrdreg $0x60  }
0xae: {  	[dreg:$0x2] =	wrdreg s24  }
0xaf: {  	[dreg:$0x3] =	wrdreg $0x121100  }
0xb0: {  	[dreg:$0x4] =	wrdreg $0x9  }
0xb1: {  	_ =	task.clear_ibuf [dreg:s6], $0x5FFFF;
	_ =	strace $0x90000046  }
0xb2: {  	s29 =	simm.s32 $0x9;
	_ =	strace $0x80000048  }
0xb3: {  	_ =	swait.ge [sflag:s29], $0x1  }
0xb4: {  	[sflag:s29] =	ssyncadd.s32 $0xFFFFFFFF  }
0xb5: {  	_ =	strace $0x90000048  }
0xb6: {  	_ =	sfence  }
0xb7: {  	s30 =	sld [smem:$0x0];
	_ =	sdelay $0x2  }
0xb8: {  	s31 =	sshll.u32 s1, $0xD;
	s1 =	sshrl.u32 s1, $0x2  }
0xb9: {  	s3 =	sand.u32 $0x4000, s31;
	s1 =	sadd.s32 s1, s30  }
0xba: {  	s0 =	sor.u32 s3, s0;
	s1 =	sshll.u32 s1, $0x11  }
0xbb: {  	s0 =	sor.u32 s1, s0  }
0xbc: {  	s0 =	sadd.s32 $0x8F2B, s0  }
0xbd: {  	[sflag:s0] =	ssyncadd.remote.s32 $0x1  }
0xbe: {  	_ =	sfence.sel $0xFFFF  }
0xbf: {  	[dreg:$0x0] =	wrdreg $0xFFFFFFFF;
	(pc) =	sbr.abs _section_cstart, $3  }
0xc0: {  	[dreg:$0x1] =	wrdreg $0xFFFFFFFF  }
0xc1: {  	_ =	task.clear_ibuf [dreg:s6], $0x2FFFF;
	_ =	strace $0x9FFFFFFF  }
0xc2: {  	(tm) =	ssettm $0x7FFFFFFF  }
0xc3: {  	_ =	shalt  }
tec
execute0_lowered:
.L_overlay_start_1:
0x0: {  	(tag) =	ssettag $0x1  }
0x1: {  	s4 =	rddreg [dreg:$0x0]  }
0x2: {  	s0 =	srdreg.scid;
	s2 =	rddreg [dreg:$0x1]  }
0x3: {  	s3 =	simm.s32 $0x0;
	s16 =	simm.s32 $0x1770;
	s17 =	simm.s32 $0x1F40  }
0x4: {  	s18 =	simm.s32 $0x1;
	s19 =	simm.s32 $0x2;
	s20 =	simm.s32 $0x3  }
0x5: {  	s21 =	simm.s32 $0x4;
	s8 =	sand.u32 $0x1, s0;
	s0 =	stileid.u32  }
0x6: {  	s22 =	simm.s32 $0x5;
	s23 =	simm.s32 $0x2710;
	s12 =	smul.u32 $0x4E0, s0  }
0x7: {  	s24 =	simm.s32 $0x6;
	s26 =	simm.s32 $0x0;
	s10 =	smul.u32 $0x9C00, s0  }
0x8: {  	[smem:$0x7FF] =	sst s3;
	s11 =	sadd.s32 $0x17200, s4;
	s14 =	smul.u32 $0x4E200, s8  }
0x9: {  	s1 =	sshll.u32 s8, $0x4;
	s30 =	ssub.s32 $0x2, s8;
	s15 =	smul.u32 $0x4E20, s8  }
0xa: {  	p0 =	sne.s32 s0, $0xF;
	s25 =	sshll.u32 s0, $0x6;
	s1 =	sor.u32 s0, s1  }
0xb: {  	s31 =	sshrl.u32 s30, $0x1;
	s25 =	sor.u32 $0x1C06, s25;
	s5 =	smul.u32 $0x2710, s1  }
0xc: {  	s1 =	rddreg [dreg:$0x2];
	_ =	strace $0x80000047;
	s13 =	ssub.s32 s30, s31  }
0xd: {  	s10 =	sshrl.u32 s10, $0x2;
	s14 =	sshrl.u32 s14, $0x4;
	s12 =	sadd.s32 s12, s15  }
0xe: {  	s15 =	simm.s32 $0xFA0;
	s14 =	sadd.s32 s11, s14;
	s5 =	sshrl.u32 s5, $0x3  }
0xf: {  	s11 =	sadd.s32 s11, s12;
	s13 =	smax.u32 s13, $0x1;
	s9 =	sadd.s32 s5, s4  }
0x10: {  	s12 =	sadd.s32 $0x4E00, s14;
	s14 =	simm.s32 $0x7D0;
	s4 =	sadd.s32 $0x3600, s9  }
0x11: {  	s5 =	sadd.s32 $0x36FA, s9;
	s6 =	sadd.s32 $0x37F4, s9;
	s7 =	sadd.s32 $0x38EE, s9  }
0x12: {  	v0 =	vimm.bf16 $0.0e+00;
	v1 =	vimm.bf16 $1.0000e+00;
	s8 =	sadd.s32 $0x39E8, s9;
	s9 =	sadd.s32 s10, s2;
	s10 =	sadd.s32 $0x27000, s2  }
.LBB2_1:
0x13: {  	[tilespmem:s3], [sflag:$0x1] =	stream.linear.gather [hbm4b:s4+s3], $0x7D0, $0x38;
	[tilespmem:$0x14820] =	vst v63  }
0x14: {  	_ = 	snop  }
0x15: {  	[tilespmem:s14], [sflag:$0x2] =	stream.linear.gather [hbm4b:s5+s3], $0x7D0, $0x38;
	[tilespmem:$0x14820] =	vst v63  }
0x16: {  	_ = 	snop  }
0x17: {  	[tilespmem:s15], [sflag:$0x3] =	stream.linear.gather [hbm4b:s6+s3], $0x7D0, $0x38;
	[tilespmem:$0x14820] =	vst v63  }
0x18: {  	_ = 	snop  }
0x19: {  	[tilespmem:s16], [sflag:$0x4] =	stream.linear.gather [hbm4b:s7+s3], $0x7D0, $0x38;
	[tilespmem:$0x14820] =	vst v63  }
0x1a: {  	s28 =	simm.s32 $0x40;
	s29 =	simm.s32 $0x0  }
0x1b: {  	[tilespmem:s17], [sflag:$0x5] =	stream.linear.gather [hbm4b:s8+s3], $0x7D0, $0x38;
	[tilespmem:$0x14820] =	vst v63  }
.LBB2_2:
0x1c: {  	p1 =	sne.s32 s28, $0x1F3C0;
	[tilespmem:s29+$0x2710] =	vst v0;
	s29 =	smov.u32 s28;
	s28 =	sadd.s32 $0x40, s28  }
.Ltmp0:
0x1d: {  	(pc) =	sbr.rel @p1 .LBB2_2-.Ltmp0, $2  }
0x1e: {  	_ =	sdelay $0x2  }
0x1f: {  	s29 =	sshra.s32 s29, $0x2  }
0x20: {  	[tilespmem:s29+$0x2710] =	vst v0  }
0x21: {  	_ =	swait.ge [sflag:s18], $0x7D0  }
0x22: {  	[sflag:s18] =	ssyncset.done $0x0  }
0x23: {  	[sflag:s18] =	ssyncadd.s32 $0xFFFFF830  }
0x24: {  	_ =	swait.ge [sflag:s19], $0x7D0  }
0x25: {  	[sflag:s19] =	ssyncset.done $0x0  }
0x26: {  	[sflag:s19] =	ssyncadd.s32 $0xFFFFF830  }
0x27: {  	_ =	swait.ge [sflag:s20], $0x7D0  }
0x28: {  	[sflag:s20] =	ssyncset.done $0x0  }
0x29: {  	[sflag:s20] =	ssyncadd.s32 $0xFFFFF830  }
0x2a: {  	_ =	swait.ge [sflag:s21], $0x7D0  }
0x2b: {  	[sflag:s21] =	ssyncset.done $0x0  }
0x2c: {  	[sflag:s21] =	ssyncadd.s32 $0xFFFFF830  }
0x2d: {  	_ =	swait.ge [sflag:s22], $0x7D0  }
0x2e: {  	[sflag:s22] =	ssyncset.done $0x0  }
0x2f: {  	[sflag:s22] =	ssyncadd.s32 $0xFFFFF830  }
0x30: {  	[spmem:s9] =	stream.linear.scatter [tilespmem:s23], [sflag:$0x6], $0x2700, $0x38;
	[tilespmem:$0x14820] =	vst v63  }
0x31: {  	_ =	swait.ge [sflag:s24], $0x2700  }
0x32: {  	[sflag:s24] =	ssyncset.done $0x0  }
0x33: {  	s28 =	simm.s32 @!p0 $0x2710;
	[sflag:s24] =	ssyncadd.s32 $0xFFFFD900  }
0x34: {  	[spmem:s10] =	stream.linear.scatter @!p0 [tilespmem:s28], [sflag:$0x6], $0x100, $0x38;
	[tilespmem:$0x14820] =	vst v63  }
0x35: {  	s28 =	simm.s32 @!p0 $0x6  }
0x36: {  	_ =	swait.ge @!p0 [sflag:s28], $0x100  }
0x37: {  	[sflag:s28] =	ssyncset.done @!p0 $0x0  }
0x38: {  	s29 =	simm.s32 $0x0;
	[sflag:s28] =	ssyncadd.s32 @!p0 $0xFFFFFF00;
	s28 =	simm.s32 $0x40  }
.LBB2_4:
0x39: {  	p1 =	sne.s32 s28, $0x1F3C0;
	[tilespmem:s29+$0x2710] =	vst v1;
	s29 =	smov.u32 s28;
	s28 =	sadd.s32 $0x40, s28  }
.Ltmp1:
0x3a: {  	(pc) =	sbr.rel @p1 .LBB2_4-.Ltmp1, $2  }
0x3b: {  	_ =	sdelay $0x2  }
0x3c: {  	s29 =	sshra.s32 s29, $0x2  }
0x3d: {  	[tilespmem:s29+$0x2710] =	vst v1  }
0x3e: {  	[bflag:$0x0] =	sbarrier.arrive $0xFFFF  }
0x3f: {  	[spmem:s2] =	stream.indirect.scatter.add.bf16 [tilespmem:s23], [sflag:$0x1], $0x10, s3, s14, $0xb8;
	[tilespmem:$0x14820] =	vst v63  }
0x40: {  	_ = 	snop  }
0x41: {  	[spmem:s2] =	stream.indirect.scatter.add.bf16 [tilespmem:s23], [sflag:$0x2], $0x10, s14, s14, $0xb8;
	[tilespmem:$0x14820] =	vst v63  }
0x42: {  	_ = 	snop  }
0x43: {  	[spmem:s2] =	stream.indirect.scatter.add.bf16 [tilespmem:s23], [sflag:$0x3], $0x10, s15, s14, $0xb8;
	[tilespmem:$0x14820] =	vst v63  }
0x44: {  	_ = 	snop  }
0x45: {  	[spmem:s2] =	stream.indirect.scatter.add.bf16 [tilespmem:s23], [sflag:$0x4], $0x10, s16, s14, $0xb8;
	[tilespmem:$0x14820] =	vst v63  }
0x46: {  	_ = 	snop  }
0x47: {  	[spmem:s2] =	stream.indirect.scatter.add.bf16 [tilespmem:s23], [sflag:$0x5], $0x10, s17, s14, $0xb8;
	[tilespmem:$0x14820] =	vst v63  }
0x48: {  	_ =	swait.ge [sflag:s18], $0x7D00  }
0x49: {  	[sflag:s18] =	ssyncset.done $0x0  }
0x4a: {  	[sflag:s18] =	ssyncadd.s32 $0xFFFF8300  }
0x4b: {  	_ =	swait.ge [sflag:s19], $0x7D00  }
0x4c: {  	[sflag:s19] =	ssyncset.done $0x0  }
0x4d: {  	[sflag:s19] =	ssyncadd.s32 $0xFFFF8300  }
0x4e: {  	_ =	swait.ge [sflag:s20], $0x7D00  }
0x4f: {  	[sflag:s20] =	ssyncset.done $0x0  }
0x50: {  	[sflag:s20] =	ssyncadd.s32 $0xFFFF8300  }
0x51: {  	_ =	swait.ge [sflag:s21], $0x7D00  }
0x52: {  	[sflag:s21] =	ssyncset.done $0x0  }
0x53: {  	[sflag:s21] =	ssyncadd.s32 $0xFFFF8300  }
0x54: {  	_ =	swait.ge [sflag:s22], $0x7D00  }
0x55: {  	[sflag:s22] =	ssyncset.done $0x0  }
0x56: {  	[sflag:s22] =	ssyncadd.s32 $0xFFFF8300  }
0x57: {  	s28 =	sshrl.u32 s9, $0x3;
	[bflag:$0x0] =	sbarrier.arrive $0xFFFF  }
0x58: {  	[hbm:s11], [sflag:s25] =	dma.local [spmem:s28], $0x4E0  }
0x59: {  	_ =	swait.ge [sflag:s24], $0x4E0  }
0x5a: {  	s26 =	sadd.s32 $0x1, s26;
	[sflag:s24] =	ssyncset.done $0x0  }
0x5b: {  	p1 =	sne.s32 s26, s13;
	s28 =	sshrl.u32 @!p0 s10, $0x3;
	[sflag:s24] =	ssyncadd.s32 $0xFFFFFB20  }
0x5c: {  	[hbm:s12], [sflag:s25] =	dma.local @!p0 [spmem:s28], $0x20  }
.Ltmp2:
0x5d: {  	_ = 	snop;
	(pc) =	sbr.rel @p1 .LBB2_1-.Ltmp2, $4  }
0x5e: {  	s28 =	simm.s32 @!p0 $0x6  }
0x5f: {  	_ =	swait.ge @!p0 [sflag:s28], $0x20  }
0x60: {  	[sflag:s28] =	ssyncset.done @!p0 $0x0  }
0x61: {  	[sflag:s28] =	ssyncadd.s32 @!p0 $0xFFFFFFE0  }
0x62: {  	_ =	sfence.sel $0x180000  }
0x63: {  	[bflag:$0x0] =	sbarrier.arrive $0xFFFF  }
0x64: {  	p0 =	sne.s32 s0, $0x0;
	_ =	strace $0x90000047  }
0x65: {  	s0 =	sadd.s32 @!p0 $0x100000, s1;
	[bflag:$0x2] =	sbarrier.arrive $0xFFFF  }
0x66: {  	[sflag:s0] =	ssyncadd.tile.s32 @!p0 $0x1;
	_ =	shalt  }
.Lfunc_end2:
_tile_overlayer_lowered:
.L_overlay_start_2:
0x67: {  	(tag) =	ssettag $0x2  }
0x68: {  	s0 =	rddreg [dreg:$0x0];
	s2 =	stileid.u32  }
0x69: {  	s1 =	rddreg [dreg:$0x1];
	p0 =	sne.s32 s2, $0x0  }
0x6a: {  	s3 =	rddreg [dreg:$0x2];
	[bflag:$0x3] =	sbarrier.arrive $0xFFFF;
	s2 =	simm.s32 @!p0 $0x1C06  }
0x6b: {  	[timem:s3], [sflag:s2] =	dma.local @!p0 [hbm:s0], s1  }
0x6c: {  	s0 =	simm.s32 @!p0 $0x6  }
0x6d: {  	_ =	swait.ge @!p0 [sflag:s0], s1  }
0x6e: {  	s1 =	ssub.s32 @!p0 $0x0, s1;
	[sflag:s0] =	ssyncset.done @!p0 $0x0  }
0x6f: {  	[sflag:s0] =	ssyncadd.s32 @!p0 s1  }
0x70: {  	[bflag:$0x3] =	sbarrier.arrive $0xFFFF  }
0x71: {  	_ =	shalt  }

// kernel: kernel.13.cloned.1.call-start
scs
__scs_entry_jumppad:
0x0: {  	(pc) =	sbr.rel $0x88, $3  }
0x1: {  	(tag) =	ssettag $0x0;
	lr =	simm.s32 $0x1  }
0x2: {  	[smem:$0x3F92] =	sst lr;
	_ =	strace $0xD0000000  }
0x3: {  	_ = 	snop  }
0x4: {  	_ = 	snop  }
0x5: {  	_ = 	snop  }
0x6: {  	_ = 	snop  }
0x7: {  	_ = 	snop  }
__scs_overlays_trampoline_lowered:
0x8: {  	[smem:$0x3FA1] =	sst s0  }
0x9: {  	[smem:$0x3FA2] =	sst s1  }
0xa: {  	[smem:$0x3FA3] =	sst s2  }
0xb: {  	[smem:$0x3FA4] =	sst s3  }
0xc: {  	[smem:$0x3FA5] =	sst s4  }
0xd: {  	[smem:$0x3FA6] =	sst s5  }
0xe: {  	[smem:$0x3FA7] =	sst s6  }
0xf: {  	[smem:$0x3FA8] =	sst s7  }
0x10: {  	[smem:$0x3FA9] =	sst s8  }
0x11: {  	[smem:$0x3FAA] =	sst s9;
	s0 =	simm.s32 @!p0 $0x0  }
0x12: {  	s1 =	sld [smem:$0x3F90];
	s0 =	simm.s32 @p0 $0x1  }
0x13: {  	[smem:$0x3FAB] =	sst s0;
	s0 =	simm.s32 @!p1 $0x0  }
0x14: {  	s2 =	sld [smem:$0x3F8F];
	s0 =	simm.s32 @p1 $0x1  }
0x15: {  	[smem:$0x3FAC] =	sst s0;
	s0 =	simm.s32 @!p2 $0x0  }
0x16: {  	s3 =	sld [smem:$0x3FDB];
	s0 =	simm.s32 @p2 $0x1  }
0x17: {  	s4 =	simm.s32 $0x1BF5;
	[smem:$0x3FAE] =	sst s0  }
0x18: {  	s0 =	sld [smem:$0x3F91];
	_ =	swait.ge [sflag:s4], $0x0  }
0x19: {  	s7 =	sld [smem:$0x3F92]  }
0x1a: {  	s8 =	sadd.s32 $0xFFFFE003, lr  }
0x1b: {  	s9 =	sadd.s32 $0xFFFFFEF7, lr;
	s5 =	simm.s32 $0xFFFFFFFF;
	p2 =	slt.u32 s8, $0xFFFFF086  }
0x1c: {  	p1 =	slt.u32 s9, $0xF7A;
	s5 =	simm.s32 @!p2 $0x0  }
0x1d: {  	s5 =	simm.s32 @p1 $0x1;
	p0 =	seq.s32 s7, s2  }
0x1e: {  	s7 =	smul.u32 @!p0 $0xF7A, s2;
	p2 =	seq.s32 @!p0 s5, $0x0  }
0x1f: {  	s9 =	smul.u32 $0xF7A, s1;
	s8 =	simm.s32 @!p0 $0x1BF5;
	p2 =	por !p2, p0  }
0x20: {  	[sflag:s8] =	ssyncset.s32 @!p0 $0xFFFFF086;
	s6 =	sadd.s32 @!p0 s3, s7;
	s7 =	simm.s32 @!p0 $0x108  }
0x21: {  	s3 =	sadd.s32 s3, s9;
	s6 =	sadd.s32 @!p0 $0x88, s6;
	s7 =	simm.s32 @p2 $0x1082  }
0x22: {  	[simem:s7], [sflag:s8] =	dma.local @!p0 [hbm:s6], $0xF7A  }
0x23: {  	s9 =	sor.u32 $0xD0000000, s2;
	s6 =	simm.s32 $0x108;
	_ =	swait.ge @!p0 [sflag:s8], $0x0  }
0x24: {  	s3 =	sadd.s32 $0x88, s3;
	s6 =	simm.s32 @!p1 $0x1082;
	[sflag:s4] =	ssyncset.s32 $0xFFFFF086  }
0x25: {  	[simem:s6], [sflag:s4] =	dma.local [hbm:s3], $0xF7A  }
0x26: {  	[smem:$0x3F92] =	sst s1;
	(tag) =	ssettag s2;
	_ =	strace s9  }
0x27: {  	s1 =	sld [smem:$0x3FA2]  }
0x28: {  	s2 =	sld [smem:$0x3FA3]  }
0x29: {  	s4 =	sld [smem:$0x3FA5]  }
0x2a: {  	p0 =	seq.s32 s5, $0x0;
	s5 =	sld [smem:$0x3FA6]  }
0x2b: {  	s6 =	sld [smem:$0x3FA7]  }
0x2c: {  	s7 =	sld [smem:$0x3FA8]  }
0x2d: {  	s3 =	simm.s32 $0x108;
	s8 =	sld [smem:$0x3FA9]  }
0x2e: {  	s3 =	simm.s32 @!p0 $0x1082;
	s9 =	sld [smem:$0x3FAA]  }
0x2f: {  	lr =	sadd.s32 s0, s3;
	s0 =	sld [smem:$0x3FA1]  }
0x30: {  	s3 =	sld [smem:$0x3FA4]  }
0x31: {  	[smem:$0x3FAD] =	sst s10  }
0x32: {  	s10 =	sld [smem:$0x3FAB];
	_ =	sdelay $0x3  }
0x33: {  	p0 =	seq.s32 s10, $0x1;
	s10 =	sld [smem:$0x3FAD];
	_ =	sdelay $0x3  }
0x34: {  	[smem:$0x3FAD] =	sst s10  }
0x35: {  	s10 =	sld [smem:$0x3FAC];
	_ =	sdelay $0x3  }
0x36: {  	p1 =	seq.s32 s10, $0x1;
	s10 =	sld [smem:$0x3FAD];
	_ =	sdelay $0x3  }
0x37: {  	[smem:$0x3FAD] =	sst s10  }
0x38: {  	s10 =	sld [smem:$0x3FAE]  }
0x39: {  	_ = 	snop;
	(pc) =	sbr.ind lr, $3  }
0x3a: {  	_ = 	snop  }
0x3b: {  	_ = 	snop  }
0x3c: {  	p2 =	seq.s32 s10, $0x1;
	s10 =	sld [smem:$0x3FAD]  }
0x3d: {  	_ =	shalt  }
0x3e: {  	_ =	shalt  }
0x3f: {  	_ =	shalt  }
0x40: {  	_ =	shalt  }
0x41: {  	_ =	shalt  }
0x42: {  	_ =	shalt  }
0x43: {  	_ =	shalt  }
0x44: {  	_ =	shalt  }
0x45: {  	_ =	shalt  }
0x46: {  	_ =	shalt  }
0x47: {  	_ =	shalt  }
0x48: {  	_ =	shalt  }
0x49: {  	_ =	shalt  }
0x4a: {  	_ =	shalt  }
0x4b: {  	_ =	shalt  }
0x4c: {  	_ =	shalt  }
0x4d: {  	_ =	shalt  }
0x4e: {  	_ =	shalt  }
0x4f: {  	_ =	shalt  }
0x50: {  	_ =	shalt  }
0x51: {  	_ =	shalt  }
0x52: {  	_ =	shalt  }
0x53: {  	_ =	shalt  }
0x54: {  	_ =	shalt  }
0x55: {  	_ =	shalt  }
0x56: {  	_ =	shalt  }
0x57: {  	_ =	shalt  }
0x58: {  	_ =	shalt  }
0x59: {  	_ =	shalt  }
0x5a: {  	_ =	shalt  }
0x5b: {  	_ =	shalt  }
0x5c: {  	_ =	shalt  }
0x5d: {  	_ =	shalt  }
0x5e: {  	_ =	shalt  }
0x5f: {  	_ =	shalt  }
0x60: {  	_ =	shalt  }
0x61: {  	_ =	shalt  }
0x62: {  	_ =	shalt  }
0x63: {  	_ =	shalt  }
0x64: {  	_ =	shalt  }
0x65: {  	_ =	shalt  }
0x66: {  	_ =	shalt  }
0x67: {  	_ =	shalt  }
0x68: {  	_ =	shalt  }
0x69: {  	_ =	shalt  }
0x6a: {  	_ =	shalt  }
0x6b: {  	_ =	shalt  }
0x6c: {  	_ =	shalt  }
0x6d: {  	_ =	shalt  }
0x6e: {  	_ =	shalt  }
0x6f: {  	_ =	shalt  }
0x70: {  	_ =	shalt  }
0x71: {  	_ =	shalt  }
0x72: {  	_ =	shalt  }
0x73: {  	_ =	shalt  }
0x74: {  	_ =	shalt  }
0x75: {  	_ =	shalt  }
0x76: {  	_ =	shalt  }
0x77: {  	_ =	shalt  }
0x78: {  	_ =	shalt  }
0x79: {  	_ =	shalt  }
0x7a: {  	_ =	shalt  }
0x7b: {  	_ =	shalt  }
0x7c: {  	_ =	shalt  }
0x7d: {  	_ =	shalt  }
0x7e: {  	_ =	shalt  }
0x7f: {  	_ =	shalt  }
0x80: {  	_ =	shalt  }
0x81: {  	_ =	shalt  }
0x82: {  	_ =	shalt  }
0x83: {  	_ =	shalt  }
0x84: {  	_ =	shalt  }
0x85: {  	_ =	shalt  }
0x86: {  	_ =	shalt  }
0x87: {  	_ =	shalt  }
.Lfunc_end0:
.L_simem_size_0:
called_computation.1_lowered:
.L_overlay_start_0:
0x88: {  	s2 =	sld [smem:$0x3FD9]  }
0x89: {  	s3 =	sld [smem:$0x3FFE];
	_ =	sdelay $0x1  }
0x8a: {  	s1 =	srdreg.scid  }
0x8b: {  	s0 =	sand.u32 $0x1, s1  }
0x8c: {  	s17 =	sshll.u32 s0, $0xA;
	s2 =	sadd.s32 s3, s2  }
0x8d: {  	s2 =	sadd.s32 s2, s17  }
0x8e: {  	[smem:$0x3FB9] =	sst s2  }
0x8f: {  	_ = 	snop  }
0x90: {  	(tm) =	ssettm $0x1  }
0x91: {  	s18 =	sld [smem:$0x3FFB];
	_ =	sdelay $0x3  }
0x92: {  	_ =	strace s18  }
0x93: {  	s2 =	sld [smem:$0x3FFC];
	_ =	sdelay $0x3  }
0x94: {  	_ =	strace s2  }
0x95: {  	s2 =	sld [smem:$0x3FFD];
	_ =	sdelay $0x3  }
0x96: {  	_ =	strace s2  }
0x97: {  	_ =	strace $0x8FFFFFFF  }
0x98: {  	s19 =	sld [smem:$0x3FDB];
	_ =	sdelay $0x1  }
0x99: {  	s20 =	simm.s32 $_scs_section_size  }
0x9a: {  	s4 =	simm.s32 $_size__tile_overlayer_lowered;
	s5 =	simm.s32 $_tile_overlayer_lowered  }
0x9b: {  	s6 =	simm.s32 $0x1BFF;
	s21 =	sshll.u32 s5, $0x1;
	s3 =	sadd.s32 s20, s19  }
0x9c: {  	s22 =	simm.s32 $0x0;
	s4 =	sshll.u32 s4, $0x1;
	s5 =	sadd.s32 s21, s3  }
0x9d: {  	[timem:s22], [sflag:s6] =	dma.local [hbm:s5], s4  }
0x9e: {  	_ =	swait.ge [sflag:s6], s4  }
0x9f: {  	s4 =	ssub.s32 $0x0, s4;
	[sflag:s6] =	ssyncset.done $0x0  }
0xa0: {  	[sflag:s6] =	ssyncadd.s32 s4;
	_ =	sdelay $0x1  }
0xa1: {  	s23 =	simm.s32 $0x1B8B  }
0xa2: {  	_ =	swait.ge [sflag:s23], $0x1  }
0xa3: {  	[sflag:s23] =	ssyncset.done $0x0  }
0xa4: {  	[sflag:s23] =	ssyncadd.s32 $0xFFFFFFFF  }
0xa5: {  	s4 =	sld [smem:$0x0]  }
0xa6: {  	s5 =	sand.u32 $0xFFFFFFFE, s1  }
0xa7: {  	p0 =	sne.s32 s1, s5  }
0xa8: {  	s5 =	sshll.u32 @p0 s5, $0xE  }
0xa9: {  	s5 =	sadd.s32 @p0 $0x11B8D, s5;
	s6 =	sshll.u32 @p0 s4, $0x11  }
0xaa: {  	s5 =	sor.u32 @p0 s6, s5  }
0xab: {  	[sflag:s5] =	ssyncadd.remote.s32 @p0 $0x1;
	_ =	sdelay $0x1  }
0xac: {  	s5 =	simm.s32 @p0 $0x1B8D  }
0xad: {  	_ =	swait.eq @p0 [sflag:s5], $0x1  }
0xae: {  	[sflag:s5] =	ssyncadd.s32 @p0 $0xFFFFFFFF  }
0xaf: {  	s6 =	sshll.u32 @!p0 s1, $0xE  }
0xb0: {  	s6 =	sor.u32 @!p0 $0x4000, s6;
	s5 =	simm.s32 @!p0 $0x1B8D  }
0xb1: {  	s4 =	sshll.u32 @!p0 s4, $0x11;
	s6 =	sadd.s32 @!p0 $0x11B8D, s6;
	_ =	swait.eq @!p0 [sflag:s5], $0x1  }
0xb2: {  	s4 =	sor.u32 @!p0 s4, s6;
	[sflag:s5] =	ssyncadd.s32 @!p0 $0xFFFFFFFF  }
0xb3: {  	s25 =	simm.s32 $0x1B8E;
	s24 =	sld [smem:$0x3FFE];
	[sflag:s4] =	ssyncadd.remote.s32 @!p0 $0x1  }
0xb4: {  	s26 =	simm.s32 $execute0_lowered;
	[smem:$0x3FD2] =	sst s25  }
0xb5: {  	s5 =	sshll.u32 s26, $0x1;
	_ =	strace $0x80000049;
	[dreg:$0x1] =	wrdreg $0xFFFFFFFF  }
0xb6: {  	s28 =	simm.s32 $_size_execute0_lowered;
	s3 =	sadd.s32 s3, s5;
	[dreg:$0x0] =	wrdreg $0x0  }
0xb7: {  	s5 =	sshll.u32 s28, $0x1;
	[dreg:$0x2] =	wrdreg s3  }
0xb8: {  	[dreg:$0x3] =	wrdreg s5  }
0xb9: {  	[dreg:$0x4] =	wrdreg $0xC0  }
0xba: {  	_ =	task [dreg:s22], $0x5FFFF  }
0xbb: {  	[dreg:$0x1] =	wrdreg $0xFFFFFFFF  }
0xbc: {  	[dreg:$0x0] =	wrdreg $0x60  }
0xbd: {  	[dreg:$0x2] =	wrdreg s24  }
0xbe: {  	[dreg:$0x3] =	wrdreg $0xF2300  }
0xbf: {  	[dreg:$0x4] =	wrdreg $0xA  }
0xc0: {  	_ =	task.clear_ibuf [dreg:s22], $0x5FFFF;
	_ =	strace $0x90000049  }
0xc1: {  	s29 =	simm.s32 $0xA;
	_ =	strace $0x8000004B  }
0xc2: {  	_ =	swait.ge [sflag:s29], $0x1  }
0xc3: {  	[sflag:s29] =	ssyncadd.s32 $0xFFFFFFFF  }
0xc4: {  	_ =	strace $0x9000004B  }
0xc5: {  	_ =	sfence  }
0xc6: {  	s30 =	sld [smem:$0x0];
	_ =	sdelay $0x2  }
0xc7: {  	s31 =	sshll.u32 s1, $0xD;
	s1 =	sshrl.u32 s1, $0x2  }
0xc8: {  	s4 =	sand.u32 $0x4000, s31;
	s1 =	sadd.s32 s1, s30  }
0xc9: {  	s0 =	sor.u32 s4, s0;
	s1 =	sshll.u32 s1, $0x11  }
0xca: {  	s0 =	sor.u32 s1, s0  }
0xcb: {  	s0 =	sadd.s32 $0x8F2B, s0  }
0xcc: {  	[sflag:s0] =	ssyncadd.remote.s32 $0x1  }
0xcd: {  	_ =	sfence.sel $0xFFFF  }
0xce: {  	[dreg:$0x0] =	wrdreg $0xFFFFFFFF;
	(pc) =	sbr.abs _section_cstart, $3  }
0xcf: {  	[dreg:$0x1] =	wrdreg $0xFFFFFFFF  }
0xd0: {  	_ =	task.clear_ibuf [dreg:s22], $0x2FFFF;
	_ =	strace $0x9FFFFFFF  }
0xd1: {  	(tm) =	ssettm $0x7FFFFFFF  }
tec
execute0_lowered:
.L_overlay_start_1:
0x0: {  	(tag) =	ssettag $0x1  }
0x1: {  	s0 =	srdreg.scid  }
0x2: {  	s1 =	rddreg [dreg:$0x0];
	s21 =	stileid.u32  }
0x3: {  	s2 =	rddreg [dreg:$0x1];
	s12 =	smul.u32 $0x27000, s21  }
0x4: {  	s3 =	simm.s32 $0x0;
	s30 =	simm.s32 $0x2A30;
	s13 =	smul.u32 $0x1380, s21  }
0x5: {  	s0 =	sand.u32 $0x1, s0;
	[smem:$0x7FF] =	sst s3;
	s15 =	smul.u32 $0x2710, s21  }
0x6: {  	s8 =	sadd.s32 $0xD400, s1;
	s5 =	sadd.s32 $0x3600, s1;
	s31 =	smul.u32 $0x138800, s0  }
0x7: {  	p0 =	sne.s32 s21, $0xF;
	s4 =	sshll.u32 s0, $0x4;
	s14 =	smul.u32 $0x27100, s0  }
0x8: {  	_ =	strace $0x8000004A;
	s7 =	ssub.s32 $0x2, s0;
	s0 =	smul.u32 $0x13880, s0  }
0x9: {  	s4 =	sor.u32 s21, s4;
	s9 =	sshrl.u32 s7, $0x1;
	s29 =	sshrl.u32 s12, $0x2  }
0xa: {  	s6 =	smul.u32 $0x2710, s4;
	s4 =	sadd.s32 $0x21000, s1;
	s1 =	sadd.s32 $0x34A00, s1  }
0xb: {  	s11 =	ssub.s32 s7, s9;
	s14 =	sadd.s32 s15, s14;
	s0 =	sadd.s32 s13, s0  }
0xc: {  	s12 =	sshrl.u32 s31, $0x4;
	s15 =	sadd.s32 $0x190, s14;
	s0 =	sadd.s32 s1, s0  }
0xd: {  	s18 =	smax.u32 s11, $0x1;
	s19 =	sadd.s32 $0x7D0, s14;
	[dreg:$0x13] =	wrdreg s0  }
0xe: {  	s20 =	sadd.s32 $0x4B0, s14;
	s31 =	sshrl.u32 s14, $0x3;
	[dreg:$0x15] =	wrdreg s18  }
0xf: {  	s22 =	sadd.s32 $0xAF0, s14;
	s17 =	sshrl.u32 s15, $0x3;
	[dreg:$0x3] =	wrdreg s31  }
0x10: {  	s6 =	sshrl.u32 s6, $0x3;
	s0 =	sshrl.u32 s19, $0x3;
	[dreg:$0x5] =	wrdreg s17  }
0x11: {  	s23 =	sshrl.u32 s22, $0x3;
	s10 =	sadd.s32 $0x32, s6;
	[dreg:$0x9] =	wrdreg s0  }
0x12: {  	s25 =	sadd.s32 s5, s6;
	s6 =	sadd.s32 s8, s6;
	[dreg:$0xb] =	wrdreg s23  }
0x13: {  	s22 =	simm.s32 $0x2;
	s24 =	sadd.s32 s5, s10;
	[dreg:$0x10] =	wrdreg s6  }
0x14: {  	s17 =	sshrl.u32 s20, $0x3;
	s26 =	sadd.s32 $0x96, s25;
	[dreg:$0x4] =	wrdreg s24  }
0x15: {  	s20 =	simm.s32 $0x1;
	s28 =	sadd.s32 $0xFA, s25;
	[dreg:$0x7] =	wrdreg s26  }
0x16: {  	s23 =	simm.s32 $0x3;
	s9 =	sadd.s32 $0x4B0, s25;
	[dreg:$0x8] =	wrdreg s28  }
0x17: {  	s0 =	simm.s32 $0x190;
	s10 =	sadd.s32 s8, s10;
	[dreg:$0xc] =	wrdreg s9  }
0x18: {  	s6 =	sadd.s32 $0x64, s6;
	s19 =	sadd.s32 s17, s8;
	[dreg:$0x11] =	wrdreg s10  }
0x19: {  	s9 =	sadd.s32 s29, s2;
	s28 =	sadd.s32 $0x9C000, s2;
	[dreg:$0x12] =	wrdreg s6  }
0x1a: {  	s6 =	sadd.s32 s1, s12;
	s24 =	sadd.s32 $0x960, s14;
	[dreg:$0xd] =	wrdreg s9  }
0x1b: {  	s26 =	sadd.s32 $0x320, s14;
	s7 =	sadd.s32 $0x6400, s9;
	[dreg:$0xf] =	wrdreg s28  }
0x1c: {  	s29 =	sadd.s32 $0x640, s14;
	s16 =	sadd.s32 $0x13800, s6;
	[dreg:$0xe] =	wrdreg s7  }
0x1d: {  	s1 =	simm.s32 $0x8E30;
	s25 =	sshrl.u32 s24, $0x3;
	[dreg:$0x14] =	wrdreg s16  }
0x1e: {  	s6 =	sshrl.u32 s26, $0x3;
	s24 =	simm.s32 $0x4;
	[dreg:$0xa] =	wrdreg s25  }
0x1f: {  	s26 =	simm.s32 $0x6;
	s16 =	sshrl.u32 s29, $0x3;
	[dreg:$0x6] =	wrdreg s6  }
0x20: {  	v0 =	vimm.bf16 $0.0e+00;
	s25 =	simm.s32 $0x5;
	s18 =	sadd.s32 s16, s8;
	s8 =	simm.s32 $0x0  }
.LBB2_1:
0x21: {  	p2 =	por $0x1, $0x1  }
0x22: {  	p1 =	por p2, p2  }
0x23: {  	[dreg:$0x16] =	wrdreg s8;
	s8 =	simm.s32 @!p1 $0x1  }
0x24: {  	_ =	swait.ge @!p1 [sflag:s8], $0x190  }
0x25: {  	s9 =	simm.s32 $0x320;
	s10 =	rddreg [dreg:$0x3];
	[sflag:s8] =	ssyncset.done @!p1 $0x0  }
0x26: {  	s12 =	simm.s32 @!p1 $0x2;
	[sflag:s8] =	ssyncadd.s32 @!p1 $0xFFFFFE70;
	s10 =	sadd.s32 s5, s10  }
0x27: {  	[tilespmem:s9], [sflag:$0x1] =	stream.linear.gather [hbm4b:s10+s3], $0x190, $0x38;
	[tilespmem:$0x18E70] =	vst v63  }
0x28: {  	s11 =	rddreg [dreg:$0x4];
	s8 =	simm.s32 @p1 $0x0;
	s10 =	simm.s32 @p1 $0x4B0  }
0x29: {  	[tilespmem:s10], [sflag:$0x2] =	stream.linear.gather @p1 [hbm4b:s11+s8], $0x190, $0x38;
	[tilespmem:$0x18E70] =	vst v63  }
0x2a: {  	s13 =	simm.s32 @!p1 $0x3;
	_ =	swait.ge @!p1 [sflag:s12], $0x190  }
0x2b: {  	s11 =	simm.s32 @!p2 $0x4B0;
	s10 =	rddreg [dreg:$0x5];
	[sflag:s12] =	ssyncset.done @!p1 $0x0  }
0x2c: {  	[sflag:s12] =	ssyncadd.s32 @!p1 $0xFFFFFE70;
	s10 =	sadd.s32 @!p1 s5, s10;
	s12 =	simm.s32 @!p1 $0x0  }
0x2d: {  	[tilespmem:s11], [sflag:$0x2] =	stream.linear.gather @!p1 [hbm4b:s10+s12], $0x190, $0x38;
	[tilespmem:$0x18E70] =	vst v63  }
0x2e: {  	_ =	swait.ge @!p1 [sflag:s13], $0x190  }
0x2f: {  	s11 =	rddreg [dreg:$0x6];
	[sflag:s13] =	ssyncset.done @!p1 $0x0  }
0x30: {  	s14 =	simm.s32 $0x640;
	[sflag:s13] =	ssyncadd.s32 @!p1 $0xFFFFFE70;
	s10 =	sadd.s32 s5, s11  }
0x31: {  	[tilespmem:s14], [sflag:$0x3] =	stream.linear.gather [hbm4b:s10+s3], $0x190, $0x38;
	[tilespmem:$0x18E70] =	vst v63  }
0x32: {  	s13 =	rddreg [dreg:$0x7];
	s11 =	simm.s32 @!p1 $0x4;
	s10 =	simm.s32 @p1 $0x7D0  }
0x33: {  	[tilespmem:s10], [sflag:$0x4] =	stream.linear.gather @p1 [hbm4b:s13+s8], $0x190, $0x38;
	[tilespmem:$0x18E70] =	vst v63  }
0x34: {  	_ =	swait.ge @!p1 [sflag:s11], $0x190  }
0x35: {  	s10 =	simm.s32 @!p2 $0x7D0;
	[sflag:s11] =	ssyncset.done @!p1 $0x0  }
0x36: {  	s13 =	simm.s32 @!p1 $0x5;
	[sflag:s11] =	ssyncadd.s32 @!p1 $0xFFFFFE70;
	s11 =	sadd.s32 @!p1 s5, s17  }
0x37: {  	[tilespmem:s10], [sflag:$0x4] =	stream.linear.gather @!p1 [hbm4b:s11+s12], $0x190, $0x38;
	[tilespmem:$0x18E70] =	vst v63  }
0x38: {  	_ =	swait.ge @!p1 [sflag:s13], $0x190  }
0x39: {  	[sflag:s13] =	ssyncset.done @!p1 $0x0  }
0x3a: {  	s15 =	sadd.s32 s5, s16;
	s21 =	simm.s32 $0x960;
	[sflag:s13] =	ssyncadd.s32 @!p1 $0xFFFFFE70  }
0x3b: {  	[tilespmem:s21], [sflag:$0x5] =	stream.linear.gather [hbm4b:s15+s3], $0x190, $0x38;
	[tilespmem:$0x18E70] =	vst v63  }
0x3c: {  	s10 =	simm.s32 @p1 $0xAF0;
	s11 =	simm.s32 @!p1 $0x6;
	s13 =	rddreg [dreg:$0x8]  }
0x3d: {  	[tilespmem:s10], [sflag:$0x6] =	stream.linear.gather @p1 [hbm4b:s13+s8], $0x190, $0x38;
	[tilespmem:$0x18E70] =	vst v63  }
0x3e: {  	_ =	swait.ge @!p1 [sflag:s11], $0x190  }
0x3f: {  	s10 =	simm.s32 @!p2 $0xAF0;
	s8 =	rddreg [dreg:$0x9];
	[sflag:s11] =	ssyncset.done @!p1 $0x0  }
0x40: {  	[sflag:s11] =	ssyncadd.s32 @!p1 $0xFFFFFE70;
	s8 =	sadd.s32 @!p1 s5, s8;
	s11 =	simm.s32 @!p1 $0x7  }
0x41: {  	[tilespmem:s10], [sflag:$0x6] =	stream.linear.gather @!p1 [hbm4b:s8+s12], $0x190, $0x38;
	[tilespmem:$0x18E70] =	vst v63  }
0x42: {  	s29 =	simm.s32 $0xC80;
	s14 =	simm.s32 $0x6400;
	_ =	swait.ge @!p1 [sflag:s11], $0x190  }
0x43: {  	p2 =	por $0x0, $0x0;
	s28 =	rddreg [dreg:$0xa];
	[sflag:s11] =	ssyncset.done @!p1 $0x0  }
0x44: {  	s10 =	simm.s32 @!p1 $0x8;
	[sflag:s11] =	ssyncadd.s32 @!p1 $0xFFFFFE70;
	s8 =	sadd.s32 s5, s28  }
0x45: {  	[tilespmem:s29], [sflag:$0x7] =	stream.linear.gather [hbm4b:s8+s3], $0x190, $0x38;
	[tilespmem:$0x18E70] =	vst v63  }
0x46: {  	s15 =	simm.s32 $0x3200;
	s13 =	simm.s32 @!p2 $0x1130;
	_ =	swait.ge @!p1 [sflag:s10], $0x190  }
0x47: {  	s12 =	simm.s32 @!p2 $0x1450;
	s11 =	simm.s32 @!p2 $0x1770;
	[sflag:s10] =	ssyncset.done @!p1 $0x0  }
0x48: {  	s8 =	sadd.s32 $0x190, s5;
	s31 =	rddreg [dreg:$0xb];
	[sflag:s10] =	ssyncadd.s32 @!p1 $0xFFFFFE70  }
0x49: {  	p1 =	por p2, p2;
	s10 =	simm.s32 $0xE10;
	s21 =	sadd.s32 s5, s31  }
.LBB2_2:
0x4a: {  	[tilespmem:s10], [sflag:$0x8] =	stream.linear.gather [hbm4b:s21+s3], $0x190, $0x38;
	[tilespmem:$0x18E70] =	vst v63  }
0x4b: {  	s9 =	smov.u32 s14;
	s29 =	simm.s32 @!p1 $0x1  }
0x4c: {  	p3 =	seq.s32 s9, $0x0;
	_ =	swait.ge @!p1 [sflag:s29], $0x190  }
0x4d: {  	s10 =	sshra.s32 @!p3 s9, $0x2;
	s31 =	rddreg [dreg:$0x3]  }
0x4e: {  	[sflag:s29] =	ssyncset.done @!p1 $0x0;
	s7 =	sadd.s32 @!p3 $0x4B0, s10;
	s28 =	sadd.s32 @!p3 $0x7D0, s10  }
0x4f: {  	s21 =	sadd.s32 @!p3 $0xAF0, s10;
	s10 =	sshra.s32 s15, $0x2;
	s15 =	rddreg [dreg:$0x4]  }
0x50: {  	[sflag:s29] =	ssyncadd.s32 @!p1 $0xFFFFFE70;
	s31 =	sadd.s32 s8, s31;
	s6 =	sadd.s32 $0x320, s10  }
0x51: {  	[tilespmem:s6], [sflag:$0x1] =	stream.linear.gather [hbm4b:s31+s3], $0x190, $0x38;
	[tilespmem:$0x18E70] =	vst v63  }
0x52: {  	s29 =	simm.s32 @p1 $0x0;
	s31 =	simm.s32 @p1 $0x4B0;
	s6 =	simm.s32 @!p1 $0x2  }
0x53: {  	[tilespmem:s31], [sflag:$0x2] =	stream.linear.gather @p1 [hbm4b:s15+s29], $0x190, $0x38;
	[tilespmem:$0x18E70] =	vst v63  }
0x54: {  	s15 =	smov.u32 s9;
	_ =	swait.ge @!p1 [sflag:s6], $0x190  }
0x55: {  	s31 =	simm.s32 @!p1 $0x3;
	s9 =	rddreg [dreg:$0x5];
	[sflag:s6] =	ssyncset.done @!p1 $0x0  }
0x56: {  	[sflag:s6] =	ssyncadd.s32 @!p1 $0xFFFFFE70;
	s6 =	sadd.s32 @!p1 s8, s9;
	s9 =	simm.s32 @!p1 $0x0  }
0x57: {  	[tilespmem:s13], [sflag:$0x2] =	stream.linear.gather @!p1 [hbm4b:s6+s9], $0x190, $0x38;
	[tilespmem:$0x18E70] =	vst v63  }
0x58: {  	_ =	swait.ge @!p1 [sflag:s31], $0x190  }
0x59: {  	s13 =	smov.u32 s7;
	s6 =	rddreg [dreg:$0x6];
	[sflag:s31] =	ssyncset.done @!p1 $0x0  }
0x5a: {  	s7 =	sadd.s32 $0x640, s10;
	[sflag:s31] =	ssyncadd.s32 @!p1 $0xFFFFFE70;
	s6 =	sadd.s32 s8, s6  }
0x5b: {  	[tilespmem:s7], [sflag:$0x3] =	stream.linear.gather [hbm4b:s6+s3], $0x190, $0x38;
	[tilespmem:$0x18E70] =	vst v63  }
0x5c: {  	s31 =	rddreg [dreg:$0x7];
	s6 =	simm.s32 @p1 $0x7D0;
	s7 =	simm.s32 @!p1 $0x4  }
0x5d: {  	[tilespmem:s6], [sflag:$0x4] =	stream.linear.gather @p1 [hbm4b:s31+s29], $0x190, $0x38;
	[tilespmem:$0x18E70] =	vst v63  }
0x5e: {  	_ =	swait.ge @!p1 [sflag:s7], $0x190  }
0x5f: {  	[sflag:s7] =	ssyncset.done @!p1 $0x0  }
0x60: {  	s6 =	sadd.s32 @!p1 s8, s17;
	[sflag:s7] =	ssyncadd.s32 @!p1 $0xFFFFFE70;
	s7 =	simm.s32 @!p1 $0x5  }
0x61: {  	[tilespmem:s12], [sflag:$0x4] =	stream.linear.gather @!p1 [hbm4b:s6+s9], $0x190, $0x38;
	[tilespmem:$0x18E70] =	vst v63  }
0x62: {  	_ =	swait.ge @!p1 [sflag:s7], $0x190  }
0x63: {  	s31 =	sadd.s32 $0x960, s10;
	[sflag:s7] =	ssyncset.done @!p1 $0x0  }
0x64: {  	s12 =	smov.u32 s28;
	s6 =	sadd.s32 s8, s16;
	[sflag:s7] =	ssyncadd.s32 @!p1 $0xFFFFFE70  }
0x65: {  	[tilespmem:s31], [sflag:$0x5] =	stream.linear.gather [hbm4b:s6+s3], $0x190, $0x38;
	[tilespmem:$0x18E70] =	vst v63  }
0x66: {  	s28 =	rddreg [dreg:$0x8];
	s7 =	simm.s32 @!p1 $0x6;
	s6 =	simm.s32 @p1 $0xAF0  }
0x67: {  	[tilespmem:s6], [sflag:$0x6] =	stream.linear.gather @p1 [hbm4b:s28+s29], $0x190, $0x38;
	[tilespmem:$0x18E70] =	vst v63  }
0x68: {  	_ =	swait.ge @!p1 [sflag:s7], $0x190  }
0x69: {  	s6 =	rddreg [dreg:$0x9];
	[sflag:s7] =	ssyncset.done @!p1 $0x0  }
0x6a: {  	[sflag:s7] =	ssyncadd.s32 @!p1 $0xFFFFFE70;
	s6 =	sadd.s32 @!p1 s8, s6;
	s7 =	simm.s32 @!p1 $0x7  }
0x6b: {  	[tilespmem:s11], [sflag:$0x6] =	stream.linear.gather @!p1 [hbm4b:s6+s9], $0x190, $0x38;
	[tilespmem:$0x18E70] =	vst v63  }
0x6c: {  	s14 =	sadd.s32 $0x3200, s14;
	_ =	swait.ge @!p1 [sflag:s7], $0x190  }
0x6d: {  	p2 =	sne.s32 s14, $0x9600;
	s28 =	rddreg [dreg:$0xa];
	[sflag:s7] =	ssyncset.done @!p1 $0x0  }
0x6e: {  	s29 =	sadd.s32 $0xC80, s10;
	[sflag:s7] =	ssyncadd.s32 @!p1 $0xFFFFFE70;
	s6 =	sadd.s32 s8, s28  }
0x6f: {  	[tilespmem:s29], [sflag:$0x7] =	stream.linear.gather [hbm4b:s6+s3], $0x190, $0x38;
	[tilespmem:$0x18E70] =	vst v63  }
.Ltmp0:
0x70: {  	s9 =	simm.s32 @!p1 $0x8;
	(pc) =	sbr.rel @p2 .LBB2_2-.Ltmp0, $4  }
0x71: {  	_ =	swait.ge @!p1 [sflag:s9], $0x190  }
0x72: {  	s10 =	sadd.s32 $0xE10, s10;
	[sflag:s9] =	ssyncset.done @!p1 $0x0  }
0x73: {  	s11 =	smov.u32 s21;
	s31 =	rddreg [dreg:$0xb];
	[sflag:s9] =	ssyncadd.s32 @!p1 $0xFFFFFE70  }
0x74: {  	p1 =	por p3, p3;
	s21 =	sadd.s32 s8, s31;
	s8 =	sadd.s32 $0x190, s8  }
0x75: {  	[tilespmem:s10], [sflag:$0x8] =	stream.linear.gather [hbm4b:s21+s3], $0x190, $0x38;
	[tilespmem:$0x18E70] =	vst v63  }
0x76: {  	s6 =	simm.s32 @!p1 $0x1  }
0x77: {  	s10 =	sshra.s32 s15, $0x2;
	_ =	swait.ge @!p1 [sflag:s6], $0x190  }
0x78: {  	s14 =	simm.s32 @!p1 $0x2;
	s7 =	rddreg [dreg:$0x3];
	[sflag:s6] =	ssyncset.done @!p1 $0x0  }
0x79: {  	s21 =	sadd.s32 $0x320, s10;
	[sflag:s6] =	ssyncadd.s32 @!p1 $0xFFFFFE70;
	s7 =	sadd.s32 s8, s7  }
0x7a: {  	[tilespmem:s21], [sflag:$0x1] =	stream.linear.gather [hbm4b:s7+s3], $0x190, $0x38;
	[tilespmem:$0x18E70] =	vst v63  }
0x7b: {  	s9 =	rddreg [dreg:$0x4];
	s6 =	simm.s32 @p1 $0x0;
	s7 =	simm.s32 @p1 $0x4B0  }
0x7c: {  	[tilespmem:s7], [sflag:$0x2] =	stream.linear.gather @p1 [hbm4b:s9+s6], $0x190, $0x38;
	[tilespmem:$0x18E70] =	vst v63  }
0x7d: {  	_ =	swait.ge @!p1 [sflag:s14], $0x190  }
0x7e: {  	s9 =	simm.s32 @!p1 $0x3;
	s7 =	rddreg [dreg:$0x5];
	[sflag:s14] =	ssyncset.done @!p1 $0x0  }
0x7f: {  	[sflag:s14] =	ssyncadd.s32 @!p1 $0xFFFFFE70;
	s7 =	sadd.s32 @!p1 s8, s7;
	s14 =	simm.s32 @!p1 $0x0  }
0x80: {  	[tilespmem:s13], [sflag:$0x2] =	stream.linear.gather @!p1 [hbm4b:s7+s14], $0x190, $0x38;
	[tilespmem:$0x18E70] =	vst v63  }
0x81: {  	_ =	swait.ge @!p1 [sflag:s9], $0x190  }
0x82: {  	s28 =	rddreg [dreg:$0x6];
	[sflag:s9] =	ssyncset.done @!p1 $0x0  }
0x83: {  	s29 =	sadd.s32 $0x640, s10;
	[sflag:s9] =	ssyncadd.s32 @!p1 $0xFFFFFE70;
	s7 =	sadd.s32 s8, s28  }
0x84: {  	[tilespmem:s29], [sflag:$0x3] =	stream.linear.gather [hbm4b:s7+s3], $0x190, $0x38;
	[tilespmem:$0x18E70] =	vst v63  }
0x85: {  	s13 =	simm.s32 @!p1 $0x4;
	s9 =	rddreg [dreg:$0x7];
	s7 =	simm.s32 @p1 $0x7D0  }
0x86: {  	[tilespmem:s7], [sflag:$0x4] =	stream.linear.gather @p1 [hbm4b:s9+s6], $0x190, $0x38;
	[tilespmem:$0x18E70] =	vst v63  }
0x87: {  	_ =	swait.ge @!p1 [sflag:s13], $0x190  }
0x88: {  	[sflag:s13] =	ssyncset.done @!p1 $0x0  }
0x89: {  	s7 =	sadd.s32 @!p1 s8, s17;
	s9 =	simm.s32 @!p1 $0x5;
	[sflag:s13] =	ssyncadd.s32 @!p1 $0xFFFFFE70  }
0x8a: {  	[tilespmem:s12], [sflag:$0x4] =	stream.linear.gather @!p1 [hbm4b:s7+s14], $0x190, $0x38;
	[tilespmem:$0x18E70] =	vst v63  }
0x8b: {  	_ =	swait.ge @!p1 [sflag:s9], $0x190  }
0x8c: {  	[sflag:s9] =	ssyncset.done @!p1 $0x0  }
0x8d: {  	s31 =	sadd.s32 s8, s16;
	s13 =	sadd.s32 $0x960, s10;
	[sflag:s9] =	ssyncadd.s32 @!p1 $0xFFFFFE70  }
0x8e: {  	[tilespmem:s13], [sflag:$0x5] =	stream.linear.gather [hbm4b:s31+s3], $0x190, $0x38;
	[tilespmem:$0x18E70] =	vst v63  }
0x8f: {  	s7 =	simm.s32 @p1 $0xAF0;
	s12 =	rddreg [dreg:$0x8];
	s9 =	simm.s32 @!p1 $0x6  }
0x90: {  	[tilespmem:s7], [sflag:$0x6] =	stream.linear.gather @p1 [hbm4b:s12+s6], $0x190, $0x38;
	[tilespmem:$0x18E70] =	vst v63  }
0x91: {  	_ =	swait.ge @!p1 [sflag:s9], $0x190  }
0x92: {  	s6 =	rddreg [dreg:$0x9];
	[sflag:s9] =	ssyncset.done @!p1 $0x0  }
0x93: {  	s7 =	simm.s32 @!p1 $0x7;
	[sflag:s9] =	ssyncadd.s32 @!p1 $0xFFFFFE70;
	s6 =	sadd.s32 @!p1 s8, s6  }
0x94: {  	[tilespmem:s11], [sflag:$0x6] =	stream.linear.gather @!p1 [hbm4b:s6+s14], $0x190, $0x38;
	[tilespmem:$0x18E70] =	vst v63  }
0x95: {  	_ =	swait.ge @!p1 [sflag:s7], $0x190  }
0x96: {  	s15 =	sadd.s32 $0xC80, s10;
	s14 =	rddreg [dreg:$0xa];
	[sflag:s7] =	ssyncset.done @!p1 $0x0  }
0x97: {  	s9 =	simm.s32 @!p1 $0x8;
	[sflag:s7] =	ssyncadd.s32 @!p1 $0xFFFFFE70;
	s6 =	sadd.s32 s8, s14  }
0x98: {  	[tilespmem:s15], [sflag:$0x7] =	stream.linear.gather [hbm4b:s6+s3], $0x190, $0x38;
	[tilespmem:$0x18E70] =	vst v63  }
0x99: {  	_ =	swait.ge @!p1 [sflag:s9], $0x190  }
0x9a: {  	s21 =	rddreg [dreg:$0xb];
	[sflag:s9] =	ssyncset.done @!p1 $0x0  }
0x9b: {  	s28 =	sadd.s32 $0xE10, s10;
	[sflag:s9] =	ssyncadd.s32 @!p1 $0xFFFFFE70;
	s6 =	sadd.s32 s8, s21  }
0x9c: {  	[tilespmem:s28], [sflag:$0x8] =	stream.linear.gather [hbm4b:s6+s3], $0x190, $0x38;
	[tilespmem:$0x18E70] =	vst v63  }
0x9d: {  	s29 =	simm.s32 $0x0;
	_ =	swait.ge [sflag:s20], $0x190  }
0x9e: {  	s10 =	simm.s32 $0x100;
	s12 =	simm.s32 $0x28A0;
	[sflag:s20] =	ssyncset.done $0x0  }
0x9f: {  	s8 =	simm.s32 $0x0;
	s31 =	rddreg [dreg:$0xc];
	[sflag:s20] =	ssyncadd.s32 $0xFFFFFE70  }
0xa0: {  	[tilespmem:s12], [sflag:$0x1] =	stream.linear.gather [hbm4b:s31+s29], $0x190, $0x38;
	[tilespmem:$0x18E70] =	vst v63  }
.LBB2_4:
0xa1: {  	p1 =	sne.s32 s10, $0x18F00;
	[tilespmem:s8+$0x2A60] =	vst v0;
	s6 =	smov.u32 s10;
	s10 =	sadd.s32 $0x100, s10  }
.Ltmp1:
0xa2: {  	[tilespmem:s8+$0x2A50] =	vst v0;
	(pc) =	sbr.rel @p1 .LBB2_4-.Ltmp1, $3  }
0xa3: {  	[tilespmem:s8+$0x2A30] =	vst v0  }
0xa4: {  	[tilespmem:s8+$0x2A40] =	vst v0;
	_ =	sdelay $0x1  }
0xa5: {  	s8 =	sshra.s32 s6, $0x2  }
0xa6: {  	[tilespmem:s8+$0x2A60] =	vst v0  }
0xa7: {  	[tilespmem:s8+$0x2A50] =	vst v0  }
0xa8: {  	[tilespmem:s8+$0x2A30] =	vst v0  }
0xa9: {  	[tilespmem:s8+$0x2A40] =	vst v0  }
0xaa: {  	_ =	swait.ge [sflag:s20], $0x190  }
0xab: {  	[sflag:s20] =	ssyncset.done $0x0  }
0xac: {  	[sflag:s20] =	ssyncadd.s32 $0xFFFFFE70  }
0xad: {  	_ =	swait.ge [sflag:s22], $0x190  }
0xae: {  	[sflag:s22] =	ssyncset.done $0x0  }
0xaf: {  	[sflag:s22] =	ssyncadd.s32 $0xFFFFFE70  }
0xb0: {  	_ =	swait.ge [sflag:s23], $0x190  }
0xb1: {  	[sflag:s23] =	ssyncset.done $0x0  }
0xb2: {  	[sflag:s23] =	ssyncadd.s32 $0xFFFFFE70  }
0xb3: {  	_ =	swait.ge [sflag:s24], $0x190  }
0xb4: {  	[sflag:s24] =	ssyncset.done $0x0  }
0xb5: {  	[sflag:s24] =	ssyncadd.s32 $0xFFFFFE70  }
0xb6: {  	_ =	swait.ge [sflag:s25], $0x190  }
0xb7: {  	[sflag:s25] =	ssyncset.done $0x0  }
0xb8: {  	[sflag:s25] =	ssyncadd.s32 $0xFFFFFE70  }
0xb9: {  	_ =	swait.ge [sflag:s26], $0x190  }
0xba: {  	[sflag:s26] =	ssyncset.done $0x0  }
0xbb: {  	s6 =	simm.s32 $0x7;
	[sflag:s26] =	ssyncadd.s32 $0xFFFFFE70  }
0xbc: {  	_ =	swait.ge [sflag:s6], $0x190  }
0xbd: {  	[sflag:s6] =	ssyncset.done $0x0  }
0xbe: {  	s7 =	simm.s32 $0x8;
	[sflag:s6] =	ssyncadd.s32 $0xFFFFFE70  }
0xbf: {  	_ =	swait.ge [sflag:s7], $0x190  }
0xc0: {  	[sflag:s7] =	ssyncset.done $0x0  }
0xc1: {  	s13 =	simm.s32 $0x9;
	s9 =	rddreg [dreg:$0xd];
	[sflag:s7] =	ssyncadd.s32 $0xFFFFFE70  }
0xc2: {  	[spmem:s9] =	stream.linear.scatter [tilespmem:s30], [sflag:$0x9], $0x6400, $0x38;
	[tilespmem:$0x18E70] =	vst v63  }
0xc3: {  	_ =	swait.ge [sflag:s13], $0x6400  }
0xc4: {  	[sflag:s13] =	ssyncset.done $0x0  }
0xc5: {  	s8 =	rddreg [dreg:$0xe];
	[sflag:s13] =	ssyncadd.s32 $0xFFFF9C00  }
0xc6: {  	[spmem:s8] =	stream.linear.scatter [tilespmem:s30], [sflag:$0x9], $0x3800, $0x38;
	[tilespmem:$0x18E70] =	vst v63  }
0xc7: {  	_ =	swait.ge [sflag:s13], $0x3800  }
0xc8: {  	[sflag:s13] =	ssyncset.done $0x0  }
0xc9: {  	s6 =	simm.s32 @!p0 $0x2A30;
	s28 =	rddreg [dreg:$0xf];
	[sflag:s13] =	ssyncadd.s32 $0xFFFFC800  }
0xca: {  	[spmem:s28] =	stream.linear.scatter @!p0 [tilespmem:s6], [sflag:$0x9], $0x400, $0x38;
	[tilespmem:$0x18E70] =	vst v63  }
0xcb: {  	s6 =	simm.s32 @!p0 $0x9  }
0xcc: {  	_ =	swait.ge @!p0 [sflag:s6], $0x400  }
0xcd: {  	[sflag:s6] =	ssyncset.done @!p0 $0x0  }
0xce: {  	s10 =	simm.s32 $0x0;
	s7 =	rddreg [dreg:$0x10];
	[sflag:s6] =	ssyncadd.s32 @!p0 $0xFFFFFC00  }
0xcf: {  	[tilespmem:s10], [sflag:$0x3] =	stream.linear.gather [hbm4b:s7+s10], $0x190, $0x38;
	[tilespmem:$0x18E70] =	vst v63  }
0xd0: {  	s11 =	rddreg [dreg:$0x11]  }
0xd1: {  	[tilespmem:s0], [sflag:$0x4] =	stream.linear.gather [hbm4b:s11+s10], $0x190, $0x38;
	[tilespmem:$0x18E70] =	vst v63  }
0xd2: {  	_ =	swait.ge [sflag:s23], $0x190  }
0xd3: {  	[sflag:s23] =	ssyncset.done $0x0  }
0xd4: {  	[sflag:s23] =	ssyncadd.s32 $0xFFFFFE70  }
0xd5: {  	[tilespmem:s30], [sflag:$0x1] =	stream.indirect.gather [hbm4b:s4+s0], $0x40, s10, s0, $0xb8;
	[tilespmem:$0x18E70] =	vst v63  }
0xd6: {  	[bflag:$0x0] =	sbarrier.arrive $0xFFFF  }
0xd7: {  	_ =	swait.ge [sflag:s24], $0x190  }
0xd8: {  	[sflag:s24] =	ssyncset.done $0x0  }
0xd9: {  	[sflag:s24] =	ssyncadd.s32 $0xFFFFFE70  }
0xda: {  	[tilespmem:s1], [sflag:$0x2] =	stream.indirect.gather [hbm4b:s4+s0], $0x40, s0, s0, $0xb8;
	[tilespmem:$0x18E70] =	vst v63  }
0xdb: {  	_ =	swait.ge [sflag:s20], $0x6400  }
0xdc: {  	[sflag:s20] =	ssyncset.done $0x0  }
0xdd: {  	s14 =	simm.s32 $0x320;
	[sflag:s20] =	ssyncadd.s32 $0xFFFF9C00  }
0xde: {  	[spmem:s2] =	stream.indirect.scatter.add.bf16 [tilespmem:s30], [sflag:$0x5], $0x40, s14, s0, $0xb8;
	[tilespmem:$0x18E70] =	vst v63  }
0xdf: {  	s15 =	rddreg [dreg:$0x12]  }
0xe0: {  	[tilespmem:s10], [sflag:$0x3] =	stream.linear.gather [hbm4b:s15+s10], $0x190, $0x38;
	[tilespmem:$0x18E70] =	vst v63  }
0xe1: {  	_ =	swait.ge [sflag:s23], $0x190  }
0xe2: {  	[sflag:s23] =	ssyncset.done $0x0  }
0xe3: {  	[sflag:s23] =	ssyncadd.s32 $0xFFFFFE70  }
0xe4: {  	_ =	swait.ge [sflag:s25], $0x6400  }
0xe5: {  	[sflag:s25] =	ssyncset.done $0x0  }
0xe6: {  	[sflag:s25] =	ssyncadd.s32 $0xFFFF9C00  }
0xe7: {  	[tilespmem:s30], [sflag:$0x1] =	stream.indirect.gather [hbm4b:s4+s0], $0x40, s3, s0, $0xb8;
	[tilespmem:$0x18E70] =	vst v63  }
0xe8: {  	_ =	swait.ge [sflag:s22], $0x6400  }
0xe9: {  	[sflag:s22] =	ssyncset.done $0x0  }
0xea: {  	s21 =	simm.s32 $0x4B0;
	[sflag:s22] =	ssyncadd.s32 $0xFFFF9C00  }
0xeb: {  	[spmem:s2] =	stream.indirect.scatter.add.bf16 [tilespmem:s1], [sflag:$0x6], $0x40, s21, s0, $0xb8;
	[tilespmem:$0x18E70] =	vst v63  }
0xec: {  	s29 =	sadd.s32 $0x0, s19  }
0xed: {  	[tilespmem:s0], [sflag:$0x4] =	stream.linear.gather [hbm4b:s29+s3], $0x190, $0x38;
	[tilespmem:$0x18E70] =	vst v63  }
0xee: {  	_ =	swait.ge [sflag:s24], $0x190  }
0xef: {  	[sflag:s24] =	ssyncset.done $0x0  }
0xf0: {  	[sflag:s24] =	ssyncadd.s32 $0xFFFFFE70  }
0xf1: {  	_ =	swait.ge [sflag:s26], $0x6400  }
0xf2: {  	[sflag:s26] =	ssyncset.done $0x0  }
0xf3: {  	[sflag:s26] =	ssyncadd.s32 $0xFFFF9C00  }
0xf4: {  	[tilespmem:s1], [sflag:$0x2] =	stream.indirect.gather [hbm4b:s4+s0], $0x40, s0, s0, $0xb8;
	[tilespmem:$0x18E70] =	vst v63  }
0xf5: {  	_ =	swait.ge [sflag:s20], $0x6400  }
0xf6: {  	s31 =	simm.s32 $0x640;
	s8 =	simm.s32 $0x64;
	[sflag:s20] =	ssyncset.done $0x0  }
0xf7: {  	s11 =	sadd.s32 $0x0, s18;
	s10 =	simm.s32 $0x960;
	[sflag:s20] =	ssyncadd.s32 $0xFFFF9C00  }
0xf8: {  	[spmem:s2] =	stream.indirect.scatter.add.bf16 [tilespmem:s30], [sflag:$0x5], $0x40, s31, s0, $0xb8;
	[tilespmem:$0x18E70] =	vst v63  }
.LBB2_6:
0xf9: {  	[tilespmem:s3], [sflag:$0x3] =	stream.linear.gather [hbm4b:s11+s3], $0x190, $0x38;
	[tilespmem:$0x18E70] =	vst v63  }
0xfa: {  	s6 =	smov.u32 s8  }
0xfb: {  	p1 =	sne.s32 s8, $0x3E8;
	s8 =	sadd.s32 $0x64, s8;
	_ =	swait.ge [sflag:s23], $0x190  }
0xfc: {  	[sflag:s23] =	ssyncset.done $0x0  }
0xfd: {  	[sflag:s23] =	ssyncadd.s32 $0xFFFFFE70  }
0xfe: {  	_ =	swait.ge [sflag:s25], $0x6400  }
0xff: {  	[sflag:s25] =	ssyncset.done $0x0  }
0x100: {  	[sflag:s25] =	ssyncadd.s32 $0xFFFF9C00  }
0x101: {  	[tilespmem:s30], [sflag:$0x1] =	stream.indirect.gather [hbm4b:s4+s0], $0x40, s3, s0, $0xb8;
	[tilespmem:$0x18E70] =	vst v63  }
0x102: {  	_ =	swait.ge [sflag:s22], $0x6400  }
0x103: {  	[sflag:s22] =	ssyncset.done $0x0  }
0x104: {  	s7 =	sadd.s32 $0xFFFFFE70, s10;
	[sflag:s22] =	ssyncadd.s32 $0xFFFF9C00  }
0x105: {  	[spmem:s2] =	stream.indirect.scatter.add.bf16 [tilespmem:s1], [sflag:$0x6], $0x40, s7, s0, $0xb8;
	[tilespmem:$0x18E70] =	vst v63  }
0x106: {  	s7 =	sadd.s32 s6, s19  }
0x107: {  	[tilespmem:s0], [sflag:$0x4] =	stream.linear.gather [hbm4b:s7+s3], $0x190, $0x38;
	[tilespmem:$0x18E70] =	vst v63  }
0x108: {  	_ =	swait.ge [sflag:s24], $0x190  }
0x109: {  	[sflag:s24] =	ssyncset.done $0x0  }
0x10a: {  	[sflag:s24] =	ssyncadd.s32 $0xFFFFFE70  }
0x10b: {  	_ =	swait.ge [sflag:s26], $0x6400  }
0x10c: {  	[sflag:s26] =	ssyncset.done $0x0  }
0x10d: {  	[sflag:s26] =	ssyncadd.s32 $0xFFFF9C00  }
0x10e: {  	[tilespmem:s1], [sflag:$0x2] =	stream.indirect.gather [hbm4b:s4+s0], $0x40, s0, s0, $0xb8;
	[tilespmem:$0x18E70] =	vst v63  }
.Ltmp2:
0x10f: {  	_ =	swait.ge [sflag:s20], $0x6400;
	(pc) =	sbr.rel @p1 .LBB2_6-.Ltmp2, $4  }
0x110: {  	[sflag:s20] =	ssyncset.done $0x0  }
0x111: {  	[sflag:s20] =	ssyncadd.s32 $0xFFFF9C00  }
0x112: {  	[spmem:s2] =	stream.indirect.scatter.add.bf16 [tilespmem:s30], [sflag:$0x5], $0x40, s10, s0, $0xb8;
	[tilespmem:$0x18E70] =	vst v63  }
0x113: {  	s11 =	sadd.s32 s6, s18;
	s10 =	sadd.s32 $0x320, s10  }
0x114: {  	[tilespmem:s3], [sflag:$0x3] =	stream.linear.gather [hbm4b:s11+s3], $0x190, $0x38;
	[tilespmem:$0x18E70] =	vst v63  }
0x115: {  	_ =	swait.ge [sflag:s23], $0x190  }
0x116: {  	[sflag:s23] =	ssyncset.done $0x0  }
0x117: {  	[sflag:s23] =	ssyncadd.s32 $0xFFFFFE70  }
0x118: {  	_ =	swait.ge [sflag:s25], $0x6400  }
0x119: {  	[sflag:s25] =	ssyncset.done $0x0  }
0x11a: {  	[sflag:s25] =	ssyncadd.s32 $0xFFFF9C00  }
0x11b: {  	[tilespmem:s30], [sflag:$0x1] =	stream.indirect.gather [hbm4b:s4+s0], $0x40, s3, s0, $0xb8;
	[tilespmem:$0x18E70] =	vst v63  }
0x11c: {  	_ =	swait.ge [sflag:s22], $0x6400  }
0x11d: {  	[sflag:s22] =	ssyncset.done $0x0  }
0x11e: {  	s6 =	simm.s32 $0x2710;
	[sflag:s22] =	ssyncadd.s32 $0xFFFF9C00  }
0x11f: {  	[spmem:s2] =	stream.indirect.scatter.add.bf16 [tilespmem:s1], [sflag:$0x6], $0x40, s6, s0, $0xb8;
	[tilespmem:$0x18E70] =	vst v63  }
0x120: {  	_ =	swait.ge [sflag:s20], $0x6400  }
0x121: {  	[sflag:s20] =	ssyncset.done $0x0  }
0x122: {  	[sflag:s20] =	ssyncadd.s32 $0xFFFF9C00  }
0x123: {  	[spmem:s2] =	stream.indirect.scatter.add.bf16 [tilespmem:s30], [sflag:$0x5], $0x40, s12, s0, $0xb8;
	[tilespmem:$0x18E70] =	vst v63  }
0x124: {  	_ =	swait.ge [sflag:s26], $0x6400  }
0x125: {  	[sflag:s26] =	ssyncset.done $0x0  }
0x126: {  	[sflag:s26] =	ssyncadd.s32 $0xFFFF9C00  }
0x127: {  	_ =	swait.ge [sflag:s25], $0x6400  }
0x128: {  	[sflag:s25] =	ssyncset.done $0x0  }
0x129: {  	s21 =	stileid.u32;
	[sflag:s25] =	ssyncadd.s32 $0xFFFF9C00  }
0x12a: {  	s6 =	sshll.u32 s21, $0x6;
	[bflag:$0x0] =	sbarrier.arrive $0xFFFF  }
0x12b: {  	s7 =	sshrl.u32 s9, $0x3;
	s6 =	sor.u32 $0x1C09, s6;
	s8 =	rddreg [dreg:$0x13]  }
0x12c: {  	[hbm:s8], [sflag:s6] =	dma.local [spmem:s7], $0x1380  }
0x12d: {  	_ =	swait.ge [sflag:s13], $0x1380  }
0x12e: {  	[sflag:s13] =	ssyncset.done $0x0  }
0x12f: {  	s7 =	sshrl.u32 @!p0 s28, $0x3;
	s8 =	rddreg [dreg:$0x14];
	[sflag:s13] =	ssyncadd.s32 $0xFFFFEC80  }
0x130: {  	[hbm:s8], [sflag:s6] =	dma.local @!p0 [spmem:s7], $0x80  }
0x131: {  	s6 =	simm.s32 @!p0 $0x9  }
0x132: {  	_ =	swait.ge @!p0 [sflag:s6], $0x80  }
0x133: {  	s29 =	rddreg [dreg:$0x16]  }
0x134: {  	s31 =	rddreg [dreg:$0x15];
	s8 =	sadd.s32 $0x1, s29  }
0x135: {  	p1 =	sne.s32 s8, s31  }
.Ltmp3:
0x136: {  	_ = 	snop;
	(pc) =	sbr.rel @p1 .LBB2_1-.Ltmp3, $3  }
0x137: {  	_ =	sdelay $0x1  }
0x138: {  	[sflag:s6] =	ssyncset.done @!p0 $0x0  }
0x139: {  	[sflag:s6] =	ssyncadd.s32 @!p0 $0xFFFFFF80  }
0x13a: {  	_ =	sfence.sel $0x180000  }
0x13b: {  	[bflag:$0x0] =	sbarrier.arrive $0xFFFF  }
0x13c: {  	_ =	strace $0x9000004A  }
0x13d: {  	s0 =	stileid.u32;
	[bflag:$0x2] =	sbarrier.arrive $0xFFFF  }
0x13e: {  	p0 =	sne.s32 s0, $0x0;
	s0 =	rddreg [dreg:$0x2]  }
0x13f: {  	s0 =	sadd.s32 @!p0 $0x100000, s0  }
0x140: {  	[sflag:s0] =	ssyncadd.tile.s32 @!p0 $0x1;
	_ =	shalt  }
.Lfunc_end2:
_tile_overlayer_lowered:
.L_overlay_start_2:
0x141: {  	(tag) =	ssettag $0x2  }
0x142: {  	s0 =	rddreg [dreg:$0x0];
	s2 =	stileid.u32  }
0x143: {  	s1 =	rddreg [dreg:$0x1];
	p0 =	sne.s32 s2, $0x0  }
0x144: {  	s3 =	rddreg [dreg:$0x2];
	[bflag:$0x3] =	sbarrier.arrive $0xFFFF;
	s2 =	simm.s32 @!p0 $0x1C09  }
0x145: {  	[timem:s3], [sflag:s2] =	dma.local @!p0 [hbm:s0], s1  }
0x146: {  	s0 =	simm.s32 @!p0 $0x9  }
0x147: {  	_ =	swait.ge @!p0 [sflag:s0], s1  }
0x148: {  	s1 =	ssub.s32 @!p0 $0x0, s1;
	[sflag:s0] =	ssyncset.done @!p0 $0x0  }
0x149: {  	[sflag:s0] =	ssyncadd.s32 @!p0 s1  }
0x14a: {  	[bflag:$0x3] =	sbarrier.arrive $0xFFFF  }
0x14b: {  	_ =	shalt  }

// kernel: kernel.16.cloned.1.call-start
scs
__scs_entry_jumppad:
0x0: {  	(pc) =	sbr.rel $0x88, $3  }
0x1: {  	(tag) =	ssettag $0x0;
	lr =	simm.s32 $0x1  }
0x2: {  	[smem:$0x3F92] =	sst lr;
	_ =	strace $0xD0000000  }
0x3: {  	_ = 	snop  }
0x4: {  	_ = 	snop  }
0x5: {  	_ = 	snop  }
0x6: {  	_ = 	snop  }
0x7: {  	_ = 	snop  }
__scs_overlays_trampoline_lowered:
0x8: {  	[smem:$0x3FA1] =	sst s0  }
0x9: {  	[smem:$0x3FA2] =	sst s1  }
0xa: {  	[smem:$0x3FA3] =	sst s2  }
0xb: {  	[smem:$0x3FA4] =	sst s3  }
0xc: {  	[smem:$0x3FA5] =	sst s4  }
0xd: {  	[smem:$0x3FA6] =	sst s5  }
0xe: {  	[smem:$0x3FA7] =	sst s6  }
0xf: {  	[smem:$0x3FA8] =	sst s7  }
0x10: {  	[smem:$0x3FA9] =	sst s8  }
0x11: {  	[smem:$0x3FAA] =	sst s9;
	s0 =	simm.s32 @!p0 $0x0  }
0x12: {  	s1 =	sld [smem:$0x3F90];
	s0 =	simm.s32 @p0 $0x1  }
0x13: {  	[smem:$0x3FAB] =	sst s0;
	s0 =	simm.s32 @!p1 $0x0  }
0x14: {  	s2 =	sld [smem:$0x3F8F];
	s0 =	simm.s32 @p1 $0x1  }
0x15: {  	[smem:$0x3FAC] =	sst s0;
	s0 =	simm.s32 @!p2 $0x0  }
0x16: {  	s3 =	sld [smem:$0x3FDB];
	s0 =	simm.s32 @p2 $0x1  }
0x17: {  	s4 =	simm.s32 $0x1BF5;
	[smem:$0x3FAE] =	sst s0  }
0x18: {  	s0 =	sld [smem:$0x3F91];
	_ =	swait.ge [sflag:s4], $0x0  }
0x19: {  	s7 =	sld [smem:$0x3F92]  }
0x1a: {  	s8 =	sadd.s32 $0xFFFFE003, lr  }
0x1b: {  	s9 =	sadd.s32 $0xFFFFFEF7, lr;
	s5 =	simm.s32 $0xFFFFFFFF;
	p2 =	slt.u32 s8, $0xFFFFF086  }
0x1c: {  	p1 =	slt.u32 s9, $0xF7A;
	s5 =	simm.s32 @!p2 $0x0  }
0x1d: {  	s5 =	simm.s32 @p1 $0x1;
	p0 =	seq.s32 s7, s2  }
0x1e: {  	s7 =	smul.u32 @!p0 $0xF7A, s2;
	p2 =	seq.s32 @!p0 s5, $0x0  }
0x1f: {  	s9 =	smul.u32 $0xF7A, s1;
	s8 =	simm.s32 @!p0 $0x1BF5;
	p2 =	por !p2, p0  }
0x20: {  	[sflag:s8] =	ssyncset.s32 @!p0 $0xFFFFF086;
	s6 =	sadd.s32 @!p0 s3, s7;
	s7 =	simm.s32 @!p0 $0x108  }
0x21: {  	s3 =	sadd.s32 s3, s9;
	s6 =	sadd.s32 @!p0 $0x88, s6;
	s7 =	simm.s32 @p2 $0x1082  }
0x22: {  	[simem:s7], [sflag:s8] =	dma.local @!p0 [hbm:s6], $0xF7A  }
0x23: {  	s9 =	sor.u32 $0xD0000000, s2;
	s6 =	simm.s32 $0x108;
	_ =	swait.ge @!p0 [sflag:s8], $0x0  }
0x24: {  	s3 =	sadd.s32 $0x88, s3;
	s6 =	simm.s32 @!p1 $0x1082;
	[sflag:s4] =	ssyncset.s32 $0xFFFFF086  }
0x25: {  	[simem:s6], [sflag:s4] =	dma.local [hbm:s3], $0xF7A  }
0x26: {  	[smem:$0x3F92] =	sst s1;
	(tag) =	ssettag s2;
	_ =	strace s9  }
0x27: {  	s1 =	sld [smem:$0x3FA2]  }
0x28: {  	s2 =	sld [smem:$0x3FA3]  }
0x29: {  	s4 =	sld [smem:$0x3FA5]  }
0x2a: {  	p0 =	seq.s32 s5, $0x0;
	s5 =	sld [smem:$0x3FA6]  }
0x2b: {  	s6 =	sld [smem:$0x3FA7]  }
0x2c: {  	s7 =	sld [smem:$0x3FA8]  }
0x2d: {  	s3 =	simm.s32 $0x108;
	s8 =	sld [smem:$0x3FA9]  }
0x2e: {  	s3 =	simm.s32 @!p0 $0x1082;
	s9 =	sld [smem:$0x3FAA]  }
0x2f: {  	lr =	sadd.s32 s0, s3;
	s0 =	sld [smem:$0x3FA1]  }
0x30: {  	s3 =	sld [smem:$0x3FA4]  }
0x31: {  	[smem:$0x3FAD] =	sst s10  }
0x32: {  	s10 =	sld [smem:$0x3FAB];
	_ =	sdelay $0x3  }
0x33: {  	p0 =	seq.s32 s10, $0x1;
	s10 =	sld [smem:$0x3FAD];
	_ =	sdelay $0x3  }
0x34: {  	[smem:$0x3FAD] =	sst s10  }
0x35: {  	s10 =	sld [smem:$0x3FAC];
	_ =	sdelay $0x3  }
0x36: {  	p1 =	seq.s32 s10, $0x1;
	s10 =	sld [smem:$0x3FAD];
	_ =	sdelay $0x3  }
0x37: {  	[smem:$0x3FAD] =	sst s10  }
0x38: {  	s10 =	sld [smem:$0x3FAE]  }
0x39: {  	_ = 	snop;
	(pc) =	sbr.ind lr, $3  }
0x3a: {  	_ = 	snop  }
0x3b: {  	_ = 	snop  }
0x3c: {  	p2 =	seq.s32 s10, $0x1;
	s10 =	sld [smem:$0x3FAD]  }
0x3d: {  	_ =	shalt  }
0x3e: {  	_ =	shalt  }
0x3f: {  	_ =	shalt  }
0x40: {  	_ =	shalt  }
0x41: {  	_ =	shalt  }
0x42: {  	_ =	shalt  }
0x43: {  	_ =	shalt  }
0x44: {  	_ =	shalt  }
0x45: {  	_ =	shalt  }
0x46: {  	_ =	shalt  }
0x47: {  	_ =	shalt  }
0x48: {  	_ =	shalt  }
0x49: {  	_ =	shalt  }
0x4a: {  	_ =	shalt  }
0x4b: {  	_ =	shalt  }
0x4c: {  	_ =	shalt  }
0x4d: {  	_ =	shalt  }
0x4e: {  	_ =	shalt  }
0x4f: {  	_ =	shalt  }
0x50: {  	_ =	shalt  }
0x51: {  	_ =	shalt  }
0x52: {  	_ =	shalt  }
0x53: {  	_ =	shalt  }
0x54: {  	_ =	shalt  }
0x55: {  	_ =	shalt  }
0x56: {  	_ =	shalt  }
0x57: {  	_ =	shalt  }
0x58: {  	_ =	shalt  }
0x59: {  	_ =	shalt  }
0x5a: {  	_ =	shalt  }
0x5b: {  	_ =	shalt  }
0x5c: {  	_ =	shalt  }
0x5d: {  	_ =	shalt  }
0x5e: {  	_ =	shalt  }
0x5f: {  	_ =	shalt  }
0x60: {  	_ =	shalt  }
0x61: {  	_ =	shalt  }
0x62: {  	_ =	shalt  }
0x63: {  	_ =	shalt  }
0x64: {  	_ =	shalt  }
0x65: {  	_ =	shalt  }
0x66: {  	_ =	shalt  }
0x67: {  	_ =	shalt  }
0x68: {  	_ =	shalt  }
0x69: {  	_ =	shalt  }
0x6a: {  	_ =	shalt  }
0x6b: {  	_ =	shalt  }
0x6c: {  	_ =	shalt  }
0x6d: {  	_ =	shalt  }
0x6e: {  	_ =	shalt  }
0x6f: {  	_ =	shalt  }
0x70: {  	_ =	shalt  }
0x71: {  	_ =	shalt  }
0x72: {  	_ =	shalt  }
0x73: {  	_ =	shalt  }
0x74: {  	_ =	shalt  }
0x75: {  	_ =	shalt  }
0x76: {  	_ =	shalt  }
0x77: {  	_ =	shalt  }
0x78: {  	_ =	shalt  }
0x79: {  	_ =	shalt  }
0x7a: {  	_ =	shalt  }
0x7b: {  	_ =	shalt  }
0x7c: {  	_ =	shalt  }
0x7d: {  	_ =	shalt  }
0x7e: {  	_ =	shalt  }
0x7f: {  	_ =	shalt  }
0x80: {  	_ =	shalt  }
0x81: {  	_ =	shalt  }
0x82: {  	_ =	shalt  }
0x83: {  	_ =	shalt  }
0x84: {  	_ =	shalt  }
0x85: {  	_ =	shalt  }
0x86: {  	_ =	shalt  }
0x87: {  	_ =	shalt  }
.Lfunc_end0:
.L_simem_size_0:
called_computation.2_lowered:
.L_overlay_start_0:
0x88: {  	s2 =	sld [smem:$0x3FD9]  }
0x89: {  	s3 =	sld [smem:$0x3FFE];
	_ =	sdelay $0x1  }
0x8a: {  	s1 =	srdreg.scid  }
0x8b: {  	s0 =	sand.u32 $0x1, s1  }
0x8c: {  	s16 =	sshll.u32 s0, $0xA;
	s2 =	sadd.s32 s3, s2  }
0x8d: {  	s2 =	sadd.s32 s2, s16  }
0x8e: {  	[smem:$0x3FB9] =	sst s2  }
0x8f: {  	_ = 	snop  }
0x90: {  	(tm) =	ssettm $0x1  }
0x91: {  	s17 =	sld [smem:$0x3FFB];
	_ =	sdelay $0x3  }
0x92: {  	_ =	strace s17  }
0x93: {  	s2 =	sld [smem:$0x3FFC];
	_ =	sdelay $0x3  }
0x94: {  	_ =	strace s2  }
0x95: {  	s2 =	sld [smem:$0x3FFD];
	_ =	sdelay $0x3  }
0x96: {  	_ =	strace s2  }
0x97: {  	_ =	strace $0x8FFFFFFF  }
0x98: {  	s18 =	sld [smem:$0x3FDB];
	_ =	sdelay $0x1  }
0x99: {  	s19 =	simm.s32 $_scs_section_size  }
0x9a: {  	s4 =	simm.s32 $_size__tile_overlayer_lowered;
	s5 =	simm.s32 $_tile_overlayer_lowered  }
0x9b: {  	s22 =	simm.s32 $0x1BFF;
	s21 =	sshll.u32 s5, $0x1;
	s2 =	sadd.s32 s19, s18  }
0x9c: {  	s6 =	simm.s32 $0x0;
	s20 =	sshll.u32 s4, $0x1;
	s4 =	sadd.s32 s21, s2  }
0x9d: {  	[timem:s6], [sflag:s22] =	dma.local [hbm:s4], s20  }
0x9e: {  	_ =	swait.ge [sflag:s22], s20  }
0x9f: {  	s3 =	ssub.s32 $0x0, s20;
	[sflag:s22] =	ssyncset.done $0x0  }
0xa0: {  	[sflag:s22] =	ssyncadd.s32 s3;
	_ =	sdelay $0x1  }
0xa1: {  	s23 =	simm.s32 $0x1B8B  }
0xa2: {  	_ =	swait.ge [sflag:s23], $0x1  }
0xa3: {  	[sflag:s23] =	ssyncset.done $0x0  }
0xa4: {  	s25 =	simm.s32 $0x1B8E;
	s24 =	sld [smem:$0x3FFE];
	[sflag:s23] =	ssyncadd.s32 $0xFFFFFFFF  }
0xa5: {  	s26 =	simm.s32 $execute0_lowered;
	[smem:$0x3FD2] =	sst s25  }
0xa6: {  	s4 =	sshll.u32 s26, $0x1;
	_ =	strace $0x8000004C;
	[dreg:$0x1] =	wrdreg $0xFFFFFFFF  }
0xa7: {  	s28 =	simm.s32 $_size_execute0_lowered;
	s2 =	sadd.s32 s2, s4;
	[dreg:$0x0] =	wrdreg $0x0  }
0xa8: {  	s4 =	sshll.u32 s28, $0x1;
	[dreg:$0x2] =	wrdreg s2  }
0xa9: {  	[dreg:$0x3] =	wrdreg s4  }
0xaa: {  	[dreg:$0x4] =	wrdreg $0xC0  }
0xab: {  	_ =	task [dreg:s6], $0x5FFFF  }
0xac: {  	[dreg:$0x1] =	wrdreg $0xFFFFFFFF  }
0xad: {  	[dreg:$0x0] =	wrdreg $0x60  }
0xae: {  	[dreg:$0x2] =	wrdreg s24  }
0xaf: {  	[dreg:$0x3] =	wrdreg $0xF2300  }
0xb0: {  	[dreg:$0x4] =	wrdreg $0x9  }
0xb1: {  	_ =	task.clear_ibuf [dreg:s6], $0x5FFFF;
	_ =	strace $0x9000004C  }
0xb2: {  	s29 =	simm.s32 $0x9;
	_ =	strace $0x8000004E  }
0xb3: {  	_ =	swait.ge [sflag:s29], $0x1  }
0xb4: {  	[sflag:s29] =	ssyncadd.s32 $0xFFFFFFFF  }
0xb5: {  	_ =	strace $0x9000004E  }
0xb6: {  	_ =	sfence  }
0xb7: {  	s30 =	sld [smem:$0x0];
	_ =	sdelay $0x2  }
0xb8: {  	s31 =	sshll.u32 s1, $0xD;
	s1 =	sshrl.u32 s1, $0x2  }
0xb9: {  	s3 =	sand.u32 $0x4000, s31;
	s1 =	sadd.s32 s1, s30  }
0xba: {  	s0 =	sor.u32 s3, s0;
	s1 =	sshll.u32 s1, $0x11  }
0xbb: {  	s0 =	sor.u32 s1, s0  }
0xbc: {  	s0 =	sadd.s32 $0x8F2B, s0  }
0xbd: {  	[sflag:s0] =	ssyncadd.remote.s32 $0x1  }
0xbe: {  	_ =	sfence.sel $0xFFFF  }
0xbf: {  	[dreg:$0x0] =	wrdreg $0xFFFFFFFF;
	(pc) =	sbr.abs _section_cstart, $3  }
0xc0: {  	[dreg:$0x1] =	wrdreg $0xFFFFFFFF  }
0xc1: {  	_ =	task.clear_ibuf [dreg:s6], $0x2FFFF;
	_ =	strace $0x9FFFFFFF  }
0xc2: {  	(tm) =	ssettm $0x7FFFFFFF  }
0xc3: {  	_ =	shalt  }
tec
execute0_lowered:
.L_overlay_start_1:
0x0: {  	(tag) =	ssettag $0x1  }
0x1: {  	s0 =	srdreg.scid  }
0x2: {  	s1 =	rddreg [dreg:$0x0];
	s21 =	stileid.u32  }
0x3: {  	s2 =	rddreg [dreg:$0x1];
	s12 =	smul.u32 $0x27000, s21  }
0x4: {  	s3 =	simm.s32 $0x0;
	s30 =	simm.s32 $0x2A30;
	s13 =	smul.u32 $0x1380, s21  }
0x5: {  	s0 =	sand.u32 $0x1, s0;
	[smem:$0x7FF] =	sst s3;
	s15 =	smul.u32 $0x2710, s21  }
0x6: {  	s8 =	sadd.s32 $0xD400, s1;
	s5 =	sadd.s32 $0x3600, s1;
	s31 =	smul.u32 $0x138800, s0  }
0x7: {  	p0 =	sne.s32 s21, $0xF;
	s4 =	sshll.u32 s0, $0x4;
	s14 =	smul.u32 $0x27100, s0  }
0x8: {  	_ =	strace $0x8000004D;
	s7 =	ssub.s32 $0x2, s0;
	s0 =	smul.u32 $0x13880, s0  }
0x9: {  	s4 =	sor.u32 s21, s4;
	s9 =	sshrl.u32 s7, $0x1;
	s29 =	sshrl.u32 s12, $0x2  }
0xa: {  	s6 =	smul.u32 $0x2710, s4;
	s4 =	sadd.s32 $0x17200, s1;
	s1 =	sadd.s32 $0x2AC00, s1  }
0xb: {  	s11 =	ssub.s32 s7, s9;
	s14 =	sadd.s32 s15, s14;
	s0 =	sadd.s32 s13, s0  }
0xc: {  	s12 =	sshrl.u32 s31, $0x4;
	s15 =	sadd.s32 $0x190, s14;
	s0 =	sadd.s32 s1, s0  }
0xd: {  	s18 =	smax.u32 s11, $0x1;
	s19 =	sadd.s32 $0x7D0, s14;
	[dreg:$0x13] =	wrdreg s0  }
0xe: {  	s20 =	sadd.s32 $0x4B0, s14;
	s31 =	sshrl.u32 s14, $0x3;
	[dreg:$0x15] =	wrdreg s18  }
0xf: {  	s22 =	sadd.s32 $0xAF0, s14;
	s17 =	sshrl.u32 s15, $0x3;
	[dreg:$0x3] =	wrdreg s31  }
0x10: {  	s6 =	sshrl.u32 s6, $0x3;
	s0 =	sshrl.u32 s19, $0x3;
	[dreg:$0x5] =	wrdreg s17  }
0x11: {  	s23 =	sshrl.u32 s22, $0x3;
	s10 =	sadd.s32 $0x32, s6;
	[dreg:$0x9] =	wrdreg s0  }
0x12: {  	s25 =	sadd.s32 s5, s6;
	s6 =	sadd.s32 s8, s6;
	[dreg:$0xb] =	wrdreg s23  }
0x13: {  	s22 =	simm.s32 $0x2;
	s24 =	sadd.s32 s5, s10;
	[dreg:$0x10] =	wrdreg s6  }
0x14: {  	s17 =	sshrl.u32 s20, $0x3;
	s26 =	sadd.s32 $0x96, s25;
	[dreg:$0x4] =	wrdreg s24  }
0x15: {  	s20 =	simm.s32 $0x1;
	s28 =	sadd.s32 $0xFA, s25;
	[dreg:$0x7] =	wrdreg s26  }
0x16: {  	s23 =	simm.s32 $0x3;
	s9 =	sadd.s32 $0x4B0, s25;
	[dreg:$0x8] =	wrdreg s28  }
0x17: {  	s0 =	simm.s32 $0x190;
	s10 =	sadd.s32 s8, s10;
	[dreg:$0xc] =	wrdreg s9  }
0x18: {  	s6 =	sadd.s32 $0x64, s6;
	s19 =	sadd.s32 s17, s8;
	[dreg:$0x11] =	wrdreg s10  }
0x19: {  	s9 =	sadd.s32 s29, s2;
	s28 =	sadd.s32 $0x9C000, s2;
	[dreg:$0x12] =	wrdreg s6  }
0x1a: {  	s6 =	sadd.s32 s1, s12;
	s24 =	sadd.s32 $0x960, s14;
	[dreg:$0xd] =	wrdreg s9  }
0x1b: {  	s26 =	sadd.s32 $0x320, s14;
	s7 =	sadd.s32 $0x6400, s9;
	[dreg:$0xf] =	wrdreg s28  }
0x1c: {  	s29 =	sadd.s32 $0x640, s14;
	s16 =	sadd.s32 $0x13800, s6;
	[dreg:$0xe] =	wrdreg s7  }
0x1d: {  	s1 =	simm.s32 $0x8E30;
	s25 =	sshrl.u32 s24, $0x3;
	[dreg:$0x14] =	wrdreg s16  }
0x1e: {  	s6 =	sshrl.u32 s26, $0x3;
	s24 =	simm.s32 $0x4;
	[dreg:$0xa] =	wrdreg s25  }
0x1f: {  	s26 =	simm.s32 $0x6;
	s16 =	sshrl.u32 s29, $0x3;
	[dreg:$0x6] =	wrdreg s6  }
0x20: {  	v0 =	vimm.bf16 $0.0e+00;
	s25 =	simm.s32 $0x5;
	s18 =	sadd.s32 s16, s8;
	s8 =	simm.s32 $0x0  }
.LBB2_1:
0x21: {  	p2 =	por $0x1, $0x1  }
0x22: {  	p1 =	por p2, p2  }
0x23: {  	[dreg:$0x16] =	wrdreg s8;
	s8 =	simm.s32 @!p1 $0x1  }
0x24: {  	_ =	swait.ge @!p1 [sflag:s8], $0x190  }
0x25: {  	s9 =	simm.s32 $0x320;
	s10 =	rddreg [dreg:$0x3];
	[sflag:s8] =	ssyncset.done @!p1 $0x0  }
0x26: {  	s12 =	simm.s32 @!p1 $0x2;
	[sflag:s8] =	ssyncadd.s32 @!p1 $0xFFFFFE70;
	s10 =	sadd.s32 s5, s10  }
0x27: {  	[tilespmem:s9], [sflag:$0x1] =	stream.linear.gather [hbm4b:s10+s3], $0x190, $0x38;
	[tilespmem:$0x18E70] =	vst v63  }
0x28: {  	s11 =	rddreg [dreg:$0x4];
	s8 =	simm.s32 @p1 $0x0;
	s10 =	simm.s32 @p1 $0x4B0  }
0x29: {  	[tilespmem:s10], [sflag:$0x2] =	stream.linear.gather @p1 [hbm4b:s11+s8], $0x190, $0x38;
	[tilespmem:$0x18E70] =	vst v63  }
0x2a: {  	s13 =	simm.s32 @!p1 $0x3;
	_ =	swait.ge @!p1 [sflag:s12], $0x190  }
0x2b: {  	s11 =	simm.s32 @!p2 $0x4B0;
	s10 =	rddreg [dreg:$0x5];
	[sflag:s12] =	ssyncset.done @!p1 $0x0  }
0x2c: {  	[sflag:s12] =	ssyncadd.s32 @!p1 $0xFFFFFE70;
	s10 =	sadd.s32 @!p1 s5, s10;
	s12 =	simm.s32 @!p1 $0x0  }
0x2d: {  	[tilespmem:s11], [sflag:$0x2] =	stream.linear.gather @!p1 [hbm4b:s10+s12], $0x190, $0x38;
	[tilespmem:$0x18E70] =	vst v63  }
0x2e: {  	_ =	swait.ge @!p1 [sflag:s13], $0x190  }
0x2f: {  	s11 =	rddreg [dreg:$0x6];
	[sflag:s13] =	ssyncset.done @!p1 $0x0  }
0x30: {  	s14 =	simm.s32 $0x640;
	[sflag:s13] =	ssyncadd.s32 @!p1 $0xFFFFFE70;
	s10 =	sadd.s32 s5, s11  }
0x31: {  	[tilespmem:s14], [sflag:$0x3] =	stream.linear.gather [hbm4b:s10+s3], $0x190, $0x38;
	[tilespmem:$0x18E70] =	vst v63  }
0x32: {  	s13 =	rddreg [dreg:$0x7];
	s11 =	simm.s32 @!p1 $0x4;
	s10 =	simm.s32 @p1 $0x7D0  }
0x33: {  	[tilespmem:s10], [sflag:$0x4] =	stream.linear.gather @p1 [hbm4b:s13+s8], $0x190, $0x38;
	[tilespmem:$0x18E70] =	vst v63  }
0x34: {  	_ =	swait.ge @!p1 [sflag:s11], $0x190  }
0x35: {  	s10 =	simm.s32 @!p2 $0x7D0;
	[sflag:s11] =	ssyncset.done @!p1 $0x0  }
0x36: {  	s13 =	simm.s32 @!p1 $0x5;
	[sflag:s11] =	ssyncadd.s32 @!p1 $0xFFFFFE70;
	s11 =	sadd.s32 @!p1 s5, s17  }
0x37: {  	[tilespmem:s10], [sflag:$0x4] =	stream.linear.gather @!p1 [hbm4b:s11+s12], $0x190, $0x38;
	[tilespmem:$0x18E70] =	vst v63  }
0x38: {  	_ =	swait.ge @!p1 [sflag:s13], $0x190  }
0x39: {  	[sflag:s13] =	ssyncset.done @!p1 $0x0  }
0x3a: {  	s15 =	sadd.s32 s5, s16;
	s21 =	simm.s32 $0x960;
	[sflag:s13] =	ssyncadd.s32 @!p1 $0xFFFFFE70  }
0x3b: {  	[tilespmem:s21], [sflag:$0x5] =	stream.linear.gather [hbm4b:s15+s3], $0x190, $0x38;
	[tilespmem:$0x18E70] =	vst v63  }
0x3c: {  	s10 =	simm.s32 @p1 $0xAF0;
	s11 =	simm.s32 @!p1 $0x6;
	s13 =	rddreg [dreg:$0x8]  }
0x3d: {  	[tilespmem:s10], [sflag:$0x6] =	stream.linear.gather @p1 [hbm4b:s13+s8], $0x190, $0x38;
	[tilespmem:$0x18E70] =	vst v63  }
0x3e: {  	_ =	swait.ge @!p1 [sflag:s11], $0x190  }
0x3f: {  	s10 =	simm.s32 @!p2 $0xAF0;
	s8 =	rddreg [dreg:$0x9];
	[sflag:s11] =	ssyncset.done @!p1 $0x0  }
0x40: {  	[sflag:s11] =	ssyncadd.s32 @!p1 $0xFFFFFE70;
	s8 =	sadd.s32 @!p1 s5, s8;
	s11 =	simm.s32 @!p1 $0x7  }
0x41: {  	[tilespmem:s10], [sflag:$0x6] =	stream.linear.gather @!p1 [hbm4b:s8+s12], $0x190, $0x38;
	[tilespmem:$0x18E70] =	vst v63  }
0x42: {  	s29 =	simm.s32 $0xC80;
	s14 =	simm.s32 $0x6400;
	_ =	swait.ge @!p1 [sflag:s11], $0x190  }
0x43: {  	p2 =	por $0x0, $0x0;
	s28 =	rddreg [dreg:$0xa];
	[sflag:s11] =	ssyncset.done @!p1 $0x0  }
0x44: {  	s10 =	simm.s32 @!p1 $0x8;
	[sflag:s11] =	ssyncadd.s32 @!p1 $0xFFFFFE70;
	s8 =	sadd.s32 s5, s28  }
0x45: {  	[tilespmem:s29], [sflag:$0x7] =	stream.linear.gather [hbm4b:s8+s3], $0x190, $0x38;
	[tilespmem:$0x18E70] =	vst v63  }
0x46: {  	s15 =	simm.s32 $0x3200;
	s13 =	simm.s32 @!p2 $0x1130;
	_ =	swait.ge @!p1 [sflag:s10], $0x190  }
0x47: {  	s12 =	simm.s32 @!p2 $0x1450;
	s11 =	simm.s32 @!p2 $0x1770;
	[sflag:s10] =	ssyncset.done @!p1 $0x0  }
0x48: {  	s8 =	sadd.s32 $0x190, s5;
	s31 =	rddreg [dreg:$0xb];
	[sflag:s10] =	ssyncadd.s32 @!p1 $0xFFFFFE70  }
0x49: {  	p1 =	por p2, p2;
	s10 =	simm.s32 $0xE10;
	s21 =	sadd.s32 s5, s31  }
.LBB2_2:
0x4a: {  	[tilespmem:s10], [sflag:$0x8] =	stream.linear.gather [hbm4b:s21+s3], $0x190, $0x38;
	[tilespmem:$0x18E70] =	vst v63  }
0x4b: {  	s9 =	smov.u32 s14;
	s29 =	simm.s32 @!p1 $0x1  }
0x4c: {  	p3 =	seq.s32 s9, $0x0;
	_ =	swait.ge @!p1 [sflag:s29], $0x190  }
0x4d: {  	s10 =	sshra.s32 @!p3 s9, $0x2;
	s31 =	rddreg [dreg:$0x3]  }
0x4e: {  	[sflag:s29] =	ssyncset.done @!p1 $0x0;
	s7 =	sadd.s32 @!p3 $0x4B0, s10;
	s28 =	sadd.s32 @!p3 $0x7D0, s10  }
0x4f: {  	s21 =	sadd.s32 @!p3 $0xAF0, s10;
	s10 =	sshra.s32 s15, $0x2;
	s15 =	rddreg [dreg:$0x4]  }
0x50: {  	[sflag:s29] =	ssyncadd.s32 @!p1 $0xFFFFFE70;
	s31 =	sadd.s32 s8, s31;
	s6 =	sadd.s32 $0x320, s10  }
0x51: {  	[tilespmem:s6], [sflag:$0x1] =	stream.linear.gather [hbm4b:s31+s3], $0x190, $0x38;
	[tilespmem:$0x18E70] =	vst v63  }
0x52: {  	s29 =	simm.s32 @p1 $0x0;
	s31 =	simm.s32 @p1 $0x4B0;
	s6 =	simm.s32 @!p1 $0x2  }
0x53: {  	[tilespmem:s31], [sflag:$0x2] =	stream.linear.gather @p1 [hbm4b:s15+s29], $0x190, $0x38;
	[tilespmem:$0x18E70] =	vst v63  }
0x54: {  	s15 =	smov.u32 s9;
	_ =	swait.ge @!p1 [sflag:s6], $0x190  }
0x55: {  	s31 =	simm.s32 @!p1 $0x3;
	s9 =	rddreg [dreg:$0x5];
	[sflag:s6] =	ssyncset.done @!p1 $0x0  }
0x56: {  	[sflag:s6] =	ssyncadd.s32 @!p1 $0xFFFFFE70;
	s6 =	sadd.s32 @!p1 s8, s9;
	s9 =	simm.s32 @!p1 $0x0  }
0x57: {  	[tilespmem:s13], [sflag:$0x2] =	stream.linear.gather @!p1 [hbm4b:s6+s9], $0x190, $0x38;
	[tilespmem:$0x18E70] =	vst v63  }
0x58: {  	_ =	swait.ge @!p1 [sflag:s31], $0x190  }
0x59: {  	s13 =	smov.u32 s7;
	s6 =	rddreg [dreg:$0x6];
	[sflag:s31] =	ssyncset.done @!p1 $0x0  }
0x5a: {  	s7 =	sadd.s32 $0x640, s10;
	[sflag:s31] =	ssyncadd.s32 @!p1 $0xFFFFFE70;
	s6 =	sadd.s32 s8, s6  }
0x5b: {  	[tilespmem:s7], [sflag:$0x3] =	stream.linear.gather [hbm4b:s6+s3], $0x190, $0x38;
	[tilespmem:$0x18E70] =	vst v63  }
0x5c: {  	s31 =	rddreg [dreg:$0x7];
	s6 =	simm.s32 @p1 $0x7D0;
	s7 =	simm.s32 @!p1 $0x4  }
0x5d: {  	[tilespmem:s6], [sflag:$0x4] =	stream.linear.gather @p1 [hbm4b:s31+s29], $0x190, $0x38;
	[tilespmem:$0x18E70] =	vst v63  }
0x5e: {  	_ =	swait.ge @!p1 [sflag:s7], $0x190  }
0x5f: {  	[sflag:s7] =	ssyncset.done @!p1 $0x0  }
0x60: {  	s6 =	sadd.s32 @!p1 s8, s17;
	[sflag:s7] =	ssyncadd.s32 @!p1 $0xFFFFFE70;
	s7 =	simm.s32 @!p1 $0x5  }
0x61: {  	[tilespmem:s12], [sflag:$0x4] =	stream.linear.gather @!p1 [hbm4b:s6+s9], $0x190, $0x38;
	[tilespmem:$0x18E70] =	vst v63  }
0x62: {  	_ =	swait.ge @!p1 [sflag:s7], $0x190  }
0x63: {  	s31 =	sadd.s32 $0x960, s10;
	[sflag:s7] =	ssyncset.done @!p1 $0x0  }
0x64: {  	s12 =	smov.u32 s28;
	s6 =	sadd.s32 s8, s16;
	[sflag:s7] =	ssyncadd.s32 @!p1 $0xFFFFFE70  }
0x65: {  	[tilespmem:s31], [sflag:$0x5] =	stream.linear.gather [hbm4b:s6+s3], $0x190, $0x38;
	[tilespmem:$0x18E70] =	vst v63  }
0x66: {  	s28 =	rddreg [dreg:$0x8];
	s7 =	simm.s32 @!p1 $0x6;
	s6 =	simm.s32 @p1 $0xAF0  }
0x67: {  	[tilespmem:s6], [sflag:$0x6] =	stream.linear.gather @p1 [hbm4b:s28+s29], $0x190, $0x38;
	[tilespmem:$0x18E70] =	vst v63  }
0x68: {  	_ =	swait.ge @!p1 [sflag:s7], $0x190  }
0x69: {  	s6 =	rddreg [dreg:$0x9];
	[sflag:s7] =	ssyncset.done @!p1 $0x0  }
0x6a: {  	[sflag:s7] =	ssyncadd.s32 @!p1 $0xFFFFFE70;
	s6 =	sadd.s32 @!p1 s8, s6;
	s7 =	simm.s32 @!p1 $0x7  }
0x6b: {  	[tilespmem:s11], [sflag:$0x6] =	stream.linear.gather @!p1 [hbm4b:s6+s9], $0x190, $0x38;
	[tilespmem:$0x18E70] =	vst v63  }
0x6c: {  	s14 =	sadd.s32 $0x3200, s14;
	_ =	swait.ge @!p1 [sflag:s7], $0x190  }
0x6d: {  	p2 =	sne.s32 s14, $0x9600;
	s28 =	rddreg [dreg:$0xa];
	[sflag:s7] =	ssyncset.done @!p1 $0x0  }
0x6e: {  	s29 =	sadd.s32 $0xC80, s10;
	[sflag:s7] =	ssyncadd.s32 @!p1 $0xFFFFFE70;
	s6 =	sadd.s32 s8, s28  }
0x6f: {  	[tilespmem:s29], [sflag:$0x7] =	stream.linear.gather [hbm4b:s6+s3], $0x190, $0x38;
	[tilespmem:$0x18E70] =	vst v63  }
.Ltmp0:
0x70: {  	s9 =	simm.s32 @!p1 $0x8;
	(pc) =	sbr.rel @p2 .LBB2_2-.Ltmp0, $4  }
0x71: {  	_ =	swait.ge @!p1 [sflag:s9], $0x190  }
0x72: {  	s10 =	sadd.s32 $0xE10, s10;
	[sflag:s9] =	ssyncset.done @!p1 $0x0  }
0x73: {  	s11 =	smov.u32 s21;
	s31 =	rddreg [dreg:$0xb];
	[sflag:s9] =	ssyncadd.s32 @!p1 $0xFFFFFE70  }
0x74: {  	p1 =	por p3, p3;
	s21 =	sadd.s32 s8, s31;
	s8 =	sadd.s32 $0x190, s8  }
0x75: {  	[tilespmem:s10], [sflag:$0x8] =	stream.linear.gather [hbm4b:s21+s3], $0x190, $0x38;
	[tilespmem:$0x18E70] =	vst v63  }
0x76: {  	s6 =	simm.s32 @!p1 $0x1  }
0x77: {  	s10 =	sshra.s32 s15, $0x2;
	_ =	swait.ge @!p1 [sflag:s6], $0x190  }
0x78: {  	s14 =	simm.s32 @!p1 $0x2;
	s7 =	rddreg [dreg:$0x3];
	[sflag:s6] =	ssyncset.done @!p1 $0x0  }
0x79: {  	s21 =	sadd.s32 $0x320, s10;
	[sflag:s6] =	ssyncadd.s32 @!p1 $0xFFFFFE70;
	s7 =	sadd.s32 s8, s7  }
0x7a: {  	[tilespmem:s21], [sflag:$0x1] =	stream.linear.gather [hbm4b:s7+s3], $0x190, $0x38;
	[tilespmem:$0x18E70] =	vst v63  }
0x7b: {  	s9 =	rddreg [dreg:$0x4];
	s6 =	simm.s32 @p1 $0x0;
	s7 =	simm.s32 @p1 $0x4B0  }
0x7c: {  	[tilespmem:s7], [sflag:$0x2] =	stream.linear.gather @p1 [hbm4b:s9+s6], $0x190, $0x38;
	[tilespmem:$0x18E70] =	vst v63  }
0x7d: {  	_ =	swait.ge @!p1 [sflag:s14], $0x190  }
0x7e: {  	s9 =	simm.s32 @!p1 $0x3;
	s7 =	rddreg [dreg:$0x5];
	[sflag:s14] =	ssyncset.done @!p1 $0x0  }
0x7f: {  	[sflag:s14] =	ssyncadd.s32 @!p1 $0xFFFFFE70;
	s7 =	sadd.s32 @!p1 s8, s7;
	s14 =	simm.s32 @!p1 $0x0  }
0x80: {  	[tilespmem:s13], [sflag:$0x2] =	stream.linear.gather @!p1 [hbm4b:s7+s14], $0x190, $0x38;
	[tilespmem:$0x18E70] =	vst v63  }
0x81: {  	_ =	swait.ge @!p1 [sflag:s9], $0x190  }
0x82: {  	s28 =	rddreg [dreg:$0x6];
	[sflag:s9] =	ssyncset.done @!p1 $0x0  }
0x83: {  	s29 =	sadd.s32 $0x640, s10;
	[sflag:s9] =	ssyncadd.s32 @!p1 $0xFFFFFE70;
	s7 =	sadd.s32 s8, s28  }
0x84: {  	[tilespmem:s29], [sflag:$0x3] =	stream.linear.gather [hbm4b:s7+s3], $0x190, $0x38;
	[tilespmem:$0x18E70] =	vst v63  }
0x85: {  	s13 =	simm.s32 @!p1 $0x4;
	s9 =	rddreg [dreg:$0x7];
	s7 =	simm.s32 @p1 $0x7D0  }
0x86: {  	[tilespmem:s7], [sflag:$0x4] =	stream.linear.gather @p1 [hbm4b:s9+s6], $0x190, $0x38;
	[tilespmem:$0x18E70] =	vst v63  }
0x87: {  	_ =	swait.ge @!p1 [sflag:s13], $0x190  }
0x88: {  	[sflag:s13] =	ssyncset.done @!p1 $0x0  }
0x89: {  	s7 =	sadd.s32 @!p1 s8, s17;
	s9 =	simm.s32 @!p1 $0x5;
	[sflag:s13] =	ssyncadd.s32 @!p1 $0xFFFFFE70  }
0x8a: {  	[tilespmem:s12], [sflag:$0x4] =	stream.linear.gather @!p1 [hbm4b:s7+s14], $0x190, $0x38;
	[tilespmem:$0x18E70] =	vst v63  }
0x8b: {  	_ =	swait.ge @!p1 [sflag:s9], $0x190  }
0x8c: {  	[sflag:s9] =	ssyncset.done @!p1 $0x0  }
0x8d: {  	s31 =	sadd.s32 s8, s16;
	s13 =	sadd.s32 $0x960, s10;
	[sflag:s9] =	ssyncadd.s32 @!p1 $0xFFFFFE70  }
0x8e: {  	[tilespmem:s13], [sflag:$0x5] =	stream.linear.gather [hbm4b:s31+s3], $0x190, $0x38;
	[tilespmem:$0x18E70] =	vst v63  }
0x8f: {  	s7 =	simm.s32 @p1 $0xAF0;
	s12 =	rddreg [dreg:$0x8];
	s9 =	simm.s32 @!p1 $0x6  }
0x90: {  	[tilespmem:s7], [sflag:$0x6] =	stream.linear.gather @p1 [hbm4b:s12+s6], $0x190, $0x38;
	[tilespmem:$0x18E70] =	vst v63  }
0x91: {  	_ =	swait.ge @!p1 [sflag:s9], $0x190  }
0x92: {  	s6 =	rddreg [dreg:$0x9];
	[sflag:s9] =	ssyncset.done @!p1 $0x0  }
0x93: {  	s7 =	simm.s32 @!p1 $0x7;
	[sflag:s9] =	ssyncadd.s32 @!p1 $0xFFFFFE70;
	s6 =	sadd.s32 @!p1 s8, s6  }
0x94: {  	[tilespmem:s11], [sflag:$0x6] =	stream.linear.gather @!p1 [hbm4b:s6+s14], $0x190, $0x38;
	[tilespmem:$0x18E70] =	vst v63  }
0x95: {  	_ =	swait.ge @!p1 [sflag:s7], $0x190  }
0x96: {  	s15 =	sadd.s32 $0xC80, s10;
	s14 =	rddreg [dreg:$0xa];
	[sflag:s7] =	ssyncset.done @!p1 $0x0  }
0x97: {  	s9 =	simm.s32 @!p1 $0x8;
	[sflag:s7] =	ssyncadd.s32 @!p1 $0xFFFFFE70;
	s6 =	sadd.s32 s8, s14  }
0x98: {  	[tilespmem:s15], [sflag:$0x7] =	stream.linear.gather [hbm4b:s6+s3], $0x190, $0x38;
	[tilespmem:$0x18E70] =	vst v63  }
0x99: {  	_ =	swait.ge @!p1 [sflag:s9], $0x190  }
0x9a: {  	s21 =	rddreg [dreg:$0xb];
	[sflag:s9] =	ssyncset.done @!p1 $0x0  }
0x9b: {  	s28 =	sadd.s32 $0xE10, s10;
	[sflag:s9] =	ssyncadd.s32 @!p1 $0xFFFFFE70;
	s6 =	sadd.s32 s8, s21  }
0x9c: {  	[tilespmem:s28], [sflag:$0x8] =	stream.linear.gather [hbm4b:s6+s3], $0x190, $0x38;
	[tilespmem:$0x18E70] =	vst v63  }
0x9d: {  	s29 =	simm.s32 $0x0;
	_ =	swait.ge [sflag:s20], $0x190  }
0x9e: {  	s10 =	simm.s32 $0x100;
	s12 =	simm.s32 $0x28A0;
	[sflag:s20] =	ssyncset.done $0x0  }
0x9f: {  	s8 =	simm.s32 $0x0;
	s31 =	rddreg [dreg:$0xc];
	[sflag:s20] =	ssyncadd.s32 $0xFFFFFE70  }
0xa0: {  	[tilespmem:s12], [sflag:$0x1] =	stream.linear.gather [hbm4b:s31+s29], $0x190, $0x38;
	[tilespmem:$0x18E70] =	vst v63  }
.LBB2_4:
0xa1: {  	p1 =	sne.s32 s10, $0x18F00;
	[tilespmem:s8+$0x2A60] =	vst v0;
	s6 =	smov.u32 s10;
	s10 =	sadd.s32 $0x100, s10  }
.Ltmp1:
0xa2: {  	[tilespmem:s8+$0x2A50] =	vst v0;
	(pc) =	sbr.rel @p1 .LBB2_4-.Ltmp1, $3  }
0xa3: {  	[tilespmem:s8+$0x2A30] =	vst v0  }
0xa4: {  	[tilespmem:s8+$0x2A40] =	vst v0;
	_ =	sdelay $0x1  }
0xa5: {  	s8 =	sshra.s32 s6, $0x2  }
0xa6: {  	[tilespmem:s8+$0x2A60] =	vst v0  }
0xa7: {  	[tilespmem:s8+$0x2A50] =	vst v0  }
0xa8: {  	[tilespmem:s8+$0x2A30] =	vst v0  }
0xa9: {  	[tilespmem:s8+$0x2A40] =	vst v0  }
0xaa: {  	_ =	swait.ge [sflag:s20], $0x190  }
0xab: {  	[sflag:s20] =	ssyncset.done $0x0  }
0xac: {  	[sflag:s20] =	ssyncadd.s32 $0xFFFFFE70  }
0xad: {  	_ =	swait.ge [sflag:s22], $0x190  }
0xae: {  	[sflag:s22] =	ssyncset.done $0x0  }
0xaf: {  	[sflag:s22] =	ssyncadd.s32 $0xFFFFFE70  }
0xb0: {  	_ =	swait.ge [sflag:s23], $0x190  }
0xb1: {  	[sflag:s23] =	ssyncset.done $0x0  }
0xb2: {  	[sflag:s23] =	ssyncadd.s32 $0xFFFFFE70  }
0xb3: {  	_ =	swait.ge [sflag:s24], $0x190  }
0xb4: {  	[sflag:s24] =	ssyncset.done $0x0  }
0xb5: {  	[sflag:s24] =	ssyncadd.s32 $0xFFFFFE70  }
0xb6: {  	_ =	swait.ge [sflag:s25], $0x190  }
0xb7: {  	[sflag:s25] =	ssyncset.done $0x0  }
0xb8: {  	[sflag:s25] =	ssyncadd.s32 $0xFFFFFE70  }
0xb9: {  	_ =	swait.ge [sflag:s26], $0x190  }
0xba: {  	[sflag:s26] =	ssyncset.done $0x0  }
0xbb: {  	s6 =	simm.s32 $0x7;
	[sflag:s26] =	ssyncadd.s32 $0xFFFFFE70  }
0xbc: {  	_ =	swait.ge [sflag:s6], $0x190  }
0xbd: {  	[sflag:s6] =	ssyncset.done $0x0  }
0xbe: {  	s7 =	simm.s32 $0x8;
	[sflag:s6] =	ssyncadd.s32 $0xFFFFFE70  }
0xbf: {  	_ =	swait.ge [sflag:s7], $0x190  }
0xc0: {  	[sflag:s7] =	ssyncset.done $0x0  }
0xc1: {  	s13 =	simm.s32 $0x9;
	s9 =	rddreg [dreg:$0xd];
	[sflag:s7] =	ssyncadd.s32 $0xFFFFFE70  }
0xc2: {  	[spmem:s9] =	stream.linear.scatter [tilespmem:s30], [sflag:$0x9], $0x6400, $0x38;
	[tilespmem:$0x18E70] =	vst v63  }
0xc3: {  	_ =	swait.ge [sflag:s13], $0x6400  }
0xc4: {  	[sflag:s13] =	ssyncset.done $0x0  }
0xc5: {  	s8 =	rddreg [dreg:$0xe];
	[sflag:s13] =	ssyncadd.s32 $0xFFFF9C00  }
0xc6: {  	[spmem:s8] =	stream.linear.scatter [tilespmem:s30], [sflag:$0x9], $0x3800, $0x38;
	[tilespmem:$0x18E70] =	vst v63  }
0xc7: {  	_ =	swait.ge [sflag:s13], $0x3800  }
0xc8: {  	[sflag:s13] =	ssyncset.done $0x0  }
0xc9: {  	s6 =	simm.s32 @!p0 $0x2A30;
	s28 =	rddreg [dreg:$0xf];
	[sflag:s13] =	ssyncadd.s32 $0xFFFFC800  }
0xca: {  	[spmem:s28] =	stream.linear.scatter @!p0 [tilespmem:s6], [sflag:$0x9], $0x400, $0x38;
	[tilespmem:$0x18E70] =	vst v63  }
0xcb: {  	s6 =	simm.s32 @!p0 $0x9  }
0xcc: {  	_ =	swait.ge @!p0 [sflag:s6], $0x400  }
0xcd: {  	[sflag:s6] =	ssyncset.done @!p0 $0x0  }
0xce: {  	s10 =	simm.s32 $0x0;
	s7 =	rddreg [dreg:$0x10];
	[sflag:s6] =	ssyncadd.s32 @!p0 $0xFFFFFC00  }
0xcf: {  	[tilespmem:s10], [sflag:$0x3] =	stream.linear.gather [hbm4b:s7+s10], $0x190, $0x38;
	[tilespmem:$0x18E70] =	vst v63  }
0xd0: {  	s11 =	rddreg [dreg:$0x11]  }
0xd1: {  	[tilespmem:s0], [sflag:$0x4] =	stream.linear.gather [hbm4b:s11+s10], $0x190, $0x38;
	[tilespmem:$0x18E70] =	vst v63  }
0xd2: {  	_ =	swait.ge [sflag:s23], $0x190  }
0xd3: {  	[sflag:s23] =	ssyncset.done $0x0  }
0xd4: {  	[sflag:s23] =	ssyncadd.s32 $0xFFFFFE70  }
0xd5: {  	[tilespmem:s30], [sflag:$0x1] =	stream.indirect.gather [hbm4b:s4+s0], $0x40, s10, s0, $0xb8;
	[tilespmem:$0x18E70] =	vst v63  }
0xd6: {  	[bflag:$0x0] =	sbarrier.arrive $0xFFFF  }
0xd7: {  	_ =	swait.ge [sflag:s24], $0x190  }
0xd8: {  	[sflag:s24] =	ssyncset.done $0x0  }
0xd9: {  	[sflag:s24] =	ssyncadd.s32 $0xFFFFFE70  }
0xda: {  	[tilespmem:s1], [sflag:$0x2] =	stream.indirect.gather [hbm4b:s4+s0], $0x40, s0, s0, $0xb8;
	[tilespmem:$0x18E70] =	vst v63  }
0xdb: {  	_ =	swait.ge [sflag:s20], $0x6400  }
0xdc: {  	[sflag:s20] =	ssyncset.done $0x0  }
0xdd: {  	s14 =	simm.s32 $0x320;
	[sflag:s20] =	ssyncadd.s32 $0xFFFF9C00  }
0xde: {  	[spmem:s2] =	stream.indirect.scatter.add.bf16 [tilespmem:s30], [sflag:$0x5], $0x40, s14, s0, $0xb8;
	[tilespmem:$0x18E70] =	vst v63  }
0xdf: {  	s15 =	rddreg [dreg:$0x12]  }
0xe0: {  	[tilespmem:s10], [sflag:$0x3] =	stream.linear.gather [hbm4b:s15+s10], $0x190, $0x38;
	[tilespmem:$0x18E70] =	vst v63  }
0xe1: {  	_ =	swait.ge [sflag:s23], $0x190  }
0xe2: {  	[sflag:s23] =	ssyncset.done $0x0  }
0xe3: {  	[sflag:s23] =	ssyncadd.s32 $0xFFFFFE70  }
0xe4: {  	_ =	swait.ge [sflag:s25], $0x6400  }
0xe5: {  	[sflag:s25] =	ssyncset.done $0x0  }
0xe6: {  	[sflag:s25] =	ssyncadd.s32 $0xFFFF9C00  }
0xe7: {  	[tilespmem:s30], [sflag:$0x1] =	stream.indirect.gather [hbm4b:s4+s0], $0x40, s3, s0, $0xb8;
	[tilespmem:$0x18E70] =	vst v63  }
0xe8: {  	_ =	swait.ge [sflag:s22], $0x6400  }
0xe9: {  	[sflag:s22] =	ssyncset.done $0x0  }
0xea: {  	s21 =	simm.s32 $0x4B0;
	[sflag:s22] =	ssyncadd.s32 $0xFFFF9C00  }
0xeb: {  	[spmem:s2] =	stream.indirect.scatter.add.bf16 [tilespmem:s1], [sflag:$0x6], $0x40, s21, s0, $0xb8;
	[tilespmem:$0x18E70] =	vst v63  }
0xec: {  	s29 =	sadd.s32 $0x0, s19  }
0xed: {  	[tilespmem:s0], [sflag:$0x4] =	stream.linear.gather [hbm4b:s29+s3], $0x190, $0x38;
	[tilespmem:$0x18E70] =	vst v63  }
0xee: {  	_ =	swait.ge [sflag:s24], $0x190  }
0xef: {  	[sflag:s24] =	ssyncset.done $0x0  }
0xf0: {  	[sflag:s24] =	ssyncadd.s32 $0xFFFFFE70  }
0xf1: {  	_ =	swait.ge [sflag:s26], $0x6400  }
0xf2: {  	[sflag:s26] =	ssyncset.done $0x0  }
0xf3: {  	[sflag:s26] =	ssyncadd.s32 $0xFFFF9C00  }
0xf4: {  	[tilespmem:s1], [sflag:$0x2] =	stream.indirect.gather [hbm4b:s4+s0], $0x40, s0, s0, $0xb8;
	[tilespmem:$0x18E70] =	vst v63  }
0xf5: {  	_ =	swait.ge [sflag:s20], $0x6400  }
0xf6: {  	s31 =	simm.s32 $0x640;
	s8 =	simm.s32 $0x64;
	[sflag:s20] =	ssyncset.done $0x0  }
0xf7: {  	s11 =	sadd.s32 $0x0, s18;
	s10 =	simm.s32 $0x960;
	[sflag:s20] =	ssyncadd.s32 $0xFFFF9C00  }
0xf8: {  	[spmem:s2] =	stream.indirect.scatter.add.bf16 [tilespmem:s30], [sflag:$0x5], $0x40, s31, s0, $0xb8;
	[tilespmem:$0x18E70] =	vst v63  }
.LBB2_6:
0xf9: {  	[tilespmem:s3], [sflag:$0x3] =	stream.linear.gather [hbm4b:s11+s3], $0x190, $0x38;
	[tilespmem:$0x18E70] =	vst v63  }
0xfa: {  	s6 =	smov.u32 s8  }
0xfb: {  	p1 =	sne.s32 s8, $0x3E8;
	s8 =	sadd.s32 $0x64, s8;
	_ =	swait.ge [sflag:s23], $0x190  }
0xfc: {  	[sflag:s23] =	ssyncset.done $0x0  }
0xfd: {  	[sflag:s23] =	ssyncadd.s32 $0xFFFFFE70  }
0xfe: {  	_ =	swait.ge [sflag:s25], $0x6400  }
0xff: {  	[sflag:s25] =	ssyncset.done $0x0  }
0x100: {  	[sflag:s25] =	ssyncadd.s32 $0xFFFF9C00  }
0x101: {  	[tilespmem:s30], [sflag:$0x1] =	stream.indirect.gather [hbm4b:s4+s0], $0x40, s3, s0, $0xb8;
	[tilespmem:$0x18E70] =	vst v63  }
0x102: {  	_ =	swait.ge [sflag:s22], $0x6400  }
0x103: {  	[sflag:s22] =	ssyncset.done $0x0  }
0x104: {  	s7 =	sadd.s32 $0xFFFFFE70, s10;
	[sflag:s22] =	ssyncadd.s32 $0xFFFF9C00  }
0x105: {  	[spmem:s2] =	stream.indirect.scatter.add.bf16 [tilespmem:s1], [sflag:$0x6], $0x40, s7, s0, $0xb8;
	[tilespmem:$0x18E70] =	vst v63  }
0x106: {  	s7 =	sadd.s32 s6, s19  }
0x107: {  	[tilespmem:s0], [sflag:$0x4] =	stream.linear.gather [hbm4b:s7+s3], $0x190, $0x38;
	[tilespmem:$0x18E70] =	vst v63  }
0x108: {  	_ =	swait.ge [sflag:s24], $0x190  }
0x109: {  	[sflag:s24] =	ssyncset.done $0x0  }
0x10a: {  	[sflag:s24] =	ssyncadd.s32 $0xFFFFFE70  }
0x10b: {  	_ =	swait.ge [sflag:s26], $0x6400  }
0x10c: {  	[sflag:s26] =	ssyncset.done $0x0  }
0x10d: {  	[sflag:s26] =	ssyncadd.s32 $0xFFFF9C00  }
0x10e: {  	[tilespmem:s1], [sflag:$0x2] =	stream.indirect.gather [hbm4b:s4+s0], $0x40, s0, s0, $0xb8;
	[tilespmem:$0x18E70] =	vst v63  }
.Ltmp2:
0x10f: {  	_ =	swait.ge [sflag:s20], $0x6400;
	(pc) =	sbr.rel @p1 .LBB2_6-.Ltmp2, $4  }
0x110: {  	[sflag:s20] =	ssyncset.done $0x0  }
0x111: {  	[sflag:s20] =	ssyncadd.s32 $0xFFFF9C00  }
0x112: {  	[spmem:s2] =	stream.indirect.scatter.add.bf16 [tilespmem:s30], [sflag:$0x5], $0x40, s10, s0, $0xb8;
	[tilespmem:$0x18E70] =	vst v63  }
0x113: {  	s11 =	sadd.s32 s6, s18;
	s10 =	sadd.s32 $0x320, s10  }
0x114: {  	[tilespmem:s3], [sflag:$0x3] =	stream.linear.gather [hbm4b:s11+s3], $0x190, $0x38;
	[tilespmem:$0x18E70] =	vst v63  }
0x115: {  	_ =	swait.ge [sflag:s23], $0x190  }
0x116: {  	[sflag:s23] =	ssyncset.done $0x0  }
0x117: {  	[sflag:s23] =	ssyncadd.s32 $0xFFFFFE70  }
0x118: {  	_ =	swait.ge [sflag:s25], $0x6400  }
0x119: {  	[sflag:s25] =	ssyncset.done $0x0  }
0x11a: {  	[sflag:s25] =	ssyncadd.s32 $0xFFFF9C00  }
0x11b: {  	[tilespmem:s30], [sflag:$0x1] =	stream.indirect.gather [hbm4b:s4+s0], $0x40, s3, s0, $0xb8;
	[tilespmem:$0x18E70] =	vst v63  }
0x11c: {  	_ =	swait.ge [sflag:s22], $0x6400  }
0x11d: {  	[sflag:s22] =	ssyncset.done $0x0  }
0x11e: {  	s6 =	simm.s32 $0x2710;
	[sflag:s22] =	ssyncadd.s32 $0xFFFF9C00  }
0x11f: {  	[spmem:s2] =	stream.indirect.scatter.add.bf16 [tilespmem:s1], [sflag:$0x6], $0x40, s6, s0, $0xb8;
	[tilespmem:$0x18E70] =	vst v63  }
0x120: {  	_ =	swait.ge [sflag:s20], $0x6400  }
0x121: {  	[sflag:s20] =	ssyncset.done $0x0  }
0x122: {  	[sflag:s20] =	ssyncadd.s32 $0xFFFF9C00  }
0x123: {  	[spmem:s2] =	stream.indirect.scatter.add.bf16 [tilespmem:s30], [sflag:$0x5], $0x40, s12, s0, $0xb8;
	[tilespmem:$0x18E70] =	vst v63  }
0x124: {  	_ =	swait.ge [sflag:s26], $0x6400  }
0x125: {  	[sflag:s26] =	ssyncset.done $0x0  }
0x126: {  	[sflag:s26] =	ssyncadd.s32 $0xFFFF9C00  }
0x127: {  	_ =	swait.ge [sflag:s25], $0x6400  }
0x128: {  	[sflag:s25] =	ssyncset.done $0x0  }
0x129: {  	s21 =	stileid.u32;
	[sflag:s25] =	ssyncadd.s32 $0xFFFF9C00  }
0x12a: {  	s6 =	sshll.u32 s21, $0x6;
	[bflag:$0x0] =	sbarrier.arrive $0xFFFF  }
0x12b: {  	s7 =	sshrl.u32 s9, $0x3;
	s6 =	sor.u32 $0x1C09, s6;
	s8 =	rddreg [dreg:$0x13]  }
0x12c: {  	[hbm:s8], [sflag:s6] =	dma.local [spmem:s7], $0x1380  }
0x12d: {  	_ =	swait.ge [sflag:s13], $0x1380  }
0x12e: {  	[sflag:s13] =	ssyncset.done $0x0  }
0x12f: {  	s7 =	sshrl.u32 @!p0 s28, $0x3;
	s8 =	rddreg [dreg:$0x14];
	[sflag:s13] =	ssyncadd.s32 $0xFFFFEC80  }
0x130: {  	[hbm:s8], [sflag:s6] =	dma.local @!p0 [spmem:s7], $0x80  }
0x131: {  	s6 =	simm.s32 @!p0 $0x9  }
0x132: {  	_ =	swait.ge @!p0 [sflag:s6], $0x80  }
0x133: {  	s29 =	rddreg [dreg:$0x16]  }
0x134: {  	s31 =	rddreg [dreg:$0x15];
	s8 =	sadd.s32 $0x1, s29  }
0x135: {  	p1 =	sne.s32 s8, s31  }
.Ltmp3:
0x136: {  	_ = 	snop;
	(pc) =	sbr.rel @p1 .LBB2_1-.Ltmp3, $3  }
0x137: {  	_ =	sdelay $0x1  }
0x138: {  	[sflag:s6] =	ssyncset.done @!p0 $0x0  }
0x139: {  	[sflag:s6] =	ssyncadd.s32 @!p0 $0xFFFFFF80  }
0x13a: {  	_ =	sfence.sel $0x180000  }
0x13b: {  	[bflag:$0x0] =	sbarrier.arrive $0xFFFF  }
0x13c: {  	_ =	strace $0x9000004D  }
0x13d: {  	s0 =	stileid.u32;
	[bflag:$0x2] =	sbarrier.arrive $0xFFFF  }
0x13e: {  	p0 =	sne.s32 s0, $0x0;
	s0 =	rddreg [dreg:$0x2]  }
0x13f: {  	s0 =	sadd.s32 @!p0 $0x100000, s0  }
0x140: {  	[sflag:s0] =	ssyncadd.tile.s32 @!p0 $0x1;
	_ =	shalt  }
.Lfunc_end2:
_tile_overlayer_lowered:
.L_overlay_start_2:
0x141: {  	(tag) =	ssettag $0x2  }
0x142: {  	s0 =	rddreg [dreg:$0x0];
	s2 =	stileid.u32  }
0x143: {  	s1 =	rddreg [dreg:$0x1];
	p0 =	sne.s32 s2, $0x0  }
0x144: {  	s3 =	rddreg [dreg:$0x2];
	[bflag:$0x3] =	sbarrier.arrive $0xFFFF;
	s2 =	simm.s32 @!p0 $0x1C09  }
0x145: {  	[timem:s3], [sflag:s2] =	dma.local @!p0 [hbm:s0], s1  }
0x146: {  	s0 =	simm.s32 @!p0 $0x9  }
0x147: {  	_ =	swait.ge @!p0 [sflag:s0], s1  }
0x148: {  	s1 =	ssub.s32 @!p0 $0x0, s1;
	[sflag:s0] =	ssyncset.done @!p0 $0x0  }
0x149: {  	[sflag:s0] =	ssyncadd.s32 @!p0 s1  }
0x14a: {  	[bflag:$0x3] =	sbarrier.arrive $0xFFFF  }
0x14b: {  	_ =	shalt  }

// kernel: kernel.19.cloned.1.call-start
scs
__scs_entry_jumppad:
0x0: {  	(pc) =	sbr.rel $0x88, $3  }
0x1: {  	(tag) =	ssettag $0x0;
	lr =	simm.s32 $0x1  }
0x2: {  	[smem:$0x3F92] =	sst lr;
	_ =	strace $0xD0000000  }
0x3: {  	_ = 	snop  }
0x4: {  	_ = 	snop  }
0x5: {  	_ = 	snop  }
0x6: {  	_ = 	snop  }
0x7: {  	_ = 	snop  }
__scs_overlays_trampoline_lowered:
0x8: {  	[smem:$0x3FA1] =	sst s0  }
0x9: {  	[smem:$0x3FA2] =	sst s1  }
0xa: {  	[smem:$0x3FA3] =	sst s2  }
0xb: {  	[smem:$0x3FA4] =	sst s3  }
0xc: {  	[smem:$0x3FA5] =	sst s4  }
0xd: {  	[smem:$0x3FA6] =	sst s5  }
0xe: {  	[smem:$0x3FA7] =	sst s6  }
0xf: {  	[smem:$0x3FA8] =	sst s7  }
0x10: {  	[smem:$0x3FA9] =	sst s8  }
0x11: {  	[smem:$0x3FAA] =	sst s9;
	s0 =	simm.s32 @!p0 $0x0  }
0x12: {  	s1 =	sld [smem:$0x3F90];
	s0 =	simm.s32 @p0 $0x1  }
0x13: {  	[smem:$0x3FAB] =	sst s0;
	s0 =	simm.s32 @!p1 $0x0  }
0x14: {  	s2 =	sld [smem:$0x3F8F];
	s0 =	simm.s32 @p1 $0x1  }
0x15: {  	[smem:$0x3FAC] =	sst s0;
	s0 =	simm.s32 @!p2 $0x0  }
0x16: {  	s3 =	sld [smem:$0x3FDB];
	s0 =	simm.s32 @p2 $0x1  }
0x17: {  	s4 =	simm.s32 $0x1BF5;
	[smem:$0x3FAE] =	sst s0  }
0x18: {  	s0 =	sld [smem:$0x3F91];
	_ =	swait.ge [sflag:s4], $0x0  }
0x19: {  	s7 =	sld [smem:$0x3F92]  }
0x1a: {  	s8 =	sadd.s32 $0xFFFFE003, lr  }
0x1b: {  	s9 =	sadd.s32 $0xFFFFFEF7, lr;
	s5 =	simm.s32 $0xFFFFFFFF;
	p2 =	slt.u32 s8, $0xFFFFF086  }
0x1c: {  	p1 =	slt.u32 s9, $0xF7A;
	s5 =	simm.s32 @!p2 $0x0  }
0x1d: {  	s5 =	simm.s32 @p1 $0x1;
	p0 =	seq.s32 s7, s2  }
0x1e: {  	s7 =	smul.u32 @!p0 $0xF7A, s2;
	p2 =	seq.s32 @!p0 s5, $0x0  }
0x1f: {  	s9 =	smul.u32 $0xF7A, s1;
	s8 =	simm.s32 @!p0 $0x1BF5;
	p2 =	por !p2, p0  }
0x20: {  	[sflag:s8] =	ssyncset.s32 @!p0 $0xFFFFF086;
	s6 =	sadd.s32 @!p0 s3, s7;
	s7 =	simm.s32 @!p0 $0x108  }
0x21: {  	s3 =	sadd.s32 s3, s9;
	s6 =	sadd.s32 @!p0 $0x88, s6;
	s7 =	simm.s32 @p2 $0x1082  }
0x22: {  	[simem:s7], [sflag:s8] =	dma.local @!p0 [hbm:s6], $0xF7A  }
0x23: {  	s9 =	sor.u32 $0xD0000000, s2;
	s6 =	simm.s32 $0x108;
	_ =	swait.ge @!p0 [sflag:s8], $0x0  }
0x24: {  	s3 =	sadd.s32 $0x88, s3;
	s6 =	simm.s32 @!p1 $0x1082;
	[sflag:s4] =	ssyncset.s32 $0xFFFFF086  }
0x25: {  	[simem:s6], [sflag:s4] =	dma.local [hbm:s3], $0xF7A  }
0x26: {  	[smem:$0x3F92] =	sst s1;
	(tag) =	ssettag s2;
	_ =	strace s9  }
0x27: {  	s1 =	sld [smem:$0x3FA2]  }
0x28: {  	s2 =	sld [smem:$0x3FA3]  }
0x29: {  	s4 =	sld [smem:$0x3FA5]  }
0x2a: {  	p0 =	seq.s32 s5, $0x0;
	s5 =	sld [smem:$0x3FA6]  }
0x2b: {  	s6 =	sld [smem:$0x3FA7]  }
0x2c: {  	s7 =	sld [smem:$0x3FA8]  }
0x2d: {  	s3 =	simm.s32 $0x108;
	s8 =	sld [smem:$0x3FA9]  }
0x2e: {  	s3 =	simm.s32 @!p0 $0x1082;
	s9 =	sld [smem:$0x3FAA]  }
0x2f: {  	lr =	sadd.s32 s0, s3;
	s0 =	sld [smem:$0x3FA1]  }
0x30: {  	s3 =	sld [smem:$0x3FA4]  }
0x31: {  	[smem:$0x3FAD] =	sst s10  }
0x32: {  	s10 =	sld [smem:$0x3FAB];
	_ =	sdelay $0x3  }
0x33: {  	p0 =	seq.s32 s10, $0x1;
	s10 =	sld [smem:$0x3FAD];
	_ =	sdelay $0x3  }
0x34: {  	[smem:$0x3FAD] =	sst s10  }
0x35: {  	s10 =	sld [smem:$0x3FAC];
	_ =	sdelay $0x3  }
0x36: {  	p1 =	seq.s32 s10, $0x1;
	s10 =	sld [smem:$0x3FAD];
	_ =	sdelay $0x3  }
0x37: {  	[smem:$0x3FAD] =	sst s10  }
0x38: {  	s10 =	sld [smem:$0x3FAE]  }
0x39: {  	_ = 	snop;
	(pc) =	sbr.ind lr, $3  }
0x3a: {  	_ = 	snop  }
0x3b: {  	_ = 	snop  }
0x3c: {  	p2 =	seq.s32 s10, $0x1;
	s10 =	sld [smem:$0x3FAD]  }
0x3d: {  	_ =	shalt  }
0x3e: {  	_ =	shalt  }
0x3f: {  	_ =	shalt  }
0x40: {  	_ =	shalt  }
0x41: {  	_ =	shalt  }
0x42: {  	_ =	shalt  }
0x43: {  	_ =	shalt  }
0x44: {  	_ =	shalt  }
0x45: {  	_ =	shalt  }
0x46: {  	_ =	shalt  }
0x47: {  	_ =	shalt  }
0x48: {  	_ =	shalt  }
0x49: {  	_ =	shalt  }
0x4a: {  	_ =	shalt  }
0x4b: {  	_ =	shalt  }
0x4c: {  	_ =	shalt  }
0x4d: {  	_ =	shalt  }
0x4e: {  	_ =	shalt  }
0x4f: {  	_ =	shalt  }
0x50: {  	_ =	shalt  }
0x51: {  	_ =	shalt  }
0x52: {  	_ =	shalt  }
0x53: {  	_ =	shalt  }
0x54: {  	_ =	shalt  }
0x55: {  	_ =	shalt  }
0x56: {  	_ =	shalt  }
0x57: {  	_ =	shalt  }
0x58: {  	_ =	shalt  }
0x59: {  	_ =	shalt  }
0x5a: {  	_ =	shalt  }
0x5b: {  	_ =	shalt  }
0x5c: {  	_ =	shalt  }
0x5d: {  	_ =	shalt  }
0x5e: {  	_ =	shalt  }
0x5f: {  	_ =	shalt  }
0x60: {  	_ =	shalt  }
0x61: {  	_ =	shalt  }
0x62: {  	_ =	shalt  }
0x63: {  	_ =	shalt  }
0x64: {  	_ =	shalt  }
0x65: {  	_ =	shalt  }
0x66: {  	_ =	shalt  }
0x67: {  	_ =	shalt  }
0x68: {  	_ =	shalt  }
0x69: {  	_ =	shalt  }
0x6a: {  	_ =	shalt  }
0x6b: {  	_ =	shalt  }
0x6c: {  	_ =	shalt  }
0x6d: {  	_ =	shalt  }
0x6e: {  	_ =	shalt  }
0x6f: {  	_ =	shalt  }
0x70: {  	_ =	shalt  }
0x71: {  	_ =	shalt  }
0x72: {  	_ =	shalt  }
0x73: {  	_ =	shalt  }
0x74: {  	_ =	shalt  }
0x75: {  	_ =	shalt  }
0x76: {  	_ =	shalt  }
0x77: {  	_ =	shalt  }
0x78: {  	_ =	shalt  }
0x79: {  	_ =	shalt  }
0x7a: {  	_ =	shalt  }
0x7b: {  	_ =	shalt  }
0x7c: {  	_ =	shalt  }
0x7d: {  	_ =	shalt  }
0x7e: {  	_ =	shalt  }
0x7f: {  	_ =	shalt  }
0x80: {  	_ =	shalt  }
0x81: {  	_ =	shalt  }
0x82: {  	_ =	shalt  }
0x83: {  	_ =	shalt  }
0x84: {  	_ =	shalt  }
0x85: {  	_ =	shalt  }
0x86: {  	_ =	shalt  }
0x87: {  	_ =	shalt  }
.Lfunc_end0:
.L_simem_size_0:
called_computation.3_lowered:
.L_overlay_start_0:
0x88: {  	s2 =	sld [smem:$0x3FD9]  }
0x89: {  	s3 =	sld [smem:$0x3FFE];
	_ =	sdelay $0x1  }
0x8a: {  	s1 =	srdreg.scid  }
0x8b: {  	s0 =	sand.u32 $0x1, s1  }
0x8c: {  	s16 =	sshll.u32 s0, $0xA;
	s2 =	sadd.s32 s3, s2  }
0x8d: {  	s2 =	sadd.s32 s2, s16  }
0x8e: {  	[smem:$0x3FB9] =	sst s2  }
0x8f: {  	_ = 	snop  }
0x90: {  	(tm) =	ssettm $0x1  }
0x91: {  	s17 =	sld [smem:$0x3FFB];
	_ =	sdelay $0x3  }
0x92: {  	_ =	strace s17  }
0x93: {  	s2 =	sld [smem:$0x3FFC];
	_ =	sdelay $0x3  }
0x94: {  	_ =	strace s2  }
0x95: {  	s2 =	sld [smem:$0x3FFD];
	_ =	sdelay $0x3  }
0x96: {  	_ =	strace s2  }
0x97: {  	_ =	strace $0x8FFFFFFF  }
0x98: {  	s18 =	sld [smem:$0x3FDB];
	_ =	sdelay $0x1  }
0x99: {  	s19 =	simm.s32 $_scs_section_size  }
0x9a: {  	s4 =	simm.s32 $_size__tile_overlayer_lowered;
	s5 =	simm.s32 $_tile_overlayer_lowered  }
0x9b: {  	s22 =	simm.s32 $0x1BFF;
	s21 =	sshll.u32 s5, $0x1;
	s2 =	sadd.s32 s19, s18  }
0x9c: {  	s6 =	simm.s32 $0x0;
	s20 =	sshll.u32 s4, $0x1;
	s4 =	sadd.s32 s21, s2  }
0x9d: {  	[timem:s6], [sflag:s22] =	dma.local [hbm:s4], s20  }
0x9e: {  	_ =	swait.ge [sflag:s22], s20  }
0x9f: {  	s3 =	ssub.s32 $0x0, s20;
	[sflag:s22] =	ssyncset.done $0x0  }
0xa0: {  	[sflag:s22] =	ssyncadd.s32 s3;
	_ =	sdelay $0x1  }
0xa1: {  	s23 =	simm.s32 $0x1B8B  }
0xa2: {  	_ =	swait.ge [sflag:s23], $0x1  }
0xa3: {  	[sflag:s23] =	ssyncset.done $0x0  }
0xa4: {  	s25 =	simm.s32 $0x1B8E;
	s24 =	sld [smem:$0x3FFE];
	[sflag:s23] =	ssyncadd.s32 $0xFFFFFFFF  }
0xa5: {  	s26 =	simm.s32 $execute0_lowered;
	[smem:$0x3FD2] =	sst s25  }
0xa6: {  	s4 =	sshll.u32 s26, $0x1;
	_ =	strace $0x8000004F;
	[dreg:$0x1] =	wrdreg $0xFFFFFFFF  }
0xa7: {  	s28 =	simm.s32 $_size_execute0_lowered;
	s2 =	sadd.s32 s2, s4;
	[dreg:$0x0] =	wrdreg $0x0  }
0xa8: {  	s4 =	sshll.u32 s28, $0x1;
	[dreg:$0x2] =	wrdreg s2  }
0xa9: {  	[dreg:$0x3] =	wrdreg s4  }
0xaa: {  	[dreg:$0x4] =	wrdreg $0xC0  }
0xab: {  	_ =	task [dreg:s6], $0x5FFFF  }
0xac: {  	[dreg:$0x1] =	wrdreg $0xFFFFFFFF  }
0xad: {  	[dreg:$0x0] =	wrdreg $0x60  }
0xae: {  	[dreg:$0x2] =	wrdreg s24  }
0xaf: {  	[dreg:$0x3] =	wrdreg $0xF2300  }
0xb0: {  	[dreg:$0x4] =	wrdreg $0x9  }
0xb1: {  	_ =	task.clear_ibuf [dreg:s6], $0x5FFFF;
	_ =	strace $0x9000004F  }
0xb2: {  	s29 =	simm.s32 $0x9;
	_ =	strace $0x80000051  }
0xb3: {  	_ =	swait.ge [sflag:s29], $0x1  }
0xb4: {  	[sflag:s29] =	ssyncadd.s32 $0xFFFFFFFF  }
0xb5: {  	_ =	strace $0x90000051  }
0xb6: {  	_ =	sfence  }
0xb7: {  	s30 =	sld [smem:$0x0];
	_ =	sdelay $0x2  }
0xb8: {  	s31 =	sshll.u32 s1, $0xD;
	s1 =	sshrl.u32 s1, $0x2  }
0xb9: {  	s3 =	sand.u32 $0x4000, s31;
	s1 =	sadd.s32 s1, s30  }
0xba: {  	s0 =	sor.u32 s3, s0;
	s1 =	sshll.u32 s1, $0x11  }
0xbb: {  	s0 =	sor.u32 s1, s0  }
0xbc: {  	s0 =	sadd.s32 $0x8F2B, s0  }
0xbd: {  	[sflag:s0] =	ssyncadd.remote.s32 $0x1  }
0xbe: {  	_ =	sfence.sel $0xFFFF  }
0xbf: {  	[dreg:$0x0] =	wrdreg $0xFFFFFFFF;
	(pc) =	sbr.abs _section_cstart, $3  }
0xc0: {  	[dreg:$0x1] =	wrdreg $0xFFFFFFFF  }
0xc1: {  	_ =	task.clear_ibuf [dreg:s6], $0x2FFFF;
	_ =	strace $0x9FFFFFFF  }
0xc2: {  	(tm) =	ssettm $0x7FFFFFFF  }
0xc3: {  	_ =	shalt  }
tec
execute0_lowered:
.L_overlay_start_1:
0x0: {  	(tag) =	ssettag $0x1  }
0x1: {  	s0 =	srdreg.scid  }
0x2: {  	s1 =	rddreg [dreg:$0x0];
	s21 =	stileid.u32  }
0x3: {  	s2 =	rddreg [dreg:$0x1];
	s12 =	smul.u32 $0x27000, s21  }
0x4: {  	s3 =	simm.s32 $0x0;
	s30 =	simm.s32 $0x2A30;
	s13 =	smul.u32 $0x1380, s21  }
0x5: {  	s0 =	sand.u32 $0x1, s0;
	[smem:$0x7FF] =	sst s3;
	s15 =	smul.u32 $0x2710, s21  }
0x6: {  	s8 =	sadd.s32 $0xD400, s1;
	s5 =	sadd.s32 $0x3600, s1;
	s31 =	smul.u32 $0x138800, s0  }
0x7: {  	p0 =	sne.s32 s21, $0xF;
	s4 =	sshll.u32 s0, $0x4;
	s14 =	smul.u32 $0x27100, s0  }
0x8: {  	_ =	strace $0x80000050;
	s7 =	ssub.s32 $0x2, s0;
	s0 =	smul.u32 $0x13880, s0  }
0x9: {  	s4 =	sor.u32 s21, s4;
	s9 =	sshrl.u32 s7, $0x1;
	s29 =	sshrl.u32 s12, $0x2  }
0xa: {  	s6 =	smul.u32 $0x2710, s4;
	s4 =	sadd.s32 $0x17200, s1;
	s1 =	sadd.s32 $0x2AC00, s1  }
0xb: {  	s11 =	ssub.s32 s7, s9;
	s14 =	sadd.s32 s15, s14;
	s0 =	sadd.s32 s13, s0  }
0xc: {  	s12 =	sshrl.u32 s31, $0x4;
	s15 =	sadd.s32 $0x190, s14;
	s0 =	sadd.s32 s1, s0  }
0xd: {  	s18 =	smax.u32 s11, $0x1;
	s19 =	sadd.s32 $0x7D0, s14;
	[dreg:$0x13] =	wrdreg s0  }
0xe: {  	s20 =	sadd.s32 $0x4B0, s14;
	s31 =	sshrl.u32 s14, $0x3;
	[dreg:$0x15] =	wrdreg s18  }
0xf: {  	s22 =	sadd.s32 $0xAF0, s14;
	s17 =	sshrl.u32 s15, $0x3;
	[dreg:$0x3] =	wrdreg s31  }
0x10: {  	s6 =	sshrl.u32 s6, $0x3;
	s0 =	sshrl.u32 s19, $0x3;
	[dreg:$0x5] =	wrdreg s17  }
0x11: {  	s23 =	sshrl.u32 s22, $0x3;
	s10 =	sadd.s32 $0x32, s6;
	[dreg:$0x9] =	wrdreg s0  }
0x12: {  	s25 =	sadd.s32 s5, s6;
	s6 =	sadd.s32 s8, s6;
	[dreg:$0xb] =	wrdreg s23  }
0x13: {  	s22 =	simm.s32 $0x2;
	s24 =	sadd.s32 s5, s10;
	[dreg:$0x10] =	wrdreg s6  }
0x14: {  	s17 =	sshrl.u32 s20, $0x3;
	s26 =	sadd.s32 $0x96, s25;
	[dreg:$0x4] =	wrdreg s24  }
0x15: {  	s20 =	simm.s32 $0x1;
	s28 =	sadd.s32 $0xFA, s25;
	[dreg:$0x7] =	wrdreg s26  }
0x16: {  	s23 =	simm.s32 $0x3;
	s9 =	sadd.s32 $0x4B0, s25;
	[dreg:$0x8] =	wrdreg s28  }
0x17: {  	s0 =	simm.s32 $0x190;
	s10 =	sadd.s32 s8, s10;
	[dreg:$0xc] =	wrdreg s9  }
0x18: {  	s6 =	sadd.s32 $0x64, s6;
	s19 =	sadd.s32 s17, s8;
	[dreg:$0x11] =	wrdreg s10  }
0x19: {  	s9 =	sadd.s32 s29, s2;
	s28 =	sadd.s32 $0x9C000, s2;
	[dreg:$0x12] =	wrdreg s6  }
0x1a: {  	s6 =	sadd.s32 s1, s12;
	s24 =	sadd.s32 $0x960, s14;
	[dreg:$0xd] =	wrdreg s9  }
0x1b: {  	s26 =	sadd.s32 $0x320, s14;
	s7 =	sadd.s32 $0x6400, s9;
	[dreg:$0xf] =	wrdreg s28  }
0x1c: {  	s29 =	sadd.s32 $0x640, s14;
	s16 =	sadd.s32 $0x13800, s6;
	[dreg:$0xe] =	wrdreg s7  }
0x1d: {  	s1 =	simm.s32 $0x8E30;
	s25 =	sshrl.u32 s24, $0x3;
	[dreg:$0x14] =	wrdreg s16  }
0x1e: {  	s6 =	sshrl.u32 s26, $0x3;
	s24 =	simm.s32 $0x4;
	[dreg:$0xa] =	wrdreg s25  }
0x1f: {  	s26 =	simm.s32 $0x6;
	s16 =	sshrl.u32 s29, $0x3;
	[dreg:$0x6] =	wrdreg s6  }
0x20: {  	v0 =	vimm.bf16 $0.0e+00;
	s25 =	simm.s32 $0x5;
	s18 =	sadd.s32 s16, s8;
	s8 =	simm.s32 $0x0  }
.LBB2_1:
0x21: {  	p2 =	por $0x1, $0x1  }
0x22: {  	p1 =	por p2, p2  }
0x23: {  	[dreg:$0x16] =	wrdreg s8;
	s8 =	simm.s32 @!p1 $0x1  }
0x24: {  	_ =	swait.ge @!p1 [sflag:s8], $0x190  }
0x25: {  	s9 =	simm.s32 $0x320;
	s10 =	rddreg [dreg:$0x3];
	[sflag:s8] =	ssyncset.done @!p1 $0x0  }
0x26: {  	s12 =	simm.s32 @!p1 $0x2;
	[sflag:s8] =	ssyncadd.s32 @!p1 $0xFFFFFE70;
	s10 =	sadd.s32 s5, s10  }
0x27: {  	[tilespmem:s9], [sflag:$0x1] =	stream.linear.gather [hbm4b:s10+s3], $0x190, $0x38;
	[tilespmem:$0x18E70] =	vst v63  }
0x28: {  	s11 =	rddreg [dreg:$0x4];
	s8 =	simm.s32 @p1 $0x0;
	s10 =	simm.s32 @p1 $0x4B0  }
0x29: {  	[tilespmem:s10], [sflag:$0x2] =	stream.linear.gather @p1 [hbm4b:s11+s8], $0x190, $0x38;
	[tilespmem:$0x18E70] =	vst v63  }
0x2a: {  	s13 =	simm.s32 @!p1 $0x3;
	_ =	swait.ge @!p1 [sflag:s12], $0x190  }
0x2b: {  	s11 =	simm.s32 @!p2 $0x4B0;
	s10 =	rddreg [dreg:$0x5];
	[sflag:s12] =	ssyncset.done @!p1 $0x0  }
0x2c: {  	[sflag:s12] =	ssyncadd.s32 @!p1 $0xFFFFFE70;
	s10 =	sadd.s32 @!p1 s5, s10;
	s12 =	simm.s32 @!p1 $0x0  }
0x2d: {  	[tilespmem:s11], [sflag:$0x2] =	stream.linear.gather @!p1 [hbm4b:s10+s12], $0x190, $0x38;
	[tilespmem:$0x18E70] =	vst v63  }
0x2e: {  	_ =	swait.ge @!p1 [sflag:s13], $0x190  }
0x2f: {  	s11 =	rddreg [dreg:$0x6];
	[sflag:s13] =	ssyncset.done @!p1 $0x0  }
0x30: {  	s14 =	simm.s32 $0x640;
	[sflag:s13] =	ssyncadd.s32 @!p1 $0xFFFFFE70;
	s10 =	sadd.s32 s5, s11  }
0x31: {  	[tilespmem:s14], [sflag:$0x3] =	stream.linear.gather [hbm4b:s10+s3], $0x190, $0x38;
	[tilespmem:$0x18E70] =	vst v63  }
0x32: {  	s13 =	rddreg [dreg:$0x7];
	s11 =	simm.s32 @!p1 $0x4;
	s10 =	simm.s32 @p1 $0x7D0  }
0x33: {  	[tilespmem:s10], [sflag:$0x4] =	stream.linear.gather @p1 [hbm4b:s13+s8], $0x190, $0x38;
	[tilespmem:$0x18E70] =	vst v63  }
0x34: {  	_ =	swait.ge @!p1 [sflag:s11], $0x190  }
0x35: {  	s10 =	simm.s32 @!p2 $0x7D0;
	[sflag:s11] =	ssyncset.done @!p1 $0x0  }
0x36: {  	s13 =	simm.s32 @!p1 $0x5;
	[sflag:s11] =	ssyncadd.s32 @!p1 $0xFFFFFE70;
	s11 =	sadd.s32 @!p1 s5, s17  }
0x37: {  	[tilespmem:s10], [sflag:$0x4] =	stream.linear.gather @!p1 [hbm4b:s11+s12], $0x190, $0x38;
	[tilespmem:$0x18E70] =	vst v63  }
0x38: {  	_ =	swait.ge @!p1 [sflag:s13], $0x190  }
0x39: {  	[sflag:s13] =	ssyncset.done @!p1 $0x0  }
0x3a: {  	s15 =	sadd.s32 s5, s16;
	s21 =	simm.s32 $0x960;
	[sflag:s13] =	ssyncadd.s32 @!p1 $0xFFFFFE70  }
0x3b: {  	[tilespmem:s21], [sflag:$0x5] =	stream.linear.gather [hbm4b:s15+s3], $0x190, $0x38;
	[tilespmem:$0x18E70] =	vst v63  }
0x3c: {  	s10 =	simm.s32 @p1 $0xAF0;
	s11 =	simm.s32 @!p1 $0x6;
	s13 =	rddreg [dreg:$0x8]  }
0x3d: {  	[tilespmem:s10], [sflag:$0x6] =	stream.linear.gather @p1 [hbm4b:s13+s8], $0x190, $0x38;
	[tilespmem:$0x18E70] =	vst v63  }
0x3e: {  	_ =	swait.ge @!p1 [sflag:s11], $0x190  }
0x3f: {  	s10 =	simm.s32 @!p2 $0xAF0;
	s8 =	rddreg [dreg:$0x9];
	[sflag:s11] =	ssyncset.done @!p1 $0x0  }
0x40: {  	[sflag:s11] =	ssyncadd.s32 @!p1 $0xFFFFFE70;
	s8 =	sadd.s32 @!p1 s5, s8;
	s11 =	simm.s32 @!p1 $0x7  }
0x41: {  	[tilespmem:s10], [sflag:$0x6] =	stream.linear.gather @!p1 [hbm4b:s8+s12], $0x190, $0x38;
	[tilespmem:$0x18E70] =	vst v63  }
0x42: {  	s29 =	simm.s32 $0xC80;
	s14 =	simm.s32 $0x6400;
	_ =	swait.ge @!p1 [sflag:s11], $0x190  }
0x43: {  	p2 =	por $0x0, $0x0;
	s28 =	rddreg [dreg:$0xa];
	[sflag:s11] =	ssyncset.done @!p1 $0x0  }
0x44: {  	s10 =	simm.s32 @!p1 $0x8;
	[sflag:s11] =	ssyncadd.s32 @!p1 $0xFFFFFE70;
	s8 =	sadd.s32 s5, s28  }
0x45: {  	[tilespmem:s29], [sflag:$0x7] =	stream.linear.gather [hbm4b:s8+s3], $0x190, $0x38;
	[tilespmem:$0x18E70] =	vst v63  }
0x46: {  	s15 =	simm.s32 $0x3200;
	s13 =	simm.s32 @!p2 $0x1130;
	_ =	swait.ge @!p1 [sflag:s10], $0x190  }
0x47: {  	s12 =	simm.s32 @!p2 $0x1450;
	s11 =	simm.s32 @!p2 $0x1770;
	[sflag:s10] =	ssyncset.done @!p1 $0x0  }
0x48: {  	s8 =	sadd.s32 $0x190, s5;
	s31 =	rddreg [dreg:$0xb];
	[sflag:s10] =	ssyncadd.s32 @!p1 $0xFFFFFE70  }
0x49: {  	p1 =	por p2, p2;
	s10 =	simm.s32 $0xE10;
	s21 =	sadd.s32 s5, s31  }
.LBB2_2:
0x4a: {  	[tilespmem:s10], [sflag:$0x8] =	stream.linear.gather [hbm4b:s21+s3], $0x190, $0x38;
	[tilespmem:$0x18E70] =	vst v63  }
0x4b: {  	s9 =	smov.u32 s14;
	s29 =	simm.s32 @!p1 $0x1  }
0x4c: {  	p3 =	seq.s32 s9, $0x0;
	_ =	swait.ge @!p1 [sflag:s29], $0x190  }
0x4d: {  	s10 =	sshra.s32 @!p3 s9, $0x2;
	s31 =	rddreg [dreg:$0x3]  }
0x4e: {  	[sflag:s29] =	ssyncset.done @!p1 $0x0;
	s7 =	sadd.s32 @!p3 $0x4B0, s10;
	s28 =	sadd.s32 @!p3 $0x7D0, s10  }
0x4f: {  	s21 =	sadd.s32 @!p3 $0xAF0, s10;
	s10 =	sshra.s32 s15, $0x2;
	s15 =	rddreg [dreg:$0x4]  }
0x50: {  	[sflag:s29] =	ssyncadd.s32 @!p1 $0xFFFFFE70;
	s31 =	sadd.s32 s8, s31;
	s6 =	sadd.s32 $0x320, s10  }
0x51: {  	[tilespmem:s6], [sflag:$0x1] =	stream.linear.gather [hbm4b:s31+s3], $0x190, $0x38;
	[tilespmem:$0x18E70] =	vst v63  }
0x52: {  	s29 =	simm.s32 @p1 $0x0;
	s31 =	simm.s32 @p1 $0x4B0;
	s6 =	simm.s32 @!p1 $0x2  }
0x53: {  	[tilespmem:s31], [sflag:$0x2] =	stream.linear.gather @p1 [hbm4b:s15+s29], $0x190, $0x38;
	[tilespmem:$0x18E70] =	vst v63  }
0x54: {  	s15 =	smov.u32 s9;
	_ =	swait.ge @!p1 [sflag:s6], $0x190  }
0x55: {  	s31 =	simm.s32 @!p1 $0x3;
	s9 =	rddreg [dreg:$0x5];
	[sflag:s6] =	ssyncset.done @!p1 $0x0  }
0x56: {  	[sflag:s6] =	ssyncadd.s32 @!p1 $0xFFFFFE70;
	s6 =	sadd.s32 @!p1 s8, s9;
	s9 =	simm.s32 @!p1 $0x0  }
0x57: {  	[tilespmem:s13], [sflag:$0x2] =	stream.linear.gather @!p1 [hbm4b:s6+s9], $0x190, $0x38;
	[tilespmem:$0x18E70] =	vst v63  }
0x58: {  	_ =	swait.ge @!p1 [sflag:s31], $0x190  }
0x59: {  	s13 =	smov.u32 s7;
	s6 =	rddreg [dreg:$0x6];
	[sflag:s31] =	ssyncset.done @!p1 $0x0  }
0x5a: {  	s7 =	sadd.s32 $0x640, s10;
	[sflag:s31] =	ssyncadd.s32 @!p1 $0xFFFFFE70;
	s6 =	sadd.s32 s8, s6  }
0x5b: {  	[tilespmem:s7], [sflag:$0x3] =	stream.linear.gather [hbm4b:s6+s3], $0x190, $0x38;
	[tilespmem:$0x18E70] =	vst v63  }
0x5c: {  	s31 =	rddreg [dreg:$0x7];
	s6 =	simm.s32 @p1 $0x7D0;
	s7 =	simm.s32 @!p1 $0x4  }
0x5d: {  	[tilespmem:s6], [sflag:$0x4] =	stream.linear.gather @p1 [hbm4b:s31+s29], $0x190, $0x38;
	[tilespmem:$0x18E70] =	vst v63  }
0x5e: {  	_ =	swait.ge @!p1 [sflag:s7], $0x190  }
0x5f: {  	[sflag:s7] =	ssyncset.done @!p1 $0x0  }
0x60: {  	s6 =	sadd.s32 @!p1 s8, s17;
	[sflag:s7] =	ssyncadd.s32 @!p1 $0xFFFFFE70;
	s7 =	simm.s32 @!p1 $0x5  }
0x61: {  	[tilespmem:s12], [sflag:$0x4] =	stream.linear.gather @!p1 [hbm4b:s6+s9], $0x190, $0x38;
	[tilespmem:$0x18E70] =	vst v63  }
0x62: {  	_ =	swait.ge @!p1 [sflag:s7], $0x190  }
0x63: {  	s31 =	sadd.s32 $0x960, s10;
	[sflag:s7] =	ssyncset.done @!p1 $0x0  }
0x64: {  	s12 =	smov.u32 s28;
	s6 =	sadd.s32 s8, s16;
	[sflag:s7] =	ssyncadd.s32 @!p1 $0xFFFFFE70  }
0x65: {  	[tilespmem:s31], [sflag:$0x5] =	stream.linear.gather [hbm4b:s6+s3], $0x190, $0x38;
	[tilespmem:$0x18E70] =	vst v63  }
0x66: {  	s28 =	rddreg [dreg:$0x8];
	s7 =	simm.s32 @!p1 $0x6;
	s6 =	simm.s32 @p1 $0xAF0  }
0x67: {  	[tilespmem:s6], [sflag:$0x6] =	stream.linear.gather @p1 [hbm4b:s28+s29], $0x190, $0x38;
	[tilespmem:$0x18E70] =	vst v63  }
0x68: {  	_ =	swait.ge @!p1 [sflag:s7], $0x190  }
0x69: {  	s6 =	rddreg [dreg:$0x9];
	[sflag:s7] =	ssyncset.done @!p1 $0x0  }
0x6a: {  	[sflag:s7] =	ssyncadd.s32 @!p1 $0xFFFFFE70;
	s6 =	sadd.s32 @!p1 s8, s6;
	s7 =	simm.s32 @!p1 $0x7  }
0x6b: {  	[tilespmem:s11], [sflag:$0x6] =	stream.linear.gather @!p1 [hbm4b:s6+s9], $0x190, $0x38;
	[tilespmem:$0x18E70] =	vst v63  }
0x6c: {  	s14 =	sadd.s32 $0x3200, s14;
	_ =	swait.ge @!p1 [sflag:s7], $0x190  }
0x6d: {  	p2 =	sne.s32 s14, $0x9600;
	s28 =	rddreg [dreg:$0xa];
	[sflag:s7] =	ssyncset.done @!p1 $0x0  }
0x6e: {  	s29 =	sadd.s32 $0xC80, s10;
	[sflag:s7] =	ssyncadd.s32 @!p1 $0xFFFFFE70;
	s6 =	sadd.s32 s8, s28  }
0x6f: {  	[tilespmem:s29], [sflag:$0x7] =	stream.linear.gather [hbm4b:s6+s3], $0x190, $0x38;
	[tilespmem:$0x18E70] =	vst v63  }
.Ltmp0:
0x70: {  	s9 =	simm.s32 @!p1 $0x8;
	(pc) =	sbr.rel @p2 .LBB2_2-.Ltmp0, $4  }
0x71: {  	_ =	swait.ge @!p1 [sflag:s9], $0x190  }
0x72: {  	s10 =	sadd.s32 $0xE10, s10;
	[sflag:s9] =	ssyncset.done @!p1 $0x0  }
0x73: {  	s11 =	smov.u32 s21;
	s31 =	rddreg [dreg:$0xb];
	[sflag:s9] =	ssyncadd.s32 @!p1 $0xFFFFFE70  }
0x74: {  	p1 =	por p3, p3;
	s21 =	sadd.s32 s8, s31;
	s8 =	sadd.s32 $0x190, s8  }
0x75: {  	[tilespmem:s10], [sflag:$0x8] =	stream.linear.gather [hbm4b:s21+s3], $0x190, $0x38;
	[tilespmem:$0x18E70] =	vst v63  }
0x76: {  	s6 =	simm.s32 @!p1 $0x1  }
0x77: {  	s10 =	sshra.s32 s15, $0x2;
	_ =	swait.ge @!p1 [sflag:s6], $0x190  }
0x78: {  	s14 =	simm.s32 @!p1 $0x2;
	s7 =	rddreg [dreg:$0x3];
	[sflag:s6] =	ssyncset.done @!p1 $0x0  }
0x79: {  	s21 =	sadd.s32 $0x320, s10;
	[sflag:s6] =	ssyncadd.s32 @!p1 $0xFFFFFE70;
	s7 =	sadd.s32 s8, s7  }
0x7a: {  	[tilespmem:s21], [sflag:$0x1] =	stream.linear.gather [hbm4b:s7+s3], $0x190, $0x38;
	[tilespmem:$0x18E70] =	vst v63  }
0x7b: {  	s9 =	rddreg [dreg:$0x4];
	s6 =	simm.s32 @p1 $0x0;
	s7 =	simm.s32 @p1 $0x4B0  }
0x7c: {  	[tilespmem:s7], [sflag:$0x2] =	stream.linear.gather @p1 [hbm4b:s9+s6], $0x190, $0x38;
	[tilespmem:$0x18E70] =	vst v63  }
0x7d: {  	_ =	swait.ge @!p1 [sflag:s14], $0x190  }
0x7e: {  	s9 =	simm.s32 @!p1 $0x3;
	s7 =	rddreg [dreg:$0x5];
	[sflag:s14] =	ssyncset.done @!p1 $0x0  }
0x7f: {  	[sflag:s14] =	ssyncadd.s32 @!p1 $0xFFFFFE70;
	s7 =	sadd.s32 @!p1 s8, s7;
	s14 =	simm.s32 @!p1 $0x0  }
0x80: {  	[tilespmem:s13], [sflag:$0x2] =	stream.linear.gather @!p1 [hbm4b:s7+s14], $0x190, $0x38;
	[tilespmem:$0x18E70] =	vst v63  }
0x81: {  	_ =	swait.ge @!p1 [sflag:s9], $0x190  }
0x82: {  	s28 =	rddreg [dreg:$0x6];
	[sflag:s9] =	ssyncset.done @!p1 $0x0  }
0x83: {  	s29 =	sadd.s32 $0x640, s10;
	[sflag:s9] =	ssyncadd.s32 @!p1 $0xFFFFFE70;
	s7 =	sadd.s32 s8, s28  }
0x84: {  	[tilespmem:s29], [sflag:$0x3] =	stream.linear.gather [hbm4b:s7+s3], $0x190, $0x38;
	[tilespmem:$0x18E70] =	vst v63  }
0x85: {  	s13 =	simm.s32 @!p1 $0x4;
	s9 =	rddreg [dreg:$0x7];
	s7 =	simm.s32 @p1 $0x7D0  }
0x86: {  	[tilespmem:s7], [sflag:$0x4] =	stream.linear.gather @p1 [hbm4b:s9+s6], $0x190, $0x38;
	[tilespmem:$0x18E70] =	vst v63  }
0x87: {  	_ =	swait.ge @!p1 [sflag:s13], $0x190  }
0x88: {  	[sflag:s13] =	ssyncset.done @!p1 $0x0  }
0x89: {  	s7 =	sadd.s32 @!p1 s8, s17;
	s9 =	simm.s32 @!p1 $0x5;
	[sflag:s13] =	ssyncadd.s32 @!p1 $0xFFFFFE70  }
0x8a: {  	[tilespmem:s12], [sflag:$0x4] =	stream.linear.gather @!p1 [hbm4b:s7+s14], $0x190, $0x38;
	[tilespmem:$0x18E70] =	vst v63  }
0x8b: {  	_ =	swait.ge @!p1 [sflag:s9], $0x190  }
0x8c: {  	[sflag:s9] =	ssyncset.done @!p1 $0x0  }
0x8d: {  	s31 =	sadd.s32 s8, s16;
	s13 =	sadd.s32 $0x960, s10;
	[sflag:s9] =	ssyncadd.s32 @!p1 $0xFFFFFE70  }
0x8e: {  	[tilespmem:s13], [sflag:$0x5] =	stream.linear.gather [hbm4b:s31+s3], $0x190, $0x38;
	[tilespmem:$0x18E70] =	vst v63  }
0x8f: {  	s7 =	simm.s32 @p1 $0xAF0;
	s12 =	rddreg [dreg:$0x8];
	s9 =	simm.s32 @!p1 $0x6  }
0x90: {  	[tilespmem:s7], [sflag:$0x6] =	stream.linear.gather @p1 [hbm4b:s12+s6], $0x190, $0x38;
	[tilespmem:$0x18E70] =	vst v63  }
0x91: {  	_ =	swait.ge @!p1 [sflag:s9], $0x190  }
0x92: {  	s6 =	rddreg [dreg:$0x9];
	[sflag:s9] =	ssyncset.done @!p1 $0x0  }
0x93: {  	s7 =	simm.s32 @!p1 $0x7;
	[sflag:s9] =	ssyncadd.s32 @!p1 $0xFFFFFE70;
	s6 =	sadd.s32 @!p1 s8, s6  }
0x94: {  	[tilespmem:s11], [sflag:$0x6] =	stream.linear.gather @!p1 [hbm4b:s6+s14], $0x190, $0x38;
	[tilespmem:$0x18E70] =	vst v63  }
0x95: {  	_ =	swait.ge @!p1 [sflag:s7], $0x190  }
0x96: {  	s15 =	sadd.s32 $0xC80, s10;
	s14 =	rddreg [dreg:$0xa];
	[sflag:s7] =	ssyncset.done @!p1 $0x0  }
0x97: {  	s9 =	simm.s32 @!p1 $0x8;
	[sflag:s7] =	ssyncadd.s32 @!p1 $0xFFFFFE70;
	s6 =	sadd.s32 s8, s14  }
0x98: {  	[tilespmem:s15], [sflag:$0x7] =	stream.linear.gather [hbm4b:s6+s3], $0x190, $0x38;
	[tilespmem:$0x18E70] =	vst v63  }
0x99: {  	_ =	swait.ge @!p1 [sflag:s9], $0x190  }
0x9a: {  	s21 =	rddreg [dreg:$0xb];
	[sflag:s9] =	ssyncset.done @!p1 $0x0  }
0x9b: {  	s28 =	sadd.s32 $0xE10, s10;
	[sflag:s9] =	ssyncadd.s32 @!p1 $0xFFFFFE70;
	s6 =	sadd.s32 s8, s21  }
0x9c: {  	[tilespmem:s28], [sflag:$0x8] =	stream.linear.gather [hbm4b:s6+s3], $0x190, $0x38;
	[tilespmem:$0x18E70] =	vst v63  }
0x9d: {  	s29 =	simm.s32 $0x0;
	_ =	swait.ge [sflag:s20], $0x190  }
0x9e: {  	s10 =	simm.s32 $0x100;
	s12 =	simm.s32 $0x28A0;
	[sflag:s20] =	ssyncset.done $0x0  }
0x9f: {  	s8 =	simm.s32 $0x0;
	s31 =	rddreg [dreg:$0xc];
	[sflag:s20] =	ssyncadd.s32 $0xFFFFFE70  }
0xa0: {  	[tilespmem:s12], [sflag:$0x1] =	stream.linear.gather [hbm4b:s31+s29], $0x190, $0x38;
	[tilespmem:$0x18E70] =	vst v63  }
.LBB2_4:
0xa1: {  	p1 =	sne.s32 s10, $0x18F00;
	[tilespmem:s8+$0x2A60] =	vst v0;
	s6 =	smov.u32 s10;
	s10 =	sadd.s32 $0x100, s10  }
.Ltmp1:
0xa2: {  	[tilespmem:s8+$0x2A50] =	vst v0;
	(pc) =	sbr.rel @p1 .LBB2_4-.Ltmp1, $3  }
0xa3: {  	[tilespmem:s8+$0x2A30] =	vst v0  }
0xa4: {  	[tilespmem:s8+$0x2A40] =	vst v0;
	_ =	sdelay $0x1  }
0xa5: {  	s8 =	sshra.s32 s6, $0x2  }
0xa6: {  	[tilespmem:s8+$0x2A60] =	vst v0  }
0xa7: {  	[tilespmem:s8+$0x2A50] =	vst v0  }
0xa8: {  	[tilespmem:s8+$0x2A30] =	vst v0  }
0xa9: {  	[tilespmem:s8+$0x2A40] =	vst v0  }
0xaa: {  	_ =	swait.ge [sflag:s20], $0x190  }
0xab: {  	[sflag:s20] =	ssyncset.done $0x0  }
0xac: {  	[sflag:s20] =	ssyncadd.s32 $0xFFFFFE70  }
0xad: {  	_ =	swait.ge [sflag:s22], $0x190  }
0xae: {  	[sflag:s22] =	ssyncset.done $0x0  }
0xaf: {  	[sflag:s22] =	ssyncadd.s32 $0xFFFFFE70  }
0xb0: {  	_ =	swait.ge [sflag:s23], $0x190  }
0xb1: {  	[sflag:s23] =	ssyncset.done $0x0  }
0xb2: {  	[sflag:s23] =	ssyncadd.s32 $0xFFFFFE70  }
0xb3: {  	_ =	swait.ge [sflag:s24], $0x190  }
0xb4: {  	[sflag:s24] =	ssyncset.done $0x0  }
0xb5: {  	[sflag:s24] =	ssyncadd.s32 $0xFFFFFE70  }
0xb6: {  	_ =	swait.ge [sflag:s25], $0x190  }
0xb7: {  	[sflag:s25] =	ssyncset.done $0x0  }
0xb8: {  	[sflag:s25] =	ssyncadd.s32 $0xFFFFFE70  }
0xb9: {  	_ =	swait.ge [sflag:s26], $0x190  }
0xba: {  	[sflag:s26] =	ssyncset.done $0x0  }
0xbb: {  	s6 =	simm.s32 $0x7;
	[sflag:s26] =	ssyncadd.s32 $0xFFFFFE70  }
0xbc: {  	_ =	swait.ge [sflag:s6], $0x190  }
0xbd: {  	[sflag:s6] =	ssyncset.done $0x0  }
0xbe: {  	s7 =	simm.s32 $0x8;
	[sflag:s6] =	ssyncadd.s32 $0xFFFFFE70  }
0xbf: {  	_ =	swait.ge [sflag:s7], $0x190  }
0xc0: {  	[sflag:s7] =	ssyncset.done $0x0  }
0xc1: {  	s13 =	simm.s32 $0x9;
	s9 =	rddreg [dreg:$0xd];
	[sflag:s7] =	ssyncadd.s32 $0xFFFFFE70  }
0xc2: {  	[spmem:s9] =	stream.linear.scatter [tilespmem:s30], [sflag:$0x9], $0x6400, $0x38;
	[tilespmem:$0x18E70] =	vst v63  }
0xc3: {  	_ =	swait.ge [sflag:s13], $0x6400  }
0xc4: {  	[sflag:s13] =	ssyncset.done $0x0  }
0xc5: {  	s8 =	rddreg [dreg:$0xe];
	[sflag:s13] =	ssyncadd.s32 $0xFFFF9C00  }
0xc6: {  	[spmem:s8] =	stream.linear.scatter [tilespmem:s30], [sflag:$0x9], $0x3800, $0x38;
	[tilespmem:$0x18E70] =	vst v63  }
0xc7: {  	_ =	swait.ge [sflag:s13], $0x3800  }
0xc8: {  	[sflag:s13] =	ssyncset.done $0x0  }
0xc9: {  	s6 =	simm.s32 @!p0 $0x2A30;
	s28 =	rddreg [dreg:$0xf];
	[sflag:s13] =	ssyncadd.s32 $0xFFFFC800  }
0xca: {  	[spmem:s28] =	stream.linear.scatter @!p0 [tilespmem:s6], [sflag:$0x9], $0x400, $0x38;
	[tilespmem:$0x18E70] =	vst v63  }
0xcb: {  	s6 =	simm.s32 @!p0 $0x9  }
0xcc: {  	_ =	swait.ge @!p0 [sflag:s6], $0x400  }
0xcd: {  	[sflag:s6] =	ssyncset.done @!p0 $0x0  }
0xce: {  	s10 =	simm.s32 $0x0;
	s7 =	rddreg [dreg:$0x10];
	[sflag:s6] =	ssyncadd.s32 @!p0 $0xFFFFFC00  }
0xcf: {  	[tilespmem:s10], [sflag:$0x3] =	stream.linear.gather [hbm4b:s7+s10], $0x190, $0x38;
	[tilespmem:$0x18E70] =	vst v63  }
0xd0: {  	s11 =	rddreg [dreg:$0x11]  }
0xd1: {  	[tilespmem:s0], [sflag:$0x4] =	stream.linear.gather [hbm4b:s11+s10], $0x190, $0x38;
	[tilespmem:$0x18E70] =	vst v63  }
0xd2: {  	_ =	swait.ge [sflag:s23], $0x190  }
0xd3: {  	[sflag:s23] =	ssyncset.done $0x0  }
0xd4: {  	[sflag:s23] =	ssyncadd.s32 $0xFFFFFE70  }
0xd5: {  	[tilespmem:s30], [sflag:$0x1] =	stream.indirect.gather [hbm4b:s4+s0], $0x40, s10, s0, $0xb8;
	[tilespmem:$0x18E70] =	vst v63  }
0xd6: {  	[bflag:$0x0] =	sbarrier.arrive $0xFFFF  }
0xd7: {  	_ =	swait.ge [sflag:s24], $0x190  }
0xd8: {  	[sflag:s24] =	ssyncset.done $0x0  }
0xd9: {  	[sflag:s24] =	ssyncadd.s32 $0xFFFFFE70  }
0xda: {  	[tilespmem:s1], [sflag:$0x2] =	stream.indirect.gather [hbm4b:s4+s0], $0x40, s0, s0, $0xb8;
	[tilespmem:$0x18E70] =	vst v63  }
0xdb: {  	_ =	swait.ge [sflag:s20], $0x6400  }
0xdc: {  	[sflag:s20] =	ssyncset.done $0x0  }
0xdd: {  	s14 =	simm.s32 $0x320;
	[sflag:s20] =	ssyncadd.s32 $0xFFFF9C00  }
0xde: {  	[spmem:s2] =	stream.indirect.scatter.add.bf16 [tilespmem:s30], [sflag:$0x5], $0x40, s14, s0, $0xb8;
	[tilespmem:$0x18E70] =	vst v63  }
0xdf: {  	s15 =	rddreg [dreg:$0x12]  }
0xe0: {  	[tilespmem:s10], [sflag:$0x3] =	stream.linear.gather [hbm4b:s15+s10], $0x190, $0x38;
	[tilespmem:$0x18E70] =	vst v63  }
0xe1: {  	_ =	swait.ge [sflag:s23], $0x190  }
0xe2: {  	[sflag:s23] =	ssyncset.done $0x0  }
0xe3: {  	[sflag:s23] =	ssyncadd.s32 $0xFFFFFE70  }
0xe4: {  	_ =	swait.ge [sflag:s25], $0x6400  }
0xe5: {  	[sflag:s25] =	ssyncset.done $0x0  }
0xe6: {  	[sflag:s25] =	ssyncadd.s32 $0xFFFF9C00  }
0xe7: {  	[tilespmem:s30], [sflag:$0x1] =	stream.indirect.gather [hbm4b:s4+s0], $0x40, s3, s0, $0xb8;
	[tilespmem:$0x18E70] =	vst v63  }
0xe8: {  	_ =	swait.ge [sflag:s22], $0x6400  }
0xe9: {  	[sflag:s22] =	ssyncset.done $0x0  }
0xea: {  	s21 =	simm.s32 $0x4B0;
	[sflag:s22] =	ssyncadd.s32 $0xFFFF9C00  }
0xeb: {  	[spmem:s2] =	stream.indirect.scatter.add.bf16 [tilespmem:s1], [sflag:$0x6], $0x40, s21, s0, $0xb8;
	[tilespmem:$0x18E70] =	vst v63  }
0xec: {  	s29 =	sadd.s32 $0x0, s19  }
0xed: {  	[tilespmem:s0], [sflag:$0x4] =	stream.linear.gather [hbm4b:s29+s3], $0x190, $0x38;
	[tilespmem:$0x18E70] =	vst v63  }
0xee: {  	_ =	swait.ge [sflag:s24], $0x190  }
0xef: {  	[sflag:s24] =	ssyncset.done $0x0  }
0xf0: {  	[sflag:s24] =	ssyncadd.s32 $0xFFFFFE70  }
0xf1: {  	_ =	swait.ge [sflag:s26], $0x6400  }
0xf2: {  	[sflag:s26] =	ssyncset.done $0x0  }
0xf3: {  	[sflag:s26] =	ssyncadd.s32 $0xFFFF9C00  }
0xf4: {  	[tilespmem:s1], [sflag:$0x2] =	stream.indirect.gather [hbm4b:s4+s0], $0x40, s0, s0, $0xb8;
	[tilespmem:$0x18E70] =	vst v63  }
0xf5: {  	_ =	swait.ge [sflag:s20], $0x6400  }
0xf6: {  	s31 =	simm.s32 $0x640;
	s8 =	simm.s32 $0x64;
	[sflag:s20] =	ssyncset.done $0x0  }
0xf7: {  	s11 =	sadd.s32 $0x0, s18;
	s10 =	simm.s32 $0x960;
	[sflag:s20] =	ssyncadd.s32 $0xFFFF9C00  }
0xf8: {  	[spmem:s2] =	stream.indirect.scatter.add.bf16 [tilespmem:s30], [sflag:$0x5], $0x40, s31, s0, $0xb8;
	[tilespmem:$0x18E70] =	vst v63  }
.LBB2_6:
0xf9: {  	[tilespmem:s3], [sflag:$0x3] =	stream.linear.gather [hbm4b:s11+s3], $0x190, $0x38;
	[tilespmem:$0x18E70] =	vst v63  }
0xfa: {  	s6 =	smov.u32 s8  }
0xfb: {  	p1 =	sne.s32 s8, $0x3E8;
	s8 =	sadd.s32 $0x64, s8;
	_ =	swait.ge [sflag:s23], $0x190  }
0xfc: {  	[sflag:s23] =	ssyncset.done $0x0  }
0xfd: {  	[sflag:s23] =	ssyncadd.s32 $0xFFFFFE70  }
0xfe: {  	_ =	swait.ge [sflag:s25], $0x6400  }
0xff: {  	[sflag:s25] =	ssyncset.done $0x0  }
0x100: {  	[sflag:s25] =	ssyncadd.s32 $0xFFFF9C00  }
0x101: {  	[tilespmem:s30], [sflag:$0x1] =	stream.indirect.gather [hbm4b:s4+s0], $0x40, s3, s0, $0xb8;
	[tilespmem:$0x18E70] =	vst v63  }
0x102: {  	_ =	swait.ge [sflag:s22], $0x6400  }
0x103: {  	[sflag:s22] =	ssyncset.done $0x0  }
0x104: {  	s7 =	sadd.s32 $0xFFFFFE70, s10;
	[sflag:s22] =	ssyncadd.s32 $0xFFFF9C00  }
0x105: {  	[spmem:s2] =	stream.indirect.scatter.add.bf16 [tilespmem:s1], [sflag:$0x6], $0x40, s7, s0, $0xb8;
	[tilespmem:$0x18E70] =	vst v63  }
0x106: {  	s7 =	sadd.s32 s6, s19  }
0x107: {  	[tilespmem:s0], [sflag:$0x4] =	stream.linear.gather [hbm4b:s7+s3], $0x190, $0x38;
	[tilespmem:$0x18E70] =	vst v63  }
0x108: {  	_ =	swait.ge [sflag:s24], $0x190  }
0x109: {  	[sflag:s24] =	ssyncset.done $0x0  }
0x10a: {  	[sflag:s24] =	ssyncadd.s32 $0xFFFFFE70  }
0x10b: {  	_ =	swait.ge [sflag:s26], $0x6400  }
0x10c: {  	[sflag:s26] =	ssyncset.done $0x0  }
0x10d: {  	[sflag:s26] =	ssyncadd.s32 $0xFFFF9C00  }
0x10e: {  	[tilespmem:s1], [sflag:$0x2] =	stream.indirect.gather [hbm4b:s4+s0], $0x40, s0, s0, $0xb8;
	[tilespmem:$0x18E70] =	vst v63  }
.Ltmp2:
0x10f: {  	_ =	swait.ge [sflag:s20], $0x6400;
	(pc) =	sbr.rel @p1 .LBB2_6-.Ltmp2, $4  }
0x110: {  	[sflag:s20] =	ssyncset.done $0x0  }
0x111: {  	[sflag:s20] =	ssyncadd.s32 $0xFFFF9C00  }
0x112: {  	[spmem:s2] =	stream.indirect.scatter.add.bf16 [tilespmem:s30], [sflag:$0x5], $0x40, s10, s0, $0xb8;
	[tilespmem:$0x18E70] =	vst v63  }
0x113: {  	s11 =	sadd.s32 s6, s18;
	s10 =	sadd.s32 $0x320, s10  }
0x114: {  	[tilespmem:s3], [sflag:$0x3] =	stream.linear.gather [hbm4b:s11+s3], $0x190, $0x38;
	[tilespmem:$0x18E70] =	vst v63  }
0x115: {  	_ =	swait.ge [sflag:s23], $0x190  }
0x116: {  	[sflag:s23] =	ssyncset.done $0x0  }
0x117: {  	[sflag:s23] =	ssyncadd.s32 $0xFFFFFE70  }
0x118: {  	_ =	swait.ge [sflag:s25], $0x6400  }
0x119: {  	[sflag:s25] =	ssyncset.done $0x0  }
0x11a: {  	[sflag:s25] =	ssyncadd.s32 $0xFFFF9C00  }
0x11b: {  	[tilespmem:s30], [sflag:$0x1] =	stream.indirect.gather [hbm4b:s4+s0], $0x40, s3, s0, $0xb8;
	[tilespmem:$0x18E70] =	vst v63  }
0x11c: {  	_ =	swait.ge [sflag:s22], $0x6400  }
0x11d: {  	[sflag:s22] =	ssyncset.done $0x0  }
0x11e: {  	s6 =	simm.s32 $0x2710;
	[sflag:s22] =	ssyncadd.s32 $0xFFFF9C00  }
0x11f: {  	[spmem:s2] =	stream.indirect.scatter.add.bf16 [tilespmem:s1], [sflag:$0x6], $0x40, s6, s0, $0xb8;
	[tilespmem:$0x18E70] =	vst v63  }
0x120: {  	_ =	swait.ge [sflag:s20], $0x6400  }
0x121: {  	[sflag:s20] =	ssyncset.done $0x0  }
0x122: {  	[sflag:s20] =	ssyncadd.s32 $0xFFFF9C00  }
0x123: {  	[spmem:s2] =	stream.indirect.scatter.add.bf16 [tilespmem:s30], [sflag:$0x5], $0x40, s12, s0, $0xb8;
	[tilespmem:$0x18E70] =	vst v63  }
0x124: {  	_ =	swait.ge [sflag:s26], $0x6400  }
0x125: {  	[sflag:s26] =	ssyncset.done $0x0  }
0x126: {  	[sflag:s26] =	ssyncadd.s32 $0xFFFF9C00  }
0x127: {  	_ =	swait.ge [sflag:s25], $0x6400  }
0x128: {  	[sflag:s25] =	ssyncset.done $0x0  }
0x129: {  	s21 =	stileid.u32;
	[sflag:s25] =	ssyncadd.s32 $0xFFFF9C00  }
0x12a: {  	s6 =	sshll.u32 s21, $0x6;
	[bflag:$0x0] =	sbarrier.arrive $0xFFFF  }
0x12b: {  	s7 =	sshrl.u32 s9, $0x3;
	s6 =	sor.u32 $0x1C09, s6;
	s8 =	rddreg [dreg:$0x13]  }
0x12c: {  	[hbm:s8], [sflag:s6] =	dma.local [spmem:s7], $0x1380  }
0x12d: {  	_ =	swait.ge [sflag:s13], $0x1380  }
0x12e: {  	[sflag:s13] =	ssyncset.done $0x0  }
0x12f: {  	s7 =	sshrl.u32 @!p0 s28, $0x3;
	s8 =	rddreg [dreg:$0x14];
	[sflag:s13] =	ssyncadd.s32 $0xFFFFEC80  }
0x130: {  	[hbm:s8], [sflag:s6] =	dma.local @!p0 [spmem:s7], $0x80  }
0x131: {  	s6 =	simm.s32 @!p0 $0x9  }
0x132: {  	_ =	swait.ge @!p0 [sflag:s6], $0x80  }
0x133: {  	s29 =	rddreg [dreg:$0x16]  }
0x134: {  	s31 =	rddreg [dreg:$0x15];
	s8 =	sadd.s32 $0x1, s29  }
0x135: {  	p1 =	sne.s32 s8, s31  }
.Ltmp3:
0x136: {  	_ = 	snop;
	(pc) =	sbr.rel @p1 .LBB2_1-.Ltmp3, $3  }
0x137: {  	_ =	sdelay $0x1  }
0x138: {  	[sflag:s6] =	ssyncset.done @!p0 $0x0  }
0x139: {  	[sflag:s6] =	ssyncadd.s32 @!p0 $0xFFFFFF80  }
0x13a: {  	_ =	sfence.sel $0x180000  }
0x13b: {  	[bflag:$0x0] =	sbarrier.arrive $0xFFFF  }
0x13c: {  	_ =	strace $0x90000050  }
0x13d: {  	s0 =	stileid.u32;
	[bflag:$0x2] =	sbarrier.arrive $0xFFFF  }
0x13e: {  	p0 =	sne.s32 s0, $0x0;
	s0 =	rddreg [dreg:$0x2]  }
0x13f: {  	s0 =	sadd.s32 @!p0 $0x100000, s0  }
0x140: {  	[sflag:s0] =	ssyncadd.tile.s32 @!p0 $0x1;
	_ =	shalt  }
.Lfunc_end2:
_tile_overlayer_lowered:
.L_overlay_start_2:
0x141: {  	(tag) =	ssettag $0x2  }
0x142: {  	s0 =	rddreg [dreg:$0x0];
	s2 =	stileid.u32  }
0x143: {  	s1 =	rddreg [dreg:$0x1];
	p0 =	sne.s32 s2, $0x0  }
0x144: {  	s3 =	rddreg [dreg:$0x2];
	[bflag:$0x3] =	sbarrier.arrive $0xFFFF;
	s2 =	simm.s32 @!p0 $0x1C09  }
0x145: {  	[timem:s3], [sflag:s2] =	dma.local @!p0 [hbm:s0], s1  }
0x146: {  	s0 =	simm.s32 @!p0 $0x9  }
0x147: {  	_ =	swait.ge @!p0 [sflag:s0], s1  }
0x148: {  	s1 =	ssub.s32 @!p0 $0x0, s1;
	[sflag:s0] =	ssyncset.done @!p0 $0x0  }
0x149: {  	[sflag:s0] =	ssyncadd.s32 @!p0 s1  }
0x14a: {  	[bflag:$0x3] =	sbarrier.arrive $0xFFFF  }
0x14b: {  	_ =	shalt  }

</sc_bundles>
